<compile_context>
chip_gen: v7x
topology: tpu7x:2x2x1
jax: 0.10.2.dev20260603
libtpu: 0.0.44.dev20260713+nightly
codegen_flags: <defaults>
</compile_context>

<pallas_src>
import functools

import jax
import jax.numpy as jnp
import numpy as np
from jax import lax
from jax.experimental import pallas as pl
from jax.experimental.pallas import tpu as pltpu
from jax.experimental.pallas import tpu_sc as plsc

_GAMMA = np.float32(12.0)
_PI = 3.141592653589793
_EMB_INIT = 0.21875
_INV2 = np.float32(2.0 / _EMB_INIT)
_BIG = np.float32(1.5 * 2 ** 23)
_HI = np.float32(_PI / 2)
_S1 = np.float32(-1.0 / 6)
_S2 = np.float32(1.0 / 120)
_S1M = np.float32(-0.16605)
_C1 = np.float32(-0.5)
_C2 = np.float32(1.0 / 24)
_HALF = np.float32(0.5)
_ONE = np.float32(1.0)
_THREE_HALVES = np.float32(1.5)
_RSQRT_MAGIC = np.int32(0x5F3759DF)

_NC = 2
_NS = 16
_NW = _NC * _NS
_D = 128
_H = 64
_C = 80
_G = 16


def _sincos_parts(at, ck_tab, sk_tab):
    t = at * _INV2
    tb = t + _BIG
    k = plsc.bitcast(tb, jnp.int32)
    r0 = tb - _BIG
    r = (t - r0) * _HI
    z = r * r
    sinp = r * (_ONE + z * _S1M)
    cosp = _ONE + z * (_C1 + z * _C2)
    q = k & 3
    return sinp, cosp, _rot(ck_tab, q), _rot(sk_tab, q)


def _sqrt(m2):
    i = _RSQRT_MAGIC - (plsc.bitcast(m2, jnp.int32) >> 1)
    y = plsc.bitcast(i, jnp.float32)
    y = y * (_THREE_HALVES - (_HALF * m2) * y * y)
    return m2 * y


def _slice_term(head_v, tail_v, attr_v, e, f, ck_tab, sk_tab):
    rh = head_v[e, pl.ds(f * _G, _G)]
    ih = head_v[e, pl.ds(_H + f * _G, _G)]
    rt = tail_v[e, pl.ds(f * _G, _G)]
    it = tail_v[e, pl.ds(_H + f * _G, _G)]
    at = attr_v[e, pl.ds(f * _G, _G)]
    sinp, cosp, ck, sk = _sincos_parts(at, ck_tab, sk_tab)
    vr = rh * cosp - ih * sinp
    vi = rh * sinp + ih * cosp
    rs = ck * vr - sk * vi - rt
    im = sk * vr + ck * vi - it
    return _sqrt(rs * rs + im * im)


def _rot(v, idx):
    return jnp.take_along_axis(v, idx, axis=0,
                               mode=lax.GatherScatterMode.PROMISE_IN_BOUNDS)


def _issue(ci, wbase, x_hbm, attr_hbm, src_v, dst_v, head_v, tail_v, attr_v,
           sem):
    base = ci * _C
    pltpu.async_copy(x_hbm.at[src_v.at[pl.ds(base, _C)]], head_v, sem)
    pltpu.async_copy(x_hbm.at[dst_v.at[pl.ds(base, _C)]], tail_v, sem)
    pltpu.async_copy(attr_hbm.at[pl.ds(wbase + base, _C)], attr_v, sem)


def _drain(x_hbm, attr_hbm, src_v, head_v, tail_v, attr_v, sem):
    idx = src_v.at[pl.ds(0, _C)]
    pltpu.make_async_copy(x_hbm.at[idx], head_v, sem).wait()
    pltpu.make_async_copy(x_hbm.at[idx], tail_v, sem).wait()
    pltpu.make_async_copy(attr_hbm.at[pl.ds(0, _C)], attr_v, sem).wait()


def _compute_chunk(ci, head_v, tail_v, attr_v, out_v):
    base = ci * _C
    lane = lax.iota(jnp.int32, _G)
    half = lane & 8
    r8 = (lane + 8) & 15
    r4 = half | ((lane + 4) & 7)
    r2 = half | ((lane + 2) & 7)
    r1 = half | ((lane + 1) & 7)
    low_half = lane < 8
    lane7 = lane & 7
    ck_tab = ((1 - (lane & 2)) * (1 - (lane & 1))).astype(jnp.float32)
    sk_tab = ((lane & 1) * (1 - (lane & 2))).astype(jnp.float32)

    def edge_partial(e):
        acc = (_slice_term(head_v, tail_v, attr_v, e, 0, ck_tab, sk_tab)
               + _slice_term(head_v, tail_v, attr_v, e, 1, ck_tab, sk_tab))
        return acc + (_slice_term(head_v, tail_v, attr_v, e, 2, ck_tab, sk_tab)
                      + _slice_term(head_v, tail_v, attr_v, e, 3, ck_tab, sk_tab))

    def group_body(g, carry):

        def edge_body(i, outacc):
            e0 = g * _G + i
            a = edge_partial(e0)
            b = edge_partial(e0 + 8)
            m = jnp.where(low_half, a + _rot(a, r8), b + _rot(b, r8))
            m = m + _rot(m, r4)
            m = m + _rot(m, r2)
            m = m + _rot(m, r1)
            return jnp.where(lane7 == jnp.full((_G,), i, jnp.int32),
                             _GAMMA - m, outacc)

        outacc = lax.fori_loop(0, _G // 2, edge_body,
                               jnp.zeros((_G,), jnp.float32))
        out_v[pl.ds(base + g * _G, _G)] = outacc
        return carry

    return lax.fori_loop(0, _C // _G, group_body, jnp.int32(0))


def _sc_kernel(e_per_w, x_hbm, src_hbm, dst_hbm, attr_hbm, out_hbm,
               src_v, dst_v, out_v,
               head0, tail0, attr0, head1, tail1, attr1, sem0, sem1):
    wid = lax.axis_index("s") * _NC + lax.axis_index("c")
    wbase = wid * e_per_w
    n_chunks = e_per_w // _C

    pltpu.sync_copy(src_hbm.at[pl.ds(wbase, e_per_w)], src_v)
    pltpu.sync_copy(dst_hbm.at[pl.ds(wbase, e_per_w)], dst_v)

    buf0 = (head0, tail0, attr0, sem0)
    buf1 = (head1, tail1, attr1, sem1)

    def issue(ci, buf):
        h, t, a, sem = buf
        _issue(ci, wbase, x_hbm, attr_hbm, src_v, dst_v, h, t, a, sem)

    def drain_compute(ci, buf):
        h, t, a, sem = buf
        _drain(x_hbm, attr_hbm, src_v, h, t, a, sem)
        _compute_chunk(ci, h, t, a, out_v)

    issue(0, buf0)

    def pair_body(i, carry):
        issue(2 * i + 1, buf1)
        drain_compute(2 * i, buf0)
        issue(2 * i + 2, buf0)
        drain_compute(2 * i + 1, buf1)
        return carry

    lax.fori_loop(0, (n_chunks - 1) // 2, pair_body, jnp.int32(0))
    drain_compute(n_chunks - 1, buf0)

    pltpu.sync_copy(out_v, out_hbm.at[pl.ds(wbase, e_per_w)])


def kernel(x, edge_index, edge_attr):
    n_edges = edge_index.shape[1]
    e_per_w = n_edges // _NW
    src = edge_index[0].astype(jnp.int32)
    dst = edge_index[1].astype(jnp.int32)
    attr = edge_attr.astype(jnp.float32)

    mesh = plsc.VectorSubcoreMesh(
        core_axis_name="c", subcore_axis_name="s",
        num_cores=_NC, num_subcores=_NS)
    run = pl.kernel(
        functools.partial(_sc_kernel, e_per_w),
        out_type=jax.ShapeDtypeStruct((n_edges,), jnp.float32),
        mesh=mesh,
        compiler_params=pltpu.CompilerParams(needs_layout_passes=False),
        scratch_types=[
            pltpu.VMEM((e_per_w,), jnp.int32),
            pltpu.VMEM((e_per_w,), jnp.int32),
            pltpu.VMEM((e_per_w,), jnp.float32),
            pltpu.VMEM((_C, _D), jnp.float32),
            pltpu.VMEM((_C, _D), jnp.float32),
            pltpu.VMEM((_C, _H), jnp.float32),
            pltpu.VMEM((_C, _D), jnp.float32),
            pltpu.VMEM((_C, _D), jnp.float32),
            pltpu.VMEM((_C, _H), jnp.float32),
            pltpu.SemaphoreType.DMA,
            pltpu.SemaphoreType.DMA,
        ],
    )
    return run(x, src, dst, attr)

# --- scband reference (transcript-rebuilt; emitter-appended) ---
"""Pipeline reference for scband-rotat-escore-76124000354700 (READ-ONLY COPY).

The authoritative reference and input builder live on the scoring server;
editing this copy changes nothing except your own understanding.
"""

import jax, jax.numpy as jnp
import numpy as np

GAMMA = 12.0
EMB_INIT = 0.21875
PI = 3.141592653589793


def setup_inputs(seed: int = 0) -> dict:
    key = jax.random.key(seed)
    k1, k2, k3 = jax.random.split(key, 3)
    x = jax.random.normal(k1, (10000, 128), dtype=jnp.float32)
    edge_index = jax.random.randint(k2, (2, 320000), 0, 10000, dtype=jnp.int64)
    edge_attr = jax.random.normal(k3, (320000, 64), dtype=jnp.float32)
    return {"x": x, "edge_index": edge_index, "edge_attr": edge_attr}


def reference(x, edge_index, edge_attr):
    src = edge_index[0]
    dst = edge_index[1]
    head = jnp.take(x, src, axis=0)
    tail = jnp.take(x, dst, axis=0)
    real_head, img_head = jnp.split(head, 2, axis=-1)
    real_tail, img_tail = jnp.split(tail, 2, axis=-1)
    phase_relation = edge_attr / (EMB_INIT / PI)
    real_rel = jnp.cos(phase_relation)
    img_rel = jnp.sin(phase_relation)
    real_score = real_head * real_rel - img_head * img_rel
    img_score = real_head * img_rel + img_head * real_rel
    real_score = real_score - real_tail
    img_score = img_score - img_tail
    score = jnp.stack([real_score, img_score], axis=0)
    score = jnp.linalg.norm(score, axis=0)
    score = GAMMA - score.sum(axis=-1)
    return score

if __name__ == "__main__":
    import jax
    _d = setup_inputs()
    print(jax.jit(kernel)(*tuple(_d.values())))

</pallas_src>

<mosaic_0001>
#map = affine_map<(d0, d1) -> (0, 0)>
#map1 = affine_map<(d0, d1) -> (0)>
module attributes {stable_mosaic.version = 14 : i64} {
  func.func @_sc_kernel(%arg0: i32, %arg1: i32, %arg2: memref<10000x128xf32, #tpu.memory_space<hbm>>, %arg3: memref<320000xi32, #tpu.memory_space<hbm>>, %arg4: memref<320000xi32, #tpu.memory_space<hbm>>, %arg5: memref<320000x64xf32, #tpu.memory_space<hbm>>, %arg6: memref<320000xf32, #tpu.memory_space<hbm>>, %arg7: memref<10000xi32, #tpu.memory_space<vmem>>, %arg8: memref<10000xi32, #tpu.memory_space<vmem>>, %arg9: memref<10000xf32, #tpu.memory_space<vmem>>, %arg10: memref<80x128xf32, #tpu.memory_space<vmem>>, %arg11: memref<80x128xf32, #tpu.memory_space<vmem>>, %arg12: memref<80x64xf32, #tpu.memory_space<vmem>>, %arg13: memref<80x128xf32, #tpu.memory_space<vmem>>, %arg14: memref<80x128xf32, #tpu.memory_space<vmem>>, %arg15: memref<80x64xf32, #tpu.memory_space<vmem>>, %arg16: memref<!tpu.dma_semaphore, #tpu.memory_space<semaphore_mem>>, %arg17: memref<!tpu.dma_semaphore, #tpu.memory_space<semaphore_mem>>) attributes {dimension_semantics = [#tpu.dimension_semantics<core_parallel>, #tpu.dimension_semantics<subcore_parallel>], iteration_bounds = array<i64: 2, 16>, scalar_prefetch = 0 : i64, scratch_operands = 11 : i64, tpu.core_type = #tpu.core_type<sc_vector_subcore>, window_params = [{transform_indices = #map}, {transform_indices = #map1}, {transform_indices = #map1}, {transform_indices = #map}, {transform_indices = #map1}]} {
    %mul3A = arith.constant 2 : i32
    %mul3A_0 = arith.muli %arg1, %mul3A : i32
    %add3A = arith.addi %mul3A_0, %arg0 : i32
    %mul3A_1 = arith.constant 10000 : i32
    %mul3A_2 = arith.muli %add3A, %mul3A_1 : i32
    "tpu.region"() ({
      %run_scoped3A = tpu.sem_alloc : memref<!tpu.dma_semaphore, #tpu.memory_space<semaphore_mem>>
      %dma_start3A_100 = tpu.memref_slice %arg3[%mul3A_2] : memref<320000xi32, #tpu.memory_space<hbm>> -> memref<10000xi32, #tpu.memory_space<hbm>>
      %dma_start3A_101 = tpu.memref_slice %arg3[%mul3A_2] : memref<320000xi32, #tpu.memory_space<hbm>> -> memref<10000xi32, #tpu.memory_space<hbm>>
      tpu.enqueue_dma source(%dma_start3A_101 : memref<10000xi32, #tpu.memory_space<hbm>>) target(%arg7 : memref<10000xi32, #tpu.memory_space<vmem>>) target_semaphore(%run_scoped3A : memref<!tpu.dma_semaphore, #tpu.memory_space<semaphore_mem>>)
      %dma_wait3A_102 = tpu.memref_slice %arg3[%mul3A_2] : memref<320000xi32, #tpu.memory_space<hbm>> -> memref<10000xi32, #tpu.memory_space<hbm>>
      %dma_wait3A_103 = tpu.memref_slice %arg3[%mul3A_2] : memref<320000xi32, #tpu.memory_space<hbm>> -> memref<10000xi32, #tpu.memory_space<hbm>>
      tpu.wait_dma2 semaphore(%run_scoped3A : memref<!tpu.dma_semaphore, #tpu.memory_space<semaphore_mem>>) src(%dma_wait3A_103 : memref<10000xi32, #tpu.memory_space<hbm>>) dst(%arg7 : memref<10000xi32, #tpu.memory_space<vmem>>)
      tpu.yield
    }) : () -> ()
    "tpu.region"() ({
      %run_scoped3A = tpu.sem_alloc : memref<!tpu.dma_semaphore, #tpu.memory_space<semaphore_mem>>
      %dma_start3A_100 = tpu.memref_slice %arg4[%mul3A_2] : memref<320000xi32, #tpu.memory_space<hbm>> -> memref<10000xi32, #tpu.memory_space<hbm>>
      %dma_start3A_101 = tpu.memref_slice %arg4[%mul3A_2] : memref<320000xi32, #tpu.memory_space<hbm>> -> memref<10000xi32, #tpu.memory_space<hbm>>
      tpu.enqueue_dma source(%dma_start3A_101 : memref<10000xi32, #tpu.memory_space<hbm>>) target(%arg8 : memref<10000xi32, #tpu.memory_space<vmem>>) target_semaphore(%run_scoped3A : memref<!tpu.dma_semaphore, #tpu.memory_space<semaphore_mem>>)
      %dma_wait3A_102 = tpu.memref_slice %arg4[%mul3A_2] : memref<320000xi32, #tpu.memory_space<hbm>> -> memref<10000xi32, #tpu.memory_space<hbm>>
      %dma_wait3A_103 = tpu.memref_slice %arg4[%mul3A_2] : memref<320000xi32, #tpu.memory_space<hbm>> -> memref<10000xi32, #tpu.memory_space<hbm>>
      tpu.wait_dma2 semaphore(%run_scoped3A : memref<!tpu.dma_semaphore, #tpu.memory_space<semaphore_mem>>) src(%dma_wait3A_103 : memref<10000xi32, #tpu.memory_space<hbm>>) dst(%arg8 : memref<10000xi32, #tpu.memory_space<vmem>>)
      tpu.yield
    }) : () -> ()
    %dma_start3A = arith.constant 0 : i32
    %dma_start3A_3 = tpu.memref_slice %arg7[%dma_start3A] : memref<10000xi32, #tpu.memory_space<vmem>> -> memref<80xi32, #tpu.memory_space<vmem>>
    %dma_start3A_4 = arith.constant 0 : i32
    %dma_start3A_5 = arith.constant 0 : i32
    %dma_start3A_6 = tpu.memref_slice %arg2[%dma_start3A_4, %dma_start3A_5] : memref<10000x128xf32, #tpu.memory_space<hbm>> -> memref<10000x128xf32, #tpu.memory_space<hbm>>
    tpu.enqueue_indirect_dma source(%dma_start3A_6 : memref<10000x128xf32, #tpu.memory_space<hbm>>) target(%arg10 : memref<80x128xf32, #tpu.memory_space<vmem>>) offsets(%dma_start3A_3 : memref<80xi32, #tpu.memory_space<vmem>>) semaphore(%arg16 : memref<!tpu.dma_semaphore, #tpu.memory_space<semaphore_mem>>)
    %dma_start3A_7 = arith.constant 0 : i32
    %dma_start3A_8 = tpu.memref_slice %arg8[%dma_start3A_7] : memref<10000xi32, #tpu.memory_space<vmem>> -> memref<80xi32, #tpu.memory_space<vmem>>
    %dma_start3A_9 = arith.constant 0 : i32
    %dma_start3A_10 = arith.constant 0 : i32
    %dma_start3A_11 = tpu.memref_slice %arg2[%dma_start3A_9, %dma_start3A_10] : memref<10000x128xf32, #tpu.memory_space<hbm>> -> memref<10000x128xf32, #tpu.memory_space<hbm>>
    tpu.enqueue_indirect_dma source(%dma_start3A_11 : memref<10000x128xf32, #tpu.memory_space<hbm>>) target(%arg11 : memref<80x128xf32, #tpu.memory_space<vmem>>) offsets(%dma_start3A_8 : memref<80xi32, #tpu.memory_space<vmem>>) semaphore(%arg16 : memref<!tpu.dma_semaphore, #tpu.memory_space<semaphore_mem>>)
    %add3A_12 = arith.constant 0 : i32
    %add3A_13 = arith.addi %mul3A_2, %add3A_12 : i32
    %dma_start3A_14 = arith.constant 0 : i32
    %dma_start3A_15 = tpu.memref_slice %arg5[%add3A_13, %dma_start3A_14] : memref<320000x64xf32, #tpu.memory_space<hbm>> -> memref<80x64xf32, #tpu.memory_space<hbm>>
    %dma_start3A_16 = arith.constant 0 : i32
    %dma_start3A_17 = tpu.memref_slice %arg5[%add3A_13, %dma_start3A_16] : memref<320000x64xf32, #tpu.memory_space<hbm>> -> memref<80x64xf32, #tpu.memory_space<hbm>>
    tpu.enqueue_dma source(%dma_start3A_17 : memref<80x64xf32, #tpu.memory_space<hbm>>) target(%arg12 : memref<80x64xf32, #tpu.memory_space<vmem>>) target_semaphore(%arg16 : memref<!tpu.dma_semaphore, #tpu.memory_space<semaphore_mem>>)
    %scan3A = arith.constant 0 : i32
    %scan3A_18 = arith.constant 0 : i32
    %scan3A_19 = arith.constant 62 : i32
    %scan3A_20 = arith.addi %scan3A_18, %scan3A_19 : i32
    %scan3A_21 = arith.constant 1 : i32
    scf.for %scan3A_100 = %scan3A_18 to %scan3A_20 step %scan3A_21  : i32 {
      %mul3A_101 = arith.constant 2 : i32
      %mul3A_102 = arith.muli %mul3A_101, %scan3A_100 : i32
      %add3A_103 = arith.constant 1 : i32
      %add3A_104 = arith.addi %mul3A_102, %add3A_103 : i32
      %mul3A_105 = arith.constant 80 : i32
      %mul3A_106 = arith.muli %add3A_104, %mul3A_105 : i32
      %dma_start3A_107 = tpu.memref_slice %arg7[%mul3A_106] : memref<10000xi32, #tpu.memory_space<vmem>> -> memref<80xi32, #tpu.memory_space<vmem>>
      %dma_start3A_108 = arith.constant 0 : i32
      %dma_start3A_109 = arith.constant 0 : i32
      %dma_start3A_110 = tpu.memref_slice %arg2[%dma_start3A_108, %dma_start3A_109] : memref<10000x128xf32, #tpu.memory_space<hbm>> -> memref<10000x128xf32, #tpu.memory_space<hbm>>
      tpu.enqueue_indirect_dma source(%dma_start3A_110 : memref<10000x128xf32, #tpu.memory_space<hbm>>) target(%arg13 : memref<80x128xf32, #tpu.memory_space<vmem>>) offsets(%dma_start3A_107 : memref<80xi32, #tpu.memory_space<vmem>>) semaphore(%arg17 : memref<!tpu.dma_semaphore, #tpu.memory_space<semaphore_mem>>)
      %dma_start3A_111 = tpu.memref_slice %arg8[%mul3A_106] : memref<10000xi32, #tpu.memory_space<vmem>> -> memref<80xi32, #tpu.memory_space<vmem>>
      %dma_start3A_112 = arith.constant 0 : i32
      %dma_start3A_113 = arith.constant 0 : i32
      %dma_start3A_114 = tpu.memref_slice %arg2[%dma_start3A_112, %dma_start3A_113] : memref<10000x128xf32, #tpu.memory_space<hbm>> -> memref<10000x128xf32, #tpu.memory_space<hbm>>
      tpu.enqueue_indirect_dma source(%dma_start3A_114 : memref<10000x128xf32, #tpu.memory_space<hbm>>) target(%arg14 : memref<80x128xf32, #tpu.memory_space<vmem>>) offsets(%dma_start3A_111 : memref<80xi32, #tpu.memory_space<vmem>>) semaphore(%arg17 : memref<!tpu.dma_semaphore, #tpu.memory_space<semaphore_mem>>)
      %add3A_115 = arith.addi %mul3A_2, %mul3A_106 : i32
      %dma_start3A_116 = arith.constant 0 : i32
      %dma_start3A_117 = tpu.memref_slice %arg5[%add3A_115, %dma_start3A_116] : memref<320000x64xf32, #tpu.memory_space<hbm>> -> memref<80x64xf32, #tpu.memory_space<hbm>>
      %dma_start3A_118 = arith.constant 0 : i32
      %dma_start3A_119 = tpu.memref_slice %arg5[%add3A_115, %dma_start3A_118] : memref<320000x64xf32, #tpu.memory_space<hbm>> -> memref<80x64xf32, #tpu.memory_space<hbm>>
      tpu.enqueue_dma source(%dma_start3A_119 : memref<80x64xf32, #tpu.memory_space<hbm>>) target(%arg15 : memref<80x64xf32, #tpu.memory_space<vmem>>) target_semaphore(%arg17 : memref<!tpu.dma_semaphore, #tpu.memory_space<semaphore_mem>>)
      %mul3A_120 = arith.constant 2 : i32
      %mul3A_121 = arith.muli %mul3A_120, %scan3A_100 : i32
      %dma_wait3A_122 = arith.constant 0 : i32
      %dma_wait3A_123 = tpu.memref_slice %arg7[%dma_wait3A_122] : memref<10000xi32, #tpu.memory_space<vmem>> -> memref<80xi32, #tpu.memory_space<vmem>>
      %dma_wait3A_124 = arith.constant 0 : i32
      %dma_wait3A_125 = arith.constant 0 : i32
      %dma_wait3A_126 = tpu.memref_slice %arg2[%dma_wait3A_124, %dma_wait3A_125] : memref<10000x128xf32, #tpu.memory_space<hbm>> -> memref<10000x128xf32, #tpu.memory_space<hbm>>
      tpu.wait_indirect_dma semaphore(%arg16 : memref<!tpu.dma_semaphore, #tpu.memory_space<semaphore_mem>>) src(%dma_wait3A_126 : memref<10000x128xf32, #tpu.memory_space<hbm>>) dst(%arg10 : memref<80x128xf32, #tpu.memory_space<vmem>>)
      %dma_wait3A_127 = arith.constant 0 : i32
      %dma_wait3A_128 = tpu.memref_slice %arg7[%dma_wait3A_127] : memref<10000xi32, #tpu.memory_space<vmem>> -> memref<80xi32, #tpu.memory_space<vmem>>
      %dma_wait3A_129 = arith.constant 0 : i32
      %dma_wait3A_130 = arith.constant 0 : i32
      %dma_wait3A_131 = tpu.memref_slice %arg2[%dma_wait3A_129, %dma_wait3A_130] : memref<10000x128xf32, #tpu.memory_space<hbm>> -> memref<10000x128xf32, #tpu.memory_space<hbm>>
      tpu.wait_indirect_dma semaphore(%arg16 : memref<!tpu.dma_semaphore, #tpu.memory_space<semaphore_mem>>) src(%dma_wait3A_131 : memref<10000x128xf32, #tpu.memory_space<hbm>>) dst(%arg11 : memref<80x128xf32, #tpu.memory_space<vmem>>)
      %dma_wait3A_132 = arith.constant 0 : i32
      %dma_wait3A_133 = arith.constant 0 : i32
      %dma_wait3A_134 = tpu.memref_slice %arg5[%dma_wait3A_132, %dma_wait3A_133] : memref<320000x64xf32, #tpu.memory_space<hbm>> -> memref<80x64xf32, #tpu.memory_space<hbm>>
      %dma_wait3A_135 = arith.constant 0 : i32
      %dma_wait3A_136 = arith.constant 0 : i32
      %dma_wait3A_137 = tpu.memref_slice %arg5[%dma_wait3A_135, %dma_wait3A_136] : memref<320000x64xf32, #tpu.memory_space<hbm>> -> memref<80x64xf32, #tpu.memory_space<hbm>>
      tpu.wait_dma2 semaphore(%arg16 : memref<!tpu.dma_semaphore, #tpu.memory_space<semaphore_mem>>) src(%dma_wait3A_137 : memref<80x64xf32, #tpu.memory_space<hbm>>) dst(%arg12 : memref<80x64xf32, #tpu.memory_space<vmem>>)
      %mul3A_138 = arith.constant 80 : i32
      %mul3A_139 = arith.muli %mul3A_121, %mul3A_138 : i32
      %iota3A_140 = tpu.iota {dimensions = array<i32: 0>} : vector<16xi32>
      %and3A_141 = arith.constant 8 : i32
      %and3A_142 = vector.broadcast %and3A_141 : i32 to vector<16xi32>
      %and3A_143 = arith.andi %iota3A_140, %and3A_142 : vector<16xi32>
      %add3A_144 = arith.constant 8 : i32
      %add3A_145 = vector.broadcast %add3A_144 : i32 to vector<16xi32>
      %add3A_146 = arith.addi %iota3A_140, %add3A_145 : vector<16xi32>
      %and3A_147 = arith.constant 15 : i32
      %and3A_148 = vector.broadcast %and3A_147 : i32 to vector<16xi32>
      %and3A_149 = arith.andi %add3A_146, %and3A_148 : vector<16xi32>
      %add3A_150 = arith.constant 4 : i32
      %add3A_151 = vector.broadcast %add3A_150 : i32 to vector<16xi32>
      %add3A_152 = arith.addi %iota3A_140, %add3A_151 : vector<16xi32>
      %and3A_153 = arith.constant 7 : i32
      %and3A_154 = vector.broadcast %and3A_153 : i32 to vector<16xi32>
      %and3A_155 = arith.andi %add3A_152, %and3A_154 : vector<16xi32>
      %or3A_156 = arith.ori %and3A_143, %and3A_155 : vector<16xi32>
      %add3A_157 = arith.constant 2 : i32
      %add3A_158 = vector.broadcast %add3A_157 : i32 to vector<16xi32>
      %add3A_159 = arith.addi %iota3A_140, %add3A_158 : vector<16xi32>
      %and3A_160 = arith.constant 7 : i32
      %and3A_161 = vector.broadcast %and3A_160 : i32 to vector<16xi32>
      %and3A_162 = arith.andi %add3A_159, %and3A_161 : vector<16xi32>
      %or3A_163 = arith.ori %and3A_143, %and3A_162 : vector<16xi32>
      %add3A_164 = arith.constant 1 : i32
      %add3A_165 = vector.broadcast %add3A_164 : i32 to vector<16xi32>
      %add3A_166 = arith.addi %iota3A_140, %add3A_165 : vector<16xi32>
      %and3A_167 = arith.constant 7 : i32
      %and3A_168 = vector.broadcast %and3A_167 : i32 to vector<16xi32>
      %and3A_169 = arith.andi %add3A_166, %and3A_168 : vector<16xi32>
      %or3A_170 = arith.ori %and3A_143, %and3A_169 : vector<16xi32>
      %lt3A_171 = arith.constant 8 : i32
      %lt3A_172 = vector.broadcast %lt3A_171 : i32 to vector<16xi32>
      %lt3A_173 = arith.cmpi slt, %iota3A_140, %lt3A_172 : vector<16xi32>
      %and3A_174 = arith.constant 7 : i32
      %and3A_175 = vector.broadcast %and3A_174 : i32 to vector<16xi32>
      %and3A_176 = arith.andi %iota3A_140, %and3A_175 : vector<16xi32>
      %and3A_177 = arith.constant 2 : i32
      %and3A_178 = vector.broadcast %and3A_177 : i32 to vector<16xi32>
      %and3A_179 = arith.andi %iota3A_140, %and3A_178 : vector<16xi32>
      %sub3A_180 = arith.constant 1 : i32
      %sub3A_181 = vector.broadcast %sub3A_180 : i32 to vector<16xi32>
      %sub3A_182 = arith.subi %sub3A_181, %and3A_179 : vector<16xi32>
      %and3A_183 = arith.constant 1 : i32
      %and3A_184 = vector.broadcast %and3A_183 : i32 to vector<16xi32>
      %and3A_185 = arith.andi %iota3A_140, %and3A_184 : vector<16xi32>
      %sub3A_186 = arith.constant 1 : i32
      %sub3A_187 = vector.broadcast %sub3A_186 : i32 to vector<16xi32>
      %sub3A_188 = arith.subi %sub3A_187, %and3A_185 : vector<16xi32>
      %mul3A_189 = arith.muli %sub3A_182, %sub3A_188 : vector<16xi32>
      %convert_element_type3A_190 = arith.sitofp %mul3A_189 : vector<16xi32> to vector<16xf32>
      %and3A_191 = arith.constant 1 : i32
      %and3A_192 = vector.broadcast %and3A_191 : i32 to vector<16xi32>
      %and3A_193 = arith.andi %iota3A_140, %and3A_192 : vector<16xi32>
      %and3A_194 = arith.constant 2 : i32
      %and3A_195 = vector.broadcast %and3A_194 : i32 to vector<16xi32>
      %and3A_196 = arith.andi %iota3A_140, %and3A_195 : vector<16xi32>
      %sub3A_197 = arith.constant 1 : i32
      %sub3A_198 = vector.broadcast %sub3A_197 : i32 to vector<16xi32>
      %sub3A_199 = arith.subi %sub3A_198, %and3A_196 : vector<16xi32>
      %mul3A_200 = arith.muli %and3A_193, %sub3A_199 : vector<16xi32>
      %convert_element_type3A_201 = arith.sitofp %mul3A_200 : vector<16xi32> to vector<16xf32>
      %scan3A_202 = arith.constant 0 : i32
      %scan3A_203 = arith.constant 0 : i32
      %scan3A_204 = arith.constant 5 : i32
      %scan3A_205 = arith.addi %scan3A_203, %scan3A_204 : i32
      %scan3A_206 = arith.constant 1 : i32
      scf.for %scan3A_317 = %scan3A_203 to %scan3A_205 step %scan3A_206  : i32 {
        %broadcast_in_dim3A = arith.constant 0.000000e+00 : f32
        %broadcast_in_dim3A_318 = vector.broadcast %broadcast_in_dim3A : f32 to vector<16xf32>
        %scan3A_319 = arith.constant 0 : i32
        %scan3A_320 = arith.constant 8 : i32
        %scan3A_321 = arith.addi %scan3A_319, %scan3A_320 : i32
        %scan3A_322 = arith.constant 1 : i32
        %scan3A_323 = scf.for %scan3A_329 = %scan3A_319 to %scan3A_321 step %scan3A_322 iter_args(%scan3A_330 = %broadcast_in_dim3A_318) -> (vector<16xf32>)  : i32 {
          %mul3A_331 = arith.constant 16 : i32
          %mul3A_332 = arith.muli %scan3A_317, %mul3A_331 : i32
          %add3A_333 = arith.addi %mul3A_332, %scan3A_329 : i32
          %get3A = arith.index_cast %add3A_333 : i32 to index
          %get3A_334 = arith.constant 0 : index
          %get3A_335 = tpu.vector_load %arg10[%get3A, %get3A_334] {strides = array<i32>} : memref<80x128xf32, #tpu.memory_space<vmem>>, vector<16xf32>,
          %get3A_336 = arith.index_cast %add3A_333 : i32 to index
          %get3A_337 = arith.constant 64 : index
          %get3A_338 = tpu.vector_load %arg10[%get3A_336, %get3A_337] {strides = array<i32>} : memref<80x128xf32, #tpu.memory_space<vmem>>, vector<16xf32>,
          %get3A_339 = arith.index_cast %add3A_333 : i32 to index
          %get3A_340 = arith.constant 0 : index
          %get3A_341 = tpu.vector_load %arg11[%get3A_339, %get3A_340] {strides = array<i32>} : memref<80x128xf32, #tpu.memory_space<vmem>>, vector<16xf32>,
          %get3A_342 = arith.index_cast %add3A_333 : i32 to index
          %get3A_343 = arith.constant 64 : index
          %get3A_344 = tpu.vector_load %arg11[%get3A_342, %get3A_343] {strides = array<i32>} : memref<80x128xf32, #tpu.memory_space<vmem>>, vector<16xf32>,
          %get3A_345 = arith.index_cast %add3A_333 : i32 to index
          %get3A_346 = arith.constant 0 : index
          %get3A_347 = tpu.vector_load %arg12[%get3A_345, %get3A_346] {strides = array<i32>} : memref<80x64xf32, #tpu.memory_space<vmem>>, vector<16xf32>,
          %mul3A_348 = arith.constant 9.14285755 : f32
          %mul3A_349 = vector.broadcast %mul3A_348 : f32 to vector<16xf32>
          %mul3A_350 = arith.mulf %get3A_347, %mul3A_349 : vector<16xf32>
          %add3A_351 = arith.constant 0x4B400000 : f32
          %add3A_352 = vector.broadcast %add3A_351 : f32 to vector<16xf32>
          %add3A_353 = arith.addf %mul3A_350, %add3A_352 : vector<16xf32>
          %bitcast3A = vector.bitcast %add3A_353 : vector<16xf32> to vector<16xi32>
          %sub3A_354 = arith.constant 0x4B400000 : f32
          %sub3A_355 = vector.broadcast %sub3A_354 : f32 to vector<16xf32>
          %sub3A_356 = arith.subf %add3A_353, %sub3A_355 : vector<16xf32>
          %sub3A_357 = arith.subf %mul3A_350, %sub3A_356 : vector<16xf32>
          %mul3A_358 = arith.constant 1.57079637 : f32
          %mul3A_359 = vector.broadcast %mul3A_358 : f32 to vector<16xf32>
          %mul3A_360 = arith.mulf %sub3A_357, %mul3A_359 : vector<16xf32>
          %mul3A_361 = arith.mulf %mul3A_360, %mul3A_360 : vector<16xf32>
          %mul3A_362 = arith.constant -1.660500e-01 : f32
          %mul3A_363 = vector.broadcast %mul3A_362 : f32 to vector<16xf32>
          %mul3A_364 = arith.mulf %mul3A_361, %mul3A_363 : vector<16xf32>
          %add3A_365 = arith.constant 1.000000e+00 : f32
          %add3A_366 = vector.broadcast %add3A_365 : f32 to vector<16xf32>
          %add3A_367 = arith.addf %add3A_366, %mul3A_364 : vector<16xf32>
          %mul3A_368 = arith.mulf %mul3A_360, %add3A_367 : vector<16xf32>
          %mul3A_369 = arith.constant 0.0416666679 : f32
          %mul3A_370 = vector.broadcast %mul3A_369 : f32 to vector<16xf32>
          %mul3A_371 = arith.mulf %mul3A_361, %mul3A_370 : vector<16xf32>
          %add3A_372 = arith.constant -5.000000e-01 : f32
          %add3A_373 = vector.broadcast %add3A_372 : f32 to vector<16xf32>
          %add3A_374 = arith.addf %add3A_373, %mul3A_371 : vector<16xf32>
          %mul3A_375 = arith.mulf %mul3A_361, %add3A_374 : vector<16xf32>
          %add3A_376 = arith.constant 1.000000e+00 : f32
          %add3A_377 = vector.broadcast %add3A_376 : f32 to vector<16xf32>
          %add3A_378 = arith.addf %add3A_377, %mul3A_375 : vector<16xf32>
          %and3A_379 = arith.constant 3 : i32
          %and3A_380 = vector.broadcast %and3A_379 : i32 to vector<16xi32>
          %and3A_381 = arith.andi %bitcast3A, %and3A_380 : vector<16xi32>
          %lt3A_382 = arith.constant 0 : i32
          %lt3A_383 = vector.broadcast %lt3A_382 : i32 to vector<16xi32>
          %lt3A_384 = arith.cmpi slt, %and3A_381, %lt3A_383 : vector<16xi32>
          %add3A_385 = arith.constant 16 : i32
          %add3A_386 = vector.broadcast %add3A_385 : i32 to vector<16xi32>
          %add3A_387 = arith.addi %and3A_381, %add3A_386 : vector<16xi32>
          %select_n3A = arith.select %lt3A_384, %add3A_387, %and3A_381 : vector<16xi1>, vector<16xi32>
          %reshape3A = vector.shape_cast %select_n3A : vector<16xi32> to vector<16x1xi32>
          %gather3A = vector.shape_cast %reshape3A : vector<16x1xi32> to vector<16xi32>
          %gather3A_388 = tpu.dynamic_gather %convert_element_type3A_190[%gather3A] in [0] : vector<16xf32>, vector<16xi32> -> vector<16xf32>
          %lt3A_389 = arith.constant 0 : i32
          %lt3A_390 = vector.broadcast %lt3A_389 : i32 to vector<16xi32>
          %lt3A_391 = arith.cmpi slt, %and3A_381, %lt3A_390 : vector<16xi32>
          %add3A_392 = arith.constant 16 : i32
          %add3A_393 = vector.broadcast %add3A_392 : i32 to vector<16xi32>
          %add3A_394 = arith.addi %and3A_381, %add3A_393 : vector<16xi32>
          %select_n3A_395 = arith.select %lt3A_391, %add3A_394, %and3A_381 : vector<16xi1>, vector<16xi32>
          %reshape3A_396 = vector.shape_cast %select_n3A_395 : vector<16xi32> to vector<16x1xi32>
          %gather3A_397 = vector.shape_cast %reshape3A_396 : vector<16x1xi32> to vector<16xi32>
          %gather3A_398 = tpu.dynamic_gather %convert_element_type3A_201[%gather3A_397] in [0] : vector<16xf32>, vector<16xi32> -> vector<16xf32>
          %mul3A_399 = arith.mulf %get3A_335, %add3A_378 : vector<16xf32>
          %mul3A_400 = arith.mulf %get3A_338, %mul3A_368 : vector<16xf32>
          %sub3A_401 = arith.subf %mul3A_399, %mul3A_400 : vector<16xf32>
          %mul3A_402 = arith.mulf %get3A_335, %mul3A_368 : vector<16xf32>
          %mul3A_403 = arith.mulf %get3A_338, %add3A_378 : vector<16xf32>
          %add3A_404 = arith.addf %mul3A_402, %mul3A_403 : vector<16xf32>
          %mul3A_405 = arith.mulf %gather3A_388, %sub3A_401 : vector<16xf32>
          %mul3A_406 = arith.mulf %gather3A_398, %add3A_404 : vector<16xf32>
          %sub3A_407 = arith.subf %mul3A_405, %mul3A_406 : vector<16xf32>
          %sub3A_408 = arith.subf %sub3A_407, %get3A_341 : vector<16xf32>
          %mul3A_409 = arith.mulf %gather3A_398, %sub3A_401 : vector<16xf32>
          %mul3A_410 = arith.mulf %gather3A_388, %add3A_404 : vector<16xf32>
          %add3A_411 = arith.addf %mul3A_409, %mul3A_410 : vector<16xf32>
          %sub3A_412 = arith.subf %add3A_411, %get3A_344 : vector<16xf32>
          %mul3A_413 = arith.mulf %sub3A_408, %sub3A_408 : vector<16xf32>
          %mul3A_414 = arith.mulf %sub3A_412, %sub3A_412 : vector<16xf32>
          %add3A_415 = arith.addf %mul3A_413, %mul3A_414 : vector<16xf32>
          %bitcast3A_416 = vector.bitcast %add3A_415 : vector<16xf32> to vector<16xi32>
          %shift_right_arithmetic3A = arith.constant 1 : i32
          %shift_right_arithmetic3A_417 = vector.broadcast %shift_right_arithmetic3A : i32 to vector<16xi32>
          %shift_right_arithmetic3A_418 = arith.shrsi %bitcast3A_416, %shift_right_arithmetic3A_417 : vector<16xi32>
          %sub3A_419 = arith.constant 1597463007 : i32
          %sub3A_420 = vector.broadcast %sub3A_419 : i32 to vector<16xi32>
          %sub3A_421 = arith.subi %sub3A_420, %shift_right_arithmetic3A_418 : vector<16xi32>
          %bitcast3A_422 = vector.bitcast %sub3A_421 : vector<16xi32> to vector<16xf32>
          %mul3A_423 = arith.constant 5.000000e-01 : f32
          %mul3A_424 = vector.broadcast %mul3A_423 : f32 to vector<16xf32>
          %mul3A_425 = arith.mulf %mul3A_424, %add3A_415 : vector<16xf32>
          %mul3A_426 = arith.mulf %mul3A_425, %bitcast3A_422 : vector<16xf32>
          %mul3A_427 = arith.mulf %mul3A_426, %bitcast3A_422 : vector<16xf32>
          %sub3A_428 = arith.constant 1.500000e+00 : f32
          %sub3A_429 = vector.broadcast %sub3A_428 : f32 to vector<16xf32>
          %sub3A_430 = arith.subf %sub3A_429, %mul3A_427 : vector<16xf32>
          %mul3A_431 = arith.mulf %bitcast3A_422, %sub3A_430 : vector<16xf32>
          %mul3A_432 = arith.mulf %add3A_415, %mul3A_431 : vector<16xf32>
          %get3A_433 = arith.index_cast %add3A_333 : i32 to index
          %get3A_434 = arith.constant 16 : index
          %get3A_435 = tpu.vector_load %arg10[%get3A_433, %get3A_434] {strides = array<i32>} : memref<80x128xf32, #tpu.memory_space<vmem>>, vector<16xf32>,
          %get3A_436 = arith.index_cast %add3A_333 : i32 to index
          %get3A_437 = arith.constant 80 : index
          %get3A_438 = tpu.vector_load %arg10[%get3A_436, %get3A_437] {strides = array<i32>} : memref<80x128xf32, #tpu.memory_space<vmem>>, vector<16xf32>,
          %get3A_439 = arith.index_cast %add3A_333 : i32 to index
          %get3A_440 = arith.constant 16 : index
          %get3A_441 = tpu.vector_load %arg11[%get3A_439, %get3A_440] {strides = array<i32>} : memref<80x128xf32, #tpu.memory_space<vmem>>, vector<16xf32>,
          %get3A_442 = arith.index_cast %add3A_333 : i32 to index
          %get3A_443 = arith.constant 80 : index
          %get3A_444 = tpu.vector_load %arg11[%get3A_442, %get3A_443] {strides = array<i32>} : memref<80x128xf32, #tpu.memory_space<vmem>>, vector<16xf32>,
          %get3A_445 = arith.index_cast %add3A_333 : i32 to index
          %get3A_446 = arith.constant 16 : index
          %get3A_447 = tpu.vector_load %arg12[%get3A_445, %get3A_446] {strides = array<i32>} : memref<80x64xf32, #tpu.memory_space<vmem>>, vector<16xf32>,
          %mul3A_448 = arith.constant 9.14285755 : f32
          %mul3A_449 = vector.broadcast %mul3A_448 : f32 to vector<16xf32>
          %mul3A_450 = arith.mulf %get3A_447, %mul3A_449 : vector<16xf32>
          %add3A_451 = arith.constant 0x4B400000 : f32
          %add3A_452 = vector.broadcast %add3A_451 : f32 to vector<16xf32>
          %add3A_453 = arith.addf %mul3A_450, %add3A_452 : vector<16xf32>
          %bitcast3A_454 = vector.bitcast %add3A_453 : vector<16xf32> to vector<16xi32>
          %sub3A_455 = arith.constant 0x4B400000 : f32
          %sub3A_456 = vector.broadcast %sub3A_455 : f32 to vector<16xf32>
          %sub3A_457 = arith.subf %add3A_453, %sub3A_456 : vector<16xf32>
          %sub3A_458 = arith.subf %mul3A_450, %sub3A_457 : vector<16xf32>
          %mul3A_459 = arith.constant 1.57079637 : f32
          %mul3A_460 = vector.broadcast %mul3A_459 : f32 to vector<16xf32>
          %mul3A_461 = arith.mulf %sub3A_458, %mul3A_460 : vector<16xf32>
          %mul3A_462 = arith.mulf %mul3A_461, %mul3A_461 : vector<16xf32>
          %mul3A_463 = arith.constant -1.660500e-01 : f32
          %mul3A_464 = vector.broadcast %mul3A_463 : f32 to vector<16xf32>
          %mul3A_465 = arith.mulf %mul3A_462, %mul3A_464 : vector<16xf32>
          %add3A_466 = arith.constant 1.000000e+00 : f32
          %add3A_467 = vector.broadcast %add3A_466 : f32 to vector<16xf32>
          %add3A_468 = arith.addf %add3A_467, %mul3A_465 : vector<16xf32>
          %mul3A_469 = arith.mulf %mul3A_461, %add3A_468 : vector<16xf32>
          %mul3A_470 = arith.constant 0.0416666679 : f32
          %mul3A_471 = vector.broadcast %mul3A_470 : f32 to vector<16xf32>
          %mul3A_472 = arith.mulf %mul3A_462, %mul3A_471 : vector<16xf32>
          %add3A_473 = arith.constant -5.000000e-01 : f32
          %add3A_474 = vector.broadcast %add3A_473 : f32 to vector<16xf32>
          %add3A_475 = arith.addf %add3A_474, %mul3A_472 : vector<16xf32>
          %mul3A_476 = arith.mulf %mul3A_462, %add3A_475 : vector<16xf32>
          %add3A_477 = arith.constant 1.000000e+00 : f32
          %add3A_478 = vector.broadcast %add3A_477 : f32 to vector<16xf32>
          %add3A_479 = arith.addf %add3A_478, %mul3A_476 : vector<16xf32>
          %and3A_480 = arith.constant 3 : i32
          %and3A_481 = vector.broadcast %and3A_480 : i32 to vector<16xi32>
          %and3A_482 = arith.andi %bitcast3A_454, %and3A_481 : vector<16xi32>
          %lt3A_483 = arith.constant 0 : i32
          %lt3A_484 = vector.broadcast %lt3A_483 : i32 to vector<16xi32>
          %lt3A_485 = arith.cmpi slt, %and3A_482, %lt3A_484 : vector<16xi32>
          %add3A_486 = arith.constant 16 : i32
          %add3A_487 = vector.broadcast %add3A_486 : i32 to vector<16xi32>
          %add3A_488 = arith.addi %and3A_482, %add3A_487 : vector<16xi32>
          %select_n3A_489 = arith.select %lt3A_485, %add3A_488, %and3A_482 : vector<16xi1>, vector<16xi32>
          %reshape3A_490 = vector.shape_cast %select_n3A_489 : vector<16xi32> to vector<16x1xi32>
          %gather3A_491 = vector.shape_cast %reshape3A_490 : vector<16x1xi32> to vector<16xi32>
          %gather3A_492 = tpu.dynamic_gather %convert_element_type3A_190[%gather3A_491] in [0] : vector<16xf32>, vector<16xi32> -> vector<16xf32>
          %lt3A_493 = arith.constant 0 : i32
          %lt3A_494 = vector.broadcast %lt3A_493 : i32 to vector<16xi32>
          %lt3A_495 = arith.cmpi slt, %and3A_482, %lt3A_494 : vector<16xi32>
          %add3A_496 = arith.constant 16 : i32
          %add3A_497 = vector.broadcast %add3A_496 : i32 to vector<16xi32>
          %add3A_498 = arith.addi %and3A_482, %add3A_497 : vector<16xi32>
          %select_n3A_499 = arith.select %lt3A_495, %add3A_498, %and3A_482 : vector<16xi1>, vector<16xi32>
          %reshape3A_500 = vector.shape_cast %select_n3A_499 : vector<16xi32> to vector<16x1xi32>
          %gather3A_501 = vector.shape_cast %reshape3A_500 : vector<16x1xi32> to vector<16xi32>
          %gather3A_502 = tpu.dynamic_gather %convert_element_type3A_201[%gather3A_501] in [0] : vector<16xf32>, vector<16xi32> -> vector<16xf32>
          %mul3A_503 = arith.mulf %get3A_435, %add3A_479 : vector<16xf32>
          %mul3A_504 = arith.mulf %get3A_438, %mul3A_469 : vector<16xf32>
          %sub3A_505 = arith.subf %mul3A_503, %mul3A_504 : vector<16xf32>
          %mul3A_506 = arith.mulf %get3A_435, %mul3A_469 : vector<16xf32>
          %mul3A_507 = arith.mulf %get3A_438, %add3A_479 : vector<16xf32>
          %add3A_508 = arith.addf %mul3A_506, %mul3A_507 : vector<16xf32>
          %mul3A_509 = arith.mulf %gather3A_492, %sub3A_505 : vector<16xf32>
          %mul3A_510 = arith.mulf %gather3A_502, %add3A_508 : vector<16xf32>
          %sub3A_511 = arith.subf %mul3A_509, %mul3A_510 : vector<16xf32>
          %sub3A_512 = arith.subf %sub3A_511, %get3A_441 : vector<16xf32>
          %mul3A_513 = arith.mulf %gather3A_502, %sub3A_505 : vector<16xf32>
          %mul3A_514 = arith.mulf %gather3A_492, %add3A_508 : vector<16xf32>
          %add3A_515 = arith.addf %mul3A_513, %mul3A_514 : vector<16xf32>
          %sub3A_516 = arith.subf %add3A_515, %get3A_444 : vector<16xf32>
          %mul3A_517 = arith.mulf %sub3A_512, %sub3A_512 : vector<16xf32>
          %mul3A_518 = arith.mulf %sub3A_516, %sub3A_516 : vector<16xf32>
          %add3A_519 = arith.addf %mul3A_517, %mul3A_518 : vector<16xf32>
          %bitcast3A_520 = vector.bitcast %add3A_519 : vector<16xf32> to vector<16xi32>
          %shift_right_arithmetic3A_521 = arith.constant 1 : i32
          %shift_right_arithmetic3A_522 = vector.broadcast %shift_right_arithmetic3A_521 : i32 to vector<16xi32>
          %shift_right_arithmetic3A_523 = arith.shrsi %bitcast3A_520, %shift_right_arithmetic3A_522 : vector<16xi32>
          %sub3A_524 = arith.constant 1597463007 : i32
          %sub3A_525 = vector.broadcast %sub3A_524 : i32 to vector<16xi32>
          %sub3A_526 = arith.subi %sub3A_525, %shift_right_arithmetic3A_523 : vector<16xi32>
          %bitcast3A_527 = vector.bitcast %sub3A_526 : vector<16xi32> to vector<16xf32>
          %mul3A_528 = arith.constant 5.000000e-01 : f32
          %mul3A_529 = vector.broadcast %mul3A_528 : f32 to vector<16xf32>
          %mul3A_530 = arith.mulf %mul3A_529, %add3A_519 : vector<16xf32>
          %mul3A_531 = arith.mulf %mul3A_530, %bitcast3A_527 : vector<16xf32>
          %mul3A_532 = arith.mulf %mul3A_531, %bitcast3A_527 : vector<16xf32>
          %sub3A_533 = arith.constant 1.500000e+00 : f32
          %sub3A_534 = vector.broadcast %sub3A_533 : f32 to vector<16xf32>
          %sub3A_535 = arith.subf %sub3A_534, %mul3A_532 : vector<16xf32>
          %mul3A_536 = arith.mulf %bitcast3A_527, %sub3A_535 : vector<16xf32>
          %mul3A_537 = arith.mulf %add3A_519, %mul3A_536 : vector<16xf32>
          %add3A_538 = arith.addf %mul3A_432, %mul3A_537 : vector<16xf32>
          %get3A_539 = arith.index_cast %add3A_333 : i32 to index
          %get3A_540 = arith.constant 32 : index
          %get3A_541 = tpu.vector_load %arg10[%get3A_539, %get3A_540] {strides = array<i32>} : memref<80x128xf32, #tpu.memory_space<vmem>>, vector<16xf32>,
          %get3A_542 = arith.index_cast %add3A_333 : i32 to index
          %get3A_543 = arith.constant 96 : index
          %get3A_544 = tpu.vector_load %arg10[%get3A_542, %get3A_543] {strides = array<i32>} : memref<80x128xf32, #tpu.memory_space<vmem>>, vector<16xf32>,
          %get3A_545 = arith.index_cast %add3A_333 : i32 to index
          %get3A_546 = arith.constant 32 : index
          %get3A_547 = tpu.vector_load %arg11[%get3A_545, %get3A_546] {strides = array<i32>} : memref<80x128xf32, #tpu.memory_space<vmem>>, vector<16xf32>,
          %get3A_548 = arith.index_cast %add3A_333 : i32 to index
          %get3A_549 = arith.constant 96 : index
          %get3A_550 = tpu.vector_load %arg11[%get3A_548, %get3A_549] {strides = array<i32>} : memref<80x128xf32, #tpu.memory_space<vmem>>, vector<16xf32>,
          %get3A_551 = arith.index_cast %add3A_333 : i32 to index
          %get3A_552 = arith.constant 32 : index
          %get3A_553 = tpu.vector_load %arg12[%get3A_551, %get3A_552] {strides = array<i32>} : memref<80x64xf32, #tpu.memory_space<vmem>>, vector<16xf32>,
          %mul3A_554 = arith.constant 9.14285755 : f32
          %mul3A_555 = vector.broadcast %mul3A_554 : f32 to vector<16xf32>
          %mul3A_556 = arith.mulf %get3A_553, %mul3A_555 : vector<16xf32>
          %add3A_557 = arith.constant 0x4B400000 : f32
          %add3A_558 = vector.broadcast %add3A_557 : f32 to vector<16xf32>
          %add3A_559 = arith.addf %mul3A_556, %add3A_558 : vector<16xf32>
          %bitcast3A_560 = vector.bitcast %add3A_559 : vector<16xf32> to vector<16xi32>
          %sub3A_561 = arith.constant 0x4B400000 : f32
          %sub3A_562 = vector.broadcast %sub3A_561 : f32 to vector<16xf32>
          %sub3A_563 = arith.subf %add3A_559, %sub3A_562 : vector<16xf32>
          %sub3A_564 = arith.subf %mul3A_556, %sub3A_563 : vector<16xf32>
          %mul3A_565 = arith.constant 1.57079637 : f32
          %mul3A_566 = vector.broadcast %mul3A_565 : f32 to vector<16xf32>
          %mul3A_567 = arith.mulf %sub3A_564, %mul3A_566 : vector<16xf32>
          %mul3A_568 = arith.mulf %mul3A_567, %mul3A_567 : vector<16xf32>
          %mul3A_569 = arith.constant -1.660500e-01 : f32
          %mul3A_570 = vector.broadcast %mul3A_569 : f32 to vector<16xf32>
          %mul3A_571 = arith.mulf %mul3A_568, %mul3A_570 : vector<16xf32>
          %add3A_572 = arith.constant 1.000000e+00 : f32
          %add3A_573 = vector.broadcast %add3A_572 : f32 to vector<16xf32>
          %add3A_574 = arith.addf %add3A_573, %mul3A_571 : vector<16xf32>
          %mul3A_575 = arith.mulf %mul3A_567, %add3A_574 : vector<16xf32>
          %mul3A_576 = arith.constant 0.0416666679 : f32
          %mul3A_577 = vector.broadcast %mul3A_576 : f32 to vector<16xf32>
          %mul3A_578 = arith.mulf %mul3A_568, %mul3A_577 : vector<16xf32>
          %add3A_579 = arith.constant -5.000000e-01 : f32
          %add3A_580 = vector.broadcast %add3A_579 : f32 to vector<16xf32>
          %add3A_581 = arith.addf %add3A_580, %mul3A_578 : vector<16xf32>
          %mul3A_582 = arith.mulf %mul3A_568, %add3A_581 : vector<16xf32>
          %add3A_583 = arith.constant 1.000000e+00 : f32
          %add3A_584 = vector.broadcast %add3A_583 : f32 to vector<16xf32>
          %add3A_585 = arith.addf %add3A_584, %mul3A_582 : vector<16xf32>
          %and3A_586 = arith.constant 3 : i32
          %and3A_587 = vector.broadcast %and3A_586 : i32 to vector<16xi32>
          %and3A_588 = arith.andi %bitcast3A_560, %and3A_587 : vector<16xi32>
          %lt3A_589 = arith.constant 0 : i32
          %lt3A_590 = vector.broadcast %lt3A_589 : i32 to vector<16xi32>
          %lt3A_591 = arith.cmpi slt, %and3A_588, %lt3A_590 : vector<16xi32>
          %add3A_592 = arith.constant 16 : i32
          %add3A_593 = vector.broadcast %add3A_592 : i32 to vector<16xi32>
          %add3A_594 = arith.addi %and3A_588, %add3A_593 : vector<16xi32>
          %select_n3A_595 = arith.select %lt3A_591, %add3A_594, %and3A_588 : vector<16xi1>, vector<16xi32>
          %reshape3A_596 = vector.shape_cast %select_n3A_595 : vector<16xi32> to vector<16x1xi32>
          %gather3A_597 = vector.shape_cast %reshape3A_596 : vector<16x1xi32> to vector<16xi32>
          %gather3A_598 = tpu.dynamic_gather %convert_element_type3A_190[%gather3A_597] in [0] : vector<16xf32>, vector<16xi32> -> vector<16xf32>
          %lt3A_599 = arith.constant 0 : i32
          %lt3A_600 = vector.broadcast %lt3A_599 : i32 to vector<16xi32>
          %lt3A_601 = arith.cmpi slt, %and3A_588, %lt3A_600 : vector<16xi32>
          %add3A_602 = arith.constant 16 : i32
          %add3A_603 = vector.broadcast %add3A_602 : i32 to vector<16xi32>
          %add3A_604 = arith.addi %and3A_588, %add3A_603 : vector<16xi32>
          %select_n3A_605 = arith.select %lt3A_601, %add3A_604, %and3A_588 : vector<16xi1>, vector<16xi32>
          %reshape3A_606 = vector.shape_cast %select_n3A_605 : vector<16xi32> to vector<16x1xi32>
          %gather3A_607 = vector.shape_cast %reshape3A_606 : vector<16x1xi32> to vector<16xi32>
          %gather3A_608 = tpu.dynamic_gather %convert_element_type3A_201[%gather3A_607] in [0] : vector<16xf32>, vector<16xi32> -> vector<16xf32>
          %mul3A_609 = arith.mulf %get3A_541, %add3A_585 : vector<16xf32>
          %mul3A_610 = arith.mulf %get3A_544, %mul3A_575 : vector<16xf32>
          %sub3A_611 = arith.subf %mul3A_609, %mul3A_610 : vector<16xf32>
          %mul3A_612 = arith.mulf %get3A_541, %mul3A_575 : vector<16xf32>
          %mul3A_613 = arith.mulf %get3A_544, %add3A_585 : vector<16xf32>
          %add3A_614 = arith.addf %mul3A_612, %mul3A_613 : vector<16xf32>
          %mul3A_615 = arith.mulf %gather3A_598, %sub3A_611 : vector<16xf32>
          %mul3A_616 = arith.mulf %gather3A_608, %add3A_614 : vector<16xf32>
          %sub3A_617 = arith.subf %mul3A_615, %mul3A_616 : vector<16xf32>
          %sub3A_618 = arith.subf %sub3A_617, %get3A_547 : vector<16xf32>
          %mul3A_619 = arith.mulf %gather3A_608, %sub3A_611 : vector<16xf32>
          %mul3A_620 = arith.mulf %gather3A_598, %add3A_614 : vector<16xf32>
          %add3A_621 = arith.addf %mul3A_619, %mul3A_620 : vector<16xf32>
          %sub3A_622 = arith.subf %add3A_621, %get3A_550 : vector<16xf32>
          %mul3A_623 = arith.mulf %sub3A_618, %sub3A_618 : vector<16xf32>
          %mul3A_624 = arith.mulf %sub3A_622, %sub3A_622 : vector<16xf32>
          %add3A_625 = arith.addf %mul3A_623, %mul3A_624 : vector<16xf32>
          %bitcast3A_626 = vector.bitcast %add3A_625 : vector<16xf32> to vector<16xi32>
          %shift_right_arithmetic3A_627 = arith.constant 1 : i32
          %shift_right_arithmetic3A_628 = vector.broadcast %shift_right_arithmetic3A_627 : i32 to vector<16xi32>
          %shift_right_arithmetic3A_629 = arith.shrsi %bitcast3A_626, %shift_right_arithmetic3A_628 : vector<16xi32>
          %sub3A_630 = arith.constant 1597463007 : i32
          %sub3A_631 = vector.broadcast %sub3A_630 : i32 to vector<16xi32>
          %sub3A_632 = arith.subi %sub3A_631, %shift_right_arithmetic3A_629 : vector<16xi32>
          %bitcast3A_633 = vector.bitcast %sub3A_632 : vector<16xi32> to vector<16xf32>
          %mul3A_634 = arith.constant 5.000000e-01 : f32
          %mul3A_635 = vector.broadcast %mul3A_634 : f32 to vector<16xf32>
          %mul3A_636 = arith.mulf %mul3A_635, %add3A_625 : vector<16xf32>
          %mul3A_637 = arith.mulf %mul3A_636, %bitcast3A_633 : vector<16xf32>
          %mul3A_638 = arith.mulf %mul3A_637, %bitcast3A_633 : vector<16xf32>
          %sub3A_639 = arith.constant 1.500000e+00 : f32
          %sub3A_640 = vector.broadcast %sub3A_639 : f32 to vector<16xf32>
          %sub3A_641 = arith.subf %sub3A_640, %mul3A_638 : vector<16xf32>
          %mul3A_642 = arith.mulf %bitcast3A_633, %sub3A_641 : vector<16xf32>
          %mul3A_643 = arith.mulf %add3A_625, %mul3A_642 : vector<16xf32>
          %get3A_644 = arith.index_cast %add3A_333 : i32 to index
          %get3A_645 = arith.constant 48 : index
          %get3A_646 = tpu.vector_load %arg10[%get3A_644, %get3A_645] {strides = array<i32>} : memref<80x128xf32, #tpu.memory_space<vmem>>, vector<16xf32>,
          %get3A_647 = arith.index_cast %add3A_333 : i32 to index
          %get3A_648 = arith.constant 112 : index
          %get3A_649 = tpu.vector_load %arg10[%get3A_647, %get3A_648] {strides = array<i32>} : memref<80x128xf32, #tpu.memory_space<vmem>>, vector<16xf32>,
          %get3A_650 = arith.index_cast %add3A_333 : i32 to index
          %get3A_651 = arith.constant 48 : index
          %get3A_652 = tpu.vector_load %arg11[%get3A_650, %get3A_651] {strides = array<i32>} : memref<80x128xf32, #tpu.memory_space<vmem>>, vector<16xf32>,
          %get3A_653 = arith.index_cast %add3A_333 : i32 to index
          %get3A_654 = arith.constant 112 : index
          %get3A_655 = tpu.vector_load %arg11[%get3A_653, %get3A_654] {strides = array<i32>} : memref<80x128xf32, #tpu.memory_space<vmem>>, vector<16xf32>,
          %get3A_656 = arith.index_cast %add3A_333 : i32 to index
          %get3A_657 = arith.constant 48 : index
          %get3A_658 = tpu.vector_load %arg12[%get3A_656, %get3A_657] {strides = array<i32>} : memref<80x64xf32, #tpu.memory_space<vmem>>, vector<16xf32>,
          %mul3A_659 = arith.constant 9.14285755 : f32
          %mul3A_660 = vector.broadcast %mul3A_659 : f32 to vector<16xf32>
          %mul3A_661 = arith.mulf %get3A_658, %mul3A_660 : vector<16xf32>
          %add3A_662 = arith.constant 0x4B400000 : f32
          %add3A_663 = vector.broadcast %add3A_662 : f32 to vector<16xf32>
          %add3A_664 = arith.addf %mul3A_661, %add3A_663 : vector<16xf32>
          %bitcast3A_665 = vector.bitcast %add3A_664 : vector<16xf32> to vector<16xi32>
          %sub3A_666 = arith.constant 0x4B400000 : f32
          %sub3A_667 = vector.broadcast %sub3A_666 : f32 to vector<16xf32>
          %sub3A_668 = arith.subf %add3A_664, %sub3A_667 : vector<16xf32>
          %sub3A_669 = arith.subf %mul3A_661, %sub3A_668 : vector<16xf32>
          %mul3A_670 = arith.constant 1.57079637 : f32
          %mul3A_671 = vector.broadcast %mul3A_670 : f32 to vector<16xf32>
          %mul3A_672 = arith.mulf %sub3A_669, %mul3A_671 : vector<16xf32>
          %mul3A_673 = arith.mulf %mul3A_672, %mul3A_672 : vector<16xf32>
          %mul3A_674 = arith.constant -1.660500e-01 : f32
          %mul3A_675 = vector.broadcast %mul3A_674 : f32 to vector<16xf32>
          %mul3A_676 = arith.mulf %mul3A_673, %mul3A_675 : vector<16xf32>
          %add3A_677 = arith.constant 1.000000e+00 : f32
          %add3A_678 = vector.broadcast %add3A_677 : f32 to vector<16xf32>
          %add3A_679 = arith.addf %add3A_678, %mul3A_676 : vector<16xf32>
          %mul3A_680 = arith.mulf %mul3A_672, %add3A_679 : vector<16xf32>
          %mul3A_681 = arith.constant 0.0416666679 : f32
          %mul3A_682 = vector.broadcast %mul3A_681 : f32 to vector<16xf32>
          %mul3A_683 = arith.mulf %mul3A_673, %mul3A_682 : vector<16xf32>
          %add3A_684 = arith.constant -5.000000e-01 : f32
          %add3A_685 = vector.broadcast %add3A_684 : f32 to vector<16xf32>
          %add3A_686 = arith.addf %add3A_685, %mul3A_683 : vector<16xf32>
          %mul3A_687 = arith.mulf %mul3A_673, %add3A_686 : vector<16xf32>
          %add3A_688 = arith.constant 1.000000e+00 : f32
          %add3A_689 = vector.broadcast %add3A_688 : f32 to vector<16xf32>
          %add3A_690 = arith.addf %add3A_689, %mul3A_687 : vector<16xf32>
          %and3A_691 = arith.constant 3 : i32
          %and3A_692 = vector.broadcast %and3A_691 : i32 to vector<16xi32>
          %and3A_693 = arith.andi %bitcast3A_665, %and3A_692 : vector<16xi32>
          %lt3A_694 = arith.constant 0 : i32
          %lt3A_695 = vector.broadcast %lt3A_694 : i32 to vector<16xi32>
          %lt3A_696 = arith.cmpi slt, %and3A_693, %lt3A_695 : vector<16xi32>
          %add3A_697 = arith.constant 16 : i32
          %add3A_698 = vector.broadcast %add3A_697 : i32 to vector<16xi32>
          %add3A_699 = arith.addi %and3A_693, %add3A_698 : vector<16xi32>
          %select_n3A_700 = arith.select %lt3A_696, %add3A_699, %and3A_693 : vector<16xi1>, vector<16xi32>
          %reshape3A_701 = vector.shape_cast %select_n3A_700 : vector<16xi32> to vector<16x1xi32>
          %gather3A_702 = vector.shape_cast %reshape3A_701 : vector<16x1xi32> to vector<16xi32>
          %gather3A_703 = tpu.dynamic_gather %convert_element_type3A_190[%gather3A_702] in [0] : vector<16xf32>, vector<16xi32> -> vector<16xf32>
          %lt3A_704 = arith.constant 0 : i32
          %lt3A_705 = vector.broadcast %lt3A_704 : i32 to vector<16xi32>
          %lt3A_706 = arith.cmpi slt, %and3A_693, %lt3A_705 : vector<16xi32>
          %add3A_707 = arith.constant 16 : i32
          %add3A_708 = vector.broadcast %add3A_707 : i32 to vector<16xi32>
          %add3A_709 = arith.addi %and3A_693, %add3A_708 : vector<16xi32>
          %select_n3A_710 = arith.select %lt3A_706, %add3A_709, %and3A_693 : vector<16xi1>, vector<16xi32>
          %reshape3A_711 = vector.shape_cast %select_n3A_710 : vector<16xi32> to vector<16x1xi32>
          %gather3A_712 = vector.shape_cast %reshape3A_711 : vector<16x1xi32> to vector<16xi32>
          %gather3A_713 = tpu.dynamic_gather %convert_element_type3A_201[%gather3A_712] in [0] : vector<16xf32>, vector<16xi32> -> vector<16xf32>
          %mul3A_714 = arith.mulf %get3A_646, %add3A_690 : vector<16xf32>
          %mul3A_715 = arith.mulf %get3A_649, %mul3A_680 : vector<16xf32>
          %sub3A_716 = arith.subf %mul3A_714, %mul3A_715 : vector<16xf32>
          %mul3A_717 = arith.mulf %get3A_646, %mul3A_680 : vector<16xf32>
          %mul3A_718 = arith.mulf %get3A_649, %add3A_690 : vector<16xf32>
          %add3A_719 = arith.addf %mul3A_717, %mul3A_718 : vector<16xf32>
          %mul3A_720 = arith.mulf %gather3A_703, %sub3A_716 : vector<16xf32>
          %mul3A_721 = arith.mulf %gather3A_713, %add3A_719 : vector<16xf32>
          %sub3A_722 = arith.subf %mul3A_720, %mul3A_721 : vector<16xf32>
          %sub3A_723 = arith.subf %sub3A_722, %get3A_652 : vector<16xf32>
          %mul3A_724 = arith.mulf %gather3A_713, %sub3A_716 : vector<16xf32>
          %mul3A_725 = arith.mulf %gather3A_703, %add3A_719 : vector<16xf32>
          %add3A_726 = arith.addf %mul3A_724, %mul3A_725 : vector<16xf32>
          %sub3A_727 = arith.subf %add3A_726, %get3A_655 : vector<16xf32>
          %mul3A_728 = arith.mulf %sub3A_723, %sub3A_723 : vector<16xf32>
          %mul3A_729 = arith.mulf %sub3A_727, %sub3A_727 : vector<16xf32>
          %add3A_730 = arith.addf %mul3A_728, %mul3A_729 : vector<16xf32>
          %bitcast3A_731 = vector.bitcast %add3A_730 : vector<16xf32> to vector<16xi32>
          %shift_right_arithmetic3A_732 = arith.constant 1 : i32
          %shift_right_arithmetic3A_733 = vector.broadcast %shift_right_arithmetic3A_732 : i32 to vector<16xi32>
          %shift_right_arithmetic3A_734 = arith.shrsi %bitcast3A_731, %shift_right_arithmetic3A_733 : vector<16xi32>
          %sub3A_735 = arith.constant 1597463007 : i32
          %sub3A_736 = vector.broadcast %sub3A_735 : i32 to vector<16xi32>
          %sub3A_737 = arith.subi %sub3A_736, %shift_right_arithmetic3A_734 : vector<16xi32>
          %bitcast3A_738 = vector.bitcast %sub3A_737 : vector<16xi32> to vector<16xf32>
          %mul3A_739 = arith.constant 5.000000e-01 : f32
          %mul3A_740 = vector.broadcast %mul3A_739 : f32 to vector<16xf32>
          %mul3A_741 = arith.mulf %mul3A_740, %add3A_730 : vector<16xf32>
          %mul3A_742 = arith.mulf %mul3A_741, %bitcast3A_738 : vector<16xf32>
          %mul3A_743 = arith.mulf %mul3A_742, %bitcast3A_738 : vector<16xf32>
          %sub3A_744 = arith.constant 1.500000e+00 : f32
          %sub3A_745 = vector.broadcast %sub3A_744 : f32 to vector<16xf32>
          %sub3A_746 = arith.subf %sub3A_745, %mul3A_743 : vector<16xf32>
          %mul3A_747 = arith.mulf %bitcast3A_738, %sub3A_746 : vector<16xf32>
          %mul3A_748 = arith.mulf %add3A_730, %mul3A_747 : vector<16xf32>
          %add3A_749 = arith.addf %mul3A_643, %mul3A_748 : vector<16xf32>
          %add3A_750 = arith.addf %add3A_538, %add3A_749 : vector<16xf32>
          %add3A_751 = arith.constant 8 : i32
          %add3A_752 = arith.addi %add3A_333, %add3A_751 : i32
          %get3A_753 = arith.index_cast %add3A_752 : i32 to index
          %get3A_754 = arith.constant 0 : index
          %get3A_755 = tpu.vector_load %arg10[%get3A_753, %get3A_754] {strides = array<i32>} : memref<80x128xf32, #tpu.memory_space<vmem>>, vector<16xf32>,
          %get3A_756 = arith.index_cast %add3A_752 : i32 to index
          %get3A_757 = arith.constant 64 : index
          %get3A_758 = tpu.vector_load %arg10[%get3A_756, %get3A_757] {strides = array<i32>} : memref<80x128xf32, #tpu.memory_space<vmem>>, vector<16xf32>,
          %get3A_759 = arith.index_cast %add3A_752 : i32 to index
          %get3A_760 = arith.constant 0 : index
          %get3A_761 = tpu.vector_load %arg11[%get3A_759, %get3A_760] {strides = array<i32>} : memref<80x128xf32, #tpu.memory_space<vmem>>, vector<16xf32>,
          %get3A_762 = arith.index_cast %add3A_752 : i32 to index
          %get3A_763 = arith.constant 64 : index
          %get3A_764 = tpu.vector_load %arg11[%get3A_762, %get3A_763] {strides = array<i32>} : memref<80x128xf32, #tpu.memory_space<vmem>>, vector<16xf32>,
          %get3A_765 = arith.index_cast %add3A_752 : i32 to index
          %get3A_766 = arith.constant 0 : index
          %get3A_767 = tpu.vector_load %arg12[%get3A_765, %get3A_766] {strides = array<i32>} : memref<80x64xf32, #tpu.memory_space<vmem>>, vector<16xf32>,
          %mul3A_768 = arith.constant 9.14285755 : f32
          %mul3A_769 = vector.broadcast %mul3A_768 : f32 to vector<16xf32>
          %mul3A_770 = arith.mulf %get3A_767, %mul3A_769 : vector<16xf32>
          %add3A_771 = arith.constant 0x4B400000 : f32
          %add3A_772 = vector.broadcast %add3A_771 : f32 to vector<16xf32>
          %add3A_773 = arith.addf %mul3A_770, %add3A_772 : vector<16xf32>
          %bitcast3A_774 = vector.bitcast %add3A_773 : vector<16xf32> to vector<16xi32>
          %sub3A_775 = arith.constant 0x4B400000 : f32
          %sub3A_776 = vector.broadcast %sub3A_775 : f32 to vector<16xf32>
          %sub3A_777 = arith.subf %add3A_773, %sub3A_776 : vector<16xf32>
          %sub3A_778 = arith.subf %mul3A_770, %sub3A_777 : vector<16xf32>
          %mul3A_779 = arith.constant 1.57079637 : f32
          %mul3A_780 = vector.broadcast %mul3A_779 : f32 to vector<16xf32>
          %mul3A_781 = arith.mulf %sub3A_778, %mul3A_780 : vector<16xf32>
          %mul3A_782 = arith.mulf %mul3A_781, %mul3A_781 : vector<16xf32>
          %mul3A_783 = arith.constant -1.660500e-01 : f32
          %mul3A_784 = vector.broadcast %mul3A_783 : f32 to vector<16xf32>
          %mul3A_785 = arith.mulf %mul3A_782, %mul3A_784 : vector<16xf32>
          %add3A_786 = arith.constant 1.000000e+00 : f32
          %add3A_787 = vector.broadcast %add3A_786 : f32 to vector<16xf32>
          %add3A_788 = arith.addf %add3A_787, %mul3A_785 : vector<16xf32>
          %mul3A_789 = arith.mulf %mul3A_781, %add3A_788 : vector<16xf32>
          %mul3A_790 = arith.constant 0.0416666679 : f32
          %mul3A_791 = vector.broadcast %mul3A_790 : f32 to vector<16xf32>
          %mul3A_792 = arith.mulf %mul3A_782, %mul3A_791 : vector<16xf32>
          %add3A_793 = arith.constant -5.000000e-01 : f32
          %add3A_794 = vector.broadcast %add3A_793 : f32 to vector<16xf32>
          %add3A_795 = arith.addf %add3A_794, %mul3A_792 : vector<16xf32>
          %mul3A_796 = arith.mulf %mul3A_782, %add3A_795 : vector<16xf32>
          %add3A_797 = arith.constant 1.000000e+00 : f32
          %add3A_798 = vector.broadcast %add3A_797 : f32 to vector<16xf32>
          %add3A_799 = arith.addf %add3A_798, %mul3A_796 : vector<16xf32>
          %and3A_800 = arith.constant 3 : i32
          %and3A_801 = vector.broadcast %and3A_800 : i32 to vector<16xi32>
          %and3A_802 = arith.andi %bitcast3A_774, %and3A_801 : vector<16xi32>
          %lt3A_803 = arith.constant 0 : i32
          %lt3A_804 = vector.broadcast %lt3A_803 : i32 to vector<16xi32>
          %lt3A_805 = arith.cmpi slt, %and3A_802, %lt3A_804 : vector<16xi32>
          %add3A_806 = arith.constant 16 : i32
          %add3A_807 = vector.broadcast %add3A_806 : i32 to vector<16xi32>
          %add3A_808 = arith.addi %and3A_802, %add3A_807 : vector<16xi32>
          %select_n3A_809 = arith.select %lt3A_805, %add3A_808, %and3A_802 : vector<16xi1>, vector<16xi32>
          %reshape3A_810 = vector.shape_cast %select_n3A_809 : vector<16xi32> to vector<16x1xi32>
          %gather3A_811 = vector.shape_cast %reshape3A_810 : vector<16x1xi32> to vector<16xi32>
          %gather3A_812 = tpu.dynamic_gather %convert_element_type3A_190[%gather3A_811] in [0] : vector<16xf32>, vector<16xi32> -> vector<16xf32>
          %lt3A_813 = arith.constant 0 : i32
          %lt3A_814 = vector.broadcast %lt3A_813 : i32 to vector<16xi32>
          %lt3A_815 = arith.cmpi slt, %and3A_802, %lt3A_814 : vector<16xi32>
          %add3A_816 = arith.constant 16 : i32
          %add3A_817 = vector.broadcast %add3A_816 : i32 to vector<16xi32>
          %add3A_818 = arith.addi %and3A_802, %add3A_817 : vector<16xi32>
          %select_n3A_819 = arith.select %lt3A_815, %add3A_818, %and3A_802 : vector<16xi1>, vector<16xi32>
          %reshape3A_820 = vector.shape_cast %select_n3A_819 : vector<16xi32> to vector<16x1xi32>
          %gather3A_821 = vector.shape_cast %reshape3A_820 : vector<16x1xi32> to vector<16xi32>
          %gather3A_822 = tpu.dynamic_gather %convert_element_type3A_201[%gather3A_821] in [0] : vector<16xf32>, vector<16xi32> -> vector<16xf32>
          %mul3A_823 = arith.mulf %get3A_755, %add3A_799 : vector<16xf32>
          %mul3A_824 = arith.mulf %get3A_758, %mul3A_789 : vector<16xf32>
          %sub3A_825 = arith.subf %mul3A_823, %mul3A_824 : vector<16xf32>
          %mul3A_826 = arith.mulf %get3A_755, %mul3A_789 : vector<16xf32>
          %mul3A_827 = arith.mulf %get3A_758, %add3A_799 : vector<16xf32>
          %add3A_828 = arith.addf %mul3A_826, %mul3A_827 : vector<16xf32>
          %mul3A_829 = arith.mulf %gather3A_812, %sub3A_825 : vector<16xf32>
          %mul3A_830 = arith.mulf %gather3A_822, %add3A_828 : vector<16xf32>
          %sub3A_831 = arith.subf %mul3A_829, %mul3A_830 : vector<16xf32>
          %sub3A_832 = arith.subf %sub3A_831, %get3A_761 : vector<16xf32>
          %mul3A_833 = arith.mulf %gather3A_822, %sub3A_825 : vector<16xf32>
          %mul3A_834 = arith.mulf %gather3A_812, %add3A_828 : vector<16xf32>
          %add3A_835 = arith.addf %mul3A_833, %mul3A_834 : vector<16xf32>
          %sub3A_836 = arith.subf %add3A_835, %get3A_764 : vector<16xf32>
          %mul3A_837 = arith.mulf %sub3A_832, %sub3A_832 : vector<16xf32>
          %mul3A_838 = arith.mulf %sub3A_836, %sub3A_836 : vector<16xf32>
          %add3A_839 = arith.addf %mul3A_837, %mul3A_838 : vector<16xf32>
          %bitcast3A_840 = vector.bitcast %add3A_839 : vector<16xf32> to vector<16xi32>
          %shift_right_arithmetic3A_841 = arith.constant 1 : i32
          %shift_right_arithmetic3A_842 = vector.broadcast %shift_right_arithmetic3A_841 : i32 to vector<16xi32>
          %shift_right_arithmetic3A_843 = arith.shrsi %bitcast3A_840, %shift_right_arithmetic3A_842 : vector<16xi32>
          %sub3A_844 = arith.constant 1597463007 : i32
          %sub3A_845 = vector.broadcast %sub3A_844 : i32 to vector<16xi32>
          %sub3A_846 = arith.subi %sub3A_845, %shift_right_arithmetic3A_843 : vector<16xi32>
          %bitcast3A_847 = vector.bitcast %sub3A_846 : vector<16xi32> to vector<16xf32>
          %mul3A_848 = arith.constant 5.000000e-01 : f32
          %mul3A_849 = vector.broadcast %mul3A_848 : f32 to vector<16xf32>
          %mul3A_850 = arith.mulf %mul3A_849, %add3A_839 : vector<16xf32>
          %mul3A_851 = arith.mulf %mul3A_850, %bitcast3A_847 : vector<16xf32>
          %mul3A_852 = arith.mulf %mul3A_851, %bitcast3A_847 : vector<16xf32>
          %sub3A_853 = arith.constant 1.500000e+00 : f32
          %sub3A_854 = vector.broadcast %sub3A_853 : f32 to vector<16xf32>
          %sub3A_855 = arith.subf %sub3A_854, %mul3A_852 : vector<16xf32>
          %mul3A_856 = arith.mulf %bitcast3A_847, %sub3A_855 : vector<16xf32>
          %mul3A_857 = arith.mulf %add3A_839, %mul3A_856 : vector<16xf32>
          %get3A_858 = arith.index_cast %add3A_752 : i32 to index
          %get3A_859 = arith.constant 16 : index
          %get3A_860 = tpu.vector_load %arg10[%get3A_858, %get3A_859] {strides = array<i32>} : memref<80x128xf32, #tpu.memory_space<vmem>>, vector<16xf32>,
          %get3A_861 = arith.index_cast %add3A_752 : i32 to index
          %get3A_862 = arith.constant 80 : index
          %get3A_863 = tpu.vector_load %arg10[%get3A_861, %get3A_862] {strides = array<i32>} : memref<80x128xf32, #tpu.memory_space<vmem>>, vector<16xf32>,
          %get3A_864 = arith.index_cast %add3A_752 : i32 to index
          %get3A_865 = arith.constant 16 : index
          %get3A_866 = tpu.vector_load %arg11[%get3A_864, %get3A_865] {strides = array<i32>} : memref<80x128xf32, #tpu.memory_space<vmem>>, vector<16xf32>,
          %get3A_867 = arith.index_cast %add3A_752 : i32 to index
          %get3A_868 = arith.constant 80 : index
          %get3A_869 = tpu.vector_load %arg11[%get3A_867, %get3A_868] {strides = array<i32>} : memref<80x128xf32, #tpu.memory_space<vmem>>, vector<16xf32>,
          %get3A_870 = arith.index_cast %add3A_752 : i32 to index
          %get3A_871 = arith.constant 16 : index
          %get3A_872 = tpu.vector_load %arg12[%get3A_870, %get3A_871] {strides = array<i32>} : memref<80x64xf32, #tpu.memory_space<vmem>>, vector<16xf32>,
          %mul3A_873 = arith.constant 9.14285755 : f32
          %mul3A_874 = vector.broadcast %mul3A_873 : f32 to vector<16xf32>
          %mul3A_875 = arith.mulf %get3A_872, %mul3A_874 : vector<16xf32>
          %add3A_876 = arith.constant 0x4B400000 : f32
          %add3A_877 = vector.broadcast %add3A_876 : f32 to vector<16xf32>
          %add3A_878 = arith.addf %mul3A_875, %add3A_877 : vector<16xf32>
          %bitcast3A_879 = vector.bitcast %add3A_878 : vector<16xf32> to vector<16xi32>
          %sub3A_880 = arith.constant 0x4B400000 : f32
          %sub3A_881 = vector.broadcast %sub3A_880 : f32 to vector<16xf32>
          %sub3A_882 = arith.subf %add3A_878, %sub3A_881 : vector<16xf32>
          %sub3A_883 = arith.subf %mul3A_875, %sub3A_882 : vector<16xf32>
          %mul3A_884 = arith.constant 1.57079637 : f32
          %mul3A_885 = vector.broadcast %mul3A_884 : f32 to vector<16xf32>
          %mul3A_886 = arith.mulf %sub3A_883, %mul3A_885 : vector<16xf32>
          %mul3A_887 = arith.mulf %mul3A_886, %mul3A_886 : vector<16xf32>
          %mul3A_888 = arith.constant -1.660500e-01 : f32
          %mul3A_889 = vector.broadcast %mul3A_888 : f32 to vector<16xf32>
          %mul3A_890 = arith.mulf %mul3A_887, %mul3A_889 : vector<16xf32>
          %add3A_891 = arith.constant 1.000000e+00 : f32
          %add3A_892 = vector.broadcast %add3A_891 : f32 to vector<16xf32>
          %add3A_893 = arith.addf %add3A_892, %mul3A_890 : vector<16xf32>
          %mul3A_894 = arith.mulf %mul3A_886, %add3A_893 : vector<16xf32>
          %mul3A_895 = arith.constant 0.0416666679 : f32
          %mul3A_896 = vector.broadcast %mul3A_895 : f32 to vector<16xf32>
          %mul3A_897 = arith.mulf %mul3A_887, %mul3A_896 : vector<16xf32>
          %add3A_898 = arith.constant -5.000000e-01 : f32
          %add3A_899 = vector.broadcast %add3A_898 : f32 to vector<16xf32>
          %add3A_900 = arith.addf %add3A_899, %mul3A_897 : vector<16xf32>
          %mul3A_901 = arith.mulf %mul3A_887, %add3A_900 : vector<16xf32>
          %add3A_902 = arith.constant 1.000000e+00 : f32
          %add3A_903 = vector.broadcast %add3A_902 : f32 to vector<16xf32>
          %add3A_904 = arith.addf %add3A_903, %mul3A_901 : vector<16xf32>
          %and3A_905 = arith.constant 3 : i32
          %and3A_906 = vector.broadcast %and3A_905 : i32 to vector<16xi32>
          %and3A_907 = arith.andi %bitcast3A_879, %and3A_906 : vector<16xi32>
          %lt3A_908 = arith.constant 0 : i32
          %lt3A_909 = vector.broadcast %lt3A_908 : i32 to vector<16xi32>
          %lt3A_910 = arith.cmpi slt, %and3A_907, %lt3A_909 : vector<16xi32>
          %add3A_911 = arith.constant 16 : i32
          %add3A_912 = vector.broadcast %add3A_911 : i32 to vector<16xi32>
          %add3A_913 = arith.addi %and3A_907, %add3A_912 : vector<16xi32>
          %select_n3A_914 = arith.select %lt3A_910, %add3A_913, %and3A_907 : vector<16xi1>, vector<16xi32>
          %reshape3A_915 = vector.shape_cast %select_n3A_914 : vector<16xi32> to vector<16x1xi32>
          %gather3A_916 = vector.shape_cast %reshape3A_915 : vector<16x1xi32> to vector<16xi32>
          %gather3A_917 = tpu.dynamic_gather %convert_element_type3A_190[%gather3A_916] in [0] : vector<16xf32>, vector<16xi32> -> vector<16xf32>
          %lt3A_918 = arith.constant 0 : i32
          %lt3A_919 = vector.broadcast %lt3A_918 : i32 to vector<16xi32>
          %lt3A_920 = arith.cmpi slt, %and3A_907, %lt3A_919 : vector<16xi32>
          %add3A_921 = arith.constant 16 : i32
          %add3A_922 = vector.broadcast %add3A_921 : i32 to vector<16xi32>
          %add3A_923 = arith.addi %and3A_907, %add3A_922 : vector<16xi32>
          %select_n3A_924 = arith.select %lt3A_920, %add3A_923, %and3A_907 : vector<16xi1>, vector<16xi32>
          %reshape3A_925 = vector.shape_cast %select_n3A_924 : vector<16xi32> to vector<16x1xi32>
          %gather3A_926 = vector.shape_cast %reshape3A_925 : vector<16x1xi32> to vector<16xi32>
          %gather3A_927 = tpu.dynamic_gather %convert_element_type3A_201[%gather3A_926] in [0] : vector<16xf32>, vector<16xi32> -> vector<16xf32>
          %mul3A_928 = arith.mulf %get3A_860, %add3A_904 : vector<16xf32>
          %mul3A_929 = arith.mulf %get3A_863, %mul3A_894 : vector<16xf32>
          %sub3A_930 = arith.subf %mul3A_928, %mul3A_929 : vector<16xf32>
          %mul3A_931 = arith.mulf %get3A_860, %mul3A_894 : vector<16xf32>
          %mul3A_932 = arith.mulf %get3A_863, %add3A_904 : vector<16xf32>
          %add3A_933 = arith.addf %mul3A_931, %mul3A_932 : vector<16xf32>
          %mul3A_934 = arith.mulf %gather3A_917, %sub3A_930 : vector<16xf32>
          %mul3A_935 = arith.mulf %gather3A_927, %add3A_933 : vector<16xf32>
          %sub3A_936 = arith.subf %mul3A_934, %mul3A_935 : vector<16xf32>
          %sub3A_937 = arith.subf %sub3A_936, %get3A_866 : vector<16xf32>
          %mul3A_938 = arith.mulf %gather3A_927, %sub3A_930 : vector<16xf32>
          %mul3A_939 = arith.mulf %gather3A_917, %add3A_933 : vector<16xf32>
          %add3A_940 = arith.addf %mul3A_938, %mul3A_939 : vector<16xf32>
          %sub3A_941 = arith.subf %add3A_940, %get3A_869 : vector<16xf32>
          %mul3A_942 = arith.mulf %sub3A_937, %sub3A_937 : vector<16xf32>
          %mul3A_943 = arith.mulf %sub3A_941, %sub3A_941 : vector<16xf32>
          %add3A_944 = arith.addf %mul3A_942, %mul3A_943 : vector<16xf32>
          %bitcast3A_945 = vector.bitcast %add3A_944 : vector<16xf32> to vector<16xi32>
          %shift_right_arithmetic3A_946 = arith.constant 1 : i32
          %shift_right_arithmetic3A_947 = vector.broadcast %shift_right_arithmetic3A_946 : i32 to vector<16xi32>
          %shift_right_arithmetic3A_948 = arith.shrsi %bitcast3A_945, %shift_right_arithmetic3A_947 : vector<16xi32>
          %sub3A_949 = arith.constant 1597463007 : i32
          %sub3A_950 = vector.broadcast %sub3A_949 : i32 to vector<16xi32>
          %sub3A_951 = arith.subi %sub3A_950, %shift_right_arithmetic3A_948 : vector<16xi32>
          %bitcast3A_952 = vector.bitcast %sub3A_951 : vector<16xi32> to vector<16xf32>
          %mul3A_953 = arith.constant 5.000000e-01 : f32
          %mul3A_954 = vector.broadcast %mul3A_953 : f32 to vector<16xf32>
          %mul3A_955 = arith.mulf %mul3A_954, %add3A_944 : vector<16xf32>
          %mul3A_956 = arith.mulf %mul3A_955, %bitcast3A_952 : vector<16xf32>
          %mul3A_957 = arith.mulf %mul3A_956, %bitcast3A_952 : vector<16xf32>
          %sub3A_958 = arith.constant 1.500000e+00 : f32
          %sub3A_959 = vector.broadcast %sub3A_958 : f32 to vector<16xf32>
          %sub3A_960 = arith.subf %sub3A_959, %mul3A_957 : vector<16xf32>
          %mul3A_961 = arith.mulf %bitcast3A_952, %sub3A_960 : vector<16xf32>
          %mul3A_962 = arith.mulf %add3A_944, %mul3A_961 : vector<16xf32>
          %add3A_963 = arith.addf %mul3A_857, %mul3A_962 : vector<16xf32>
          %get3A_964 = arith.index_cast %add3A_752 : i32 to index
          %get3A_965 = arith.constant 32 : index
          %get3A_966 = tpu.vector_load %arg10[%get3A_964, %get3A_965] {strides = array<i32>} : memref<80x128xf32, #tpu.memory_space<vmem>>, vector<16xf32>,
          %get3A_967 = arith.index_cast %add3A_752 : i32 to index
          %get3A_968 = arith.constant 96 : index
          %get3A_969 = tpu.vector_load %arg10[%get3A_967, %get3A_968] {strides = array<i32>} : memref<80x128xf32, #tpu.memory_space<vmem>>, vector<16xf32>,
          %get3A_970 = arith.index_cast %add3A_752 : i32 to index
          %get3A_971 = arith.constant 32 : index
          %get3A_972 = tpu.vector_load %arg11[%get3A_970, %get3A_971] {strides = array<i32>} : memref<80x128xf32, #tpu.memory_space<vmem>>, vector<16xf32>,
          %get3A_973 = arith.index_cast %add3A_752 : i32 to index
          %get3A_974 = arith.constant 96 : index
          %get3A_975 = tpu.vector_load %arg11[%get3A_973, %get3A_974] {strides = array<i32>} : memref<80x128xf32, #tpu.memory_space<vmem>>, vector<16xf32>,
          %get3A_976 = arith.index_cast %add3A_752 : i32 to index
          %get3A_977 = arith.constant 32 : index
          %get3A_978 = tpu.vector_load %arg12[%get3A_976, %get3A_977] {strides = array<i32>} : memref<80x64xf32, #tpu.memory_space<vmem>>, vector<16xf32>,
          %mul3A_979 = arith.constant 9.14285755 : f32
          %mul3A_980 = vector.broadcast %mul3A_979 : f32 to vector<16xf32>
          %mul3A_981 = arith.mulf %get3A_978, %mul3A_980 : vector<16xf32>
          %add3A_982 = arith.constant 0x4B400000 : f32
          %add3A_983 = vector.broadcast %add3A_982 : f32 to vector<16xf32>
          %add3A_984 = arith.addf %mul3A_981, %add3A_983 : vector<16xf32>
          %bitcast3A_985 = vector.bitcast %add3A_984 : vector<16xf32> to vector<16xi32>
          %sub3A_986 = arith.constant 0x4B400000 : f32
          %sub3A_987 = vector.broadcast %sub3A_986 : f32 to vector<16xf32>
          %sub3A_988 = arith.subf %add3A_984, %sub3A_987 : vector<16xf32>
          %sub3A_989 = arith.subf %mul3A_981, %sub3A_988 : vector<16xf32>
          %mul3A_990 = arith.constant 1.57079637 : f32
          %mul3A_991 = vector.broadcast %mul3A_990 : f32 to vector<16xf32>
          %mul3A_992 = arith.mulf %sub3A_989, %mul3A_991 : vector<16xf32>
          %mul3A_993 = arith.mulf %mul3A_992, %mul3A_992 : vector<16xf32>
          %mul3A_994 = arith.constant -1.660500e-01 : f32
          %mul3A_995 = vector.broadcast %mul3A_994 : f32 to vector<16xf32>
          %mul3A_996 = arith.mulf %mul3A_993, %mul3A_995 : vector<16xf32>
          %add3A_997 = arith.constant 1.000000e+00 : f32
          %add3A_998 = vector.broadcast %add3A_997 : f32 to vector<16xf32>
          %add3A_999 = arith.addf %add3A_998, %mul3A_996 : vector<16xf32>
          %mul3A_1000 = arith.mulf %mul3A_992, %add3A_999 : vector<16xf32>
          %mul3A_1001 = arith.constant 0.0416666679 : f32
          %mul3A_1002 = vector.broadcast %mul3A_1001 : f32 to vector<16xf32>
          %mul3A_1003 = arith.mulf %mul3A_993, %mul3A_1002 : vector<16xf32>
          %add3A_1004 = arith.constant -5.000000e-01 : f32
          %add3A_1005 = vector.broadcast %add3A_1004 : f32 to vector<16xf32>
          %add3A_1006 = arith.addf %add3A_1005, %mul3A_1003 : vector<16xf32>
          %mul3A_1007 = arith.mulf %mul3A_993, %add3A_1006 : vector<16xf32>
          %add3A_1008 = arith.constant 1.000000e+00 : f32
          %add3A_1009 = vector.broadcast %add3A_1008 : f32 to vector<16xf32>
          %add3A_1010 = arith.addf %add3A_1009, %mul3A_1007 : vector<16xf32>
          %and3A_1011 = arith.constant 3 : i32
          %and3A_1012 = vector.broadcast %and3A_1011 : i32 to vector<16xi32>
          %and3A_1013 = arith.andi %bitcast3A_985, %and3A_1012 : vector<16xi32>
          %lt3A_1014 = arith.constant 0 : i32
          %lt3A_1015 = vector.broadcast %lt3A_1014 : i32 to vector<16xi32>
          %lt3A_1016 = arith.cmpi slt, %and3A_1013, %lt3A_1015 : vector<16xi32>
          %add3A_1017 = arith.constant 16 : i32
          %add3A_1018 = vector.broadcast %add3A_1017 : i32 to vector<16xi32>
          %add3A_1019 = arith.addi %and3A_1013, %add3A_1018 : vector<16xi32>
          %select_n3A_1020 = arith.select %lt3A_1016, %add3A_1019, %and3A_1013 : vector<16xi1>, vector<16xi32>
          %reshape3A_1021 = vector.shape_cast %select_n3A_1020 : vector<16xi32> to vector<16x1xi32>
          %gather3A_1022 = vector.shape_cast %reshape3A_1021 : vector<16x1xi32> to vector<16xi32>
          %gather3A_1023 = tpu.dynamic_gather %convert_element_type3A_190[%gather3A_1022] in [0] : vector<16xf32>, vector<16xi32> -> vector<16xf32>
          %lt3A_1024 = arith.constant 0 : i32
          %lt3A_1025 = vector.broadcast %lt3A_1024 : i32 to vector<16xi32>
          %lt3A_1026 = arith.cmpi slt, %and3A_1013, %lt3A_1025 : vector<16xi32>
          %add3A_1027 = arith.constant 16 : i32
          %add3A_1028 = vector.broadcast %add3A_1027 : i32 to vector<16xi32>
          %add3A_1029 = arith.addi %and3A_1013, %add3A_1028 : vector<16xi32>
          %select_n3A_1030 = arith.select %lt3A_1026, %add3A_1029, %and3A_1013 : vector<16xi1>, vector<16xi32>
          %reshape3A_1031 = vector.shape_cast %select_n3A_1030 : vector<16xi32> to vector<16x1xi32>
          %gather3A_1032 = vector.shape_cast %reshape3A_1031 : vector<16x1xi32> to vector<16xi32>
          %gather3A_1033 = tpu.dynamic_gather %convert_element_type3A_201[%gather3A_1032] in [0] : vector<16xf32>, vector<16xi32> -> vector<16xf32>
          %mul3A_1034 = arith.mulf %get3A_966, %add3A_1010 : vector<16xf32>
          %mul3A_1035 = arith.mulf %get3A_969, %mul3A_1000 : vector<16xf32>
          %sub3A_1036 = arith.subf %mul3A_1034, %mul3A_1035 : vector<16xf32>
          %mul3A_1037 = arith.mulf %get3A_966, %mul3A_1000 : vector<16xf32>
          %mul3A_1038 = arith.mulf %get3A_969, %add3A_1010 : vector<16xf32>
          %add3A_1039 = arith.addf %mul3A_1037, %mul3A_1038 : vector<16xf32>
          %mul3A_1040 = arith.mulf %gather3A_1023, %sub3A_1036 : vector<16xf32>
          %mul3A_1041 = arith.mulf %gather3A_1033, %add3A_1039 : vector<16xf32>
          %sub3A_1042 = arith.subf %mul3A_1040, %mul3A_1041 : vector<16xf32>
          %sub3A_1043 = arith.subf %sub3A_1042, %get3A_972 : vector<16xf32>
          %mul3A_1044 = arith.mulf %gather3A_1033, %sub3A_1036 : vector<16xf32>
          %mul3A_1045 = arith.mulf %gather3A_1023, %add3A_1039 : vector<16xf32>
          %add3A_1046 = arith.addf %mul3A_1044, %mul3A_1045 : vector<16xf32>
          %sub3A_1047 = arith.subf %add3A_1046, %get3A_975 : vector<16xf32>
          %mul3A_1048 = arith.mulf %sub3A_1043, %sub3A_1043 : vector<16xf32>
          %mul3A_1049 = arith.mulf %sub3A_1047, %sub3A_1047 : vector<16xf32>
          %add3A_1050 = arith.addf %mul3A_1048, %mul3A_1049 : vector<16xf32>
          %bitcast3A_1051 = vector.bitcast %add3A_1050 : vector<16xf32> to vector<16xi32>
          %shift_right_arithmetic3A_1052 = arith.constant 1 : i32
          %shift_right_arithmetic3A_1053 = vector.broadcast %shift_right_arithmetic3A_1052 : i32 to vector<16xi32>
          %shift_right_arithmetic3A_1054 = arith.shrsi %bitcast3A_1051, %shift_right_arithmetic3A_1053 : vector<16xi32>
          %sub3A_1055 = arith.constant 1597463007 : i32
          %sub3A_1056 = vector.broadcast %sub3A_1055 : i32 to vector<16xi32>
          %sub3A_1057 = arith.subi %sub3A_1056, %shift_right_arithmetic3A_1054 : vector<16xi32>
          %bitcast3A_1058 = vector.bitcast %sub3A_1057 : vector<16xi32> to vector<16xf32>
          %mul3A_1059 = arith.constant 5.000000e-01 : f32
          %mul3A_1060 = vector.broadcast %mul3A_1059 : f32 to vector<16xf32>
          %mul3A_1061 = arith.mulf %mul3A_1060, %add3A_1050 : vector<16xf32>
          %mul3A_1062 = arith.mulf %mul3A_1061, %bitcast3A_1058 : vector<16xf32>
          %mul3A_1063 = arith.mulf %mul3A_1062, %bitcast3A_1058 : vector<16xf32>
          %sub3A_1064 = arith.constant 1.500000e+00 : f32
          %sub3A_1065 = vector.broadcast %sub3A_1064 : f32 to vector<16xf32>
          %sub3A_1066 = arith.subf %sub3A_1065, %mul3A_1063 : vector<16xf32>
          %mul3A_1067 = arith.mulf %bitcast3A_1058, %sub3A_1066 : vector<16xf32>
          %mul3A_1068 = arith.mulf %add3A_1050, %mul3A_1067 : vector<16xf32>
          %get3A_1069 = arith.index_cast %add3A_752 : i32 to index
          %get3A_1070 = arith.constant 48 : index
          %get3A_1071 = tpu.vector_load %arg10[%get3A_1069, %get3A_1070] {strides = array<i32>} : memref<80x128xf32, #tpu.memory_space<vmem>>, vector<16xf32>,
          %get3A_1072 = arith.index_cast %add3A_752 : i32 to index
          %get3A_1073 = arith.constant 112 : index
          %get3A_1074 = tpu.vector_load %arg10[%get3A_1072, %get3A_1073] {strides = array<i32>} : memref<80x128xf32, #tpu.memory_space<vmem>>, vector<16xf32>,
          %get3A_1075 = arith.index_cast %add3A_752 : i32 to index
          %get3A_1076 = arith.constant 48 : index
          %get3A_1077 = tpu.vector_load %arg11[%get3A_1075, %get3A_1076] {strides = array<i32>} : memref<80x128xf32, #tpu.memory_space<vmem>>, vector<16xf32>,
          %get3A_1078 = arith.index_cast %add3A_752 : i32 to index
          %get3A_1079 = arith.constant 112 : index
          %get3A_1080 = tpu.vector_load %arg11[%get3A_1078, %get3A_1079] {strides = array<i32>} : memref<80x128xf32, #tpu.memory_space<vmem>>, vector<16xf32>,
          %get3A_1081 = arith.index_cast %add3A_752 : i32 to index
          %get3A_1082 = arith.constant 48 : index
          %get3A_1083 = tpu.vector_load %arg12[%get3A_1081, %get3A_1082] {strides = array<i32>} : memref<80x64xf32, #tpu.memory_space<vmem>>, vector<16xf32>,
          %mul3A_1084 = arith.constant 9.14285755 : f32
          %mul3A_1085 = vector.broadcast %mul3A_1084 : f32 to vector<16xf32>
          %mul3A_1086 = arith.mulf %get3A_1083, %mul3A_1085 : vector<16xf32>
          %add3A_1087 = arith.constant 0x4B400000 : f32
          %add3A_1088 = vector.broadcast %add3A_1087 : f32 to vector<16xf32>
          %add3A_1089 = arith.addf %mul3A_1086, %add3A_1088 : vector<16xf32>
          %bitcast3A_1090 = vector.bitcast %add3A_1089 : vector<16xf32> to vector<16xi32>
          %sub3A_1091 = arith.constant 0x4B400000 : f32
          %sub3A_1092 = vector.broadcast %sub3A_1091 : f32 to vector<16xf32>
          %sub3A_1093 = arith.subf %add3A_1089, %sub3A_1092 : vector<16xf32>
          %sub3A_1094 = arith.subf %mul3A_1086, %sub3A_1093 : vector<16xf32>
          %mul3A_1095 = arith.constant 1.57079637 : f32
          %mul3A_1096 = vector.broadcast %mul3A_1095 : f32 to vector<16xf32>
          %mul3A_1097 = arith.mulf %sub3A_1094, %mul3A_1096 : vector<16xf32>
          %mul3A_1098 = arith.mulf %mul3A_1097, %mul3A_1097 : vector<16xf32>
          %mul3A_1099 = arith.constant -1.660500e-01 : f32
          %mul3A_1100 = vector.broadcast %mul3A_1099 : f32 to vector<16xf32>
          %mul3A_1101 = arith.mulf %mul3A_1098, %mul3A_1100 : vector<16xf32>
          %add3A_1102 = arith.constant 1.000000e+00 : f32
          %add3A_1103 = vector.broadcast %add3A_1102 : f32 to vector<16xf32>
          %add3A_1104 = arith.addf %add3A_1103, %mul3A_1101 : vector<16xf32>
          %mul3A_1105 = arith.mulf %mul3A_1097, %add3A_1104 : vector<16xf32>
          %mul3A_1106 = arith.constant 0.0416666679 : f32
          %mul3A_1107 = vector.broadcast %mul3A_1106 : f32 to vector<16xf32>
          %mul3A_1108 = arith.mulf %mul3A_1098, %mul3A_1107 : vector<16xf32>
          %add3A_1109 = arith.constant -5.000000e-01 : f32
          %add3A_1110 = vector.broadcast %add3A_1109 : f32 to vector<16xf32>
          %add3A_1111 = arith.addf %add3A_1110, %mul3A_1108 : vector<16xf32>
          %mul3A_1112 = arith.mulf %mul3A_1098, %add3A_1111 : vector<16xf32>
          %add3A_1113 = arith.constant 1.000000e+00 : f32
          %add3A_1114 = vector.broadcast %add3A_1113 : f32 to vector<16xf32>
          %add3A_1115 = arith.addf %add3A_1114, %mul3A_1112 : vector<16xf32>
          %and3A_1116 = arith.constant 3 : i32
          %and3A_1117 = vector.broadcast %and3A_1116 : i32 to vector<16xi32>
          %and3A_1118 = arith.andi %bitcast3A_1090, %and3A_1117 : vector<16xi32>
          %lt3A_1119 = arith.constant 0 : i32
          %lt3A_1120 = vector.broadcast %lt3A_1119 : i32 to vector<16xi32>
          %lt3A_1121 = arith.cmpi slt, %and3A_1118, %lt3A_1120 : vector<16xi32>
          %add3A_1122 = arith.constant 16 : i32
          %add3A_1123 = vector.broadcast %add3A_1122 : i32 to vector<16xi32>
          %add3A_1124 = arith.addi %and3A_1118, %add3A_1123 : vector<16xi32>
          %select_n3A_1125 = arith.select %lt3A_1121, %add3A_1124, %and3A_1118 : vector<16xi1>, vector<16xi32>
          %reshape3A_1126 = vector.shape_cast %select_n3A_1125 : vector<16xi32> to vector<16x1xi32>
          %gather3A_1127 = vector.shape_cast %reshape3A_1126 : vector<16x1xi32> to vector<16xi32>
          %gather3A_1128 = tpu.dynamic_gather %convert_element_type3A_190[%gather3A_1127] in [0] : vector<16xf32>, vector<16xi32> -> vector<16xf32>
          %lt3A_1129 = arith.constant 0 : i32
          %lt3A_1130 = vector.broadcast %lt3A_1129 : i32 to vector<16xi32>
          %lt3A_1131 = arith.cmpi slt, %and3A_1118, %lt3A_1130 : vector<16xi32>
          %add3A_1132 = arith.constant 16 : i32
          %add3A_1133 = vector.broadcast %add3A_1132 : i32 to vector<16xi32>
          %add3A_1134 = arith.addi %and3A_1118, %add3A_1133 : vector<16xi32>
          %select_n3A_1135 = arith.select %lt3A_1131, %add3A_1134, %and3A_1118 : vector<16xi1>, vector<16xi32>
          %reshape3A_1136 = vector.shape_cast %select_n3A_1135 : vector<16xi32> to vector<16x1xi32>
          %gather3A_1137 = vector.shape_cast %reshape3A_1136 : vector<16x1xi32> to vector<16xi32>
          %gather3A_1138 = tpu.dynamic_gather %convert_element_type3A_201[%gather3A_1137] in [0] : vector<16xf32>, vector<16xi32> -> vector<16xf32>
          %mul3A_1139 = arith.mulf %get3A_1071, %add3A_1115 : vector<16xf32>
          %mul3A_1140 = arith.mulf %get3A_1074, %mul3A_1105 : vector<16xf32>
          %sub3A_1141 = arith.subf %mul3A_1139, %mul3A_1140 : vector<16xf32>
          %mul3A_1142 = arith.mulf %get3A_1071, %mul3A_1105 : vector<16xf32>
          %mul3A_1143 = arith.mulf %get3A_1074, %add3A_1115 : vector<16xf32>
          %add3A_1144 = arith.addf %mul3A_1142, %mul3A_1143 : vector<16xf32>
          %mul3A_1145 = arith.mulf %gather3A_1128, %sub3A_1141 : vector<16xf32>
          %mul3A_1146 = arith.mulf %gather3A_1138, %add3A_1144 : vector<16xf32>
          %sub3A_1147 = arith.subf %mul3A_1145, %mul3A_1146 : vector<16xf32>
          %sub3A_1148 = arith.subf %sub3A_1147, %get3A_1077 : vector<16xf32>
          %mul3A_1149 = arith.mulf %gather3A_1138, %sub3A_1141 : vector<16xf32>
          %mul3A_1150 = arith.mulf %gather3A_1128, %add3A_1144 : vector<16xf32>
          %add3A_1151 = arith.addf %mul3A_1149, %mul3A_1150 : vector<16xf32>
          %sub3A_1152 = arith.subf %add3A_1151, %get3A_1080 : vector<16xf32>
          %mul3A_1153 = arith.mulf %sub3A_1148, %sub3A_1148 : vector<16xf32>
          %mul3A_1154 = arith.mulf %sub3A_1152, %sub3A_1152 : vector<16xf32>
          %add3A_1155 = arith.addf %mul3A_1153, %mul3A_1154 : vector<16xf32>
          %bitcast3A_1156 = vector.bitcast %add3A_1155 : vector<16xf32> to vector<16xi32>
          %shift_right_arithmetic3A_1157 = arith.constant 1 : i32
          %shift_right_arithmetic3A_1158 = vector.broadcast %shift_right_arithmetic3A_1157 : i32 to vector<16xi32>
          %shift_right_arithmetic3A_1159 = arith.shrsi %bitcast3A_1156, %shift_right_arithmetic3A_1158 : vector<16xi32>
          %sub3A_1160 = arith.constant 1597463007 : i32
          %sub3A_1161 = vector.broadcast %sub3A_1160 : i32 to vector<16xi32>
          %sub3A_1162 = arith.subi %sub3A_1161, %shift_right_arithmetic3A_1159 : vector<16xi32>
          %bitcast3A_1163 = vector.bitcast %sub3A_1162 : vector<16xi32> to vector<16xf32>
          %mul3A_1164 = arith.constant 5.000000e-01 : f32
          %mul3A_1165 = vector.broadcast %mul3A_1164 : f32 to vector<16xf32>
          %mul3A_1166 = arith.mulf %mul3A_1165, %add3A_1155 : vector<16xf32>
          %mul3A_1167 = arith.mulf %mul3A_1166, %bitcast3A_1163 : vector<16xf32>
          %mul3A_1168 = arith.mulf %mul3A_1167, %bitcast3A_1163 : vector<16xf32>
          %sub3A_1169 = arith.constant 1.500000e+00 : f32
          %sub3A_1170 = vector.broadcast %sub3A_1169 : f32 to vector<16xf32>
          %sub3A_1171 = arith.subf %sub3A_1170, %mul3A_1168 : vector<16xf32>
          %mul3A_1172 = arith.mulf %bitcast3A_1163, %sub3A_1171 : vector<16xf32>
          %mul3A_1173 = arith.mulf %add3A_1155, %mul3A_1172 : vector<16xf32>
          %add3A_1174 = arith.addf %mul3A_1068, %mul3A_1173 : vector<16xf32>
          %add3A_1175 = arith.addf %add3A_963, %add3A_1174 : vector<16xf32>
          %lt3A_1176 = arith.constant 0 : i32
          %lt3A_1177 = vector.broadcast %lt3A_1176 : i32 to vector<16xi32>
          %lt3A_1178 = arith.cmpi slt, %and3A_149, %lt3A_1177 : vector<16xi32>
          %add3A_1179 = arith.constant 16 : i32
          %add3A_1180 = vector.broadcast %add3A_1179 : i32 to vector<16xi32>
          %add3A_1181 = arith.addi %and3A_149, %add3A_1180 : vector<16xi32>
          %select_n3A_1182 = arith.select %lt3A_1178, %add3A_1181, %and3A_149 : vector<16xi1>, vector<16xi32>
          %reshape3A_1183 = vector.shape_cast %select_n3A_1182 : vector<16xi32> to vector<16x1xi32>
          %gather3A_1184 = vector.shape_cast %reshape3A_1183 : vector<16x1xi32> to vector<16xi32>
          %gather3A_1185 = tpu.dynamic_gather %add3A_750[%gather3A_1184] in [0] : vector<16xf32>, vector<16xi32> -> vector<16xf32>
          %add3A_1186 = arith.addf %add3A_750, %gather3A_1185 : vector<16xf32>
          %lt3A_1187 = arith.constant 0 : i32
          %lt3A_1188 = vector.broadcast %lt3A_1187 : i32 to vector<16xi32>
          %lt3A_1189 = arith.cmpi slt, %and3A_149, %lt3A_1188 : vector<16xi32>
          %add3A_1190 = arith.constant 16 : i32
          %add3A_1191 = vector.broadcast %add3A_1190 : i32 to vector<16xi32>
          %add3A_1192 = arith.addi %and3A_149, %add3A_1191 : vector<16xi32>
          %select_n3A_1193 = arith.select %lt3A_1189, %add3A_1192, %and3A_149 : vector<16xi1>, vector<16xi32>
          %reshape3A_1194 = vector.shape_cast %select_n3A_1193 : vector<16xi32> to vector<16x1xi32>
          %gather3A_1195 = vector.shape_cast %reshape3A_1194 : vector<16x1xi32> to vector<16xi32>
          %gather3A_1196 = tpu.dynamic_gather %add3A_1175[%gather3A_1195] in [0] : vector<16xf32>, vector<16xi32> -> vector<16xf32>
          %add3A_1197 = arith.addf %add3A_1175, %gather3A_1196 : vector<16xf32>
          %select_n3A_1198 = arith.select %lt3A_173, %add3A_1186, %add3A_1197 : vector<16xi1>, vector<16xf32>
          %lt3A_1199 = arith.constant 0 : i32
          %lt3A_1200 = vector.broadcast %lt3A_1199 : i32 to vector<16xi32>
          %lt3A_1201 = arith.cmpi slt, %or3A_156, %lt3A_1200 : vector<16xi32>
          %add3A_1202 = arith.constant 16 : i32
          %add3A_1203 = vector.broadcast %add3A_1202 : i32 to vector<16xi32>
          %add3A_1204 = arith.addi %or3A_156, %add3A_1203 : vector<16xi32>
          %select_n3A_1205 = arith.select %lt3A_1201, %add3A_1204, %or3A_156 : vector<16xi1>, vector<16xi32>
          %reshape3A_1206 = vector.shape_cast %select_n3A_1205 : vector<16xi32> to vector<16x1xi32>
          %gather3A_1207 = vector.shape_cast %reshape3A_1206 : vector<16x1xi32> to vector<16xi32>
          %gather3A_1208 = tpu.dynamic_gather %select_n3A_1198[%gather3A_1207] in [0] : vector<16xf32>, vector<16xi32> -> vector<16xf32>
          %add3A_1209 = arith.addf %select_n3A_1198, %gather3A_1208 : vector<16xf32>
          %lt3A_1210 = arith.constant 0 : i32
          %lt3A_1211 = vector.broadcast %lt3A_1210 : i32 to vector<16xi32>
          %lt3A_1212 = arith.cmpi slt, %or3A_163, %lt3A_1211 : vector<16xi32>
          %add3A_1213 = arith.constant 16 : i32
          %add3A_1214 = vector.broadcast %add3A_1213 : i32 to vector<16xi32>
          %add3A_1215 = arith.addi %or3A_163, %add3A_1214 : vector<16xi32>
          %select_n3A_1216 = arith.select %lt3A_1212, %add3A_1215, %or3A_163 : vector<16xi1>, vector<16xi32>
          %reshape3A_1217 = vector.shape_cast %select_n3A_1216 : vector<16xi32> to vector<16x1xi32>
          %gather3A_1218 = vector.shape_cast %reshape3A_1217 : vector<16x1xi32> to vector<16xi32>
          %gather3A_1219 = tpu.dynamic_gather %add3A_1209[%gather3A_1218] in [0] : vector<16xf32>, vector<16xi32> -> vector<16xf32>
          %add3A_1220 = arith.addf %add3A_1209, %gather3A_1219 : vector<16xf32>
          %lt3A_1221 = arith.constant 0 : i32
          %lt3A_1222 = vector.broadcast %lt3A_1221 : i32 to vector<16xi32>
          %lt3A_1223 = arith.cmpi slt, %or3A_170, %lt3A_1222 : vector<16xi32>
          %add3A_1224 = arith.constant 16 : i32
          %add3A_1225 = vector.broadcast %add3A_1224 : i32 to vector<16xi32>
          %add3A_1226 = arith.addi %or3A_170, %add3A_1225 : vector<16xi32>
          %select_n3A_1227 = arith.select %lt3A_1223, %add3A_1226, %or3A_170 : vector<16xi1>, vector<16xi32>
          %reshape3A_1228 = vector.shape_cast %select_n3A_1227 : vector<16xi32> to vector<16x1xi32>
          %gather3A_1229 = vector.shape_cast %reshape3A_1228 : vector<16x1xi32> to vector<16xi32>
          %gather3A_1230 = tpu.dynamic_gather %add3A_1220[%gather3A_1229] in [0] : vector<16xf32>, vector<16xi32> -> vector<16xf32>
          %add3A_1231 = arith.addf %add3A_1220, %gather3A_1230 : vector<16xf32>
          %broadcast_in_dim3A_1232 = vector.broadcast %scan3A_329 : i32 to vector<16xi32>
          %eq3A = arith.cmpi eq, %and3A_176, %broadcast_in_dim3A_1232 : vector<16xi32>
          %sub3A_1233 = arith.constant 1.200000e+01 : f32
          %sub3A_1234 = vector.broadcast %sub3A_1233 : f32 to vector<16xf32>
          %sub3A_1235 = arith.subf %sub3A_1234, %add3A_1231 : vector<16xf32>
          %select_n3A_1236 = arith.select %eq3A, %sub3A_1235, %scan3A_330 : vector<16xi1>, vector<16xf32>
          scf.yield %select_n3A_1236 : vector<16xf32>
        }
        %scan3A_324 = arith.constant 8 : i32
        %mul3A_325 = arith.constant 16 : i32
        %mul3A_326 = arith.muli %scan3A_317, %mul3A_325 : i32
        %add3A_327 = arith.addi %mul3A_139, %mul3A_326 : i32
        %swap3A = arith.index_cast %add3A_327 : i32 to index
        %swap3A_328 = tpu.vector_load %arg9[%swap3A] {strides = array<i32>} : memref<10000xf32, #tpu.memory_space<vmem>>, vector<16xf32>,
        tpu.vector_store %arg9[%swap3A], %scan3A_323 {strides = array<i32>} : memref<10000xf32, #tpu.memory_space<vmem>>, vector<16xf32>,
      }
      %scan3A_207 = arith.constant 5 : i32
      %mul3A_208 = arith.constant 2 : i32
      %mul3A_209 = arith.muli %mul3A_208, %scan3A_100 : i32
      %add3A_210 = arith.constant 2 : i32
      %add3A_211 = arith.addi %mul3A_209, %add3A_210 : i32
      %mul3A_212 = arith.constant 80 : i32
      %mul3A_213 = arith.muli %add3A_211, %mul3A_212 : i32
      %dma_start3A_214 = tpu.memref_slice %arg7[%mul3A_213] : memref<10000xi32, #tpu.memory_space<vmem>> -> memref<80xi32, #tpu.memory_space<vmem>>
      %dma_start3A_215 = arith.constant 0 : i32
      %dma_start3A_216 = arith.constant 0 : i32
      %dma_start3A_217 = tpu.memref_slice %arg2[%dma_start3A_215, %dma_start3A_216] : memref<10000x128xf32, #tpu.memory_space<hbm>> -> memref<10000x128xf32, #tpu.memory_space<hbm>>
      tpu.enqueue_indirect_dma source(%dma_start3A_217 : memref<10000x128xf32, #tpu.memory_space<hbm>>) target(%arg10 : memref<80x128xf32, #tpu.memory_space<vmem>>) offsets(%dma_start3A_214 : memref<80xi32, #tpu.memory_space<vmem>>) semaphore(%arg16 : memref<!tpu.dma_semaphore, #tpu.memory_space<semaphore_mem>>)
      %dma_start3A_218 = tpu.memref_slice %arg8[%mul3A_213] : memref<10000xi32, #tpu.memory_space<vmem>> -> memref<80xi32, #tpu.memory_space<vmem>>
      %dma_start3A_219 = arith.constant 0 : i32
      %dma_start3A_220 = arith.constant 0 : i32
      %dma_start3A_221 = tpu.memref_slice %arg2[%dma_start3A_219, %dma_start3A_220] : memref<10000x128xf32, #tpu.memory_space<hbm>> -> memref<10000x128xf32, #tpu.memory_space<hbm>>
      tpu.enqueue_indirect_dma source(%dma_start3A_221 : memref<10000x128xf32, #tpu.memory_space<hbm>>) target(%arg11 : memref<80x128xf32, #tpu.memory_space<vmem>>) offsets(%dma_start3A_218 : memref<80xi32, #tpu.memory_space<vmem>>) semaphore(%arg16 : memref<!tpu.dma_semaphore, #tpu.memory_space<semaphore_mem>>)
      %add3A_222 = arith.addi %mul3A_2, %mul3A_213 : i32
      %dma_start3A_223 = arith.constant 0 : i32
      %dma_start3A_224 = tpu.memref_slice %arg5[%add3A_222, %dma_start3A_223] : memref<320000x64xf32, #tpu.memory_space<hbm>> -> memref<80x64xf32, #tpu.memory_space<hbm>>
      %dma_start3A_225 = arith.constant 0 : i32
      %dma_start3A_226 = tpu.memref_slice %arg5[%add3A_222, %dma_start3A_225] : memref<320000x64xf32, #tpu.memory_space<hbm>> -> memref<80x64xf32, #tpu.memory_space<hbm>>
      tpu.enqueue_dma source(%dma_start3A_226 : memref<80x64xf32, #tpu.memory_space<hbm>>) target(%arg12 : memref<80x64xf32, #tpu.memory_space<vmem>>) target_semaphore(%arg16 : memref<!tpu.dma_semaphore, #tpu.memory_space<semaphore_mem>>)
      %mul3A_227 = arith.constant 2 : i32
      %mul3A_228 = arith.muli %mul3A_227, %scan3A_100 : i32
      %add3A_229 = arith.constant 1 : i32
      %add3A_230 = arith.addi %mul3A_228, %add3A_229 : i32
      %dma_wait3A_231 = arith.constant 0 : i32
      %dma_wait3A_232 = tpu.memref_slice %arg7[%dma_wait3A_231] : memref<10000xi32, #tpu.memory_space<vmem>> -> memref<80xi32, #tpu.memory_space<vmem>>
      %dma_wait3A_233 = arith.constant 0 : i32
      %dma_wait3A_234 = arith.constant 0 : i32
      %dma_wait3A_235 = tpu.memref_slice %arg2[%dma_wait3A_233, %dma_wait3A_234] : memref<10000x128xf32, #tpu.memory_space<hbm>> -> memref<10000x128xf32, #tpu.memory_space<hbm>>
      tpu.wait_indirect_dma semaphore(%arg17 : memref<!tpu.dma_semaphore, #tpu.memory_space<semaphore_mem>>) src(%dma_wait3A_235 : memref<10000x128xf32, #tpu.memory_space<hbm>>) dst(%arg13 : memref<80x128xf32, #tpu.memory_space<vmem>>)
      %dma_wait3A_236 = arith.constant 0 : i32
      %dma_wait3A_237 = tpu.memref_slice %arg7[%dma_wait3A_236] : memref<10000xi32, #tpu.memory_space<vmem>> -> memref<80xi32, #tpu.memory_space<vmem>>
      %dma_wait3A_238 = arith.constant 0 : i32
      %dma_wait3A_239 = arith.constant 0 : i32
      %dma_wait3A_240 = tpu.memref_slice %arg2[%dma_wait3A_238, %dma_wait3A_239] : memref<10000x128xf32, #tpu.memory_space<hbm>> -> memref<10000x128xf32, #tpu.memory_space<hbm>>
      tpu.wait_indirect_dma semaphore(%arg17 : memref<!tpu.dma_semaphore, #tpu.memory_space<semaphore_mem>>) src(%dma_wait3A_240 : memref<10000x128xf32, #tpu.memory_space<hbm>>) dst(%arg14 : memref<80x128xf32, #tpu.memory_space<vmem>>)
      %dma_wait3A_241 = arith.constant 0 : i32
      %dma_wait3A_242 = arith.constant 0 : i32
      %dma_wait3A_243 = tpu.memref_slice %arg5[%dma_wait3A_241, %dma_wait3A_242] : memref<320000x64xf32, #tpu.memory_space<hbm>> -> memref<80x64xf32, #tpu.memory_space<hbm>>
      %dma_wait3A_244 = arith.constant 0 : i32
      %dma_wait3A_245 = arith.constant 0 : i32
      %dma_wait3A_246 = tpu.memref_slice %arg5[%dma_wait3A_244, %dma_wait3A_245] : memref<320000x64xf32, #tpu.memory_space<hbm>> -> memref<80x64xf32, #tpu.memory_space<hbm>>
      tpu.wait_dma2 semaphore(%arg17 : memref<!tpu.dma_semaphore, #tpu.memory_space<semaphore_mem>>) src(%dma_wait3A_246 : memref<80x64xf32, #tpu.memory_space<hbm>>) dst(%arg15 : memref<80x64xf32, #tpu.memory_space<vmem>>)
      %mul3A_247 = arith.constant 80 : i32
      %mul3A_248 = arith.muli %add3A_230, %mul3A_247 : i32
      %iota3A_249 = tpu.iota {dimensions = array<i32: 0>} : vector<16xi32>
      %and3A_250 = arith.constant 8 : i32
      %and3A_251 = vector.broadcast %and3A_250 : i32 to vector<16xi32>
      %and3A_252 = arith.andi %iota3A_249, %and3A_251 : vector<16xi32>
      %add3A_253 = arith.constant 8 : i32
      %add3A_254 = vector.broadcast %add3A_253 : i32 to vector<16xi32>
      %add3A_255 = arith.addi %iota3A_249, %add3A_254 : vector<16xi32>
      %and3A_256 = arith.constant 15 : i32
      %and3A_257 = vector.broadcast %and3A_256 : i32 to vector<16xi32>
      %and3A_258 = arith.andi %add3A_255, %and3A_257 : vector<16xi32>
      %add3A_259 = arith.constant 4 : i32
      %add3A_260 = vector.broadcast %add3A_259 : i32 to vector<16xi32>
      %add3A_261 = arith.addi %iota3A_249, %add3A_260 : vector<16xi32>
      %and3A_262 = arith.constant 7 : i32
      %and3A_263 = vector.broadcast %and3A_262 : i32 to vector<16xi32>
      %and3A_264 = arith.andi %add3A_261, %and3A_263 : vector<16xi32>
      %or3A_265 = arith.ori %and3A_252, %and3A_264 : vector<16xi32>
      %add3A_266 = arith.constant 2 : i32
      %add3A_267 = vector.broadcast %add3A_266 : i32 to vector<16xi32>
      %add3A_268 = arith.addi %iota3A_249, %add3A_267 : vector<16xi32>
      %and3A_269 = arith.constant 7 : i32
      %and3A_270 = vector.broadcast %and3A_269 : i32 to vector<16xi32>
      %and3A_271 = arith.andi %add3A_268, %and3A_270 : vector<16xi32>
      %or3A_272 = arith.ori %and3A_252, %and3A_271 : vector<16xi32>
      %add3A_273 = arith.constant 1 : i32
      %add3A_274 = vector.broadcast %add3A_273 : i32 to vector<16xi32>
      %add3A_275 = arith.addi %iota3A_249, %add3A_274 : vector<16xi32>
      %and3A_276 = arith.constant 7 : i32
      %and3A_277 = vector.broadcast %and3A_276 : i32 to vector<16xi32>
      %and3A_278 = arith.andi %add3A_275, %and3A_277 : vector<16xi32>
      %or3A_279 = arith.ori %and3A_252, %and3A_278 : vector<16xi32>
      %lt3A_280 = arith.constant 8 : i32
      %lt3A_281 = vector.broadcast %lt3A_280 : i32 to vector<16xi32>
      %lt3A_282 = arith.cmpi slt, %iota3A_249, %lt3A_281 : vector<16xi32>
      %and3A_283 = arith.constant 7 : i32
      %and3A_284 = vector.broadcast %and3A_283 : i32 to vector<16xi32>
      %and3A_285 = arith.andi %iota3A_249, %and3A_284 : vector<16xi32>
      %and3A_286 = arith.constant 2 : i32
      %and3A_287 = vector.broadcast %and3A_286 : i32 to vector<16xi32>
      %and3A_288 = arith.andi %iota3A_249, %and3A_287 : vector<16xi32>
      %sub3A_289 = arith.constant 1 : i32
      %sub3A_290 = vector.broadcast %sub3A_289 : i32 to vector<16xi32>
      %sub3A_291 = arith.subi %sub3A_290, %and3A_288 : vector<16xi32>
      %and3A_292 = arith.constant 1 : i32
      %and3A_293 = vector.broadcast %and3A_292 : i32 to vector<16xi32>
      %and3A_294 = arith.andi %iota3A_249, %and3A_293 : vector<16xi32>
      %sub3A_295 = arith.constant 1 : i32
      %sub3A_296 = vector.broadcast %sub3A_295 : i32 to vector<16xi32>
      %sub3A_297 = arith.subi %sub3A_296, %and3A_294 : vector<16xi32>
      %mul3A_298 = arith.muli %sub3A_291, %sub3A_297 : vector<16xi32>
      %convert_element_type3A_299 = arith.sitofp %mul3A_298 : vector<16xi32> to vector<16xf32>
      %and3A_300 = arith.constant 1 : i32
      %and3A_301 = vector.broadcast %and3A_300 : i32 to vector<16xi32>
      %and3A_302 = arith.andi %iota3A_249, %and3A_301 : vector<16xi32>
      %and3A_303 = arith.constant 2 : i32
      %and3A_304 = vector.broadcast %and3A_303 : i32 to vector<16xi32>
      %and3A_305 = arith.andi %iota3A_249, %and3A_304 : vector<16xi32>
      %sub3A_306 = arith.constant 1 : i32
      %sub3A_307 = vector.broadcast %sub3A_306 : i32 to vector<16xi32>
      %sub3A_308 = arith.subi %sub3A_307, %and3A_305 : vector<16xi32>
      %mul3A_309 = arith.muli %and3A_302, %sub3A_308 : vector<16xi32>
      %convert_element_type3A_310 = arith.sitofp %mul3A_309 : vector<16xi32> to vector<16xf32>
      %scan3A_311 = arith.constant 0 : i32
      %scan3A_312 = arith.constant 0 : i32
      %scan3A_313 = arith.constant 5 : i32
      %scan3A_314 = arith.addi %scan3A_312, %scan3A_313 : i32
      %scan3A_315 = arith.constant 1 : i32
      scf.for %scan3A_317 = %scan3A_312 to %scan3A_314 step %scan3A_315  : i32 {
        %broadcast_in_dim3A = arith.constant 0.000000e+00 : f32
        %broadcast_in_dim3A_318 = vector.broadcast %broadcast_in_dim3A : f32 to vector<16xf32>
        %scan3A_319 = arith.constant 0 : i32
        %scan3A_320 = arith.constant 8 : i32
        %scan3A_321 = arith.addi %scan3A_319, %scan3A_320 : i32
        %scan3A_322 = arith.constant 1 : i32
        %scan3A_323 = scf.for %scan3A_329 = %scan3A_319 to %scan3A_321 step %scan3A_322 iter_args(%scan3A_330 = %broadcast_in_dim3A_318) -> (vector<16xf32>)  : i32 {
          %mul3A_331 = arith.constant 16 : i32
          %mul3A_332 = arith.muli %scan3A_317, %mul3A_331 : i32
          %add3A_333 = arith.addi %mul3A_332, %scan3A_329 : i32
          %get3A = arith.index_cast %add3A_333 : i32 to index
          %get3A_334 = arith.constant 0 : index
          %get3A_335 = tpu.vector_load %arg13[%get3A, %get3A_334] {strides = array<i32>} : memref<80x128xf32, #tpu.memory_space<vmem>>, vector<16xf32>,
          %get3A_336 = arith.index_cast %add3A_333 : i32 to index
          %get3A_337 = arith.constant 64 : index
          %get3A_338 = tpu.vector_load %arg13[%get3A_336, %get3A_337] {strides = array<i32>} : memref<80x128xf32, #tpu.memory_space<vmem>>, vector<16xf32>,
          %get3A_339 = arith.index_cast %add3A_333 : i32 to index
          %get3A_340 = arith.constant 0 : index
          %get3A_341 = tpu.vector_load %arg14[%get3A_339, %get3A_340] {strides = array<i32>} : memref<80x128xf32, #tpu.memory_space<vmem>>, vector<16xf32>,
          %get3A_342 = arith.index_cast %add3A_333 : i32 to index
          %get3A_343 = arith.constant 64 : index
          %get3A_344 = tpu.vector_load %arg14[%get3A_342, %get3A_343] {strides = array<i32>} : memref<80x128xf32, #tpu.memory_space<vmem>>, vector<16xf32>,
          %get3A_345 = arith.index_cast %add3A_333 : i32 to index
          %get3A_346 = arith.constant 0 : index
          %get3A_347 = tpu.vector_load %arg15[%get3A_345, %get3A_346] {strides = array<i32>} : memref<80x64xf32, #tpu.memory_space<vmem>>, vector<16xf32>,
          %mul3A_348 = arith.constant 9.14285755 : f32
          %mul3A_349 = vector.broadcast %mul3A_348 : f32 to vector<16xf32>
          %mul3A_350 = arith.mulf %get3A_347, %mul3A_349 : vector<16xf32>
          %add3A_351 = arith.constant 0x4B400000 : f32
          %add3A_352 = vector.broadcast %add3A_351 : f32 to vector<16xf32>
          %add3A_353 = arith.addf %mul3A_350, %add3A_352 : vector<16xf32>
          %bitcast3A = vector.bitcast %add3A_353 : vector<16xf32> to vector<16xi32>
          %sub3A_354 = arith.constant 0x4B400000 : f32
          %sub3A_355 = vector.broadcast %sub3A_354 : f32 to vector<16xf32>
          %sub3A_356 = arith.subf %add3A_353, %sub3A_355 : vector<16xf32>
          %sub3A_357 = arith.subf %mul3A_350, %sub3A_356 : vector<16xf32>
          %mul3A_358 = arith.constant 1.57079637 : f32
          %mul3A_359 = vector.broadcast %mul3A_358 : f32 to vector<16xf32>
          %mul3A_360 = arith.mulf %sub3A_357, %mul3A_359 : vector<16xf32>
          %mul3A_361 = arith.mulf %mul3A_360, %mul3A_360 : vector<16xf32>
          %mul3A_362 = arith.constant -1.660500e-01 : f32
          %mul3A_363 = vector.broadcast %mul3A_362 : f32 to vector<16xf32>
          %mul3A_364 = arith.mulf %mul3A_361, %mul3A_363 : vector<16xf32>
          %add3A_365 = arith.constant 1.000000e+00 : f32
          %add3A_366 = vector.broadcast %add3A_365 : f32 to vector<16xf32>
          %add3A_367 = arith.addf %add3A_366, %mul3A_364 : vector<16xf32>
          %mul3A_368 = arith.mulf %mul3A_360, %add3A_367 : vector<16xf32>
          %mul3A_369 = arith.constant 0.0416666679 : f32
          %mul3A_370 = vector.broadcast %mul3A_369 : f32 to vector<16xf32>
          %mul3A_371 = arith.mulf %mul3A_361, %mul3A_370 : vector<16xf32>
          %add3A_372 = arith.constant -5.000000e-01 : f32
          %add3A_373 = vector.broadcast %add3A_372 : f32 to vector<16xf32>
          %add3A_374 = arith.addf %add3A_373, %mul3A_371 : vector<16xf32>
          %mul3A_375 = arith.mulf %mul3A_361, %add3A_374 : vector<16xf32>
          %add3A_376 = arith.constant 1.000000e+00 : f32
          %add3A_377 = vector.broadcast %add3A_376 : f32 to vector<16xf32>
          %add3A_378 = arith.addf %add3A_377, %mul3A_375 : vector<16xf32>
          %and3A_379 = arith.constant 3 : i32
          %and3A_380 = vector.broadcast %and3A_379 : i32 to vector<16xi32>
          %and3A_381 = arith.andi %bitcast3A, %and3A_380 : vector<16xi32>
          %lt3A_382 = arith.constant 0 : i32
          %lt3A_383 = vector.broadcast %lt3A_382 : i32 to vector<16xi32>
          %lt3A_384 = arith.cmpi slt, %and3A_381, %lt3A_383 : vector<16xi32>
          %add3A_385 = arith.constant 16 : i32
          %add3A_386 = vector.broadcast %add3A_385 : i32 to vector<16xi32>
          %add3A_387 = arith.addi %and3A_381, %add3A_386 : vector<16xi32>
          %select_n3A = arith.select %lt3A_384, %add3A_387, %and3A_381 : vector<16xi1>, vector<16xi32>
          %reshape3A = vector.shape_cast %select_n3A : vector<16xi32> to vector<16x1xi32>
          %gather3A = vector.shape_cast %reshape3A : vector<16x1xi32> to vector<16xi32>
          %gather3A_388 = tpu.dynamic_gather %convert_element_type3A_299[%gather3A] in [0] : vector<16xf32>, vector<16xi32> -> vector<16xf32>
          %lt3A_389 = arith.constant 0 : i32
          %lt3A_390 = vector.broadcast %lt3A_389 : i32 to vector<16xi32>
          %lt3A_391 = arith.cmpi slt, %and3A_381, %lt3A_390 : vector<16xi32>
          %add3A_392 = arith.constant 16 : i32
          %add3A_393 = vector.broadcast %add3A_392 : i32 to vector<16xi32>
          %add3A_394 = arith.addi %and3A_381, %add3A_393 : vector<16xi32>
          %select_n3A_395 = arith.select %lt3A_391, %add3A_394, %and3A_381 : vector<16xi1>, vector<16xi32>
          %reshape3A_396 = vector.shape_cast %select_n3A_395 : vector<16xi32> to vector<16x1xi32>
          %gather3A_397 = vector.shape_cast %reshape3A_396 : vector<16x1xi32> to vector<16xi32>
          %gather3A_398 = tpu.dynamic_gather %convert_element_type3A_310[%gather3A_397] in [0] : vector<16xf32>, vector<16xi32> -> vector<16xf32>
          %mul3A_399 = arith.mulf %get3A_335, %add3A_378 : vector<16xf32>
          %mul3A_400 = arith.mulf %get3A_338, %mul3A_368 : vector<16xf32>
          %sub3A_401 = arith.subf %mul3A_399, %mul3A_400 : vector<16xf32>
          %mul3A_402 = arith.mulf %get3A_335, %mul3A_368 : vector<16xf32>
          %mul3A_403 = arith.mulf %get3A_338, %add3A_378 : vector<16xf32>
          %add3A_404 = arith.addf %mul3A_402, %mul3A_403 : vector<16xf32>
          %mul3A_405 = arith.mulf %gather3A_388, %sub3A_401 : vector<16xf32>
          %mul3A_406 = arith.mulf %gather3A_398, %add3A_404 : vector<16xf32>
          %sub3A_407 = arith.subf %mul3A_405, %mul3A_406 : vector<16xf32>
          %sub3A_408 = arith.subf %sub3A_407, %get3A_341 : vector<16xf32>
          %mul3A_409 = arith.mulf %gather3A_398, %sub3A_401 : vector<16xf32>
          %mul3A_410 = arith.mulf %gather3A_388, %add3A_404 : vector<16xf32>
          %add3A_411 = arith.addf %mul3A_409, %mul3A_410 : vector<16xf32>
          %sub3A_412 = arith.subf %add3A_411, %get3A_344 : vector<16xf32>
          %mul3A_413 = arith.mulf %sub3A_408, %sub3A_408 : vector<16xf32>
          %mul3A_414 = arith.mulf %sub3A_412, %sub3A_412 : vector<16xf32>
          %add3A_415 = arith.addf %mul3A_413, %mul3A_414 : vector<16xf32>
          %bitcast3A_416 = vector.bitcast %add3A_415 : vector<16xf32> to vector<16xi32>
          %shift_right_arithmetic3A = arith.constant 1 : i32
          %shift_right_arithmetic3A_417 = vector.broadcast %shift_right_arithmetic3A : i32 to vector<16xi32>
          %shift_right_arithmetic3A_418 = arith.shrsi %bitcast3A_416, %shift_right_arithmetic3A_417 : vector<16xi32>
          %sub3A_419 = arith.constant 1597463007 : i32
          %sub3A_420 = vector.broadcast %sub3A_419 : i32 to vector<16xi32>
          %sub3A_421 = arith.subi %sub3A_420, %shift_right_arithmetic3A_418 : vector<16xi32>
          %bitcast3A_422 = vector.bitcast %sub3A_421 : vector<16xi32> to vector<16xf32>
          %mul3A_423 = arith.constant 5.000000e-01 : f32
          %mul3A_424 = vector.broadcast %mul3A_423 : f32 to vector<16xf32>
          %mul3A_425 = arith.mulf %mul3A_424, %add3A_415 : vector<16xf32>
          %mul3A_426 = arith.mulf %mul3A_425, %bitcast3A_422 : vector<16xf32>
          %mul3A_427 = arith.mulf %mul3A_426, %bitcast3A_422 : vector<16xf32>
          %sub3A_428 = arith.constant 1.500000e+00 : f32
          %sub3A_429 = vector.broadcast %sub3A_428 : f32 to vector<16xf32>
          %sub3A_430 = arith.subf %sub3A_429, %mul3A_427 : vector<16xf32>
          %mul3A_431 = arith.mulf %bitcast3A_422, %sub3A_430 : vector<16xf32>
          %mul3A_432 = arith.mulf %add3A_415, %mul3A_431 : vector<16xf32>
          %get3A_433 = arith.index_cast %add3A_333 : i32 to index
          %get3A_434 = arith.constant 16 : index
          %get3A_435 = tpu.vector_load %arg13[%get3A_433, %get3A_434] {strides = array<i32>} : memref<80x128xf32, #tpu.memory_space<vmem>>, vector<16xf32>,
          %get3A_436 = arith.index_cast %add3A_333 : i32 to index
          %get3A_437 = arith.constant 80 : index
          %get3A_438 = tpu.vector_load %arg13[%get3A_436, %get3A_437] {strides = array<i32>} : memref<80x128xf32, #tpu.memory_space<vmem>>, vector<16xf32>,
          %get3A_439 = arith.index_cast %add3A_333 : i32 to index
          %get3A_440 = arith.constant 16 : index
          %get3A_441 = tpu.vector_load %arg14[%get3A_439, %get3A_440] {strides = array<i32>} : memref<80x128xf32, #tpu.memory_space<vmem>>, vector<16xf32>,
          %get3A_442 = arith.index_cast %add3A_333 : i32 to index
          %get3A_443 = arith.constant 80 : index
          %get3A_444 = tpu.vector_load %arg14[%get3A_442, %get3A_443] {strides = array<i32>} : memref<80x128xf32, #tpu.memory_space<vmem>>, vector<16xf32>,
          %get3A_445 = arith.index_cast %add3A_333 : i32 to index
          %get3A_446 = arith.constant 16 : index
          %get3A_447 = tpu.vector_load %arg15[%get3A_445, %get3A_446] {strides = array<i32>} : memref<80x64xf32, #tpu.memory_space<vmem>>, vector<16xf32>,
          %mul3A_448 = arith.constant 9.14285755 : f32
          %mul3A_449 = vector.broadcast %mul3A_448 : f32 to vector<16xf32>
          %mul3A_450 = arith.mulf %get3A_447, %mul3A_449 : vector<16xf32>
          %add3A_451 = arith.constant 0x4B400000 : f32
          %add3A_452 = vector.broadcast %add3A_451 : f32 to vector<16xf32>
          %add3A_453 = arith.addf %mul3A_450, %add3A_452 : vector<16xf32>
          %bitcast3A_454 = vector.bitcast %add3A_453 : vector<16xf32> to vector<16xi32>
          %sub3A_455 = arith.constant 0x4B400000 : f32
          %sub3A_456 = vector.broadcast %sub3A_455 : f32 to vector<16xf32>
          %sub3A_457 = arith.subf %add3A_453, %sub3A_456 : vector<16xf32>
          %sub3A_458 = arith.subf %mul3A_450, %sub3A_457 : vector<16xf32>
          %mul3A_459 = arith.constant 1.57079637 : f32
          %mul3A_460 = vector.broadcast %mul3A_459 : f32 to vector<16xf32>
          %mul3A_461 = arith.mulf %sub3A_458, %mul3A_460 : vector<16xf32>
          %mul3A_462 = arith.mulf %mul3A_461, %mul3A_461 : vector<16xf32>
          %mul3A_463 = arith.constant -1.660500e-01 : f32
          %mul3A_464 = vector.broadcast %mul3A_463 : f32 to vector<16xf32>
          %mul3A_465 = arith.mulf %mul3A_462, %mul3A_464 : vector<16xf32>
          %add3A_466 = arith.constant 1.000000e+00 : f32
          %add3A_467 = vector.broadcast %add3A_466 : f32 to vector<16xf32>
          %add3A_468 = arith.addf %add3A_467, %mul3A_465 : vector<16xf32>
          %mul3A_469 = arith.mulf %mul3A_461, %add3A_468 : vector<16xf32>
          %mul3A_470 = arith.constant 0.0416666679 : f32
          %mul3A_471 = vector.broadcast %mul3A_470 : f32 to vector<16xf32>
          %mul3A_472 = arith.mulf %mul3A_462, %mul3A_471 : vector<16xf32>
          %add3A_473 = arith.constant -5.000000e-01 : f32
          %add3A_474 = vector.broadcast %add3A_473 : f32 to vector<16xf32>
          %add3A_475 = arith.addf %add3A_474, %mul3A_472 : vector<16xf32>
          %mul3A_476 = arith.mulf %mul3A_462, %add3A_475 : vector<16xf32>
          %add3A_477 = arith.constant 1.000000e+00 : f32
          %add3A_478 = vector.broadcast %add3A_477 : f32 to vector<16xf32>
          %add3A_479 = arith.addf %add3A_478, %mul3A_476 : vector<16xf32>
          %and3A_480 = arith.constant 3 : i32
          %and3A_481 = vector.broadcast %and3A_480 : i32 to vector<16xi32>
          %and3A_482 = arith.andi %bitcast3A_454, %and3A_481 : vector<16xi32>
          %lt3A_483 = arith.constant 0 : i32
          %lt3A_484 = vector.broadcast %lt3A_483 : i32 to vector<16xi32>
          %lt3A_485 = arith.cmpi slt, %and3A_482, %lt3A_484 : vector<16xi32>
          %add3A_486 = arith.constant 16 : i32
          %add3A_487 = vector.broadcast %add3A_486 : i32 to vector<16xi32>
          %add3A_488 = arith.addi %and3A_482, %add3A_487 : vector<16xi32>
          %select_n3A_489 = arith.select %lt3A_485, %add3A_488, %and3A_482 : vector<16xi1>, vector<16xi32>
          %reshape3A_490 = vector.shape_cast %select_n3A_489 : vector<16xi32> to vector<16x1xi32>
          %gather3A_491 = vector.shape_cast %reshape3A_490 : vector<16x1xi32> to vector<16xi32>
          %gather3A_492 = tpu.dynamic_gather %convert_element_type3A_299[%gather3A_491] in [0] : vector<16xf32>, vector<16xi32> -> vector<16xf32>
          %lt3A_493 = arith.constant 0 : i32
          %lt3A_494 = vector.broadcast %lt3A_493 : i32 to vector<16xi32>
          %lt3A_495 = arith.cmpi slt, %and3A_482, %lt3A_494 : vector<16xi32>
          %add3A_496 = arith.constant 16 : i32
          %add3A_497 = vector.broadcast %add3A_496 : i32 to vector<16xi32>
          %add3A_498 = arith.addi %and3A_482, %add3A_497 : vector<16xi32>
          %select_n3A_499 = arith.select %lt3A_495, %add3A_498, %and3A_482 : vector<16xi1>, vector<16xi32>
          %reshape3A_500 = vector.shape_cast %select_n3A_499 : vector<16xi32> to vector<16x1xi32>
          %gather3A_501 = vector.shape_cast %reshape3A_500 : vector<16x1xi32> to vector<16xi32>
          %gather3A_502 = tpu.dynamic_gather %convert_element_type3A_310[%gather3A_501] in [0] : vector<16xf32>, vector<16xi32> -> vector<16xf32>
          %mul3A_503 = arith.mulf %get3A_435, %add3A_479 : vector<16xf32>
          %mul3A_504 = arith.mulf %get3A_438, %mul3A_469 : vector<16xf32>
          %sub3A_505 = arith.subf %mul3A_503, %mul3A_504 : vector<16xf32>
          %mul3A_506 = arith.mulf %get3A_435, %mul3A_469 : vector<16xf32>
          %mul3A_507 = arith.mulf %get3A_438, %add3A_479 : vector<16xf32>
          %add3A_508 = arith.addf %mul3A_506, %mul3A_507 : vector<16xf32>
          %mul3A_509 = arith.mulf %gather3A_492, %sub3A_505 : vector<16xf32>
          %mul3A_510 = arith.mulf %gather3A_502, %add3A_508 : vector<16xf32>
          %sub3A_511 = arith.subf %mul3A_509, %mul3A_510 : vector<16xf32>
          %sub3A_512 = arith.subf %sub3A_511, %get3A_441 : vector<16xf32>
          %mul3A_513 = arith.mulf %gather3A_502, %sub3A_505 : vector<16xf32>
          %mul3A_514 = arith.mulf %gather3A_492, %add3A_508 : vector<16xf32>
          %add3A_515 = arith.addf %mul3A_513, %mul3A_514 : vector<16xf32>
          %sub3A_516 = arith.subf %add3A_515, %get3A_444 : vector<16xf32>
          %mul3A_517 = arith.mulf %sub3A_512, %sub3A_512 : vector<16xf32>
          %mul3A_518 = arith.mulf %sub3A_516, %sub3A_516 : vector<16xf32>
          %add3A_519 = arith.addf %mul3A_517, %mul3A_518 : vector<16xf32>
          %bitcast3A_520 = vector.bitcast %add3A_519 : vector<16xf32> to vector<16xi32>
          %shift_right_arithmetic3A_521 = arith.constant 1 : i32
          %shift_right_arithmetic3A_522 = vector.broadcast %shift_right_arithmetic3A_521 : i32 to vector<16xi32>
          %shift_right_arithmetic3A_523 = arith.shrsi %bitcast3A_520, %shift_right_arithmetic3A_522 : vector<16xi32>
          %sub3A_524 = arith.constant 1597463007 : i32
          %sub3A_525 = vector.broadcast %sub3A_524 : i32 to vector<16xi32>
          %sub3A_526 = arith.subi %sub3A_525, %shift_right_arithmetic3A_523 : vector<16xi32>
          %bitcast3A_527 = vector.bitcast %sub3A_526 : vector<16xi32> to vector<16xf32>
          %mul3A_528 = arith.constant 5.000000e-01 : f32
          %mul3A_529 = vector.broadcast %mul3A_528 : f32 to vector<16xf32>
          %mul3A_530 = arith.mulf %mul3A_529, %add3A_519 : vector<16xf32>
          %mul3A_531 = arith.mulf %mul3A_530, %bitcast3A_527 : vector<16xf32>
          %mul3A_532 = arith.mulf %mul3A_531, %bitcast3A_527 : vector<16xf32>
          %sub3A_533 = arith.constant 1.500000e+00 : f32
          %sub3A_534 = vector.broadcast %sub3A_533 : f32 to vector<16xf32>
          %sub3A_535 = arith.subf %sub3A_534, %mul3A_532 : vector<16xf32>
          %mul3A_536 = arith.mulf %bitcast3A_527, %sub3A_535 : vector<16xf32>
          %mul3A_537 = arith.mulf %add3A_519, %mul3A_536 : vector<16xf32>
          %add3A_538 = arith.addf %mul3A_432, %mul3A_537 : vector<16xf32>
          %get3A_539 = arith.index_cast %add3A_333 : i32 to index
          %get3A_540 = arith.constant 32 : index
          %get3A_541 = tpu.vector_load %arg13[%get3A_539, %get3A_540] {strides = array<i32>} : memref<80x128xf32, #tpu.memory_space<vmem>>, vector<16xf32>,
          %get3A_542 = arith.index_cast %add3A_333 : i32 to index
          %get3A_543 = arith.constant 96 : index
          %get3A_544 = tpu.vector_load %arg13[%get3A_542, %get3A_543] {strides = array<i32>} : memref<80x128xf32, #tpu.memory_space<vmem>>, vector<16xf32>,
          %get3A_545 = arith.index_cast %add3A_333 : i32 to index
          %get3A_546 = arith.constant 32 : index
          %get3A_547 = tpu.vector_load %arg14[%get3A_545, %get3A_546] {strides = array<i32>} : memref<80x128xf32, #tpu.memory_space<vmem>>, vector<16xf32>,
          %get3A_548 = arith.index_cast %add3A_333 : i32 to index
          %get3A_549 = arith.constant 96 : index
          %get3A_550 = tpu.vector_load %arg14[%get3A_548, %get3A_549] {strides = array<i32>} : memref<80x128xf32, #tpu.memory_space<vmem>>, vector<16xf32>,
          %get3A_551 = arith.index_cast %add3A_333 : i32 to index
          %get3A_552 = arith.constant 32 : index
          %get3A_553 = tpu.vector_load %arg15[%get3A_551, %get3A_552] {strides = array<i32>} : memref<80x64xf32, #tpu.memory_space<vmem>>, vector<16xf32>,
          %mul3A_554 = arith.constant 9.14285755 : f32
          %mul3A_555 = vector.broadcast %mul3A_554 : f32 to vector<16xf32>
          %mul3A_556 = arith.mulf %get3A_553, %mul3A_555 : vector<16xf32>
          %add3A_557 = arith.constant 0x4B400000 : f32
          %add3A_558 = vector.broadcast %add3A_557 : f32 to vector<16xf32>
          %add3A_559 = arith.addf %mul3A_556, %add3A_558 : vector<16xf32>
          %bitcast3A_560 = vector.bitcast %add3A_559 : vector<16xf32> to vector<16xi32>
          %sub3A_561 = arith.constant 0x4B400000 : f32
          %sub3A_562 = vector.broadcast %sub3A_561 : f32 to vector<16xf32>
          %sub3A_563 = arith.subf %add3A_559, %sub3A_562 : vector<16xf32>
          %sub3A_564 = arith.subf %mul3A_556, %sub3A_563 : vector<16xf32>
          %mul3A_565 = arith.constant 1.57079637 : f32
          %mul3A_566 = vector.broadcast %mul3A_565 : f32 to vector<16xf32>
          %mul3A_567 = arith.mulf %sub3A_564, %mul3A_566 : vector<16xf32>
          %mul3A_568 = arith.mulf %mul3A_567, %mul3A_567 : vector<16xf32>
          %mul3A_569 = arith.constant -1.660500e-01 : f32
          %mul3A_570 = vector.broadcast %mul3A_569 : f32 to vector<16xf32>
          %mul3A_571 = arith.mulf %mul3A_568, %mul3A_570 : vector<16xf32>
          %add3A_572 = arith.constant 1.000000e+00 : f32
          %add3A_573 = vector.broadcast %add3A_572 : f32 to vector<16xf32>
          %add3A_574 = arith.addf %add3A_573, %mul3A_571 : vector<16xf32>
          %mul3A_575 = arith.mulf %mul3A_567, %add3A_574 : vector<16xf32>
          %mul3A_576 = arith.constant 0.0416666679 : f32
          %mul3A_577 = vector.broadcast %mul3A_576 : f32 to vector<16xf32>
          %mul3A_578 = arith.mulf %mul3A_568, %mul3A_577 : vector<16xf32>
          %add3A_579 = arith.constant -5.000000e-01 : f32
          %add3A_580 = vector.broadcast %add3A_579 : f32 to vector<16xf32>
          %add3A_581 = arith.addf %add3A_580, %mul3A_578 : vector<16xf32>
          %mul3A_582 = arith.mulf %mul3A_568, %add3A_581 : vector<16xf32>
          %add3A_583 = arith.constant 1.000000e+00 : f32
          %add3A_584 = vector.broadcast %add3A_583 : f32 to vector<16xf32>
          %add3A_585 = arith.addf %add3A_584, %mul3A_582 : vector<16xf32>
          %and3A_586 = arith.constant 3 : i32
          %and3A_587 = vector.broadcast %and3A_586 : i32 to vector<16xi32>
          %and3A_588 = arith.andi %bitcast3A_560, %and3A_587 : vector<16xi32>
          %lt3A_589 = arith.constant 0 : i32
          %lt3A_590 = vector.broadcast %lt3A_589 : i32 to vector<16xi32>
          %lt3A_591 = arith.cmpi slt, %and3A_588, %lt3A_590 : vector<16xi32>
          %add3A_592 = arith.constant 16 : i32
          %add3A_593 = vector.broadcast %add3A_592 : i32 to vector<16xi32>
          %add3A_594 = arith.addi %and3A_588, %add3A_593 : vector<16xi32>
          %select_n3A_595 = arith.select %lt3A_591, %add3A_594, %and3A_588 : vector<16xi1>, vector<16xi32>
          %reshape3A_596 = vector.shape_cast %select_n3A_595 : vector<16xi32> to vector<16x1xi32>
          %gather3A_597 = vector.shape_cast %reshape3A_596 : vector<16x1xi32> to vector<16xi32>
          %gather3A_598 = tpu.dynamic_gather %convert_element_type3A_299[%gather3A_597] in [0] : vector<16xf32>, vector<16xi32> -> vector<16xf32>
          %lt3A_599 = arith.constant 0 : i32
          %lt3A_600 = vector.broadcast %lt3A_599 : i32 to vector<16xi32>
          %lt3A_601 = arith.cmpi slt, %and3A_588, %lt3A_600 : vector<16xi32>
          %add3A_602 = arith.constant 16 : i32
          %add3A_603 = vector.broadcast %add3A_602 : i32 to vector<16xi32>
          %add3A_604 = arith.addi %and3A_588, %add3A_603 : vector<16xi32>
          %select_n3A_605 = arith.select %lt3A_601, %add3A_604, %and3A_588 : vector<16xi1>, vector<16xi32>
          %reshape3A_606 = vector.shape_cast %select_n3A_605 : vector<16xi32> to vector<16x1xi32>
          %gather3A_607 = vector.shape_cast %reshape3A_606 : vector<16x1xi32> to vector<16xi32>
          %gather3A_608 = tpu.dynamic_gather %convert_element_type3A_310[%gather3A_607] in [0] : vector<16xf32>, vector<16xi32> -> vector<16xf32>
          %mul3A_609 = arith.mulf %get3A_541, %add3A_585 : vector<16xf32>
          %mul3A_610 = arith.mulf %get3A_544, %mul3A_575 : vector<16xf32>
          %sub3A_611 = arith.subf %mul3A_609, %mul3A_610 : vector<16xf32>
          %mul3A_612 = arith.mulf %get3A_541, %mul3A_575 : vector<16xf32>
          %mul3A_613 = arith.mulf %get3A_544, %add3A_585 : vector<16xf32>
          %add3A_614 = arith.addf %mul3A_612, %mul3A_613 : vector<16xf32>
          %mul3A_615 = arith.mulf %gather3A_598, %sub3A_611 : vector<16xf32>
          %mul3A_616 = arith.mulf %gather3A_608, %add3A_614 : vector<16xf32>
          %sub3A_617 = arith.subf %mul3A_615, %mul3A_616 : vector<16xf32>
          %sub3A_618 = arith.subf %sub3A_617, %get3A_547 : vector<16xf32>
          %mul3A_619 = arith.mulf %gather3A_608, %sub3A_611 : vector<16xf32>
          %mul3A_620 = arith.mulf %gather3A_598, %add3A_614 : vector<16xf32>
          %add3A_621 = arith.addf %mul3A_619, %mul3A_620 : vector<16xf32>
          %sub3A_622 = arith.subf %add3A_621, %get3A_550 : vector<16xf32>
          %mul3A_623 = arith.mulf %sub3A_618, %sub3A_618 : vector<16xf32>
          %mul3A_624 = arith.mulf %sub3A_622, %sub3A_622 : vector<16xf32>
          %add3A_625 = arith.addf %mul3A_623, %mul3A_624 : vector<16xf32>
          %bitcast3A_626 = vector.bitcast %add3A_625 : vector<16xf32> to vector<16xi32>
          %shift_right_arithmetic3A_627 = arith.constant 1 : i32
          %shift_right_arithmetic3A_628 = vector.broadcast %shift_right_arithmetic3A_627 : i32 to vector<16xi32>
          %shift_right_arithmetic3A_629 = arith.shrsi %bitcast3A_626, %shift_right_arithmetic3A_628 : vector<16xi32>
          %sub3A_630 = arith.constant 1597463007 : i32
          %sub3A_631 = vector.broadcast %sub3A_630 : i32 to vector<16xi32>
          %sub3A_632 = arith.subi %sub3A_631, %shift_right_arithmetic3A_629 : vector<16xi32>
          %bitcast3A_633 = vector.bitcast %sub3A_632 : vector<16xi32> to vector<16xf32>
          %mul3A_634 = arith.constant 5.000000e-01 : f32
          %mul3A_635 = vector.broadcast %mul3A_634 : f32 to vector<16xf32>
          %mul3A_636 = arith.mulf %mul3A_635, %add3A_625 : vector<16xf32>
          %mul3A_637 = arith.mulf %mul3A_636, %bitcast3A_633 : vector<16xf32>
          %mul3A_638 = arith.mulf %mul3A_637, %bitcast3A_633 : vector<16xf32>
          %sub3A_639 = arith.constant 1.500000e+00 : f32
          %sub3A_640 = vector.broadcast %sub3A_639 : f32 to vector<16xf32>
          %sub3A_641 = arith.subf %sub3A_640, %mul3A_638 : vector<16xf32>
          %mul3A_642 = arith.mulf %bitcast3A_633, %sub3A_641 : vector<16xf32>
          %mul3A_643 = arith.mulf %add3A_625, %mul3A_642 : vector<16xf32>
          %get3A_644 = arith.index_cast %add3A_333 : i32 to index
          %get3A_645 = arith.constant 48 : index
          %get3A_646 = tpu.vector_load %arg13[%get3A_644, %get3A_645] {strides = array<i32>} : memref<80x128xf32, #tpu.memory_space<vmem>>, vector<16xf32>,
          %get3A_647 = arith.index_cast %add3A_333 : i32 to index
          %get3A_648 = arith.constant 112 : index
          %get3A_649 = tpu.vector_load %arg13[%get3A_647, %get3A_648] {strides = array<i32>} : memref<80x128xf32, #tpu.memory_space<vmem>>, vector<16xf32>,
          %get3A_650 = arith.index_cast %add3A_333 : i32 to index
          %get3A_651 = arith.constant 48 : index
          %get3A_652 = tpu.vector_load %arg14[%get3A_650, %get3A_651] {strides = array<i32>} : memref<80x128xf32, #tpu.memory_space<vmem>>, vector<16xf32>,
          %get3A_653 = arith.index_cast %add3A_333 : i32 to index
          %get3A_654 = arith.constant 112 : index
          %get3A_655 = tpu.vector_load %arg14[%get3A_653, %get3A_654] {strides = array<i32>} : memref<80x128xf32, #tpu.memory_space<vmem>>, vector<16xf32>,
          %get3A_656 = arith.index_cast %add3A_333 : i32 to index
          %get3A_657 = arith.constant 48 : index
          %get3A_658 = tpu.vector_load %arg15[%get3A_656, %get3A_657] {strides = array<i32>} : memref<80x64xf32, #tpu.memory_space<vmem>>, vector<16xf32>,
          %mul3A_659 = arith.constant 9.14285755 : f32
          %mul3A_660 = vector.broadcast %mul3A_659 : f32 to vector<16xf32>
          %mul3A_661 = arith.mulf %get3A_658, %mul3A_660 : vector<16xf32>
          %add3A_662 = arith.constant 0x4B400000 : f32
          %add3A_663 = vector.broadcast %add3A_662 : f32 to vector<16xf32>
          %add3A_664 = arith.addf %mul3A_661, %add3A_663 : vector<16xf32>
          %bitcast3A_665 = vector.bitcast %add3A_664 : vector<16xf32> to vector<16xi32>
          %sub3A_666 = arith.constant 0x4B400000 : f32
          %sub3A_667 = vector.broadcast %sub3A_666 : f32 to vector<16xf32>
          %sub3A_668 = arith.subf %add3A_664, %sub3A_667 : vector<16xf32>
          %sub3A_669 = arith.subf %mul3A_661, %sub3A_668 : vector<16xf32>
          %mul3A_670 = arith.constant 1.57079637 : f32
          %mul3A_671 = vector.broadcast %mul3A_670 : f32 to vector<16xf32>
          %mul3A_672 = arith.mulf %sub3A_669, %mul3A_671 : vector<16xf32>
          %mul3A_673 = arith.mulf %mul3A_672, %mul3A_672 : vector<16xf32>
          %mul3A_674 = arith.constant -1.660500e-01 : f32
          %mul3A_675 = vector.broadcast %mul3A_674 : f32 to vector<16xf32>
          %mul3A_676 = arith.mulf %mul3A_673, %mul3A_675 : vector<16xf32>
          %add3A_677 = arith.constant 1.000000e+00 : f32
          %add3A_678 = vector.broadcast %add3A_677 : f32 to vector<16xf32>
          %add3A_679 = arith.addf %add3A_678, %mul3A_676 : vector<16xf32>
          %mul3A_680 = arith.mulf %mul3A_672, %add3A_679 : vector<16xf32>
          %mul3A_681 = arith.constant 0.0416666679 : f32
          %mul3A_682 = vector.broadcast %mul3A_681 : f32 to vector<16xf32>
          %mul3A_683 = arith.mulf %mul3A_673, %mul3A_682 : vector<16xf32>
          %add3A_684 = arith.constant -5.000000e-01 : f32
          %add3A_685 = vector.broadcast %add3A_684 : f32 to vector<16xf32>
          %add3A_686 = arith.addf %add3A_685, %mul3A_683 : vector<16xf32>
          %mul3A_687 = arith.mulf %mul3A_673, %add3A_686 : vector<16xf32>
          %add3A_688 = arith.constant 1.000000e+00 : f32
          %add3A_689 = vector.broadcast %add3A_688 : f32 to vector<16xf32>
          %add3A_690 = arith.addf %add3A_689, %mul3A_687 : vector<16xf32>
          %and3A_691 = arith.constant 3 : i32
          %and3A_692 = vector.broadcast %and3A_691 : i32 to vector<16xi32>
          %and3A_693 = arith.andi %bitcast3A_665, %and3A_692 : vector<16xi32>
          %lt3A_694 = arith.constant 0 : i32
          %lt3A_695 = vector.broadcast %lt3A_694 : i32 to vector<16xi32>
          %lt3A_696 = arith.cmpi slt, %and3A_693, %lt3A_695 : vector<16xi32>
          %add3A_697 = arith.constant 16 : i32
          %add3A_698 = vector.broadcast %add3A_697 : i32 to vector<16xi32>
          %add3A_699 = arith.addi %and3A_693, %add3A_698 : vector<16xi32>
          %select_n3A_700 = arith.select %lt3A_696, %add3A_699, %and3A_693 : vector<16xi1>, vector<16xi32>
          %reshape3A_701 = vector.shape_cast %select_n3A_700 : vector<16xi32> to vector<16x1xi32>
          %gather3A_702 = vector.shape_cast %reshape3A_701 : vector<16x1xi32> to vector<16xi32>
          %gather3A_703 = tpu.dynamic_gather %convert_element_type3A_299[%gather3A_702] in [0] : vector<16xf32>, vector<16xi32> -> vector<16xf32>
          %lt3A_704 = arith.constant 0 : i32
          %lt3A_705 = vector.broadcast %lt3A_704 : i32 to vector<16xi32>
          %lt3A_706 = arith.cmpi slt, %and3A_693, %lt3A_705 : vector<16xi32>
          %add3A_707 = arith.constant 16 : i32
          %add3A_708 = vector.broadcast %add3A_707 : i32 to vector<16xi32>
          %add3A_709 = arith.addi %and3A_693, %add3A_708 : vector<16xi32>
          %select_n3A_710 = arith.select %lt3A_706, %add3A_709, %and3A_693 : vector<16xi1>, vector<16xi32>
          %reshape3A_711 = vector.shape_cast %select_n3A_710 : vector<16xi32> to vector<16x1xi32>
          %gather3A_712 = vector.shape_cast %reshape3A_711 : vector<16x1xi32> to vector<16xi32>
          %gather3A_713 = tpu.dynamic_gather %convert_element_type3A_310[%gather3A_712] in [0] : vector<16xf32>, vector<16xi32> -> vector<16xf32>
          %mul3A_714 = arith.mulf %get3A_646, %add3A_690 : vector<16xf32>
          %mul3A_715 = arith.mulf %get3A_649, %mul3A_680 : vector<16xf32>
          %sub3A_716 = arith.subf %mul3A_714, %mul3A_715 : vector<16xf32>
          %mul3A_717 = arith.mulf %get3A_646, %mul3A_680 : vector<16xf32>
          %mul3A_718 = arith.mulf %get3A_649, %add3A_690 : vector<16xf32>
          %add3A_719 = arith.addf %mul3A_717, %mul3A_718 : vector<16xf32>
          %mul3A_720 = arith.mulf %gather3A_703, %sub3A_716 : vector<16xf32>
          %mul3A_721 = arith.mulf %gather3A_713, %add3A_719 : vector<16xf32>
          %sub3A_722 = arith.subf %mul3A_720, %mul3A_721 : vector<16xf32>
          %sub3A_723 = arith.subf %sub3A_722, %get3A_652 : vector<16xf32>
          %mul3A_724 = arith.mulf %gather3A_713, %sub3A_716 : vector<16xf32>
          %mul3A_725 = arith.mulf %gather3A_703, %add3A_719 : vector<16xf32>
          %add3A_726 = arith.addf %mul3A_724, %mul3A_725 : vector<16xf32>
          %sub3A_727 = arith.subf %add3A_726, %get3A_655 : vector<16xf32>
          %mul3A_728 = arith.mulf %sub3A_723, %sub3A_723 : vector<16xf32>
          %mul3A_729 = arith.mulf %sub3A_727, %sub3A_727 : vector<16xf32>
          %add3A_730 = arith.addf %mul3A_728, %mul3A_729 : vector<16xf32>
          %bitcast3A_731 = vector.bitcast %add3A_730 : vector<16xf32> to vector<16xi32>
          %shift_right_arithmetic3A_732 = arith.constant 1 : i32
          %shift_right_arithmetic3A_733 = vector.broadcast %shift_right_arithmetic3A_732 : i32 to vector<16xi32>
          %shift_right_arithmetic3A_734 = arith.shrsi %bitcast3A_731, %shift_right_arithmetic3A_733 : vector<16xi32>
          %sub3A_735 = arith.constant 1597463007 : i32
          %sub3A_736 = vector.broadcast %sub3A_735 : i32 to vector<16xi32>
          %sub3A_737 = arith.subi %sub3A_736, %shift_right_arithmetic3A_734 : vector<16xi32>
          %bitcast3A_738 = vector.bitcast %sub3A_737 : vector<16xi32> to vector<16xf32>
          %mul3A_739 = arith.constant 5.000000e-01 : f32
          %mul3A_740 = vector.broadcast %mul3A_739 : f32 to vector<16xf32>
          %mul3A_741 = arith.mulf %mul3A_740, %add3A_730 : vector<16xf32>
          %mul3A_742 = arith.mulf %mul3A_741, %bitcast3A_738 : vector<16xf32>
          %mul3A_743 = arith.mulf %mul3A_742, %bitcast3A_738 : vector<16xf32>
          %sub3A_744 = arith.constant 1.500000e+00 : f32
          %sub3A_745 = vector.broadcast %sub3A_744 : f32 to vector<16xf32>
          %sub3A_746 = arith.subf %sub3A_745, %mul3A_743 : vector<16xf32>
          %mul3A_747 = arith.mulf %bitcast3A_738, %sub3A_746 : vector<16xf32>
          %mul3A_748 = arith.mulf %add3A_730, %mul3A_747 : vector<16xf32>
          %add3A_749 = arith.addf %mul3A_643, %mul3A_748 : vector<16xf32>
          %add3A_750 = arith.addf %add3A_538, %add3A_749 : vector<16xf32>
          %add3A_751 = arith.constant 8 : i32
          %add3A_752 = arith.addi %add3A_333, %add3A_751 : i32
          %get3A_753 = arith.index_cast %add3A_752 : i32 to index
          %get3A_754 = arith.constant 0 : index
          %get3A_755 = tpu.vector_load %arg13[%get3A_753, %get3A_754] {strides = array<i32>} : memref<80x128xf32, #tpu.memory_space<vmem>>, vector<16xf32>,
          %get3A_756 = arith.index_cast %add3A_752 : i32 to index
          %get3A_757 = arith.constant 64 : index
          %get3A_758 = tpu.vector_load %arg13[%get3A_756, %get3A_757] {strides = array<i32>} : memref<80x128xf32, #tpu.memory_space<vmem>>, vector<16xf32>,
          %get3A_759 = arith.index_cast %add3A_752 : i32 to index
          %get3A_760 = arith.constant 0 : index
          %get3A_761 = tpu.vector_load %arg14[%get3A_759, %get3A_760] {strides = array<i32>} : memref<80x128xf32, #tpu.memory_space<vmem>>, vector<16xf32>,
          %get3A_762 = arith.index_cast %add3A_752 : i32 to index
          %get3A_763 = arith.constant 64 : index
          %get3A_764 = tpu.vector_load %arg14[%get3A_762, %get3A_763] {strides = array<i32>} : memref<80x128xf32, #tpu.memory_space<vmem>>, vector<16xf32>,
          %get3A_765 = arith.index_cast %add3A_752 : i32 to index
          %get3A_766 = arith.constant 0 : index
          %get3A_767 = tpu.vector_load %arg15[%get3A_765, %get3A_766] {strides = array<i32>} : memref<80x64xf32, #tpu.memory_space<vmem>>, vector<16xf32>,
          %mul3A_768 = arith.constant 9.14285755 : f32
          %mul3A_769 = vector.broadcast %mul3A_768 : f32 to vector<16xf32>
          %mul3A_770 = arith.mulf %get3A_767, %mul3A_769 : vector<16xf32>
          %add3A_771 = arith.constant 0x4B400000 : f32
          %add3A_772 = vector.broadcast %add3A_771 : f32 to vector<16xf32>
          %add3A_773 = arith.addf %mul3A_770, %add3A_772 : vector<16xf32>
          %bitcast3A_774 = vector.bitcast %add3A_773 : vector<16xf32> to vector<16xi32>
          %sub3A_775 = arith.constant 0x4B400000 : f32
          %sub3A_776 = vector.broadcast %sub3A_775 : f32 to vector<16xf32>
          %sub3A_777 = arith.subf %add3A_773, %sub3A_776 : vector<16xf32>
          %sub3A_778 = arith.subf %mul3A_770, %sub3A_777 : vector<16xf32>
          %mul3A_779 = arith.constant 1.57079637 : f32
          %mul3A_780 = vector.broadcast %mul3A_779 : f32 to vector<16xf32>
          %mul3A_781 = arith.mulf %sub3A_778, %mul3A_780 : vector<16xf32>
          %mul3A_782 = arith.mulf %mul3A_781, %mul3A_781 : vector<16xf32>
          %mul3A_783 = arith.constant -1.660500e-01 : f32
          %mul3A_784 = vector.broadcast %mul3A_783 : f32 to vector<16xf32>
          %mul3A_785 = arith.mulf %mul3A_782, %mul3A_784 : vector<16xf32>
          %add3A_786 = arith.constant 1.000000e+00 : f32
          %add3A_787 = vector.broadcast %add3A_786 : f32 to vector<16xf32>
          %add3A_788 = arith.addf %add3A_787, %mul3A_785 : vector<16xf32>
          %mul3A_789 = arith.mulf %mul3A_781, %add3A_788 : vector<16xf32>
          %mul3A_790 = arith.constant 0.0416666679 : f32
          %mul3A_791 = vector.broadcast %mul3A_790 : f32 to vector<16xf32>
          %mul3A_792 = arith.mulf %mul3A_782, %mul3A_791 : vector<16xf32>
          %add3A_793 = arith.constant -5.000000e-01 : f32
          %add3A_794 = vector.broadcast %add3A_793 : f32 to vector<16xf32>
          %add3A_795 = arith.addf %add3A_794, %mul3A_792 : vector<16xf32>
          %mul3A_796 = arith.mulf %mul3A_782, %add3A_795 : vector<16xf32>
          %add3A_797 = arith.constant 1.000000e+00 : f32
          %add3A_798 = vector.broadcast %add3A_797 : f32 to vector<16xf32>
          %add3A_799 = arith.addf %add3A_798, %mul3A_796 : vector<16xf32>
          %and3A_800 = arith.constant 3 : i32
          %and3A_801 = vector.broadcast %and3A_800 : i32 to vector<16xi32>
          %and3A_802 = arith.andi %bitcast3A_774, %and3A_801 : vector<16xi32>
          %lt3A_803 = arith.constant 0 : i32
          %lt3A_804 = vector.broadcast %lt3A_803 : i32 to vector<16xi32>
          %lt3A_805 = arith.cmpi slt, %and3A_802, %lt3A_804 : vector<16xi32>
          %add3A_806 = arith.constant 16 : i32
          %add3A_807 = vector.broadcast %add3A_806 : i32 to vector<16xi32>
          %add3A_808 = arith.addi %and3A_802, %add3A_807 : vector<16xi32>
          %select_n3A_809 = arith.select %lt3A_805, %add3A_808, %and3A_802 : vector<16xi1>, vector<16xi32>
          %reshape3A_810 = vector.shape_cast %select_n3A_809 : vector<16xi32> to vector<16x1xi32>
          %gather3A_811 = vector.shape_cast %reshape3A_810 : vector<16x1xi32> to vector<16xi32>
          %gather3A_812 = tpu.dynamic_gather %convert_element_type3A_299[%gather3A_811] in [0] : vector<16xf32>, vector<16xi32> -> vector<16xf32>
          %lt3A_813 = arith.constant 0 : i32
          %lt3A_814 = vector.broadcast %lt3A_813 : i32 to vector<16xi32>
          %lt3A_815 = arith.cmpi slt, %and3A_802, %lt3A_814 : vector<16xi32>
          %add3A_816 = arith.constant 16 : i32
          %add3A_817 = vector.broadcast %add3A_816 : i32 to vector<16xi32>
          %add3A_818 = arith.addi %and3A_802, %add3A_817 : vector<16xi32>
          %select_n3A_819 = arith.select %lt3A_815, %add3A_818, %and3A_802 : vector<16xi1>, vector<16xi32>
          %reshape3A_820 = vector.shape_cast %select_n3A_819 : vector<16xi32> to vector<16x1xi32>
          %gather3A_821 = vector.shape_cast %reshape3A_820 : vector<16x1xi32> to vector<16xi32>
          %gather3A_822 = tpu.dynamic_gather %convert_element_type3A_310[%gather3A_821] in [0] : vector<16xf32>, vector<16xi32> -> vector<16xf32>
          %mul3A_823 = arith.mulf %get3A_755, %add3A_799 : vector<16xf32>
          %mul3A_824 = arith.mulf %get3A_758, %mul3A_789 : vector<16xf32>
          %sub3A_825 = arith.subf %mul3A_823, %mul3A_824 : vector<16xf32>
          %mul3A_826 = arith.mulf %get3A_755, %mul3A_789 : vector<16xf32>
          %mul3A_827 = arith.mulf %get3A_758, %add3A_799 : vector<16xf32>
          %add3A_828 = arith.addf %mul3A_826, %mul3A_827 : vector<16xf32>
          %mul3A_829 = arith.mulf %gather3A_812, %sub3A_825 : vector<16xf32>
          %mul3A_830 = arith.mulf %gather3A_822, %add3A_828 : vector<16xf32>
          %sub3A_831 = arith.subf %mul3A_829, %mul3A_830 : vector<16xf32>
          %sub3A_832 = arith.subf %sub3A_831, %get3A_761 : vector<16xf32>
          %mul3A_833 = arith.mulf %gather3A_822, %sub3A_825 : vector<16xf32>
          %mul3A_834 = arith.mulf %gather3A_812, %add3A_828 : vector<16xf32>
          %add3A_835 = arith.addf %mul3A_833, %mul3A_834 : vector<16xf32>
          %sub3A_836 = arith.subf %add3A_835, %get3A_764 : vector<16xf32>
          %mul3A_837 = arith.mulf %sub3A_832, %sub3A_832 : vector<16xf32>
          %mul3A_838 = arith.mulf %sub3A_836, %sub3A_836 : vector<16xf32>
          %add3A_839 = arith.addf %mul3A_837, %mul3A_838 : vector<16xf32>
          %bitcast3A_840 = vector.bitcast %add3A_839 : vector<16xf32> to vector<16xi32>
          %shift_right_arithmetic3A_841 = arith.constant 1 : i32
          %shift_right_arithmetic3A_842 = vector.broadcast %shift_right_arithmetic3A_841 : i32 to vector<16xi32>
          %shift_right_arithmetic3A_843 = arith.shrsi %bitcast3A_840, %shift_right_arithmetic3A_842 : vector<16xi32>
          %sub3A_844 = arith.constant 1597463007 : i32
          %sub3A_845 = vector.broadcast %sub3A_844 : i32 to vector<16xi32>
          %sub3A_846 = arith.subi %sub3A_845, %shift_right_arithmetic3A_843 : vector<16xi32>
          %bitcast3A_847 = vector.bitcast %sub3A_846 : vector<16xi32> to vector<16xf32>
          %mul3A_848 = arith.constant 5.000000e-01 : f32
          %mul3A_849 = vector.broadcast %mul3A_848 : f32 to vector<16xf32>
          %mul3A_850 = arith.mulf %mul3A_849, %add3A_839 : vector<16xf32>
          %mul3A_851 = arith.mulf %mul3A_850, %bitcast3A_847 : vector<16xf32>
          %mul3A_852 = arith.mulf %mul3A_851, %bitcast3A_847 : vector<16xf32>
          %sub3A_853 = arith.constant 1.500000e+00 : f32
          %sub3A_854 = vector.broadcast %sub3A_853 : f32 to vector<16xf32>
          %sub3A_855 = arith.subf %sub3A_854, %mul3A_852 : vector<16xf32>
          %mul3A_856 = arith.mulf %bitcast3A_847, %sub3A_855 : vector<16xf32>
          %mul3A_857 = arith.mulf %add3A_839, %mul3A_856 : vector<16xf32>
          %get3A_858 = arith.index_cast %add3A_752 : i32 to index
          %get3A_859 = arith.constant 16 : index
          %get3A_860 = tpu.vector_load %arg13[%get3A_858, %get3A_859] {strides = array<i32>} : memref<80x128xf32, #tpu.memory_space<vmem>>, vector<16xf32>,
          %get3A_861 = arith.index_cast %add3A_752 : i32 to index
          %get3A_862 = arith.constant 80 : index
          %get3A_863 = tpu.vector_load %arg13[%get3A_861, %get3A_862] {strides = array<i32>} : memref<80x128xf32, #tpu.memory_space<vmem>>, vector<16xf32>,
          %get3A_864 = arith.index_cast %add3A_752 : i32 to index
          %get3A_865 = arith.constant 16 : index
          %get3A_866 = tpu.vector_load %arg14[%get3A_864, %get3A_865] {strides = array<i32>} : memref<80x128xf32, #tpu.memory_space<vmem>>, vector<16xf32>,
          %get3A_867 = arith.index_cast %add3A_752 : i32 to index
          %get3A_868 = arith.constant 80 : index
          %get3A_869 = tpu.vector_load %arg14[%get3A_867, %get3A_868] {strides = array<i32>} : memref<80x128xf32, #tpu.memory_space<vmem>>, vector<16xf32>,
          %get3A_870 = arith.index_cast %add3A_752 : i32 to index
          %get3A_871 = arith.constant 16 : index
          %get3A_872 = tpu.vector_load %arg15[%get3A_870, %get3A_871] {strides = array<i32>} : memref<80x64xf32, #tpu.memory_space<vmem>>, vector<16xf32>,
          %mul3A_873 = arith.constant 9.14285755 : f32
          %mul3A_874 = vector.broadcast %mul3A_873 : f32 to vector<16xf32>
          %mul3A_875 = arith.mulf %get3A_872, %mul3A_874 : vector<16xf32>
          %add3A_876 = arith.constant 0x4B400000 : f32
          %add3A_877 = vector.broadcast %add3A_876 : f32 to vector<16xf32>
          %add3A_878 = arith.addf %mul3A_875, %add3A_877 : vector<16xf32>
          %bitcast3A_879 = vector.bitcast %add3A_878 : vector<16xf32> to vector<16xi32>
          %sub3A_880 = arith.constant 0x4B400000 : f32
          %sub3A_881 = vector.broadcast %sub3A_880 : f32 to vector<16xf32>
          %sub3A_882 = arith.subf %add3A_878, %sub3A_881 : vector<16xf32>
          %sub3A_883 = arith.subf %mul3A_875, %sub3A_882 : vector<16xf32>
          %mul3A_884 = arith.constant 1.57079637 : f32
          %mul3A_885 = vector.broadcast %mul3A_884 : f32 to vector<16xf32>
          %mul3A_886 = arith.mulf %sub3A_883, %mul3A_885 : vector<16xf32>
          %mul3A_887 = arith.mulf %mul3A_886, %mul3A_886 : vector<16xf32>
          %mul3A_888 = arith.constant -1.660500e-01 : f32
          %mul3A_889 = vector.broadcast %mul3A_888 : f32 to vector<16xf32>
          %mul3A_890 = arith.mulf %mul3A_887, %mul3A_889 : vector<16xf32>
          %add3A_891 = arith.constant 1.000000e+00 : f32
          %add3A_892 = vector.broadcast %add3A_891 : f32 to vector<16xf32>
          %add3A_893 = arith.addf %add3A_892, %mul3A_890 : vector<16xf32>
          %mul3A_894 = arith.mulf %mul3A_886, %add3A_893 : vector<16xf32>
          %mul3A_895 = arith.constant 0.0416666679 : f32
          %mul3A_896 = vector.broadcast %mul3A_895 : f32 to vector<16xf32>
          %mul3A_897 = arith.mulf %mul3A_887, %mul3A_896 : vector<16xf32>
          %add3A_898 = arith.constant -5.000000e-01 : f32
          %add3A_899 = vector.broadcast %add3A_898 : f32 to vector<16xf32>
          %add3A_900 = arith.addf %add3A_899, %mul3A_897 : vector<16xf32>
          %mul3A_901 = arith.mulf %mul3A_887, %add3A_900 : vector<16xf32>
          %add3A_902 = arith.constant 1.000000e+00 : f32
          %add3A_903 = vector.broadcast %add3A_902 : f32 to vector<16xf32>
          %add3A_904 = arith.addf %add3A_903, %mul3A_901 : vector<16xf32>
          %and3A_905 = arith.constant 3 : i32
          %and3A_906 = vector.broadcast %and3A_905 : i32 to vector<16xi32>
          %and3A_907 = arith.andi %bitcast3A_879, %and3A_906 : vector<16xi32>
          %lt3A_908 = arith.constant 0 : i32
          %lt3A_909 = vector.broadcast %lt3A_908 : i32 to vector<16xi32>
          %lt3A_910 = arith.cmpi slt, %and3A_907, %lt3A_909 : vector<16xi32>
          %add3A_911 = arith.constant 16 : i32
          %add3A_912 = vector.broadcast %add3A_911 : i32 to vector<16xi32>
          %add3A_913 = arith.addi %and3A_907, %add3A_912 : vector<16xi32>
          %select_n3A_914 = arith.select %lt3A_910, %add3A_913, %and3A_907 : vector<16xi1>, vector<16xi32>
          %reshape3A_915 = vector.shape_cast %select_n3A_914 : vector<16xi32> to vector<16x1xi32>
          %gather3A_916 = vector.shape_cast %reshape3A_915 : vector<16x1xi32> to vector<16xi32>
          %gather3A_917 = tpu.dynamic_gather %convert_element_type3A_299[%gather3A_916] in [0] : vector<16xf32>, vector<16xi32> -> vector<16xf32>
          %lt3A_918 = arith.constant 0 : i32
          %lt3A_919 = vector.broadcast %lt3A_918 : i32 to vector<16xi32>
          %lt3A_920 = arith.cmpi slt, %and3A_907, %lt3A_919 : vector<16xi32>
          %add3A_921 = arith.constant 16 : i32
          %add3A_922 = vector.broadcast %add3A_921 : i32 to vector<16xi32>
          %add3A_923 = arith.addi %and3A_907, %add3A_922 : vector<16xi32>
          %select_n3A_924 = arith.select %lt3A_920, %add3A_923, %and3A_907 : vector<16xi1>, vector<16xi32>
          %reshape3A_925 = vector.shape_cast %select_n3A_924 : vector<16xi32> to vector<16x1xi32>
          %gather3A_926 = vector.shape_cast %reshape3A_925 : vector<16x1xi32> to vector<16xi32>
          %gather3A_927 = tpu.dynamic_gather %convert_element_type3A_310[%gather3A_926] in [0] : vector<16xf32>, vector<16xi32> -> vector<16xf32>
          %mul3A_928 = arith.mulf %get3A_860, %add3A_904 : vector<16xf32>
          %mul3A_929 = arith.mulf %get3A_863, %mul3A_894 : vector<16xf32>
          %sub3A_930 = arith.subf %mul3A_928, %mul3A_929 : vector<16xf32>
          %mul3A_931 = arith.mulf %get3A_860, %mul3A_894 : vector<16xf32>
          %mul3A_932 = arith.mulf %get3A_863, %add3A_904 : vector<16xf32>
          %add3A_933 = arith.addf %mul3A_931, %mul3A_932 : vector<16xf32>
          %mul3A_934 = arith.mulf %gather3A_917, %sub3A_930 : vector<16xf32>
          %mul3A_935 = arith.mulf %gather3A_927, %add3A_933 : vector<16xf32>
          %sub3A_936 = arith.subf %mul3A_934, %mul3A_935 : vector<16xf32>
          %sub3A_937 = arith.subf %sub3A_936, %get3A_866 : vector<16xf32>
          %mul3A_938 = arith.mulf %gather3A_927, %sub3A_930 : vector<16xf32>
          %mul3A_939 = arith.mulf %gather3A_917, %add3A_933 : vector<16xf32>
          %add3A_940 = arith.addf %mul3A_938, %mul3A_939 : vector<16xf32>
          %sub3A_941 = arith.subf %add3A_940, %get3A_869 : vector<16xf32>
          %mul3A_942 = arith.mulf %sub3A_937, %sub3A_937 : vector<16xf32>
          %mul3A_943 = arith.mulf %sub3A_941, %sub3A_941 : vector<16xf32>
          %add3A_944 = arith.addf %mul3A_942, %mul3A_943 : vector<16xf32>
          %bitcast3A_945 = vector.bitcast %add3A_944 : vector<16xf32> to vector<16xi32>
          %shift_right_arithmetic3A_946 = arith.constant 1 : i32
          %shift_right_arithmetic3A_947 = vector.broadcast %shift_right_arithmetic3A_946 : i32 to vector<16xi32>
          %shift_right_arithmetic3A_948 = arith.shrsi %bitcast3A_945, %shift_right_arithmetic3A_947 : vector<16xi32>
          %sub3A_949 = arith.constant 1597463007 : i32
          %sub3A_950 = vector.broadcast %sub3A_949 : i32 to vector<16xi32>
          %sub3A_951 = arith.subi %sub3A_950, %shift_right_arithmetic3A_948 : vector<16xi32>
          %bitcast3A_952 = vector.bitcast %sub3A_951 : vector<16xi32> to vector<16xf32>
          %mul3A_953 = arith.constant 5.000000e-01 : f32
          %mul3A_954 = vector.broadcast %mul3A_953 : f32 to vector<16xf32>
          %mul3A_955 = arith.mulf %mul3A_954, %add3A_944 : vector<16xf32>
          %mul3A_956 = arith.mulf %mul3A_955, %bitcast3A_952 : vector<16xf32>
          %mul3A_957 = arith.mulf %mul3A_956, %bitcast3A_952 : vector<16xf32>
          %sub3A_958 = arith.constant 1.500000e+00 : f32
          %sub3A_959 = vector.broadcast %sub3A_958 : f32 to vector<16xf32>
          %sub3A_960 = arith.subf %sub3A_959, %mul3A_957 : vector<16xf32>
          %mul3A_961 = arith.mulf %bitcast3A_952, %sub3A_960 : vector<16xf32>
          %mul3A_962 = arith.mulf %add3A_944, %mul3A_961 : vector<16xf32>
          %add3A_963 = arith.addf %mul3A_857, %mul3A_962 : vector<16xf32>
          %get3A_964 = arith.index_cast %add3A_752 : i32 to index
          %get3A_965 = arith.constant 32 : index
          %get3A_966 = tpu.vector_load %arg13[%get3A_964, %get3A_965] {strides = array<i32>} : memref<80x128xf32, #tpu.memory_space<vmem>>, vector<16xf32>,
          %get3A_967 = arith.index_cast %add3A_752 : i32 to index
          %get3A_968 = arith.constant 96 : index
          %get3A_969 = tpu.vector_load %arg13[%get3A_967, %get3A_968] {strides = array<i32>} : memref<80x128xf32, #tpu.memory_space<vmem>>, vector<16xf32>,
          %get3A_970 = arith.index_cast %add3A_752 : i32 to index
          %get3A_971 = arith.constant 32 : index
          %get3A_972 = tpu.vector_load %arg14[%get3A_970, %get3A_971] {strides = array<i32>} : memref<80x128xf32, #tpu.memory_space<vmem>>, vector<16xf32>,
          %get3A_973 = arith.index_cast %add3A_752 : i32 to index
          %get3A_974 = arith.constant 96 : index
          %get3A_975 = tpu.vector_load %arg14[%get3A_973, %get3A_974] {strides = array<i32>} : memref<80x128xf32, #tpu.memory_space<vmem>>, vector<16xf32>,
          %get3A_976 = arith.index_cast %add3A_752 : i32 to index
          %get3A_977 = arith.constant 32 : index
          %get3A_978 = tpu.vector_load %arg15[%get3A_976, %get3A_977] {strides = array<i32>} : memref<80x64xf32, #tpu.memory_space<vmem>>, vector<16xf32>,
          %mul3A_979 = arith.constant 9.14285755 : f32
          %mul3A_980 = vector.broadcast %mul3A_979 : f32 to vector<16xf32>
          %mul3A_981 = arith.mulf %get3A_978, %mul3A_980 : vector<16xf32>
          %add3A_982 = arith.constant 0x4B400000 : f32
          %add3A_983 = vector.broadcast %add3A_982 : f32 to vector<16xf32>
          %add3A_984 = arith.addf %mul3A_981, %add3A_983 : vector<16xf32>
          %bitcast3A_985 = vector.bitcast %add3A_984 : vector<16xf32> to vector<16xi32>
          %sub3A_986 = arith.constant 0x4B400000 : f32
          %sub3A_987 = vector.broadcast %sub3A_986 : f32 to vector<16xf32>
          %sub3A_988 = arith.subf %add3A_984, %sub3A_987 : vector<16xf32>
          %sub3A_989 = arith.subf %mul3A_981, %sub3A_988 : vector<16xf32>
          %mul3A_990 = arith.constant 1.57079637 : f32
          %mul3A_991 = vector.broadcast %mul3A_990 : f32 to vector<16xf32>
          %mul3A_992 = arith.mulf %sub3A_989, %mul3A_991 : vector<16xf32>
          %mul3A_993 = arith.mulf %mul3A_992, %mul3A_992 : vector<16xf32>
          %mul3A_994 = arith.constant -1.660500e-01 : f32
          %mul3A_995 = vector.broadcast %mul3A_994 : f32 to vector<16xf32>
          %mul3A_996 = arith.mulf %mul3A_993, %mul3A_995 : vector<16xf32>
          %add3A_997 = arith.constant 1.000000e+00 : f32
          %add3A_998 = vector.broadcast %add3A_997 : f32 to vector<16xf32>
          %add3A_999 = arith.addf %add3A_998, %mul3A_996 : vector<16xf32>
          %mul3A_1000 = arith.mulf %mul3A_992, %add3A_999 : vector<16xf32>
          %mul3A_1001 = arith.constant 0.0416666679 : f32
          %mul3A_1002 = vector.broadcast %mul3A_1001 : f32 to vector<16xf32>
          %mul3A_1003 = arith.mulf %mul3A_993, %mul3A_1002 : vector<16xf32>
          %add3A_1004 = arith.constant -5.000000e-01 : f32
          %add3A_1005 = vector.broadcast %add3A_1004 : f32 to vector<16xf32>
          %add3A_1006 = arith.addf %add3A_1005, %mul3A_1003 : vector<16xf32>
          %mul3A_1007 = arith.mulf %mul3A_993, %add3A_1006 : vector<16xf32>
          %add3A_1008 = arith.constant 1.000000e+00 : f32
          %add3A_1009 = vector.broadcast %add3A_1008 : f32 to vector<16xf32>
          %add3A_1010 = arith.addf %add3A_1009, %mul3A_1007 : vector<16xf32>
          %and3A_1011 = arith.constant 3 : i32
          %and3A_1012 = vector.broadcast %and3A_1011 : i32 to vector<16xi32>
          %and3A_1013 = arith.andi %bitcast3A_985, %and3A_1012 : vector<16xi32>
          %lt3A_1014 = arith.constant 0 : i32
          %lt3A_1015 = vector.broadcast %lt3A_1014 : i32 to vector<16xi32>
          %lt3A_1016 = arith.cmpi slt, %and3A_1013, %lt3A_1015 : vector<16xi32>
          %add3A_1017 = arith.constant 16 : i32
          %add3A_1018 = vector.broadcast %add3A_1017 : i32 to vector<16xi32>
          %add3A_1019 = arith.addi %and3A_1013, %add3A_1018 : vector<16xi32>
          %select_n3A_1020 = arith.select %lt3A_1016, %add3A_1019, %and3A_1013 : vector<16xi1>, vector<16xi32>
          %reshape3A_1021 = vector.shape_cast %select_n3A_1020 : vector<16xi32> to vector<16x1xi32>
          %gather3A_1022 = vector.shape_cast %reshape3A_1021 : vector<16x1xi32> to vector<16xi32>
          %gather3A_1023 = tpu.dynamic_gather %convert_element_type3A_299[%gather3A_1022] in [0] : vector<16xf32>, vector<16xi32> -> vector<16xf32>
          %lt3A_1024 = arith.constant 0 : i32
          %lt3A_1025 = vector.broadcast %lt3A_1024 : i32 to vector<16xi32>
          %lt3A_1026 = arith.cmpi slt, %and3A_1013, %lt3A_1025 : vector<16xi32>
          %add3A_1027 = arith.constant 16 : i32
          %add3A_1028 = vector.broadcast %add3A_1027 : i32 to vector<16xi32>
          %add3A_1029 = arith.addi %and3A_1013, %add3A_1028 : vector<16xi32>
          %select_n3A_1030 = arith.select %lt3A_1026, %add3A_1029, %and3A_1013 : vector<16xi1>, vector<16xi32>
          %reshape3A_1031 = vector.shape_cast %select_n3A_1030 : vector<16xi32> to vector<16x1xi32>
          %gather3A_1032 = vector.shape_cast %reshape3A_1031 : vector<16x1xi32> to vector<16xi32>
          %gather3A_1033 = tpu.dynamic_gather %convert_element_type3A_310[%gather3A_1032] in [0] : vector<16xf32>, vector<16xi32> -> vector<16xf32>
          %mul3A_1034 = arith.mulf %get3A_966, %add3A_1010 : vector<16xf32>
          %mul3A_1035 = arith.mulf %get3A_969, %mul3A_1000 : vector<16xf32>
          %sub3A_1036 = arith.subf %mul3A_1034, %mul3A_1035 : vector<16xf32>
          %mul3A_1037 = arith.mulf %get3A_966, %mul3A_1000 : vector<16xf32>
          %mul3A_1038 = arith.mulf %get3A_969, %add3A_1010 : vector<16xf32>
          %add3A_1039 = arith.addf %mul3A_1037, %mul3A_1038 : vector<16xf32>
          %mul3A_1040 = arith.mulf %gather3A_1023, %sub3A_1036 : vector<16xf32>
          %mul3A_1041 = arith.mulf %gather3A_1033, %add3A_1039 : vector<16xf32>
          %sub3A_1042 = arith.subf %mul3A_1040, %mul3A_1041 : vector<16xf32>
          %sub3A_1043 = arith.subf %sub3A_1042, %get3A_972 : vector<16xf32>
          %mul3A_1044 = arith.mulf %gather3A_1033, %sub3A_1036 : vector<16xf32>
          %mul3A_1045 = arith.mulf %gather3A_1023, %add3A_1039 : vector<16xf32>
          %add3A_1046 = arith.addf %mul3A_1044, %mul3A_1045 : vector<16xf32>
          %sub3A_1047 = arith.subf %add3A_1046, %get3A_975 : vector<16xf32>
          %mul3A_1048 = arith.mulf %sub3A_1043, %sub3A_1043 : vector<16xf32>
          %mul3A_1049 = arith.mulf %sub3A_1047, %sub3A_1047 : vector<16xf32>
          %add3A_1050 = arith.addf %mul3A_1048, %mul3A_1049 : vector<16xf32>
          %bitcast3A_1051 = vector.bitcast %add3A_1050 : vector<16xf32> to vector<16xi32>
          %shift_right_arithmetic3A_1052 = arith.constant 1 : i32
          %shift_right_arithmetic3A_1053 = vector.broadcast %shift_right_arithmetic3A_1052 : i32 to vector<16xi32>
          %shift_right_arithmetic3A_1054 = arith.shrsi %bitcast3A_1051, %shift_right_arithmetic3A_1053 : vector<16xi32>
          %sub3A_1055 = arith.constant 1597463007 : i32
          %sub3A_1056 = vector.broadcast %sub3A_1055 : i32 to vector<16xi32>
          %sub3A_1057 = arith.subi %sub3A_1056, %shift_right_arithmetic3A_1054 : vector<16xi32>
          %bitcast3A_1058 = vector.bitcast %sub3A_1057 : vector<16xi32> to vector<16xf32>
          %mul3A_1059 = arith.constant 5.000000e-01 : f32
          %mul3A_1060 = vector.broadcast %mul3A_1059 : f32 to vector<16xf32>
          %mul3A_1061 = arith.mulf %mul3A_1060, %add3A_1050 : vector<16xf32>
          %mul3A_1062 = arith.mulf %mul3A_1061, %bitcast3A_1058 : vector<16xf32>
          %mul3A_1063 = arith.mulf %mul3A_1062, %bitcast3A_1058 : vector<16xf32>
          %sub3A_1064 = arith.constant 1.500000e+00 : f32
          %sub3A_1065 = vector.broadcast %sub3A_1064 : f32 to vector<16xf32>
          %sub3A_1066 = arith.subf %sub3A_1065, %mul3A_1063 : vector<16xf32>
          %mul3A_1067 = arith.mulf %bitcast3A_1058, %sub3A_1066 : vector<16xf32>
          %mul3A_1068 = arith.mulf %add3A_1050, %mul3A_1067 : vector<16xf32>
          %get3A_1069 = arith.index_cast %add3A_752 : i32 to index
          %get3A_1070 = arith.constant 48 : index
          %get3A_1071 = tpu.vector_load %arg13[%get3A_1069, %get3A_1070] {strides = array<i32>} : memref<80x128xf32, #tpu.memory_space<vmem>>, vector<16xf32>,
          %get3A_1072 = arith.index_cast %add3A_752 : i32 to index
          %get3A_1073 = arith.constant 112 : index
          %get3A_1074 = tpu.vector_load %arg13[%get3A_1072, %get3A_1073] {strides = array<i32>} : memref<80x128xf32, #tpu.memory_space<vmem>>, vector<16xf32>,
          %get3A_1075 = arith.index_cast %add3A_752 : i32 to index
          %get3A_1076 = arith.constant 48 : index
          %get3A_1077 = tpu.vector_load %arg14[%get3A_1075, %get3A_1076] {strides = array<i32>} : memref<80x128xf32, #tpu.memory_space<vmem>>, vector<16xf32>,
          %get3A_1078 = arith.index_cast %add3A_752 : i32 to index
          %get3A_1079 = arith.constant 112 : index
          %get3A_1080 = tpu.vector_load %arg14[%get3A_1078, %get3A_1079] {strides = array<i32>} : memref<80x128xf32, #tpu.memory_space<vmem>>, vector<16xf32>,
          %get3A_1081 = arith.index_cast %add3A_752 : i32 to index
          %get3A_1082 = arith.constant 48 : index
          %get3A_1083 = tpu.vector_load %arg15[%get3A_1081, %get3A_1082] {strides = array<i32>} : memref<80x64xf32, #tpu.memory_space<vmem>>, vector<16xf32>,
          %mul3A_1084 = arith.constant 9.14285755 : f32
          %mul3A_1085 = vector.broadcast %mul3A_1084 : f32 to vector<16xf32>
          %mul3A_1086 = arith.mulf %get3A_1083, %mul3A_1085 : vector<16xf32>
          %add3A_1087 = arith.constant 0x4B400000 : f32
          %add3A_1088 = vector.broadcast %add3A_1087 : f32 to vector<16xf32>
          %add3A_1089 = arith.addf %mul3A_1086, %add3A_1088 : vector<16xf32>
          %bitcast3A_1090 = vector.bitcast %add3A_1089 : vector<16xf32> to vector<16xi32>
          %sub3A_1091 = arith.constant 0x4B400000 : f32
          %sub3A_1092 = vector.broadcast %sub3A_1091 : f32 to vector<16xf32>
          %sub3A_1093 = arith.subf %add3A_1089, %sub3A_1092 : vector<16xf32>
          %sub3A_1094 = arith.subf %mul3A_1086, %sub3A_1093 : vector<16xf32>
          %mul3A_1095 = arith.constant 1.57079637 : f32
          %mul3A_1096 = vector.broadcast %mul3A_1095 : f32 to vector<16xf32>
          %mul3A_1097 = arith.mulf %sub3A_1094, %mul3A_1096 : vector<16xf32>
          %mul3A_1098 = arith.mulf %mul3A_1097, %mul3A_1097 : vector<16xf32>
          %mul3A_1099 = arith.constant -1.660500e-01 : f32
          %mul3A_1100 = vector.broadcast %mul3A_1099 : f32 to vector<16xf32>
          %mul3A_1101 = arith.mulf %mul3A_1098, %mul3A_1100 : vector<16xf32>
          %add3A_1102 = arith.constant 1.000000e+00 : f32
          %add3A_1103 = vector.broadcast %add3A_1102 : f32 to vector<16xf32>
          %add3A_1104 = arith.addf %add3A_1103, %mul3A_1101 : vector<16xf32>
          %mul3A_1105 = arith.mulf %mul3A_1097, %add3A_1104 : vector<16xf32>
          %mul3A_1106 = arith.constant 0.0416666679 : f32
          %mul3A_1107 = vector.broadcast %mul3A_1106 : f32 to vector<16xf32>
          %mul3A_1108 = arith.mulf %mul3A_1098, %mul3A_1107 : vector<16xf32>
          %add3A_1109 = arith.constant -5.000000e-01 : f32
          %add3A_1110 = vector.broadcast %add3A_1109 : f32 to vector<16xf32>
          %add3A_1111 = arith.addf %add3A_1110, %mul3A_1108 : vector<16xf32>
          %mul3A_1112 = arith.mulf %mul3A_1098, %add3A_1111 : vector<16xf32>
          %add3A_1113 = arith.constant 1.000000e+00 : f32
          %add3A_1114 = vector.broadcast %add3A_1113 : f32 to vector<16xf32>
          %add3A_1115 = arith.addf %add3A_1114, %mul3A_1112 : vector<16xf32>
          %and3A_1116 = arith.constant 3 : i32
          %and3A_1117 = vector.broadcast %and3A_1116 : i32 to vector<16xi32>
          %and3A_1118 = arith.andi %bitcast3A_1090, %and3A_1117 : vector<16xi32>
          %lt3A_1119 = arith.constant 0 : i32
          %lt3A_1120 = vector.broadcast %lt3A_1119 : i32 to vector<16xi32>
          %lt3A_1121 = arith.cmpi slt, %and3A_1118, %lt3A_1120 : vector<16xi32>
          %add3A_1122 = arith.constant 16 : i32
          %add3A_1123 = vector.broadcast %add3A_1122 : i32 to vector<16xi32>
          %add3A_1124 = arith.addi %and3A_1118, %add3A_1123 : vector<16xi32>
          %select_n3A_1125 = arith.select %lt3A_1121, %add3A_1124, %and3A_1118 : vector<16xi1>, vector<16xi32>
          %reshape3A_1126 = vector.shape_cast %select_n3A_1125 : vector<16xi32> to vector<16x1xi32>
          %gather3A_1127 = vector.shape_cast %reshape3A_1126 : vector<16x1xi32> to vector<16xi32>
          %gather3A_1128 = tpu.dynamic_gather %convert_element_type3A_299[%gather3A_1127] in [0] : vector<16xf32>, vector<16xi32> -> vector<16xf32>
          %lt3A_1129 = arith.constant 0 : i32
          %lt3A_1130 = vector.broadcast %lt3A_1129 : i32 to vector<16xi32>
          %lt3A_1131 = arith.cmpi slt, %and3A_1118, %lt3A_1130 : vector<16xi32>
          %add3A_1132 = arith.constant 16 : i32
          %add3A_1133 = vector.broadcast %add3A_1132 : i32 to vector<16xi32>
          %add3A_1134 = arith.addi %and3A_1118, %add3A_1133 : vector<16xi32>
          %select_n3A_1135 = arith.select %lt3A_1131, %add3A_1134, %and3A_1118 : vector<16xi1>, vector<16xi32>
          %reshape3A_1136 = vector.shape_cast %select_n3A_1135 : vector<16xi32> to vector<16x1xi32>
          %gather3A_1137 = vector.shape_cast %reshape3A_1136 : vector<16x1xi32> to vector<16xi32>
          %gather3A_1138 = tpu.dynamic_gather %convert_element_type3A_310[%gather3A_1137] in [0] : vector<16xf32>, vector<16xi32> -> vector<16xf32>
          %mul3A_1139 = arith.mulf %get3A_1071, %add3A_1115 : vector<16xf32>
          %mul3A_1140 = arith.mulf %get3A_1074, %mul3A_1105 : vector<16xf32>
          %sub3A_1141 = arith.subf %mul3A_1139, %mul3A_1140 : vector<16xf32>
          %mul3A_1142 = arith.mulf %get3A_1071, %mul3A_1105 : vector<16xf32>
          %mul3A_1143 = arith.mulf %get3A_1074, %add3A_1115 : vector<16xf32>
          %add3A_1144 = arith.addf %mul3A_1142, %mul3A_1143 : vector<16xf32>
          %mul3A_1145 = arith.mulf %gather3A_1128, %sub3A_1141 : vector<16xf32>
          %mul3A_1146 = arith.mulf %gather3A_1138, %add3A_1144 : vector<16xf32>
          %sub3A_1147 = arith.subf %mul3A_1145, %mul3A_1146 : vector<16xf32>
          %sub3A_1148 = arith.subf %sub3A_1147, %get3A_1077 : vector<16xf32>
          %mul3A_1149 = arith.mulf %gather3A_1138, %sub3A_1141 : vector<16xf32>
          %mul3A_1150 = arith.mulf %gather3A_1128, %add3A_1144 : vector<16xf32>
          %add3A_1151 = arith.addf %mul3A_1149, %mul3A_1150 : vector<16xf32>
          %sub3A_1152 = arith.subf %add3A_1151, %get3A_1080 : vector<16xf32>
          %mul3A_1153 = arith.mulf %sub3A_1148, %sub3A_1148 : vector<16xf32>
          %mul3A_1154 = arith.mulf %sub3A_1152, %sub3A_1152 : vector<16xf32>
          %add3A_1155 = arith.addf %mul3A_1153, %mul3A_1154 : vector<16xf32>
          %bitcast3A_1156 = vector.bitcast %add3A_1155 : vector<16xf32> to vector<16xi32>
          %shift_right_arithmetic3A_1157 = arith.constant 1 : i32
          %shift_right_arithmetic3A_1158 = vector.broadcast %shift_right_arithmetic3A_1157 : i32 to vector<16xi32>
          %shift_right_arithmetic3A_1159 = arith.shrsi %bitcast3A_1156, %shift_right_arithmetic3A_1158 : vector<16xi32>
          %sub3A_1160 = arith.constant 1597463007 : i32
          %sub3A_1161 = vector.broadcast %sub3A_1160 : i32 to vector<16xi32>
          %sub3A_1162 = arith.subi %sub3A_1161, %shift_right_arithmetic3A_1159 : vector<16xi32>
          %bitcast3A_1163 = vector.bitcast %sub3A_1162 : vector<16xi32> to vector<16xf32>
          %mul3A_1164 = arith.constant 5.000000e-01 : f32
          %mul3A_1165 = vector.broadcast %mul3A_1164 : f32 to vector<16xf32>
          %mul3A_1166 = arith.mulf %mul3A_1165, %add3A_1155 : vector<16xf32>
          %mul3A_1167 = arith.mulf %mul3A_1166, %bitcast3A_1163 : vector<16xf32>
          %mul3A_1168 = arith.mulf %mul3A_1167, %bitcast3A_1163 : vector<16xf32>
          %sub3A_1169 = arith.constant 1.500000e+00 : f32
          %sub3A_1170 = vector.broadcast %sub3A_1169 : f32 to vector<16xf32>
          %sub3A_1171 = arith.subf %sub3A_1170, %mul3A_1168 : vector<16xf32>
          %mul3A_1172 = arith.mulf %bitcast3A_1163, %sub3A_1171 : vector<16xf32>
          %mul3A_1173 = arith.mulf %add3A_1155, %mul3A_1172 : vector<16xf32>
          %add3A_1174 = arith.addf %mul3A_1068, %mul3A_1173 : vector<16xf32>
          %add3A_1175 = arith.addf %add3A_963, %add3A_1174 : vector<16xf32>
          %lt3A_1176 = arith.constant 0 : i32
          %lt3A_1177 = vector.broadcast %lt3A_1176 : i32 to vector<16xi32>
          %lt3A_1178 = arith.cmpi slt, %and3A_258, %lt3A_1177 : vector<16xi32>
          %add3A_1179 = arith.constant 16 : i32
          %add3A_1180 = vector.broadcast %add3A_1179 : i32 to vector<16xi32>
          %add3A_1181 = arith.addi %and3A_258, %add3A_1180 : vector<16xi32>
          %select_n3A_1182 = arith.select %lt3A_1178, %add3A_1181, %and3A_258 : vector<16xi1>, vector<16xi32>
          %reshape3A_1183 = vector.shape_cast %select_n3A_1182 : vector<16xi32> to vector<16x1xi32>
          %gather3A_1184 = vector.shape_cast %reshape3A_1183 : vector<16x1xi32> to vector<16xi32>
          %gather3A_1185 = tpu.dynamic_gather %add3A_750[%gather3A_1184] in [0] : vector<16xf32>, vector<16xi32> -> vector<16xf32>
          %add3A_1186 = arith.addf %add3A_750, %gather3A_1185 : vector<16xf32>
          %lt3A_1187 = arith.constant 0 : i32
          %lt3A_1188 = vector.broadcast %lt3A_1187 : i32 to vector<16xi32>
          %lt3A_1189 = arith.cmpi slt, %and3A_258, %lt3A_1188 : vector<16xi32>
          %add3A_1190 = arith.constant 16 : i32
          %add3A_1191 = vector.broadcast %add3A_1190 : i32 to vector<16xi32>
          %add3A_1192 = arith.addi %and3A_258, %add3A_1191 : vector<16xi32>
          %select_n3A_1193 = arith.select %lt3A_1189, %add3A_1192, %and3A_258 : vector<16xi1>, vector<16xi32>
          %reshape3A_1194 = vector.shape_cast %select_n3A_1193 : vector<16xi32> to vector<16x1xi32>
          %gather3A_1195 = vector.shape_cast %reshape3A_1194 : vector<16x1xi32> to vector<16xi32>
          %gather3A_1196 = tpu.dynamic_gather %add3A_1175[%gather3A_1195] in [0] : vector<16xf32>, vector<16xi32> -> vector<16xf32>
          %add3A_1197 = arith.addf %add3A_1175, %gather3A_1196 : vector<16xf32>
          %select_n3A_1198 = arith.select %lt3A_282, %add3A_1186, %add3A_1197 : vector<16xi1>, vector<16xf32>
          %lt3A_1199 = arith.constant 0 : i32
          %lt3A_1200 = vector.broadcast %lt3A_1199 : i32 to vector<16xi32>
          %lt3A_1201 = arith.cmpi slt, %or3A_265, %lt3A_1200 : vector<16xi32>
          %add3A_1202 = arith.constant 16 : i32
          %add3A_1203 = vector.broadcast %add3A_1202 : i32 to vector<16xi32>
          %add3A_1204 = arith.addi %or3A_265, %add3A_1203 : vector<16xi32>
          %select_n3A_1205 = arith.select %lt3A_1201, %add3A_1204, %or3A_265 : vector<16xi1>, vector<16xi32>
          %reshape3A_1206 = vector.shape_cast %select_n3A_1205 : vector<16xi32> to vector<16x1xi32>
          %gather3A_1207 = vector.shape_cast %reshape3A_1206 : vector<16x1xi32> to vector<16xi32>
          %gather3A_1208 = tpu.dynamic_gather %select_n3A_1198[%gather3A_1207] in [0] : vector<16xf32>, vector<16xi32> -> vector<16xf32>
          %add3A_1209 = arith.addf %select_n3A_1198, %gather3A_1208 : vector<16xf32>
          %lt3A_1210 = arith.constant 0 : i32
          %lt3A_1211 = vector.broadcast %lt3A_1210 : i32 to vector<16xi32>
          %lt3A_1212 = arith.cmpi slt, %or3A_272, %lt3A_1211 : vector<16xi32>
          %add3A_1213 = arith.constant 16 : i32
          %add3A_1214 = vector.broadcast %add3A_1213 : i32 to vector<16xi32>
          %add3A_1215 = arith.addi %or3A_272, %add3A_1214 : vector<16xi32>
          %select_n3A_1216 = arith.select %lt3A_1212, %add3A_1215, %or3A_272 : vector<16xi1>, vector<16xi32>
          %reshape3A_1217 = vector.shape_cast %select_n3A_1216 : vector<16xi32> to vector<16x1xi32>
          %gather3A_1218 = vector.shape_cast %reshape3A_1217 : vector<16x1xi32> to vector<16xi32>
          %gather3A_1219 = tpu.dynamic_gather %add3A_1209[%gather3A_1218] in [0] : vector<16xf32>, vector<16xi32> -> vector<16xf32>
          %add3A_1220 = arith.addf %add3A_1209, %gather3A_1219 : vector<16xf32>
          %lt3A_1221 = arith.constant 0 : i32
          %lt3A_1222 = vector.broadcast %lt3A_1221 : i32 to vector<16xi32>
          %lt3A_1223 = arith.cmpi slt, %or3A_279, %lt3A_1222 : vector<16xi32>
          %add3A_1224 = arith.constant 16 : i32
          %add3A_1225 = vector.broadcast %add3A_1224 : i32 to vector<16xi32>
          %add3A_1226 = arith.addi %or3A_279, %add3A_1225 : vector<16xi32>
          %select_n3A_1227 = arith.select %lt3A_1223, %add3A_1226, %or3A_279 : vector<16xi1>, vector<16xi32>
          %reshape3A_1228 = vector.shape_cast %select_n3A_1227 : vector<16xi32> to vector<16x1xi32>
          %gather3A_1229 = vector.shape_cast %reshape3A_1228 : vector<16x1xi32> to vector<16xi32>
          %gather3A_1230 = tpu.dynamic_gather %add3A_1220[%gather3A_1229] in [0] : vector<16xf32>, vector<16xi32> -> vector<16xf32>
          %add3A_1231 = arith.addf %add3A_1220, %gather3A_1230 : vector<16xf32>
          %broadcast_in_dim3A_1232 = vector.broadcast %scan3A_329 : i32 to vector<16xi32>
          %eq3A = arith.cmpi eq, %and3A_285, %broadcast_in_dim3A_1232 : vector<16xi32>
          %sub3A_1233 = arith.constant 1.200000e+01 : f32
          %sub3A_1234 = vector.broadcast %sub3A_1233 : f32 to vector<16xf32>
          %sub3A_1235 = arith.subf %sub3A_1234, %add3A_1231 : vector<16xf32>
          %select_n3A_1236 = arith.select %eq3A, %sub3A_1235, %scan3A_330 : vector<16xi1>, vector<16xf32>
          scf.yield %select_n3A_1236 : vector<16xf32>
        }
        %scan3A_324 = arith.constant 8 : i32
        %mul3A_325 = arith.constant 16 : i32
        %mul3A_326 = arith.muli %scan3A_317, %mul3A_325 : i32
        %add3A_327 = arith.addi %mul3A_248, %mul3A_326 : i32
        %swap3A = arith.index_cast %add3A_327 : i32 to index
        %swap3A_328 = tpu.vector_load %arg9[%swap3A] {strides = array<i32>} : memref<10000xf32, #tpu.memory_space<vmem>>, vector<16xf32>,
        tpu.vector_store %arg9[%swap3A], %scan3A_323 {strides = array<i32>} : memref<10000xf32, #tpu.memory_space<vmem>>, vector<16xf32>,
      }
      %scan3A_316 = arith.constant 5 : i32
    }
    %scan3A_22 = arith.constant 62 : i32
    %dma_wait3A = arith.constant 0 : i32
    %dma_wait3A_23 = tpu.memref_slice %arg7[%dma_wait3A] : memref<10000xi32, #tpu.memory_space<vmem>> -> memref<80xi32, #tpu.memory_space<vmem>>
    %dma_wait3A_24 = arith.constant 0 : i32
    %dma_wait3A_25 = arith.constant 0 : i32
    %dma_wait3A_26 = tpu.memref_slice %arg2[%dma_wait3A_24, %dma_wait3A_25] : memref<10000x128xf32, #tpu.memory_space<hbm>> -> memref<10000x128xf32, #tpu.memory_space<hbm>>
    tpu.wait_indirect_dma semaphore(%arg16 : memref<!tpu.dma_semaphore, #tpu.memory_space<semaphore_mem>>) src(%dma_wait3A_26 : memref<10000x128xf32, #tpu.memory_space<hbm>>) dst(%arg10 : memref<80x128xf32, #tpu.memory_space<vmem>>)
    %dma_wait3A_27 = arith.constant 0 : i32
    %dma_wait3A_28 = tpu.memref_slice %arg7[%dma_wait3A_27] : memref<10000xi32, #tpu.memory_space<vmem>> -> memref<80xi32, #tpu.memory_space<vmem>>
    %dma_wait3A_29 = arith.constant 0 : i32
    %dma_wait3A_30 = arith.constant 0 : i32
    %dma_wait3A_31 = tpu.memref_slice %arg2[%dma_wait3A_29, %dma_wait3A_30] : memref<10000x128xf32, #tpu.memory_space<hbm>> -> memref<10000x128xf32, #tpu.memory_space<hbm>>
    tpu.wait_indirect_dma semaphore(%arg16 : memref<!tpu.dma_semaphore, #tpu.memory_space<semaphore_mem>>) src(%dma_wait3A_31 : memref<10000x128xf32, #tpu.memory_space<hbm>>) dst(%arg11 : memref<80x128xf32, #tpu.memory_space<vmem>>)
    %dma_wait3A_32 = arith.constant 0 : i32
    %dma_wait3A_33 = arith.constant 0 : i32
    %dma_wait3A_34 = tpu.memref_slice %arg5[%dma_wait3A_32, %dma_wait3A_33] : memref<320000x64xf32, #tpu.memory_space<hbm>> -> memref<80x64xf32, #tpu.memory_space<hbm>>
    %dma_wait3A_35 = arith.constant 0 : i32
    %dma_wait3A_36 = arith.constant 0 : i32
    %dma_wait3A_37 = tpu.memref_slice %arg5[%dma_wait3A_35, %dma_wait3A_36] : memref<320000x64xf32, #tpu.memory_space<hbm>> -> memref<80x64xf32, #tpu.memory_space<hbm>>
    tpu.wait_dma2 semaphore(%arg16 : memref<!tpu.dma_semaphore, #tpu.memory_space<semaphore_mem>>) src(%dma_wait3A_37 : memref<80x64xf32, #tpu.memory_space<hbm>>) dst(%arg12 : memref<80x64xf32, #tpu.memory_space<vmem>>)
    %iota3A = tpu.iota {dimensions = array<i32: 0>} : vector<16xi32>
    %and3A = arith.constant 8 : i32
    %and3A_38 = vector.broadcast %and3A : i32 to vector<16xi32>
    %and3A_39 = arith.andi %iota3A, %and3A_38 : vector<16xi32>
    %add3A_40 = arith.constant 8 : i32
    %add3A_41 = vector.broadcast %add3A_40 : i32 to vector<16xi32>
    %add3A_42 = arith.addi %iota3A, %add3A_41 : vector<16xi32>
    %and3A_43 = arith.constant 15 : i32
    %and3A_44 = vector.broadcast %and3A_43 : i32 to vector<16xi32>
    %and3A_45 = arith.andi %add3A_42, %and3A_44 : vector<16xi32>
    %add3A_46 = arith.constant 4 : i32
    %add3A_47 = vector.broadcast %add3A_46 : i32 to vector<16xi32>
    %add3A_48 = arith.addi %iota3A, %add3A_47 : vector<16xi32>
    %and3A_49 = arith.constant 7 : i32
    %and3A_50 = vector.broadcast %and3A_49 : i32 to vector<16xi32>
    %and3A_51 = arith.andi %add3A_48, %and3A_50 : vector<16xi32>
    %or3A = arith.ori %and3A_39, %and3A_51 : vector<16xi32>
    %add3A_52 = arith.constant 2 : i32
    %add3A_53 = vector.broadcast %add3A_52 : i32 to vector<16xi32>
    %add3A_54 = arith.addi %iota3A, %add3A_53 : vector<16xi32>
    %and3A_55 = arith.constant 7 : i32
    %and3A_56 = vector.broadcast %and3A_55 : i32 to vector<16xi32>
    %and3A_57 = arith.andi %add3A_54, %and3A_56 : vector<16xi32>
    %or3A_58 = arith.ori %and3A_39, %and3A_57 : vector<16xi32>
    %add3A_59 = arith.constant 1 : i32
    %add3A_60 = vector.broadcast %add3A_59 : i32 to vector<16xi32>
    %add3A_61 = arith.addi %iota3A, %add3A_60 : vector<16xi32>
    %and3A_62 = arith.constant 7 : i32
    %and3A_63 = vector.broadcast %and3A_62 : i32 to vector<16xi32>
    %and3A_64 = arith.andi %add3A_61, %and3A_63 : vector<16xi32>
    %or3A_65 = arith.ori %and3A_39, %and3A_64 : vector<16xi32>
    %lt3A = arith.constant 8 : i32
    %lt3A_66 = vector.broadcast %lt3A : i32 to vector<16xi32>
    %lt3A_67 = arith.cmpi slt, %iota3A, %lt3A_66 : vector<16xi32>
    %and3A_68 = arith.constant 7 : i32
    %and3A_69 = vector.broadcast %and3A_68 : i32 to vector<16xi32>
    %and3A_70 = arith.andi %iota3A, %and3A_69 : vector<16xi32>
    %and3A_71 = arith.constant 2 : i32
    %and3A_72 = vector.broadcast %and3A_71 : i32 to vector<16xi32>
    %and3A_73 = arith.andi %iota3A, %and3A_72 : vector<16xi32>
    %sub3A = arith.constant 1 : i32
    %sub3A_74 = vector.broadcast %sub3A : i32 to vector<16xi32>
    %sub3A_75 = arith.subi %sub3A_74, %and3A_73 : vector<16xi32>
    %and3A_76 = arith.constant 1 : i32
    %and3A_77 = vector.broadcast %and3A_76 : i32 to vector<16xi32>
    %and3A_78 = arith.andi %iota3A, %and3A_77 : vector<16xi32>
    %sub3A_79 = arith.constant 1 : i32
    %sub3A_80 = vector.broadcast %sub3A_79 : i32 to vector<16xi32>
    %sub3A_81 = arith.subi %sub3A_80, %and3A_78 : vector<16xi32>
    %mul3A_82 = arith.muli %sub3A_75, %sub3A_81 : vector<16xi32>
    %convert_element_type3A = arith.sitofp %mul3A_82 : vector<16xi32> to vector<16xf32>
    %and3A_83 = arith.constant 1 : i32
    %and3A_84 = vector.broadcast %and3A_83 : i32 to vector<16xi32>
    %and3A_85 = arith.andi %iota3A, %and3A_84 : vector<16xi32>
    %and3A_86 = arith.constant 2 : i32
    %and3A_87 = vector.broadcast %and3A_86 : i32 to vector<16xi32>
    %and3A_88 = arith.andi %iota3A, %and3A_87 : vector<16xi32>
    %sub3A_89 = arith.constant 1 : i32
    %sub3A_90 = vector.broadcast %sub3A_89 : i32 to vector<16xi32>
    %sub3A_91 = arith.subi %sub3A_90, %and3A_88 : vector<16xi32>
    %mul3A_92 = arith.muli %and3A_85, %sub3A_91 : vector<16xi32>
    %convert_element_type3A_93 = arith.sitofp %mul3A_92 : vector<16xi32> to vector<16xf32>
    %scan3A_94 = arith.constant 0 : i32
    %scan3A_95 = arith.constant 0 : i32
    %scan3A_96 = arith.constant 5 : i32
    %scan3A_97 = arith.addi %scan3A_95, %scan3A_96 : i32
    %scan3A_98 = arith.constant 1 : i32
    scf.for %scan3A_100 = %scan3A_95 to %scan3A_97 step %scan3A_98  : i32 {
      %broadcast_in_dim3A = arith.constant 0.000000e+00 : f32
      %broadcast_in_dim3A_101 = vector.broadcast %broadcast_in_dim3A : f32 to vector<16xf32>
      %scan3A_102 = arith.constant 0 : i32
      %scan3A_103 = arith.constant 8 : i32
      %scan3A_104 = arith.addi %scan3A_102, %scan3A_103 : i32
      %scan3A_105 = arith.constant 1 : i32
      %scan3A_106 = scf.for %scan3A_113 = %scan3A_102 to %scan3A_104 step %scan3A_105 iter_args(%scan3A_114 = %broadcast_in_dim3A_101) -> (vector<16xf32>)  : i32 {
        %mul3A_115 = arith.constant 16 : i32
        %mul3A_116 = arith.muli %scan3A_100, %mul3A_115 : i32
        %add3A_117 = arith.addi %mul3A_116, %scan3A_113 : i32
        %get3A = arith.index_cast %add3A_117 : i32 to index
        %get3A_118 = arith.constant 0 : index
        %get3A_119 = tpu.vector_load %arg10[%get3A, %get3A_118] {strides = array<i32>} : memref<80x128xf32, #tpu.memory_space<vmem>>, vector<16xf32>,
        %get3A_120 = arith.index_cast %add3A_117 : i32 to index
        %get3A_121 = arith.constant 64 : index
        %get3A_122 = tpu.vector_load %arg10[%get3A_120, %get3A_121] {strides = array<i32>} : memref<80x128xf32, #tpu.memory_space<vmem>>, vector<16xf32>,
        %get3A_123 = arith.index_cast %add3A_117 : i32 to index
        %get3A_124 = arith.constant 0 : index
        %get3A_125 = tpu.vector_load %arg11[%get3A_123, %get3A_124] {strides = array<i32>} : memref<80x128xf32, #tpu.memory_space<vmem>>, vector<16xf32>,
        %get3A_126 = arith.index_cast %add3A_117 : i32 to index
        %get3A_127 = arith.constant 64 : index
        %get3A_128 = tpu.vector_load %arg11[%get3A_126, %get3A_127] {strides = array<i32>} : memref<80x128xf32, #tpu.memory_space<vmem>>, vector<16xf32>,
        %get3A_129 = arith.index_cast %add3A_117 : i32 to index
        %get3A_130 = arith.constant 0 : index
        %get3A_131 = tpu.vector_load %arg12[%get3A_129, %get3A_130] {strides = array<i32>} : memref<80x64xf32, #tpu.memory_space<vmem>>, vector<16xf32>,
        %mul3A_132 = arith.constant 9.14285755 : f32
        %mul3A_133 = vector.broadcast %mul3A_132 : f32 to vector<16xf32>
        %mul3A_134 = arith.mulf %get3A_131, %mul3A_133 : vector<16xf32>
        %add3A_135 = arith.constant 0x4B400000 : f32
        %add3A_136 = vector.broadcast %add3A_135 : f32 to vector<16xf32>
        %add3A_137 = arith.addf %mul3A_134, %add3A_136 : vector<16xf32>
        %bitcast3A = vector.bitcast %add3A_137 : vector<16xf32> to vector<16xi32>
        %sub3A_138 = arith.constant 0x4B400000 : f32
        %sub3A_139 = vector.broadcast %sub3A_138 : f32 to vector<16xf32>
        %sub3A_140 = arith.subf %add3A_137, %sub3A_139 : vector<16xf32>
        %sub3A_141 = arith.subf %mul3A_134, %sub3A_140 : vector<16xf32>
        %mul3A_142 = arith.constant 1.57079637 : f32
        %mul3A_143 = vector.broadcast %mul3A_142 : f32 to vector<16xf32>
        %mul3A_144 = arith.mulf %sub3A_141, %mul3A_143 : vector<16xf32>
        %mul3A_145 = arith.mulf %mul3A_144, %mul3A_144 : vector<16xf32>
        %mul3A_146 = arith.constant -1.660500e-01 : f32
        %mul3A_147 = vector.broadcast %mul3A_146 : f32 to vector<16xf32>
        %mul3A_148 = arith.mulf %mul3A_145, %mul3A_147 : vector<16xf32>
        %add3A_149 = arith.constant 1.000000e+00 : f32
        %add3A_150 = vector.broadcast %add3A_149 : f32 to vector<16xf32>
        %add3A_151 = arith.addf %add3A_150, %mul3A_148 : vector<16xf32>
        %mul3A_152 = arith.mulf %mul3A_144, %add3A_151 : vector<16xf32>
        %mul3A_153 = arith.constant 0.0416666679 : f32
        %mul3A_154 = vector.broadcast %mul3A_153 : f32 to vector<16xf32>
        %mul3A_155 = arith.mulf %mul3A_145, %mul3A_154 : vector<16xf32>
        %add3A_156 = arith.constant -5.000000e-01 : f32
        %add3A_157 = vector.broadcast %add3A_156 : f32 to vector<16xf32>
        %add3A_158 = arith.addf %add3A_157, %mul3A_155 : vector<16xf32>
        %mul3A_159 = arith.mulf %mul3A_145, %add3A_158 : vector<16xf32>
        %add3A_160 = arith.constant 1.000000e+00 : f32
        %add3A_161 = vector.broadcast %add3A_160 : f32 to vector<16xf32>
        %add3A_162 = arith.addf %add3A_161, %mul3A_159 : vector<16xf32>
        %and3A_163 = arith.constant 3 : i32
        %and3A_164 = vector.broadcast %and3A_163 : i32 to vector<16xi32>
        %and3A_165 = arith.andi %bitcast3A, %and3A_164 : vector<16xi32>
        %lt3A_166 = arith.constant 0 : i32
        %lt3A_167 = vector.broadcast %lt3A_166 : i32 to vector<16xi32>
        %lt3A_168 = arith.cmpi slt, %and3A_165, %lt3A_167 : vector<16xi32>
        %add3A_169 = arith.constant 16 : i32
        %add3A_170 = vector.broadcast %add3A_169 : i32 to vector<16xi32>
        %add3A_171 = arith.addi %and3A_165, %add3A_170 : vector<16xi32>
        %select_n3A = arith.select %lt3A_168, %add3A_171, %and3A_165 : vector<16xi1>, vector<16xi32>
        %reshape3A = vector.shape_cast %select_n3A : vector<16xi32> to vector<16x1xi32>
        %gather3A = vector.shape_cast %reshape3A : vector<16x1xi32> to vector<16xi32>
        %gather3A_172 = tpu.dynamic_gather %convert_element_type3A[%gather3A] in [0] : vector<16xf32>, vector<16xi32> -> vector<16xf32>
        %lt3A_173 = arith.constant 0 : i32
        %lt3A_174 = vector.broadcast %lt3A_173 : i32 to vector<16xi32>
        %lt3A_175 = arith.cmpi slt, %and3A_165, %lt3A_174 : vector<16xi32>
        %add3A_176 = arith.constant 16 : i32
        %add3A_177 = vector.broadcast %add3A_176 : i32 to vector<16xi32>
        %add3A_178 = arith.addi %and3A_165, %add3A_177 : vector<16xi32>
        %select_n3A_179 = arith.select %lt3A_175, %add3A_178, %and3A_165 : vector<16xi1>, vector<16xi32>
        %reshape3A_180 = vector.shape_cast %select_n3A_179 : vector<16xi32> to vector<16x1xi32>
        %gather3A_181 = vector.shape_cast %reshape3A_180 : vector<16x1xi32> to vector<16xi32>
        %gather3A_182 = tpu.dynamic_gather %convert_element_type3A_93[%gather3A_181] in [0] : vector<16xf32>, vector<16xi32> -> vector<16xf32>
        %mul3A_183 = arith.mulf %get3A_119, %add3A_162 : vector<16xf32>
        %mul3A_184 = arith.mulf %get3A_122, %mul3A_152 : vector<16xf32>
        %sub3A_185 = arith.subf %mul3A_183, %mul3A_184 : vector<16xf32>
        %mul3A_186 = arith.mulf %get3A_119, %mul3A_152 : vector<16xf32>
        %mul3A_187 = arith.mulf %get3A_122, %add3A_162 : vector<16xf32>
        %add3A_188 = arith.addf %mul3A_186, %mul3A_187 : vector<16xf32>
        %mul3A_189 = arith.mulf %gather3A_172, %sub3A_185 : vector<16xf32>
        %mul3A_190 = arith.mulf %gather3A_182, %add3A_188 : vector<16xf32>
        %sub3A_191 = arith.subf %mul3A_189, %mul3A_190 : vector<16xf32>
        %sub3A_192 = arith.subf %sub3A_191, %get3A_125 : vector<16xf32>
        %mul3A_193 = arith.mulf %gather3A_182, %sub3A_185 : vector<16xf32>
        %mul3A_194 = arith.mulf %gather3A_172, %add3A_188 : vector<16xf32>
        %add3A_195 = arith.addf %mul3A_193, %mul3A_194 : vector<16xf32>
        %sub3A_196 = arith.subf %add3A_195, %get3A_128 : vector<16xf32>
        %mul3A_197 = arith.mulf %sub3A_192, %sub3A_192 : vector<16xf32>
        %mul3A_198 = arith.mulf %sub3A_196, %sub3A_196 : vector<16xf32>
        %add3A_199 = arith.addf %mul3A_197, %mul3A_198 : vector<16xf32>
        %bitcast3A_200 = vector.bitcast %add3A_199 : vector<16xf32> to vector<16xi32>
        %shift_right_arithmetic3A = arith.constant 1 : i32
        %shift_right_arithmetic3A_201 = vector.broadcast %shift_right_arithmetic3A : i32 to vector<16xi32>
        %shift_right_arithmetic3A_202 = arith.shrsi %bitcast3A_200, %shift_right_arithmetic3A_201 : vector<16xi32>
        %sub3A_203 = arith.constant 1597463007 : i32
        %sub3A_204 = vector.broadcast %sub3A_203 : i32 to vector<16xi32>
        %sub3A_205 = arith.subi %sub3A_204, %shift_right_arithmetic3A_202 : vector<16xi32>
        %bitcast3A_206 = vector.bitcast %sub3A_205 : vector<16xi32> to vector<16xf32>
        %mul3A_207 = arith.constant 5.000000e-01 : f32
        %mul3A_208 = vector.broadcast %mul3A_207 : f32 to vector<16xf32>
        %mul3A_209 = arith.mulf %mul3A_208, %add3A_199 : vector<16xf32>
        %mul3A_210 = arith.mulf %mul3A_209, %bitcast3A_206 : vector<16xf32>
        %mul3A_211 = arith.mulf %mul3A_210, %bitcast3A_206 : vector<16xf32>
        %sub3A_212 = arith.constant 1.500000e+00 : f32
        %sub3A_213 = vector.broadcast %sub3A_212 : f32 to vector<16xf32>
        %sub3A_214 = arith.subf %sub3A_213, %mul3A_211 : vector<16xf32>
        %mul3A_215 = arith.mulf %bitcast3A_206, %sub3A_214 : vector<16xf32>
        %mul3A_216 = arith.mulf %add3A_199, %mul3A_215 : vector<16xf32>
        %get3A_217 = arith.index_cast %add3A_117 : i32 to index
        %get3A_218 = arith.constant 16 : index
        %get3A_219 = tpu.vector_load %arg10[%get3A_217, %get3A_218] {strides = array<i32>} : memref<80x128xf32, #tpu.memory_space<vmem>>, vector<16xf32>,
        %get3A_220 = arith.index_cast %add3A_117 : i32 to index
        %get3A_221 = arith.constant 80 : index
        %get3A_222 = tpu.vector_load %arg10[%get3A_220, %get3A_221] {strides = array<i32>} : memref<80x128xf32, #tpu.memory_space<vmem>>, vector<16xf32>,
        %get3A_223 = arith.index_cast %add3A_117 : i32 to index
        %get3A_224 = arith.constant 16 : index
        %get3A_225 = tpu.vector_load %arg11[%get3A_223, %get3A_224] {strides = array<i32>} : memref<80x128xf32, #tpu.memory_space<vmem>>, vector<16xf32>,
        %get3A_226 = arith.index_cast %add3A_117 : i32 to index
        %get3A_227 = arith.constant 80 : index
        %get3A_228 = tpu.vector_load %arg11[%get3A_226, %get3A_227] {strides = array<i32>} : memref<80x128xf32, #tpu.memory_space<vmem>>, vector<16xf32>,
        %get3A_229 = arith.index_cast %add3A_117 : i32 to index
        %get3A_230 = arith.constant 16 : index
        %get3A_231 = tpu.vector_load %arg12[%get3A_229, %get3A_230] {strides = array<i32>} : memref<80x64xf32, #tpu.memory_space<vmem>>, vector<16xf32>,
        %mul3A_232 = arith.constant 9.14285755 : f32
        %mul3A_233 = vector.broadcast %mul3A_232 : f32 to vector<16xf32>
        %mul3A_234 = arith.mulf %get3A_231, %mul3A_233 : vector<16xf32>
        %add3A_235 = arith.constant 0x4B400000 : f32
        %add3A_236 = vector.broadcast %add3A_235 : f32 to vector<16xf32>
        %add3A_237 = arith.addf %mul3A_234, %add3A_236 : vector<16xf32>
        %bitcast3A_238 = vector.bitcast %add3A_237 : vector<16xf32> to vector<16xi32>
        %sub3A_239 = arith.constant 0x4B400000 : f32
        %sub3A_240 = vector.broadcast %sub3A_239 : f32 to vector<16xf32>
        %sub3A_241 = arith.subf %add3A_237, %sub3A_240 : vector<16xf32>
        %sub3A_242 = arith.subf %mul3A_234, %sub3A_241 : vector<16xf32>
        %mul3A_243 = arith.constant 1.57079637 : f32
        %mul3A_244 = vector.broadcast %mul3A_243 : f32 to vector<16xf32>
        %mul3A_245 = arith.mulf %sub3A_242, %mul3A_244 : vector<16xf32>
        %mul3A_246 = arith.mulf %mul3A_245, %mul3A_245 : vector<16xf32>
        %mul3A_247 = arith.constant -1.660500e-01 : f32
        %mul3A_248 = vector.broadcast %mul3A_247 : f32 to vector<16xf32>
        %mul3A_249 = arith.mulf %mul3A_246, %mul3A_248 : vector<16xf32>
        %add3A_250 = arith.constant 1.000000e+00 : f32
        %add3A_251 = vector.broadcast %add3A_250 : f32 to vector<16xf32>
        %add3A_252 = arith.addf %add3A_251, %mul3A_249 : vector<16xf32>
        %mul3A_253 = arith.mulf %mul3A_245, %add3A_252 : vector<16xf32>
        %mul3A_254 = arith.constant 0.0416666679 : f32
        %mul3A_255 = vector.broadcast %mul3A_254 : f32 to vector<16xf32>
        %mul3A_256 = arith.mulf %mul3A_246, %mul3A_255 : vector<16xf32>
        %add3A_257 = arith.constant -5.000000e-01 : f32
        %add3A_258 = vector.broadcast %add3A_257 : f32 to vector<16xf32>
        %add3A_259 = arith.addf %add3A_258, %mul3A_256 : vector<16xf32>
        %mul3A_260 = arith.mulf %mul3A_246, %add3A_259 : vector<16xf32>
        %add3A_261 = arith.constant 1.000000e+00 : f32
        %add3A_262 = vector.broadcast %add3A_261 : f32 to vector<16xf32>
        %add3A_263 = arith.addf %add3A_262, %mul3A_260 : vector<16xf32>
        %and3A_264 = arith.constant 3 : i32
        %and3A_265 = vector.broadcast %and3A_264 : i32 to vector<16xi32>
        %and3A_266 = arith.andi %bitcast3A_238, %and3A_265 : vector<16xi32>
        %lt3A_267 = arith.constant 0 : i32
        %lt3A_268 = vector.broadcast %lt3A_267 : i32 to vector<16xi32>
        %lt3A_269 = arith.cmpi slt, %and3A_266, %lt3A_268 : vector<16xi32>
        %add3A_270 = arith.constant 16 : i32
        %add3A_271 = vector.broadcast %add3A_270 : i32 to vector<16xi32>
        %add3A_272 = arith.addi %and3A_266, %add3A_271 : vector<16xi32>
        %select_n3A_273 = arith.select %lt3A_269, %add3A_272, %and3A_266 : vector<16xi1>, vector<16xi32>
        %reshape3A_274 = vector.shape_cast %select_n3A_273 : vector<16xi32> to vector<16x1xi32>
        %gather3A_275 = vector.shape_cast %reshape3A_274 : vector<16x1xi32> to vector<16xi32>
        %gather3A_276 = tpu.dynamic_gather %convert_element_type3A[%gather3A_275] in [0] : vector<16xf32>, vector<16xi32> -> vector<16xf32>
        %lt3A_277 = arith.constant 0 : i32
        %lt3A_278 = vector.broadcast %lt3A_277 : i32 to vector<16xi32>
        %lt3A_279 = arith.cmpi slt, %and3A_266, %lt3A_278 : vector<16xi32>
        %add3A_280 = arith.constant 16 : i32
        %add3A_281 = vector.broadcast %add3A_280 : i32 to vector<16xi32>
        %add3A_282 = arith.addi %and3A_266, %add3A_281 : vector<16xi32>
        %select_n3A_283 = arith.select %lt3A_279, %add3A_282, %and3A_266 : vector<16xi1>, vector<16xi32>
        %reshape3A_284 = vector.shape_cast %select_n3A_283 : vector<16xi32> to vector<16x1xi32>
        %gather3A_285 = vector.shape_cast %reshape3A_284 : vector<16x1xi32> to vector<16xi32>
        %gather3A_286 = tpu.dynamic_gather %convert_element_type3A_93[%gather3A_285] in [0] : vector<16xf32>, vector<16xi32> -> vector<16xf32>
        %mul3A_287 = arith.mulf %get3A_219, %add3A_263 : vector<16xf32>
        %mul3A_288 = arith.mulf %get3A_222, %mul3A_253 : vector<16xf32>
        %sub3A_289 = arith.subf %mul3A_287, %mul3A_288 : vector<16xf32>
        %mul3A_290 = arith.mulf %get3A_219, %mul3A_253 : vector<16xf32>
        %mul3A_291 = arith.mulf %get3A_222, %add3A_263 : vector<16xf32>
        %add3A_292 = arith.addf %mul3A_290, %mul3A_291 : vector<16xf32>
        %mul3A_293 = arith.mulf %gather3A_276, %sub3A_289 : vector<16xf32>
        %mul3A_294 = arith.mulf %gather3A_286, %add3A_292 : vector<16xf32>
        %sub3A_295 = arith.subf %mul3A_293, %mul3A_294 : vector<16xf32>
        %sub3A_296 = arith.subf %sub3A_295, %get3A_225 : vector<16xf32>
        %mul3A_297 = arith.mulf %gather3A_286, %sub3A_289 : vector<16xf32>
        %mul3A_298 = arith.mulf %gather3A_276, %add3A_292 : vector<16xf32>
        %add3A_299 = arith.addf %mul3A_297, %mul3A_298 : vector<16xf32>
        %sub3A_300 = arith.subf %add3A_299, %get3A_228 : vector<16xf32>
        %mul3A_301 = arith.mulf %sub3A_296, %sub3A_296 : vector<16xf32>
        %mul3A_302 = arith.mulf %sub3A_300, %sub3A_300 : vector<16xf32>
        %add3A_303 = arith.addf %mul3A_301, %mul3A_302 : vector<16xf32>
        %bitcast3A_304 = vector.bitcast %add3A_303 : vector<16xf32> to vector<16xi32>
        %shift_right_arithmetic3A_305 = arith.constant 1 : i32
        %shift_right_arithmetic3A_306 = vector.broadcast %shift_right_arithmetic3A_305 : i32 to vector<16xi32>
        %shift_right_arithmetic3A_307 = arith.shrsi %bitcast3A_304, %shift_right_arithmetic3A_306 : vector<16xi32>
        %sub3A_308 = arith.constant 1597463007 : i32
        %sub3A_309 = vector.broadcast %sub3A_308 : i32 to vector<16xi32>
        %sub3A_310 = arith.subi %sub3A_309, %shift_right_arithmetic3A_307 : vector<16xi32>
        %bitcast3A_311 = vector.bitcast %sub3A_310 : vector<16xi32> to vector<16xf32>
        %mul3A_312 = arith.constant 5.000000e-01 : f32
        %mul3A_313 = vector.broadcast %mul3A_312 : f32 to vector<16xf32>
        %mul3A_314 = arith.mulf %mul3A_313, %add3A_303 : vector<16xf32>
        %mul3A_315 = arith.mulf %mul3A_314, %bitcast3A_311 : vector<16xf32>
        %mul3A_316 = arith.mulf %mul3A_315, %bitcast3A_311 : vector<16xf32>
        %sub3A_317 = arith.constant 1.500000e+00 : f32
        %sub3A_318 = vector.broadcast %sub3A_317 : f32 to vector<16xf32>
        %sub3A_319 = arith.subf %sub3A_318, %mul3A_316 : vector<16xf32>
        %mul3A_320 = arith.mulf %bitcast3A_311, %sub3A_319 : vector<16xf32>
        %mul3A_321 = arith.mulf %add3A_303, %mul3A_320 : vector<16xf32>
        %add3A_322 = arith.addf %mul3A_216, %mul3A_321 : vector<16xf32>
        %get3A_323 = arith.index_cast %add3A_117 : i32 to index
        %get3A_324 = arith.constant 32 : index
        %get3A_325 = tpu.vector_load %arg10[%get3A_323, %get3A_324] {strides = array<i32>} : memref<80x128xf32, #tpu.memory_space<vmem>>, vector<16xf32>,
        %get3A_326 = arith.index_cast %add3A_117 : i32 to index
        %get3A_327 = arith.constant 96 : index
        %get3A_328 = tpu.vector_load %arg10[%get3A_326, %get3A_327] {strides = array<i32>} : memref<80x128xf32, #tpu.memory_space<vmem>>, vector<16xf32>,
        %get3A_329 = arith.index_cast %add3A_117 : i32 to index
        %get3A_330 = arith.constant 32 : index
        %get3A_331 = tpu.vector_load %arg11[%get3A_329, %get3A_330] {strides = array<i32>} : memref<80x128xf32, #tpu.memory_space<vmem>>, vector<16xf32>,
        %get3A_332 = arith.index_cast %add3A_117 : i32 to index
        %get3A_333 = arith.constant 96 : index
        %get3A_334 = tpu.vector_load %arg11[%get3A_332, %get3A_333] {strides = array<i32>} : memref<80x128xf32, #tpu.memory_space<vmem>>, vector<16xf32>,
        %get3A_335 = arith.index_cast %add3A_117 : i32 to index
        %get3A_336 = arith.constant 32 : index
        %get3A_337 = tpu.vector_load %arg12[%get3A_335, %get3A_336] {strides = array<i32>} : memref<80x64xf32, #tpu.memory_space<vmem>>, vector<16xf32>,
        %mul3A_338 = arith.constant 9.14285755 : f32
        %mul3A_339 = vector.broadcast %mul3A_338 : f32 to vector<16xf32>
        %mul3A_340 = arith.mulf %get3A_337, %mul3A_339 : vector<16xf32>
        %add3A_341 = arith.constant 0x4B400000 : f32
        %add3A_342 = vector.broadcast %add3A_341 : f32 to vector<16xf32>
        %add3A_343 = arith.addf %mul3A_340, %add3A_342 : vector<16xf32>
        %bitcast3A_344 = vector.bitcast %add3A_343 : vector<16xf32> to vector<16xi32>
        %sub3A_345 = arith.constant 0x4B400000 : f32
        %sub3A_346 = vector.broadcast %sub3A_345 : f32 to vector<16xf32>
        %sub3A_347 = arith.subf %add3A_343, %sub3A_346 : vector<16xf32>
        %sub3A_348 = arith.subf %mul3A_340, %sub3A_347 : vector<16xf32>
        %mul3A_349 = arith.constant 1.57079637 : f32
        %mul3A_350 = vector.broadcast %mul3A_349 : f32 to vector<16xf32>
        %mul3A_351 = arith.mulf %sub3A_348, %mul3A_350 : vector<16xf32>
        %mul3A_352 = arith.mulf %mul3A_351, %mul3A_351 : vector<16xf32>
        %mul3A_353 = arith.constant -1.660500e-01 : f32
        %mul3A_354 = vector.broadcast %mul3A_353 : f32 to vector<16xf32>
        %mul3A_355 = arith.mulf %mul3A_352, %mul3A_354 : vector<16xf32>
        %add3A_356 = arith.constant 1.000000e+00 : f32
        %add3A_357 = vector.broadcast %add3A_356 : f32 to vector<16xf32>
        %add3A_358 = arith.addf %add3A_357, %mul3A_355 : vector<16xf32>
        %mul3A_359 = arith.mulf %mul3A_351, %add3A_358 : vector<16xf32>
        %mul3A_360 = arith.constant 0.0416666679 : f32
        %mul3A_361 = vector.broadcast %mul3A_360 : f32 to vector<16xf32>
        %mul3A_362 = arith.mulf %mul3A_352, %mul3A_361 : vector<16xf32>
        %add3A_363 = arith.constant -5.000000e-01 : f32
        %add3A_364 = vector.broadcast %add3A_363 : f32 to vector<16xf32>
        %add3A_365 = arith.addf %add3A_364, %mul3A_362 : vector<16xf32>
        %mul3A_366 = arith.mulf %mul3A_352, %add3A_365 : vector<16xf32>
        %add3A_367 = arith.constant 1.000000e+00 : f32
        %add3A_368 = vector.broadcast %add3A_367 : f32 to vector<16xf32>
        %add3A_369 = arith.addf %add3A_368, %mul3A_366 : vector<16xf32>
        %and3A_370 = arith.constant 3 : i32
        %and3A_371 = vector.broadcast %and3A_370 : i32 to vector<16xi32>
        %and3A_372 = arith.andi %bitcast3A_344, %and3A_371 : vector<16xi32>
        %lt3A_373 = arith.constant 0 : i32
        %lt3A_374 = vector.broadcast %lt3A_373 : i32 to vector<16xi32>
        %lt3A_375 = arith.cmpi slt, %and3A_372, %lt3A_374 : vector<16xi32>
        %add3A_376 = arith.constant 16 : i32
        %add3A_377 = vector.broadcast %add3A_376 : i32 to vector<16xi32>
        %add3A_378 = arith.addi %and3A_372, %add3A_377 : vector<16xi32>
        %select_n3A_379 = arith.select %lt3A_375, %add3A_378, %and3A_372 : vector<16xi1>, vector<16xi32>
        %reshape3A_380 = vector.shape_cast %select_n3A_379 : vector<16xi32> to vector<16x1xi32>
        %gather3A_381 = vector.shape_cast %reshape3A_380 : vector<16x1xi32> to vector<16xi32>
        %gather3A_382 = tpu.dynamic_gather %convert_element_type3A[%gather3A_381] in [0] : vector<16xf32>, vector<16xi32> -> vector<16xf32>
        %lt3A_383 = arith.constant 0 : i32
        %lt3A_384 = vector.broadcast %lt3A_383 : i32 to vector<16xi32>
        %lt3A_385 = arith.cmpi slt, %and3A_372, %lt3A_384 : vector<16xi32>
        %add3A_386 = arith.constant 16 : i32
        %add3A_387 = vector.broadcast %add3A_386 : i32 to vector<16xi32>
        %add3A_388 = arith.addi %and3A_372, %add3A_387 : vector<16xi32>
        %select_n3A_389 = arith.select %lt3A_385, %add3A_388, %and3A_372 : vector<16xi1>, vector<16xi32>
        %reshape3A_390 = vector.shape_cast %select_n3A_389 : vector<16xi32> to vector<16x1xi32>
        %gather3A_391 = vector.shape_cast %reshape3A_390 : vector<16x1xi32> to vector<16xi32>
        %gather3A_392 = tpu.dynamic_gather %convert_element_type3A_93[%gather3A_391] in [0] : vector<16xf32>, vector<16xi32> -> vector<16xf32>
        %mul3A_393 = arith.mulf %get3A_325, %add3A_369 : vector<16xf32>
        %mul3A_394 = arith.mulf %get3A_328, %mul3A_359 : vector<16xf32>
        %sub3A_395 = arith.subf %mul3A_393, %mul3A_394 : vector<16xf32>
        %mul3A_396 = arith.mulf %get3A_325, %mul3A_359 : vector<16xf32>
        %mul3A_397 = arith.mulf %get3A_328, %add3A_369 : vector<16xf32>
        %add3A_398 = arith.addf %mul3A_396, %mul3A_397 : vector<16xf32>
        %mul3A_399 = arith.mulf %gather3A_382, %sub3A_395 : vector<16xf32>
        %mul3A_400 = arith.mulf %gather3A_392, %add3A_398 : vector<16xf32>
        %sub3A_401 = arith.subf %mul3A_399, %mul3A_400 : vector<16xf32>
        %sub3A_402 = arith.subf %sub3A_401, %get3A_331 : vector<16xf32>
        %mul3A_403 = arith.mulf %gather3A_392, %sub3A_395 : vector<16xf32>
        %mul3A_404 = arith.mulf %gather3A_382, %add3A_398 : vector<16xf32>
        %add3A_405 = arith.addf %mul3A_403, %mul3A_404 : vector<16xf32>
        %sub3A_406 = arith.subf %add3A_405, %get3A_334 : vector<16xf32>
        %mul3A_407 = arith.mulf %sub3A_402, %sub3A_402 : vector<16xf32>
        %mul3A_408 = arith.mulf %sub3A_406, %sub3A_406 : vector<16xf32>
        %add3A_409 = arith.addf %mul3A_407, %mul3A_408 : vector<16xf32>
        %bitcast3A_410 = vector.bitcast %add3A_409 : vector<16xf32> to vector<16xi32>
        %shift_right_arithmetic3A_411 = arith.constant 1 : i32
        %shift_right_arithmetic3A_412 = vector.broadcast %shift_right_arithmetic3A_411 : i32 to vector<16xi32>
        %shift_right_arithmetic3A_413 = arith.shrsi %bitcast3A_410, %shift_right_arithmetic3A_412 : vector<16xi32>
        %sub3A_414 = arith.constant 1597463007 : i32
        %sub3A_415 = vector.broadcast %sub3A_414 : i32 to vector<16xi32>
        %sub3A_416 = arith.subi %sub3A_415, %shift_right_arithmetic3A_413 : vector<16xi32>
        %bitcast3A_417 = vector.bitcast %sub3A_416 : vector<16xi32> to vector<16xf32>
        %mul3A_418 = arith.constant 5.000000e-01 : f32
        %mul3A_419 = vector.broadcast %mul3A_418 : f32 to vector<16xf32>
        %mul3A_420 = arith.mulf %mul3A_419, %add3A_409 : vector<16xf32>
        %mul3A_421 = arith.mulf %mul3A_420, %bitcast3A_417 : vector<16xf32>
        %mul3A_422 = arith.mulf %mul3A_421, %bitcast3A_417 : vector<16xf32>
        %sub3A_423 = arith.constant 1.500000e+00 : f32
        %sub3A_424 = vector.broadcast %sub3A_423 : f32 to vector<16xf32>
        %sub3A_425 = arith.subf %sub3A_424, %mul3A_422 : vector<16xf32>
        %mul3A_426 = arith.mulf %bitcast3A_417, %sub3A_425 : vector<16xf32>
        %mul3A_427 = arith.mulf %add3A_409, %mul3A_426 : vector<16xf32>
        %get3A_428 = arith.index_cast %add3A_117 : i32 to index
        %get3A_429 = arith.constant 48 : index
        %get3A_430 = tpu.vector_load %arg10[%get3A_428, %get3A_429] {strides = array<i32>} : memref<80x128xf32, #tpu.memory_space<vmem>>, vector<16xf32>,
        %get3A_431 = arith.index_cast %add3A_117 : i32 to index
        %get3A_432 = arith.constant 112 : index
        %get3A_433 = tpu.vector_load %arg10[%get3A_431, %get3A_432] {strides = array<i32>} : memref<80x128xf32, #tpu.memory_space<vmem>>, vector<16xf32>,
        %get3A_434 = arith.index_cast %add3A_117 : i32 to index
        %get3A_435 = arith.constant 48 : index
        %get3A_436 = tpu.vector_load %arg11[%get3A_434, %get3A_435] {strides = array<i32>} : memref<80x128xf32, #tpu.memory_space<vmem>>, vector<16xf32>,
        %get3A_437 = arith.index_cast %add3A_117 : i32 to index
        %get3A_438 = arith.constant 112 : index
        %get3A_439 = tpu.vector_load %arg11[%get3A_437, %get3A_438] {strides = array<i32>} : memref<80x128xf32, #tpu.memory_space<vmem>>, vector<16xf32>,
        %get3A_440 = arith.index_cast %add3A_117 : i32 to index
        %get3A_441 = arith.constant 48 : index
        %get3A_442 = tpu.vector_load %arg12[%get3A_440, %get3A_441] {strides = array<i32>} : memref<80x64xf32, #tpu.memory_space<vmem>>, vector<16xf32>,
        %mul3A_443 = arith.constant 9.14285755 : f32
        %mul3A_444 = vector.broadcast %mul3A_443 : f32 to vector<16xf32>
        %mul3A_445 = arith.mulf %get3A_442, %mul3A_444 : vector<16xf32>
        %add3A_446 = arith.constant 0x4B400000 : f32
        %add3A_447 = vector.broadcast %add3A_446 : f32 to vector<16xf32>
        %add3A_448 = arith.addf %mul3A_445, %add3A_447 : vector<16xf32>
        %bitcast3A_449 = vector.bitcast %add3A_448 : vector<16xf32> to vector<16xi32>
        %sub3A_450 = arith.constant 0x4B400000 : f32
        %sub3A_451 = vector.broadcast %sub3A_450 : f32 to vector<16xf32>
        %sub3A_452 = arith.subf %add3A_448, %sub3A_451 : vector<16xf32>
        %sub3A_453 = arith.subf %mul3A_445, %sub3A_452 : vector<16xf32>
        %mul3A_454 = arith.constant 1.57079637 : f32
        %mul3A_455 = vector.broadcast %mul3A_454 : f32 to vector<16xf32>
        %mul3A_456 = arith.mulf %sub3A_453, %mul3A_455 : vector<16xf32>
        %mul3A_457 = arith.mulf %mul3A_456, %mul3A_456 : vector<16xf32>
        %mul3A_458 = arith.constant -1.660500e-01 : f32
        %mul3A_459 = vector.broadcast %mul3A_458 : f32 to vector<16xf32>
        %mul3A_460 = arith.mulf %mul3A_457, %mul3A_459 : vector<16xf32>
        %add3A_461 = arith.constant 1.000000e+00 : f32
        %add3A_462 = vector.broadcast %add3A_461 : f32 to vector<16xf32>
        %add3A_463 = arith.addf %add3A_462, %mul3A_460 : vector<16xf32>
        %mul3A_464 = arith.mulf %mul3A_456, %add3A_463 : vector<16xf32>
        %mul3A_465 = arith.constant 0.0416666679 : f32
        %mul3A_466 = vector.broadcast %mul3A_465 : f32 to vector<16xf32>
        %mul3A_467 = arith.mulf %mul3A_457, %mul3A_466 : vector<16xf32>
        %add3A_468 = arith.constant -5.000000e-01 : f32
        %add3A_469 = vector.broadcast %add3A_468 : f32 to vector<16xf32>
        %add3A_470 = arith.addf %add3A_469, %mul3A_467 : vector<16xf32>
        %mul3A_471 = arith.mulf %mul3A_457, %add3A_470 : vector<16xf32>
        %add3A_472 = arith.constant 1.000000e+00 : f32
        %add3A_473 = vector.broadcast %add3A_472 : f32 to vector<16xf32>
        %add3A_474 = arith.addf %add3A_473, %mul3A_471 : vector<16xf32>
        %and3A_475 = arith.constant 3 : i32
        %and3A_476 = vector.broadcast %and3A_475 : i32 to vector<16xi32>
        %and3A_477 = arith.andi %bitcast3A_449, %and3A_476 : vector<16xi32>
        %lt3A_478 = arith.constant 0 : i32
        %lt3A_479 = vector.broadcast %lt3A_478 : i32 to vector<16xi32>
        %lt3A_480 = arith.cmpi slt, %and3A_477, %lt3A_479 : vector<16xi32>
        %add3A_481 = arith.constant 16 : i32
        %add3A_482 = vector.broadcast %add3A_481 : i32 to vector<16xi32>
        %add3A_483 = arith.addi %and3A_477, %add3A_482 : vector<16xi32>
        %select_n3A_484 = arith.select %lt3A_480, %add3A_483, %and3A_477 : vector<16xi1>, vector<16xi32>
        %reshape3A_485 = vector.shape_cast %select_n3A_484 : vector<16xi32> to vector<16x1xi32>
        %gather3A_486 = vector.shape_cast %reshape3A_485 : vector<16x1xi32> to vector<16xi32>
        %gather3A_487 = tpu.dynamic_gather %convert_element_type3A[%gather3A_486] in [0] : vector<16xf32>, vector<16xi32> -> vector<16xf32>
        %lt3A_488 = arith.constant 0 : i32
        %lt3A_489 = vector.broadcast %lt3A_488 : i32 to vector<16xi32>
        %lt3A_490 = arith.cmpi slt, %and3A_477, %lt3A_489 : vector<16xi32>
        %add3A_491 = arith.constant 16 : i32
        %add3A_492 = vector.broadcast %add3A_491 : i32 to vector<16xi32>
        %add3A_493 = arith.addi %and3A_477, %add3A_492 : vector<16xi32>
        %select_n3A_494 = arith.select %lt3A_490, %add3A_493, %and3A_477 : vector<16xi1>, vector<16xi32>
        %reshape3A_495 = vector.shape_cast %select_n3A_494 : vector<16xi32> to vector<16x1xi32>
        %gather3A_496 = vector.shape_cast %reshape3A_495 : vector<16x1xi32> to vector<16xi32>
        %gather3A_497 = tpu.dynamic_gather %convert_element_type3A_93[%gather3A_496] in [0] : vector<16xf32>, vector<16xi32> -> vector<16xf32>
        %mul3A_498 = arith.mulf %get3A_430, %add3A_474 : vector<16xf32>
        %mul3A_499 = arith.mulf %get3A_433, %mul3A_464 : vector<16xf32>
        %sub3A_500 = arith.subf %mul3A_498, %mul3A_499 : vector<16xf32>
        %mul3A_501 = arith.mulf %get3A_430, %mul3A_464 : vector<16xf32>
        %mul3A_502 = arith.mulf %get3A_433, %add3A_474 : vector<16xf32>
        %add3A_503 = arith.addf %mul3A_501, %mul3A_502 : vector<16xf32>
        %mul3A_504 = arith.mulf %gather3A_487, %sub3A_500 : vector<16xf32>
        %mul3A_505 = arith.mulf %gather3A_497, %add3A_503 : vector<16xf32>
        %sub3A_506 = arith.subf %mul3A_504, %mul3A_505 : vector<16xf32>
        %sub3A_507 = arith.subf %sub3A_506, %get3A_436 : vector<16xf32>
        %mul3A_508 = arith.mulf %gather3A_497, %sub3A_500 : vector<16xf32>
        %mul3A_509 = arith.mulf %gather3A_487, %add3A_503 : vector<16xf32>
        %add3A_510 = arith.addf %mul3A_508, %mul3A_509 : vector<16xf32>
        %sub3A_511 = arith.subf %add3A_510, %get3A_439 : vector<16xf32>
        %mul3A_512 = arith.mulf %sub3A_507, %sub3A_507 : vector<16xf32>
        %mul3A_513 = arith.mulf %sub3A_511, %sub3A_511 : vector<16xf32>
        %add3A_514 = arith.addf %mul3A_512, %mul3A_513 : vector<16xf32>
        %bitcast3A_515 = vector.bitcast %add3A_514 : vector<16xf32> to vector<16xi32>
        %shift_right_arithmetic3A_516 = arith.constant 1 : i32
        %shift_right_arithmetic3A_517 = vector.broadcast %shift_right_arithmetic3A_516 : i32 to vector<16xi32>
        %shift_right_arithmetic3A_518 = arith.shrsi %bitcast3A_515, %shift_right_arithmetic3A_517 : vector<16xi32>
        %sub3A_519 = arith.constant 1597463007 : i32
        %sub3A_520 = vector.broadcast %sub3A_519 : i32 to vector<16xi32>
        %sub3A_521 = arith.subi %sub3A_520, %shift_right_arithmetic3A_518 : vector<16xi32>
        %bitcast3A_522 = vector.bitcast %sub3A_521 : vector<16xi32> to vector<16xf32>
        %mul3A_523 = arith.constant 5.000000e-01 : f32
        %mul3A_524 = vector.broadcast %mul3A_523 : f32 to vector<16xf32>
        %mul3A_525 = arith.mulf %mul3A_524, %add3A_514 : vector<16xf32>
        %mul3A_526 = arith.mulf %mul3A_525, %bitcast3A_522 : vector<16xf32>
        %mul3A_527 = arith.mulf %mul3A_526, %bitcast3A_522 : vector<16xf32>
        %sub3A_528 = arith.constant 1.500000e+00 : f32
        %sub3A_529 = vector.broadcast %sub3A_528 : f32 to vector<16xf32>
        %sub3A_530 = arith.subf %sub3A_529, %mul3A_527 : vector<16xf32>
        %mul3A_531 = arith.mulf %bitcast3A_522, %sub3A_530 : vector<16xf32>
        %mul3A_532 = arith.mulf %add3A_514, %mul3A_531 : vector<16xf32>
        %add3A_533 = arith.addf %mul3A_427, %mul3A_532 : vector<16xf32>
        %add3A_534 = arith.addf %add3A_322, %add3A_533 : vector<16xf32>
        %add3A_535 = arith.constant 8 : i32
        %add3A_536 = arith.addi %add3A_117, %add3A_535 : i32
        %get3A_537 = arith.index_cast %add3A_536 : i32 to index
        %get3A_538 = arith.constant 0 : index
        %get3A_539 = tpu.vector_load %arg10[%get3A_537, %get3A_538] {strides = array<i32>} : memref<80x128xf32, #tpu.memory_space<vmem>>, vector<16xf32>,
        %get3A_540 = arith.index_cast %add3A_536 : i32 to index
        %get3A_541 = arith.constant 64 : index
        %get3A_542 = tpu.vector_load %arg10[%get3A_540, %get3A_541] {strides = array<i32>} : memref<80x128xf32, #tpu.memory_space<vmem>>, vector<16xf32>,
        %get3A_543 = arith.index_cast %add3A_536 : i32 to index
        %get3A_544 = arith.constant 0 : index
        %get3A_545 = tpu.vector_load %arg11[%get3A_543, %get3A_544] {strides = array<i32>} : memref<80x128xf32, #tpu.memory_space<vmem>>, vector<16xf32>,
        %get3A_546 = arith.index_cast %add3A_536 : i32 to index
        %get3A_547 = arith.constant 64 : index
        %get3A_548 = tpu.vector_load %arg11[%get3A_546, %get3A_547] {strides = array<i32>} : memref<80x128xf32, #tpu.memory_space<vmem>>, vector<16xf32>,
        %get3A_549 = arith.index_cast %add3A_536 : i32 to index
        %get3A_550 = arith.constant 0 : index
        %get3A_551 = tpu.vector_load %arg12[%get3A_549, %get3A_550] {strides = array<i32>} : memref<80x64xf32, #tpu.memory_space<vmem>>, vector<16xf32>,
        %mul3A_552 = arith.constant 9.14285755 : f32
        %mul3A_553 = vector.broadcast %mul3A_552 : f32 to vector<16xf32>
        %mul3A_554 = arith.mulf %get3A_551, %mul3A_553 : vector<16xf32>
        %add3A_555 = arith.constant 0x4B400000 : f32
        %add3A_556 = vector.broadcast %add3A_555 : f32 to vector<16xf32>
        %add3A_557 = arith.addf %mul3A_554, %add3A_556 : vector<16xf32>
        %bitcast3A_558 = vector.bitcast %add3A_557 : vector<16xf32> to vector<16xi32>
        %sub3A_559 = arith.constant 0x4B400000 : f32
        %sub3A_560 = vector.broadcast %sub3A_559 : f32 to vector<16xf32>
        %sub3A_561 = arith.subf %add3A_557, %sub3A_560 : vector<16xf32>
        %sub3A_562 = arith.subf %mul3A_554, %sub3A_561 : vector<16xf32>
        %mul3A_563 = arith.constant 1.57079637 : f32
        %mul3A_564 = vector.broadcast %mul3A_563 : f32 to vector<16xf32>
        %mul3A_565 = arith.mulf %sub3A_562, %mul3A_564 : vector<16xf32>
        %mul3A_566 = arith.mulf %mul3A_565, %mul3A_565 : vector<16xf32>
        %mul3A_567 = arith.constant -1.660500e-01 : f32
        %mul3A_568 = vector.broadcast %mul3A_567 : f32 to vector<16xf32>
        %mul3A_569 = arith.mulf %mul3A_566, %mul3A_568 : vector<16xf32>
        %add3A_570 = arith.constant 1.000000e+00 : f32
        %add3A_571 = vector.broadcast %add3A_570 : f32 to vector<16xf32>
        %add3A_572 = arith.addf %add3A_571, %mul3A_569 : vector<16xf32>
        %mul3A_573 = arith.mulf %mul3A_565, %add3A_572 : vector<16xf32>
        %mul3A_574 = arith.constant 0.0416666679 : f32
        %mul3A_575 = vector.broadcast %mul3A_574 : f32 to vector<16xf32>
        %mul3A_576 = arith.mulf %mul3A_566, %mul3A_575 : vector<16xf32>
        %add3A_577 = arith.constant -5.000000e-01 : f32
        %add3A_578 = vector.broadcast %add3A_577 : f32 to vector<16xf32>
        %add3A_579 = arith.addf %add3A_578, %mul3A_576 : vector<16xf32>
        %mul3A_580 = arith.mulf %mul3A_566, %add3A_579 : vector<16xf32>
        %add3A_581 = arith.constant 1.000000e+00 : f32
        %add3A_582 = vector.broadcast %add3A_581 : f32 to vector<16xf32>
        %add3A_583 = arith.addf %add3A_582, %mul3A_580 : vector<16xf32>
        %and3A_584 = arith.constant 3 : i32
        %and3A_585 = vector.broadcast %and3A_584 : i32 to vector<16xi32>
        %and3A_586 = arith.andi %bitcast3A_558, %and3A_585 : vector<16xi32>
        %lt3A_587 = arith.constant 0 : i32
        %lt3A_588 = vector.broadcast %lt3A_587 : i32 to vector<16xi32>
        %lt3A_589 = arith.cmpi slt, %and3A_586, %lt3A_588 : vector<16xi32>
        %add3A_590 = arith.constant 16 : i32
        %add3A_591 = vector.broadcast %add3A_590 : i32 to vector<16xi32>
        %add3A_592 = arith.addi %and3A_586, %add3A_591 : vector<16xi32>
        %select_n3A_593 = arith.select %lt3A_589, %add3A_592, %and3A_586 : vector<16xi1>, vector<16xi32>
        %reshape3A_594 = vector.shape_cast %select_n3A_593 : vector<16xi32> to vector<16x1xi32>
        %gather3A_595 = vector.shape_cast %reshape3A_594 : vector<16x1xi32> to vector<16xi32>
        %gather3A_596 = tpu.dynamic_gather %convert_element_type3A[%gather3A_595] in [0] : vector<16xf32>, vector<16xi32> -> vector<16xf32>
        %lt3A_597 = arith.constant 0 : i32
        %lt3A_598 = vector.broadcast %lt3A_597 : i32 to vector<16xi32>
        %lt3A_599 = arith.cmpi slt, %and3A_586, %lt3A_598 : vector<16xi32>
        %add3A_600 = arith.constant 16 : i32
        %add3A_601 = vector.broadcast %add3A_600 : i32 to vector<16xi32>
        %add3A_602 = arith.addi %and3A_586, %add3A_601 : vector<16xi32>
        %select_n3A_603 = arith.select %lt3A_599, %add3A_602, %and3A_586 : vector<16xi1>, vector<16xi32>
        %reshape3A_604 = vector.shape_cast %select_n3A_603 : vector<16xi32> to vector<16x1xi32>
        %gather3A_605 = vector.shape_cast %reshape3A_604 : vector<16x1xi32> to vector<16xi32>
        %gather3A_606 = tpu.dynamic_gather %convert_element_type3A_93[%gather3A_605] in [0] : vector<16xf32>, vector<16xi32> -> vector<16xf32>
        %mul3A_607 = arith.mulf %get3A_539, %add3A_583 : vector<16xf32>
        %mul3A_608 = arith.mulf %get3A_542, %mul3A_573 : vector<16xf32>
        %sub3A_609 = arith.subf %mul3A_607, %mul3A_608 : vector<16xf32>
        %mul3A_610 = arith.mulf %get3A_539, %mul3A_573 : vector<16xf32>
        %mul3A_611 = arith.mulf %get3A_542, %add3A_583 : vector<16xf32>
        %add3A_612 = arith.addf %mul3A_610, %mul3A_611 : vector<16xf32>
        %mul3A_613 = arith.mulf %gather3A_596, %sub3A_609 : vector<16xf32>
        %mul3A_614 = arith.mulf %gather3A_606, %add3A_612 : vector<16xf32>
        %sub3A_615 = arith.subf %mul3A_613, %mul3A_614 : vector<16xf32>
        %sub3A_616 = arith.subf %sub3A_615, %get3A_545 : vector<16xf32>
        %mul3A_617 = arith.mulf %gather3A_606, %sub3A_609 : vector<16xf32>
        %mul3A_618 = arith.mulf %gather3A_596, %add3A_612 : vector<16xf32>
        %add3A_619 = arith.addf %mul3A_617, %mul3A_618 : vector<16xf32>
        %sub3A_620 = arith.subf %add3A_619, %get3A_548 : vector<16xf32>
        %mul3A_621 = arith.mulf %sub3A_616, %sub3A_616 : vector<16xf32>
        %mul3A_622 = arith.mulf %sub3A_620, %sub3A_620 : vector<16xf32>
        %add3A_623 = arith.addf %mul3A_621, %mul3A_622 : vector<16xf32>
        %bitcast3A_624 = vector.bitcast %add3A_623 : vector<16xf32> to vector<16xi32>
        %shift_right_arithmetic3A_625 = arith.constant 1 : i32
        %shift_right_arithmetic3A_626 = vector.broadcast %shift_right_arithmetic3A_625 : i32 to vector<16xi32>
        %shift_right_arithmetic3A_627 = arith.shrsi %bitcast3A_624, %shift_right_arithmetic3A_626 : vector<16xi32>
        %sub3A_628 = arith.constant 1597463007 : i32
        %sub3A_629 = vector.broadcast %sub3A_628 : i32 to vector<16xi32>
        %sub3A_630 = arith.subi %sub3A_629, %shift_right_arithmetic3A_627 : vector<16xi32>
        %bitcast3A_631 = vector.bitcast %sub3A_630 : vector<16xi32> to vector<16xf32>
        %mul3A_632 = arith.constant 5.000000e-01 : f32
        %mul3A_633 = vector.broadcast %mul3A_632 : f32 to vector<16xf32>
        %mul3A_634 = arith.mulf %mul3A_633, %add3A_623 : vector<16xf32>
        %mul3A_635 = arith.mulf %mul3A_634, %bitcast3A_631 : vector<16xf32>
        %mul3A_636 = arith.mulf %mul3A_635, %bitcast3A_631 : vector<16xf32>
        %sub3A_637 = arith.constant 1.500000e+00 : f32
        %sub3A_638 = vector.broadcast %sub3A_637 : f32 to vector<16xf32>
        %sub3A_639 = arith.subf %sub3A_638, %mul3A_636 : vector<16xf32>
        %mul3A_640 = arith.mulf %bitcast3A_631, %sub3A_639 : vector<16xf32>
        %mul3A_641 = arith.mulf %add3A_623, %mul3A_640 : vector<16xf32>
        %get3A_642 = arith.index_cast %add3A_536 : i32 to index
        %get3A_643 = arith.constant 16 : index
        %get3A_644 = tpu.vector_load %arg10[%get3A_642, %get3A_643] {strides = array<i32>} : memref<80x128xf32, #tpu.memory_space<vmem>>, vector<16xf32>,
        %get3A_645 = arith.index_cast %add3A_536 : i32 to index
        %get3A_646 = arith.constant 80 : index
        %get3A_647 = tpu.vector_load %arg10[%get3A_645, %get3A_646] {strides = array<i32>} : memref<80x128xf32, #tpu.memory_space<vmem>>, vector<16xf32>,
        %get3A_648 = arith.index_cast %add3A_536 : i32 to index
        %get3A_649 = arith.constant 16 : index
        %get3A_650 = tpu.vector_load %arg11[%get3A_648, %get3A_649] {strides = array<i32>} : memref<80x128xf32, #tpu.memory_space<vmem>>, vector<16xf32>,
        %get3A_651 = arith.index_cast %add3A_536 : i32 to index
        %get3A_652 = arith.constant 80 : index
        %get3A_653 = tpu.vector_load %arg11[%get3A_651, %get3A_652] {strides = array<i32>} : memref<80x128xf32, #tpu.memory_space<vmem>>, vector<16xf32>,
        %get3A_654 = arith.index_cast %add3A_536 : i32 to index
        %get3A_655 = arith.constant 16 : index
        %get3A_656 = tpu.vector_load %arg12[%get3A_654, %get3A_655] {strides = array<i32>} : memref<80x64xf32, #tpu.memory_space<vmem>>, vector<16xf32>,
        %mul3A_657 = arith.constant 9.14285755 : f32
        %mul3A_658 = vector.broadcast %mul3A_657 : f32 to vector<16xf32>
        %mul3A_659 = arith.mulf %get3A_656, %mul3A_658 : vector<16xf32>
        %add3A_660 = arith.constant 0x4B400000 : f32
        %add3A_661 = vector.broadcast %add3A_660 : f32 to vector<16xf32>
        %add3A_662 = arith.addf %mul3A_659, %add3A_661 : vector<16xf32>
        %bitcast3A_663 = vector.bitcast %add3A_662 : vector<16xf32> to vector<16xi32>
        %sub3A_664 = arith.constant 0x4B400000 : f32
        %sub3A_665 = vector.broadcast %sub3A_664 : f32 to vector<16xf32>
        %sub3A_666 = arith.subf %add3A_662, %sub3A_665 : vector<16xf32>
        %sub3A_667 = arith.subf %mul3A_659, %sub3A_666 : vector<16xf32>
        %mul3A_668 = arith.constant 1.57079637 : f32
        %mul3A_669 = vector.broadcast %mul3A_668 : f32 to vector<16xf32>
        %mul3A_670 = arith.mulf %sub3A_667, %mul3A_669 : vector<16xf32>
        %mul3A_671 = arith.mulf %mul3A_670, %mul3A_670 : vector<16xf32>
        %mul3A_672 = arith.constant -1.660500e-01 : f32
        %mul3A_673 = vector.broadcast %mul3A_672 : f32 to vector<16xf32>
        %mul3A_674 = arith.mulf %mul3A_671, %mul3A_673 : vector<16xf32>
        %add3A_675 = arith.constant 1.000000e+00 : f32
        %add3A_676 = vector.broadcast %add3A_675 : f32 to vector<16xf32>
        %add3A_677 = arith.addf %add3A_676, %mul3A_674 : vector<16xf32>
        %mul3A_678 = arith.mulf %mul3A_670, %add3A_677 : vector<16xf32>
        %mul3A_679 = arith.constant 0.0416666679 : f32
        %mul3A_680 = vector.broadcast %mul3A_679 : f32 to vector<16xf32>
        %mul3A_681 = arith.mulf %mul3A_671, %mul3A_680 : vector<16xf32>
        %add3A_682 = arith.constant -5.000000e-01 : f32
        %add3A_683 = vector.broadcast %add3A_682 : f32 to vector<16xf32>
        %add3A_684 = arith.addf %add3A_683, %mul3A_681 : vector<16xf32>
        %mul3A_685 = arith.mulf %mul3A_671, %add3A_684 : vector<16xf32>
        %add3A_686 = arith.constant 1.000000e+00 : f32
        %add3A_687 = vector.broadcast %add3A_686 : f32 to vector<16xf32>
        %add3A_688 = arith.addf %add3A_687, %mul3A_685 : vector<16xf32>
        %and3A_689 = arith.constant 3 : i32
        %and3A_690 = vector.broadcast %and3A_689 : i32 to vector<16xi32>
        %and3A_691 = arith.andi %bitcast3A_663, %and3A_690 : vector<16xi32>
        %lt3A_692 = arith.constant 0 : i32
        %lt3A_693 = vector.broadcast %lt3A_692 : i32 to vector<16xi32>
        %lt3A_694 = arith.cmpi slt, %and3A_691, %lt3A_693 : vector<16xi32>
        %add3A_695 = arith.constant 16 : i32
        %add3A_696 = vector.broadcast %add3A_695 : i32 to vector<16xi32>
        %add3A_697 = arith.addi %and3A_691, %add3A_696 : vector<16xi32>
        %select_n3A_698 = arith.select %lt3A_694, %add3A_697, %and3A_691 : vector<16xi1>, vector<16xi32>
        %reshape3A_699 = vector.shape_cast %select_n3A_698 : vector<16xi32> to vector<16x1xi32>
        %gather3A_700 = vector.shape_cast %reshape3A_699 : vector<16x1xi32> to vector<16xi32>
        %gather3A_701 = tpu.dynamic_gather %convert_element_type3A[%gather3A_700] in [0] : vector<16xf32>, vector<16xi32> -> vector<16xf32>
        %lt3A_702 = arith.constant 0 : i32
        %lt3A_703 = vector.broadcast %lt3A_702 : i32 to vector<16xi32>
        %lt3A_704 = arith.cmpi slt, %and3A_691, %lt3A_703 : vector<16xi32>
        %add3A_705 = arith.constant 16 : i32
        %add3A_706 = vector.broadcast %add3A_705 : i32 to vector<16xi32>
        %add3A_707 = arith.addi %and3A_691, %add3A_706 : vector<16xi32>
        %select_n3A_708 = arith.select %lt3A_704, %add3A_707, %and3A_691 : vector<16xi1>, vector<16xi32>
        %reshape3A_709 = vector.shape_cast %select_n3A_708 : vector<16xi32> to vector<16x1xi32>
        %gather3A_710 = vector.shape_cast %reshape3A_709 : vector<16x1xi32> to vector<16xi32>
        %gather3A_711 = tpu.dynamic_gather %convert_element_type3A_93[%gather3A_710] in [0] : vector<16xf32>, vector<16xi32> -> vector<16xf32>
        %mul3A_712 = arith.mulf %get3A_644, %add3A_688 : vector<16xf32>
        %mul3A_713 = arith.mulf %get3A_647, %mul3A_678 : vector<16xf32>
        %sub3A_714 = arith.subf %mul3A_712, %mul3A_713 : vector<16xf32>
        %mul3A_715 = arith.mulf %get3A_644, %mul3A_678 : vector<16xf32>
        %mul3A_716 = arith.mulf %get3A_647, %add3A_688 : vector<16xf32>
        %add3A_717 = arith.addf %mul3A_715, %mul3A_716 : vector<16xf32>
        %mul3A_718 = arith.mulf %gather3A_701, %sub3A_714 : vector<16xf32>
        %mul3A_719 = arith.mulf %gather3A_711, %add3A_717 : vector<16xf32>
        %sub3A_720 = arith.subf %mul3A_718, %mul3A_719 : vector<16xf32>
        %sub3A_721 = arith.subf %sub3A_720, %get3A_650 : vector<16xf32>
        %mul3A_722 = arith.mulf %gather3A_711, %sub3A_714 : vector<16xf32>
        %mul3A_723 = arith.mulf %gather3A_701, %add3A_717 : vector<16xf32>
        %add3A_724 = arith.addf %mul3A_722, %mul3A_723 : vector<16xf32>
        %sub3A_725 = arith.subf %add3A_724, %get3A_653 : vector<16xf32>
        %mul3A_726 = arith.mulf %sub3A_721, %sub3A_721 : vector<16xf32>
        %mul3A_727 = arith.mulf %sub3A_725, %sub3A_725 : vector<16xf32>
        %add3A_728 = arith.addf %mul3A_726, %mul3A_727 : vector<16xf32>
        %bitcast3A_729 = vector.bitcast %add3A_728 : vector<16xf32> to vector<16xi32>
        %shift_right_arithmetic3A_730 = arith.constant 1 : i32
        %shift_right_arithmetic3A_731 = vector.broadcast %shift_right_arithmetic3A_730 : i32 to vector<16xi32>
        %shift_right_arithmetic3A_732 = arith.shrsi %bitcast3A_729, %shift_right_arithmetic3A_731 : vector<16xi32>
        %sub3A_733 = arith.constant 1597463007 : i32
        %sub3A_734 = vector.broadcast %sub3A_733 : i32 to vector<16xi32>
        %sub3A_735 = arith.subi %sub3A_734, %shift_right_arithmetic3A_732 : vector<16xi32>
        %bitcast3A_736 = vector.bitcast %sub3A_735 : vector<16xi32> to vector<16xf32>
        %mul3A_737 = arith.constant 5.000000e-01 : f32
        %mul3A_738 = vector.broadcast %mul3A_737 : f32 to vector<16xf32>
        %mul3A_739 = arith.mulf %mul3A_738, %add3A_728 : vector<16xf32>
        %mul3A_740 = arith.mulf %mul3A_739, %bitcast3A_736 : vector<16xf32>
        %mul3A_741 = arith.mulf %mul3A_740, %bitcast3A_736 : vector<16xf32>
        %sub3A_742 = arith.constant 1.500000e+00 : f32
        %sub3A_743 = vector.broadcast %sub3A_742 : f32 to vector<16xf32>
        %sub3A_744 = arith.subf %sub3A_743, %mul3A_741 : vector<16xf32>
        %mul3A_745 = arith.mulf %bitcast3A_736, %sub3A_744 : vector<16xf32>
        %mul3A_746 = arith.mulf %add3A_728, %mul3A_745 : vector<16xf32>
        %add3A_747 = arith.addf %mul3A_641, %mul3A_746 : vector<16xf32>
        %get3A_748 = arith.index_cast %add3A_536 : i32 to index
        %get3A_749 = arith.constant 32 : index
        %get3A_750 = tpu.vector_load %arg10[%get3A_748, %get3A_749] {strides = array<i32>} : memref<80x128xf32, #tpu.memory_space<vmem>>, vector<16xf32>,
        %get3A_751 = arith.index_cast %add3A_536 : i32 to index
        %get3A_752 = arith.constant 96 : index
        %get3A_753 = tpu.vector_load %arg10[%get3A_751, %get3A_752] {strides = array<i32>} : memref<80x128xf32, #tpu.memory_space<vmem>>, vector<16xf32>,
        %get3A_754 = arith.index_cast %add3A_536 : i32 to index
        %get3A_755 = arith.constant 32 : index
        %get3A_756 = tpu.vector_load %arg11[%get3A_754, %get3A_755] {strides = array<i32>} : memref<80x128xf32, #tpu.memory_space<vmem>>, vector<16xf32>,
        %get3A_757 = arith.index_cast %add3A_536 : i32 to index
        %get3A_758 = arith.constant 96 : index
        %get3A_759 = tpu.vector_load %arg11[%get3A_757, %get3A_758] {strides = array<i32>} : memref<80x128xf32, #tpu.memory_space<vmem>>, vector<16xf32>,
        %get3A_760 = arith.index_cast %add3A_536 : i32 to index
        %get3A_761 = arith.constant 32 : index
        %get3A_762 = tpu.vector_load %arg12[%get3A_760, %get3A_761] {strides = array<i32>} : memref<80x64xf32, #tpu.memory_space<vmem>>, vector<16xf32>,
        %mul3A_763 = arith.constant 9.14285755 : f32
        %mul3A_764 = vector.broadcast %mul3A_763 : f32 to vector<16xf32>
        %mul3A_765 = arith.mulf %get3A_762, %mul3A_764 : vector<16xf32>
        %add3A_766 = arith.constant 0x4B400000 : f32
        %add3A_767 = vector.broadcast %add3A_766 : f32 to vector<16xf32>
        %add3A_768 = arith.addf %mul3A_765, %add3A_767 : vector<16xf32>
        %bitcast3A_769 = vector.bitcast %add3A_768 : vector<16xf32> to vector<16xi32>
        %sub3A_770 = arith.constant 0x4B400000 : f32
        %sub3A_771 = vector.broadcast %sub3A_770 : f32 to vector<16xf32>
        %sub3A_772 = arith.subf %add3A_768, %sub3A_771 : vector<16xf32>
        %sub3A_773 = arith.subf %mul3A_765, %sub3A_772 : vector<16xf32>
        %mul3A_774 = arith.constant 1.57079637 : f32
        %mul3A_775 = vector.broadcast %mul3A_774 : f32 to vector<16xf32>
        %mul3A_776 = arith.mulf %sub3A_773, %mul3A_775 : vector<16xf32>
        %mul3A_777 = arith.mulf %mul3A_776, %mul3A_776 : vector<16xf32>
        %mul3A_778 = arith.constant -1.660500e-01 : f32
        %mul3A_779 = vector.broadcast %mul3A_778 : f32 to vector<16xf32>
        %mul3A_780 = arith.mulf %mul3A_777, %mul3A_779 : vector<16xf32>
        %add3A_781 = arith.constant 1.000000e+00 : f32
        %add3A_782 = vector.broadcast %add3A_781 : f32 to vector<16xf32>
        %add3A_783 = arith.addf %add3A_782, %mul3A_780 : vector<16xf32>
        %mul3A_784 = arith.mulf %mul3A_776, %add3A_783 : vector<16xf32>
        %mul3A_785 = arith.constant 0.0416666679 : f32
        %mul3A_786 = vector.broadcast %mul3A_785 : f32 to vector<16xf32>
        %mul3A_787 = arith.mulf %mul3A_777, %mul3A_786 : vector<16xf32>
        %add3A_788 = arith.constant -5.000000e-01 : f32
        %add3A_789 = vector.broadcast %add3A_788 : f32 to vector<16xf32>
        %add3A_790 = arith.addf %add3A_789, %mul3A_787 : vector<16xf32>
        %mul3A_791 = arith.mulf %mul3A_777, %add3A_790 : vector<16xf32>
        %add3A_792 = arith.constant 1.000000e+00 : f32
        %add3A_793 = vector.broadcast %add3A_792 : f32 to vector<16xf32>
        %add3A_794 = arith.addf %add3A_793, %mul3A_791 : vector<16xf32>
        %and3A_795 = arith.constant 3 : i32
        %and3A_796 = vector.broadcast %and3A_795 : i32 to vector<16xi32>
        %and3A_797 = arith.andi %bitcast3A_769, %and3A_796 : vector<16xi32>
        %lt3A_798 = arith.constant 0 : i32
        %lt3A_799 = vector.broadcast %lt3A_798 : i32 to vector<16xi32>
        %lt3A_800 = arith.cmpi slt, %and3A_797, %lt3A_799 : vector<16xi32>
        %add3A_801 = arith.constant 16 : i32
        %add3A_802 = vector.broadcast %add3A_801 : i32 to vector<16xi32>
        %add3A_803 = arith.addi %and3A_797, %add3A_802 : vector<16xi32>
        %select_n3A_804 = arith.select %lt3A_800, %add3A_803, %and3A_797 : vector<16xi1>, vector<16xi32>
        %reshape3A_805 = vector.shape_cast %select_n3A_804 : vector<16xi32> to vector<16x1xi32>
        %gather3A_806 = vector.shape_cast %reshape3A_805 : vector<16x1xi32> to vector<16xi32>
        %gather3A_807 = tpu.dynamic_gather %convert_element_type3A[%gather3A_806] in [0] : vector<16xf32>, vector<16xi32> -> vector<16xf32>
        %lt3A_808 = arith.constant 0 : i32
        %lt3A_809 = vector.broadcast %lt3A_808 : i32 to vector<16xi32>
        %lt3A_810 = arith.cmpi slt, %and3A_797, %lt3A_809 : vector<16xi32>
        %add3A_811 = arith.constant 16 : i32
        %add3A_812 = vector.broadcast %add3A_811 : i32 to vector<16xi32>
        %add3A_813 = arith.addi %and3A_797, %add3A_812 : vector<16xi32>
        %select_n3A_814 = arith.select %lt3A_810, %add3A_813, %and3A_797 : vector<16xi1>, vector<16xi32>
        %reshape3A_815 = vector.shape_cast %select_n3A_814 : vector<16xi32> to vector<16x1xi32>
        %gather3A_816 = vector.shape_cast %reshape3A_815 : vector<16x1xi32> to vector<16xi32>
        %gather3A_817 = tpu.dynamic_gather %convert_element_type3A_93[%gather3A_816] in [0] : vector<16xf32>, vector<16xi32> -> vector<16xf32>
        %mul3A_818 = arith.mulf %get3A_750, %add3A_794 : vector<16xf32>
        %mul3A_819 = arith.mulf %get3A_753, %mul3A_784 : vector<16xf32>
        %sub3A_820 = arith.subf %mul3A_818, %mul3A_819 : vector<16xf32>
        %mul3A_821 = arith.mulf %get3A_750, %mul3A_784 : vector<16xf32>
        %mul3A_822 = arith.mulf %get3A_753, %add3A_794 : vector<16xf32>
        %add3A_823 = arith.addf %mul3A_821, %mul3A_822 : vector<16xf32>
        %mul3A_824 = arith.mulf %gather3A_807, %sub3A_820 : vector<16xf32>
        %mul3A_825 = arith.mulf %gather3A_817, %add3A_823 : vector<16xf32>
        %sub3A_826 = arith.subf %mul3A_824, %mul3A_825 : vector<16xf32>
        %sub3A_827 = arith.subf %sub3A_826, %get3A_756 : vector<16xf32>
        %mul3A_828 = arith.mulf %gather3A_817, %sub3A_820 : vector<16xf32>
        %mul3A_829 = arith.mulf %gather3A_807, %add3A_823 : vector<16xf32>
        %add3A_830 = arith.addf %mul3A_828, %mul3A_829 : vector<16xf32>
        %sub3A_831 = arith.subf %add3A_830, %get3A_759 : vector<16xf32>
        %mul3A_832 = arith.mulf %sub3A_827, %sub3A_827 : vector<16xf32>
        %mul3A_833 = arith.mulf %sub3A_831, %sub3A_831 : vector<16xf32>
        %add3A_834 = arith.addf %mul3A_832, %mul3A_833 : vector<16xf32>
        %bitcast3A_835 = vector.bitcast %add3A_834 : vector<16xf32> to vector<16xi32>
        %shift_right_arithmetic3A_836 = arith.constant 1 : i32
        %shift_right_arithmetic3A_837 = vector.broadcast %shift_right_arithmetic3A_836 : i32 to vector<16xi32>
        %shift_right_arithmetic3A_838 = arith.shrsi %bitcast3A_835, %shift_right_arithmetic3A_837 : vector<16xi32>
        %sub3A_839 = arith.constant 1597463007 : i32
        %sub3A_840 = vector.broadcast %sub3A_839 : i32 to vector<16xi32>
        %sub3A_841 = arith.subi %sub3A_840, %shift_right_arithmetic3A_838 : vector<16xi32>
        %bitcast3A_842 = vector.bitcast %sub3A_841 : vector<16xi32> to vector<16xf32>
        %mul3A_843 = arith.constant 5.000000e-01 : f32
        %mul3A_844 = vector.broadcast %mul3A_843 : f32 to vector<16xf32>
        %mul3A_845 = arith.mulf %mul3A_844, %add3A_834 : vector<16xf32>
        %mul3A_846 = arith.mulf %mul3A_845, %bitcast3A_842 : vector<16xf32>
        %mul3A_847 = arith.mulf %mul3A_846, %bitcast3A_842 : vector<16xf32>
        %sub3A_848 = arith.constant 1.500000e+00 : f32
        %sub3A_849 = vector.broadcast %sub3A_848 : f32 to vector<16xf32>
        %sub3A_850 = arith.subf %sub3A_849, %mul3A_847 : vector<16xf32>
        %mul3A_851 = arith.mulf %bitcast3A_842, %sub3A_850 : vector<16xf32>
        %mul3A_852 = arith.mulf %add3A_834, %mul3A_851 : vector<16xf32>
        %get3A_853 = arith.index_cast %add3A_536 : i32 to index
        %get3A_854 = arith.constant 48 : index
        %get3A_855 = tpu.vector_load %arg10[%get3A_853, %get3A_854] {strides = array<i32>} : memref<80x128xf32, #tpu.memory_space<vmem>>, vector<16xf32>,
        %get3A_856 = arith.index_cast %add3A_536 : i32 to index
        %get3A_857 = arith.constant 112 : index
        %get3A_858 = tpu.vector_load %arg10[%get3A_856, %get3A_857] {strides = array<i32>} : memref<80x128xf32, #tpu.memory_space<vmem>>, vector<16xf32>,
        %get3A_859 = arith.index_cast %add3A_536 : i32 to index
        %get3A_860 = arith.constant 48 : index
        %get3A_861 = tpu.vector_load %arg11[%get3A_859, %get3A_860] {strides = array<i32>} : memref<80x128xf32, #tpu.memory_space<vmem>>, vector<16xf32>,
        %get3A_862 = arith.index_cast %add3A_536 : i32 to index
        %get3A_863 = arith.constant 112 : index
        %get3A_864 = tpu.vector_load %arg11[%get3A_862, %get3A_863] {strides = array<i32>} : memref<80x128xf32, #tpu.memory_space<vmem>>, vector<16xf32>,
        %get3A_865 = arith.index_cast %add3A_536 : i32 to index
        %get3A_866 = arith.constant 48 : index
        %get3A_867 = tpu.vector_load %arg12[%get3A_865, %get3A_866] {strides = array<i32>} : memref<80x64xf32, #tpu.memory_space<vmem>>, vector<16xf32>,
        %mul3A_868 = arith.constant 9.14285755 : f32
        %mul3A_869 = vector.broadcast %mul3A_868 : f32 to vector<16xf32>
        %mul3A_870 = arith.mulf %get3A_867, %mul3A_869 : vector<16xf32>
        %add3A_871 = arith.constant 0x4B400000 : f32
        %add3A_872 = vector.broadcast %add3A_871 : f32 to vector<16xf32>
        %add3A_873 = arith.addf %mul3A_870, %add3A_872 : vector<16xf32>
        %bitcast3A_874 = vector.bitcast %add3A_873 : vector<16xf32> to vector<16xi32>
        %sub3A_875 = arith.constant 0x4B400000 : f32
        %sub3A_876 = vector.broadcast %sub3A_875 : f32 to vector<16xf32>
        %sub3A_877 = arith.subf %add3A_873, %sub3A_876 : vector<16xf32>
        %sub3A_878 = arith.subf %mul3A_870, %sub3A_877 : vector<16xf32>
        %mul3A_879 = arith.constant 1.57079637 : f32
        %mul3A_880 = vector.broadcast %mul3A_879 : f32 to vector<16xf32>
        %mul3A_881 = arith.mulf %sub3A_878, %mul3A_880 : vector<16xf32>
        %mul3A_882 = arith.mulf %mul3A_881, %mul3A_881 : vector<16xf32>
        %mul3A_883 = arith.constant -1.660500e-01 : f32
        %mul3A_884 = vector.broadcast %mul3A_883 : f32 to vector<16xf32>
        %mul3A_885 = arith.mulf %mul3A_882, %mul3A_884 : vector<16xf32>
        %add3A_886 = arith.constant 1.000000e+00 : f32
        %add3A_887 = vector.broadcast %add3A_886 : f32 to vector<16xf32>
        %add3A_888 = arith.addf %add3A_887, %mul3A_885 : vector<16xf32>
        %mul3A_889 = arith.mulf %mul3A_881, %add3A_888 : vector<16xf32>
        %mul3A_890 = arith.constant 0.0416666679 : f32
        %mul3A_891 = vector.broadcast %mul3A_890 : f32 to vector<16xf32>
        %mul3A_892 = arith.mulf %mul3A_882, %mul3A_891 : vector<16xf32>
        %add3A_893 = arith.constant -5.000000e-01 : f32
        %add3A_894 = vector.broadcast %add3A_893 : f32 to vector<16xf32>
        %add3A_895 = arith.addf %add3A_894, %mul3A_892 : vector<16xf32>
        %mul3A_896 = arith.mulf %mul3A_882, %add3A_895 : vector<16xf32>
        %add3A_897 = arith.constant 1.000000e+00 : f32
        %add3A_898 = vector.broadcast %add3A_897 : f32 to vector<16xf32>
        %add3A_899 = arith.addf %add3A_898, %mul3A_896 : vector<16xf32>
        %and3A_900 = arith.constant 3 : i32
        %and3A_901 = vector.broadcast %and3A_900 : i32 to vector<16xi32>
        %and3A_902 = arith.andi %bitcast3A_874, %and3A_901 : vector<16xi32>
        %lt3A_903 = arith.constant 0 : i32
        %lt3A_904 = vector.broadcast %lt3A_903 : i32 to vector<16xi32>
        %lt3A_905 = arith.cmpi slt, %and3A_902, %lt3A_904 : vector<16xi32>
        %add3A_906 = arith.constant 16 : i32
        %add3A_907 = vector.broadcast %add3A_906 : i32 to vector<16xi32>
        %add3A_908 = arith.addi %and3A_902, %add3A_907 : vector<16xi32>
        %select_n3A_909 = arith.select %lt3A_905, %add3A_908, %and3A_902 : vector<16xi1>, vector<16xi32>
        %reshape3A_910 = vector.shape_cast %select_n3A_909 : vector<16xi32> to vector<16x1xi32>
        %gather3A_911 = vector.shape_cast %reshape3A_910 : vector<16x1xi32> to vector<16xi32>
        %gather3A_912 = tpu.dynamic_gather %convert_element_type3A[%gather3A_911] in [0] : vector<16xf32>, vector<16xi32> -> vector<16xf32>
        %lt3A_913 = arith.constant 0 : i32
        %lt3A_914 = vector.broadcast %lt3A_913 : i32 to vector<16xi32>
        %lt3A_915 = arith.cmpi slt, %and3A_902, %lt3A_914 : vector<16xi32>
        %add3A_916 = arith.constant 16 : i32
        %add3A_917 = vector.broadcast %add3A_916 : i32 to vector<16xi32>
        %add3A_918 = arith.addi %and3A_902, %add3A_917 : vector<16xi32>
        %select_n3A_919 = arith.select %lt3A_915, %add3A_918, %and3A_902 : vector<16xi1>, vector<16xi32>
        %reshape3A_920 = vector.shape_cast %select_n3A_919 : vector<16xi32> to vector<16x1xi32>
        %gather3A_921 = vector.shape_cast %reshape3A_920 : vector<16x1xi32> to vector<16xi32>
        %gather3A_922 = tpu.dynamic_gather %convert_element_type3A_93[%gather3A_921] in [0] : vector<16xf32>, vector<16xi32> -> vector<16xf32>
        %mul3A_923 = arith.mulf %get3A_855, %add3A_899 : vector<16xf32>
        %mul3A_924 = arith.mulf %get3A_858, %mul3A_889 : vector<16xf32>
        %sub3A_925 = arith.subf %mul3A_923, %mul3A_924 : vector<16xf32>
        %mul3A_926 = arith.mulf %get3A_855, %mul3A_889 : vector<16xf32>
        %mul3A_927 = arith.mulf %get3A_858, %add3A_899 : vector<16xf32>
        %add3A_928 = arith.addf %mul3A_926, %mul3A_927 : vector<16xf32>
        %mul3A_929 = arith.mulf %gather3A_912, %sub3A_925 : vector<16xf32>
        %mul3A_930 = arith.mulf %gather3A_922, %add3A_928 : vector<16xf32>
        %sub3A_931 = arith.subf %mul3A_929, %mul3A_930 : vector<16xf32>
        %sub3A_932 = arith.subf %sub3A_931, %get3A_861 : vector<16xf32>
        %mul3A_933 = arith.mulf %gather3A_922, %sub3A_925 : vector<16xf32>
        %mul3A_934 = arith.mulf %gather3A_912, %add3A_928 : vector<16xf32>
        %add3A_935 = arith.addf %mul3A_933, %mul3A_934 : vector<16xf32>
        %sub3A_936 = arith.subf %add3A_935, %get3A_864 : vector<16xf32>
        %mul3A_937 = arith.mulf %sub3A_932, %sub3A_932 : vector<16xf32>
        %mul3A_938 = arith.mulf %sub3A_936, %sub3A_936 : vector<16xf32>
        %add3A_939 = arith.addf %mul3A_937, %mul3A_938 : vector<16xf32>
        %bitcast3A_940 = vector.bitcast %add3A_939 : vector<16xf32> to vector<16xi32>
        %shift_right_arithmetic3A_941 = arith.constant 1 : i32
        %shift_right_arithmetic3A_942 = vector.broadcast %shift_right_arithmetic3A_941 : i32 to vector<16xi32>
        %shift_right_arithmetic3A_943 = arith.shrsi %bitcast3A_940, %shift_right_arithmetic3A_942 : vector<16xi32>
        %sub3A_944 = arith.constant 1597463007 : i32
        %sub3A_945 = vector.broadcast %sub3A_944 : i32 to vector<16xi32>
        %sub3A_946 = arith.subi %sub3A_945, %shift_right_arithmetic3A_943 : vector<16xi32>
        %bitcast3A_947 = vector.bitcast %sub3A_946 : vector<16xi32> to vector<16xf32>
        %mul3A_948 = arith.constant 5.000000e-01 : f32
        %mul3A_949 = vector.broadcast %mul3A_948 : f32 to vector<16xf32>
        %mul3A_950 = arith.mulf %mul3A_949, %add3A_939 : vector<16xf32>
        %mul3A_951 = arith.mulf %mul3A_950, %bitcast3A_947 : vector<16xf32>
        %mul3A_952 = arith.mulf %mul3A_951, %bitcast3A_947 : vector<16xf32>
        %sub3A_953 = arith.constant 1.500000e+00 : f32
        %sub3A_954 = vector.broadcast %sub3A_953 : f32 to vector<16xf32>
        %sub3A_955 = arith.subf %sub3A_954, %mul3A_952 : vector<16xf32>
        %mul3A_956 = arith.mulf %bitcast3A_947, %sub3A_955 : vector<16xf32>
        %mul3A_957 = arith.mulf %add3A_939, %mul3A_956 : vector<16xf32>
        %add3A_958 = arith.addf %mul3A_852, %mul3A_957 : vector<16xf32>
        %add3A_959 = arith.addf %add3A_747, %add3A_958 : vector<16xf32>
        %lt3A_960 = arith.constant 0 : i32
        %lt3A_961 = vector.broadcast %lt3A_960 : i32 to vector<16xi32>
        %lt3A_962 = arith.cmpi slt, %and3A_45, %lt3A_961 : vector<16xi32>
        %add3A_963 = arith.constant 16 : i32
        %add3A_964 = vector.broadcast %add3A_963 : i32 to vector<16xi32>
        %add3A_965 = arith.addi %and3A_45, %add3A_964 : vector<16xi32>
        %select_n3A_966 = arith.select %lt3A_962, %add3A_965, %and3A_45 : vector<16xi1>, vector<16xi32>
        %reshape3A_967 = vector.shape_cast %select_n3A_966 : vector<16xi32> to vector<16x1xi32>
        %gather3A_968 = vector.shape_cast %reshape3A_967 : vector<16x1xi32> to vector<16xi32>
        %gather3A_969 = tpu.dynamic_gather %add3A_534[%gather3A_968] in [0] : vector<16xf32>, vector<16xi32> -> vector<16xf32>
        %add3A_970 = arith.addf %add3A_534, %gather3A_969 : vector<16xf32>
        %lt3A_971 = arith.constant 0 : i32
        %lt3A_972 = vector.broadcast %lt3A_971 : i32 to vector<16xi32>
        %lt3A_973 = arith.cmpi slt, %and3A_45, %lt3A_972 : vector<16xi32>
        %add3A_974 = arith.constant 16 : i32
        %add3A_975 = vector.broadcast %add3A_974 : i32 to vector<16xi32>
        %add3A_976 = arith.addi %and3A_45, %add3A_975 : vector<16xi32>
        %select_n3A_977 = arith.select %lt3A_973, %add3A_976, %and3A_45 : vector<16xi1>, vector<16xi32>
        %reshape3A_978 = vector.shape_cast %select_n3A_977 : vector<16xi32> to vector<16x1xi32>
        %gather3A_979 = vector.shape_cast %reshape3A_978 : vector<16x1xi32> to vector<16xi32>
        %gather3A_980 = tpu.dynamic_gather %add3A_959[%gather3A_979] in [0] : vector<16xf32>, vector<16xi32> -> vector<16xf32>
        %add3A_981 = arith.addf %add3A_959, %gather3A_980 : vector<16xf32>
        %select_n3A_982 = arith.select %lt3A_67, %add3A_970, %add3A_981 : vector<16xi1>, vector<16xf32>
        %lt3A_983 = arith.constant 0 : i32
        %lt3A_984 = vector.broadcast %lt3A_983 : i32 to vector<16xi32>
        %lt3A_985 = arith.cmpi slt, %or3A, %lt3A_984 : vector<16xi32>
        %add3A_986 = arith.constant 16 : i32
        %add3A_987 = vector.broadcast %add3A_986 : i32 to vector<16xi32>
        %add3A_988 = arith.addi %or3A, %add3A_987 : vector<16xi32>
        %select_n3A_989 = arith.select %lt3A_985, %add3A_988, %or3A : vector<16xi1>, vector<16xi32>
        %reshape3A_990 = vector.shape_cast %select_n3A_989 : vector<16xi32> to vector<16x1xi32>
        %gather3A_991 = vector.shape_cast %reshape3A_990 : vector<16x1xi32> to vector<16xi32>
        %gather3A_992 = tpu.dynamic_gather %select_n3A_982[%gather3A_991] in [0] : vector<16xf32>, vector<16xi32> -> vector<16xf32>
        %add3A_993 = arith.addf %select_n3A_982, %gather3A_992 : vector<16xf32>
        %lt3A_994 = arith.constant 0 : i32
        %lt3A_995 = vector.broadcast %lt3A_994 : i32 to vector<16xi32>
        %lt3A_996 = arith.cmpi slt, %or3A_58, %lt3A_995 : vector<16xi32>
        %add3A_997 = arith.constant 16 : i32
        %add3A_998 = vector.broadcast %add3A_997 : i32 to vector<16xi32>
        %add3A_999 = arith.addi %or3A_58, %add3A_998 : vector<16xi32>
        %select_n3A_1000 = arith.select %lt3A_996, %add3A_999, %or3A_58 : vector<16xi1>, vector<16xi32>
        %reshape3A_1001 = vector.shape_cast %select_n3A_1000 : vector<16xi32> to vector<16x1xi32>
        %gather3A_1002 = vector.shape_cast %reshape3A_1001 : vector<16x1xi32> to vector<16xi32>
        %gather3A_1003 = tpu.dynamic_gather %add3A_993[%gather3A_1002] in [0] : vector<16xf32>, vector<16xi32> -> vector<16xf32>
        %add3A_1004 = arith.addf %add3A_993, %gather3A_1003 : vector<16xf32>
        %lt3A_1005 = arith.constant 0 : i32
        %lt3A_1006 = vector.broadcast %lt3A_1005 : i32 to vector<16xi32>
        %lt3A_1007 = arith.cmpi slt, %or3A_65, %lt3A_1006 : vector<16xi32>
        %add3A_1008 = arith.constant 16 : i32
        %add3A_1009 = vector.broadcast %add3A_1008 : i32 to vector<16xi32>
        %add3A_1010 = arith.addi %or3A_65, %add3A_1009 : vector<16xi32>
        %select_n3A_1011 = arith.select %lt3A_1007, %add3A_1010, %or3A_65 : vector<16xi1>, vector<16xi32>
        %reshape3A_1012 = vector.shape_cast %select_n3A_1011 : vector<16xi32> to vector<16x1xi32>
        %gather3A_1013 = vector.shape_cast %reshape3A_1012 : vector<16x1xi32> to vector<16xi32>
        %gather3A_1014 = tpu.dynamic_gather %add3A_1004[%gather3A_1013] in [0] : vector<16xf32>, vector<16xi32> -> vector<16xf32>
        %add3A_1015 = arith.addf %add3A_1004, %gather3A_1014 : vector<16xf32>
        %broadcast_in_dim3A_1016 = vector.broadcast %scan3A_113 : i32 to vector<16xi32>
        %eq3A = arith.cmpi eq, %and3A_70, %broadcast_in_dim3A_1016 : vector<16xi32>
        %sub3A_1017 = arith.constant 1.200000e+01 : f32
        %sub3A_1018 = vector.broadcast %sub3A_1017 : f32 to vector<16xf32>
        %sub3A_1019 = arith.subf %sub3A_1018, %add3A_1015 : vector<16xf32>
        %select_n3A_1020 = arith.select %eq3A, %sub3A_1019, %scan3A_114 : vector<16xi1>, vector<16xf32>
        scf.yield %select_n3A_1020 : vector<16xf32>
      }
      %scan3A_107 = arith.constant 8 : i32
      %mul3A_108 = arith.constant 16 : i32
      %mul3A_109 = arith.muli %scan3A_100, %mul3A_108 : i32
      %add3A_110 = arith.constant 9920 : i32
      %add3A_111 = arith.addi %add3A_110, %mul3A_109 : i32
      %swap3A = arith.index_cast %add3A_111 : i32 to index
      %swap3A_112 = tpu.vector_load %arg9[%swap3A] {strides = array<i32>} : memref<10000xf32, #tpu.memory_space<vmem>>, vector<16xf32>,
      tpu.vector_store %arg9[%swap3A], %scan3A_106 {strides = array<i32>} : memref<10000xf32, #tpu.memory_space<vmem>>, vector<16xf32>,
    }
    %scan3A_99 = arith.constant 5 : i32
    "tpu.region"() ({
      %run_scoped3A = tpu.sem_alloc : memref<!tpu.dma_semaphore, #tpu.memory_space<semaphore_mem>>
      %dma_start3A_100 = tpu.memref_slice %arg6[%mul3A_2] : memref<320000xf32, #tpu.memory_space<hbm>> -> memref<10000xf32, #tpu.memory_space<hbm>>
      %dma_start3A_101 = tpu.memref_slice %arg6[%mul3A_2] : memref<320000xf32, #tpu.memory_space<hbm>> -> memref<10000xf32, #tpu.memory_space<hbm>>
      tpu.enqueue_dma source(%arg9 : memref<10000xf32, #tpu.memory_space<vmem>>) target(%dma_start3A_101 : memref<10000xf32, #tpu.memory_space<hbm>>) target_semaphore(%run_scoped3A : memref<!tpu.dma_semaphore, #tpu.memory_space<semaphore_mem>>)
      %dma_wait3A_102 = tpu.memref_slice %arg6[%mul3A_2] : memref<320000xf32, #tpu.memory_space<hbm>> -> memref<10000xf32, #tpu.memory_space<hbm>>
      %dma_wait3A_103 = tpu.memref_slice %arg6[%mul3A_2] : memref<320000xf32, #tpu.memory_space<hbm>> -> memref<10000xf32, #tpu.memory_space<hbm>>
      tpu.wait_dma2 semaphore(%run_scoped3A : memref<!tpu.dma_semaphore, #tpu.memory_space<semaphore_mem>>) src(%arg9 : memref<10000xf32, #tpu.memory_space<vmem>>) dst(%dma_wait3A_103 : memref<10000xf32, #tpu.memory_space<hbm>>)
      tpu.yield
    }) : () -> ()
    return
  }
}

</mosaic_0001>

<sc_bundles>
// kernel: kernel.3.cloned.1.call-start
scs
__scs_entry_jumppad:
0x0: {  	(pc) =	sbr.rel $0x88, $3  }
0x1: {  	(tag) =	ssettag $0x0;
	lr =	simm.s32 $0x1  }
0x2: {  	[smem:$0x3F9E] =	sst lr;
	_ =	strace $0xD0000000  }
0x3: {  	_ = 	snop  }
0x4: {  	_ = 	snop  }
0x5: {  	_ = 	snop  }
0x6: {  	_ = 	snop  }
0x7: {  	_ = 	snop  }
__scs_overlays_trampoline_lowered:
0x8: {  	[smem:$0x3FAD] =	sst s0  }
0x9: {  	[smem:$0x3FAE] =	sst s1  }
0xa: {  	[smem:$0x3FAF] =	sst s2  }
0xb: {  	[smem:$0x3FB0] =	sst s3  }
0xc: {  	[smem:$0x3FB1] =	sst s4  }
0xd: {  	[smem:$0x3FB2] =	sst s5  }
0xe: {  	[smem:$0x3FB3] =	sst s6  }
0xf: {  	[smem:$0x3FB4] =	sst s7  }
0x10: {  	[smem:$0x3FB5] =	sst s8  }
0x11: {  	[smem:$0x3FB6] =	sst s9;
	s0 =	simm.s32 @!p0 $0x0  }
0x12: {  	s1 =	sld [smem:$0x3F9C];
	s0 =	simm.s32 @p0 $0x1  }
0x13: {  	[smem:$0x3FB7] =	sst s0;
	s0 =	simm.s32 @!p1 $0x0  }
0x14: {  	s2 =	sld [smem:$0x3F9B];
	s0 =	simm.s32 @p1 $0x1  }
0x15: {  	[smem:$0x3FB8] =	sst s0;
	s0 =	simm.s32 @!p2 $0x0  }
0x16: {  	s3 =	sld [smem:$0x3FDB];
	s0 =	simm.s32 @p2 $0x1  }
0x17: {  	s4 =	simm.s32 $0x1BF5;
	[smem:$0x3FBA] =	sst s0  }
0x18: {  	s0 =	sld [smem:$0x3F9D];
	_ =	swait.ge [sflag:s4], $0x0  }
0x19: {  	s7 =	sld [smem:$0x3F9E]  }
0x1a: {  	s8 =	sadd.s32 $0xFFFFE003, lr  }
0x1b: {  	s9 =	sadd.s32 $0xFFFFFEF7, lr;
	s5 =	simm.s32 $0xFFFFFFFF;
	p2 =	slt.u32 s8, $0xFFFFF086  }
0x1c: {  	p1 =	slt.u32 s9, $0xF7A;
	s5 =	simm.s32 @!p2 $0x0  }
0x1d: {  	s5 =	simm.s32 @p1 $0x1;
	p0 =	seq.s32 s7, s2  }
0x1e: {  	s7 =	smul.u32 @!p0 $0xF7A, s2;
	p2 =	seq.s32 @!p0 s5, $0x0  }
0x1f: {  	s9 =	smul.u32 $0xF7A, s1;
	s8 =	simm.s32 @!p0 $0x1BF5;
	p2 =	por !p2, p0  }
0x20: {  	[sflag:s8] =	ssyncset.s32 @!p0 $0xFFFFF086;
	s6 =	sadd.s32 @!p0 s3, s7;
	s7 =	simm.s32 @!p0 $0x108  }
0x21: {  	s3 =	sadd.s32 s3, s9;
	s6 =	sadd.s32 @!p0 $0x88, s6;
	s7 =	simm.s32 @p2 $0x1082  }
0x22: {  	[simem:s7], [sflag:s8] =	dma.local @!p0 [hbm:s6], $0xF7A  }
0x23: {  	s9 =	sor.u32 $0xD0000000, s2;
	s6 =	simm.s32 $0x108;
	_ =	swait.ge @!p0 [sflag:s8], $0x0  }
0x24: {  	s3 =	sadd.s32 $0x88, s3;
	s6 =	simm.s32 @!p1 $0x1082;
	[sflag:s4] =	ssyncset.s32 $0xFFFFF086  }
0x25: {  	[simem:s6], [sflag:s4] =	dma.local [hbm:s3], $0xF7A  }
0x26: {  	[smem:$0x3F9E] =	sst s1;
	(tag) =	ssettag s2;
	_ =	strace s9  }
0x27: {  	s1 =	sld [smem:$0x3FAE]  }
0x28: {  	s2 =	sld [smem:$0x3FAF]  }
0x29: {  	s4 =	sld [smem:$0x3FB1]  }
0x2a: {  	p0 =	seq.s32 s5, $0x0;
	s5 =	sld [smem:$0x3FB2]  }
0x2b: {  	s6 =	sld [smem:$0x3FB3]  }
0x2c: {  	s7 =	sld [smem:$0x3FB4]  }
0x2d: {  	s3 =	simm.s32 $0x108;
	s8 =	sld [smem:$0x3FB5]  }
0x2e: {  	s3 =	simm.s32 @!p0 $0x1082;
	s9 =	sld [smem:$0x3FB6]  }
0x2f: {  	lr =	sadd.s32 s0, s3;
	s0 =	sld [smem:$0x3FAD]  }
0x30: {  	s3 =	sld [smem:$0x3FB0]  }
0x31: {  	[smem:$0x3FB9] =	sst s10  }
0x32: {  	s10 =	sld [smem:$0x3FB7];
	_ =	sdelay $0x3  }
0x33: {  	p0 =	seq.s32 s10, $0x1;
	s10 =	sld [smem:$0x3FB9];
	_ =	sdelay $0x3  }
0x34: {  	[smem:$0x3FB9] =	sst s10  }
0x35: {  	s10 =	sld [smem:$0x3FB8];
	_ =	sdelay $0x3  }
0x36: {  	p1 =	seq.s32 s10, $0x1;
	s10 =	sld [smem:$0x3FB9];
	_ =	sdelay $0x3  }
0x37: {  	[smem:$0x3FB9] =	sst s10  }
0x38: {  	s10 =	sld [smem:$0x3FBA]  }
0x39: {  	_ = 	snop;
	(pc) =	sbr.ind lr, $3  }
0x3a: {  	_ = 	snop  }
0x3b: {  	_ = 	snop  }
0x3c: {  	p2 =	seq.s32 s10, $0x1;
	s10 =	sld [smem:$0x3FB9]  }
0x3d: {  	_ =	shalt  }
0x3e: {  	_ =	shalt  }
0x3f: {  	_ =	shalt  }
0x40: {  	_ =	shalt  }
0x41: {  	_ =	shalt  }
0x42: {  	_ =	shalt  }
0x43: {  	_ =	shalt  }
0x44: {  	_ =	shalt  }
0x45: {  	_ =	shalt  }
0x46: {  	_ =	shalt  }
0x47: {  	_ =	shalt  }
0x48: {  	_ =	shalt  }
0x49: {  	_ =	shalt  }
0x4a: {  	_ =	shalt  }
0x4b: {  	_ =	shalt  }
0x4c: {  	_ =	shalt  }
0x4d: {  	_ =	shalt  }
0x4e: {  	_ =	shalt  }
0x4f: {  	_ =	shalt  }
0x50: {  	_ =	shalt  }
0x51: {  	_ =	shalt  }
0x52: {  	_ =	shalt  }
0x53: {  	_ =	shalt  }
0x54: {  	_ =	shalt  }
0x55: {  	_ =	shalt  }
0x56: {  	_ =	shalt  }
0x57: {  	_ =	shalt  }
0x58: {  	_ =	shalt  }
0x59: {  	_ =	shalt  }
0x5a: {  	_ =	shalt  }
0x5b: {  	_ =	shalt  }
0x5c: {  	_ =	shalt  }
0x5d: {  	_ =	shalt  }
0x5e: {  	_ =	shalt  }
0x5f: {  	_ =	shalt  }
0x60: {  	_ =	shalt  }
0x61: {  	_ =	shalt  }
0x62: {  	_ =	shalt  }
0x63: {  	_ =	shalt  }
0x64: {  	_ =	shalt  }
0x65: {  	_ =	shalt  }
0x66: {  	_ =	shalt  }
0x67: {  	_ =	shalt  }
0x68: {  	_ =	shalt  }
0x69: {  	_ =	shalt  }
0x6a: {  	_ =	shalt  }
0x6b: {  	_ =	shalt  }
0x6c: {  	_ =	shalt  }
0x6d: {  	_ =	shalt  }
0x6e: {  	_ =	shalt  }
0x6f: {  	_ =	shalt  }
0x70: {  	_ =	shalt  }
0x71: {  	_ =	shalt  }
0x72: {  	_ =	shalt  }
0x73: {  	_ =	shalt  }
0x74: {  	_ =	shalt  }
0x75: {  	_ =	shalt  }
0x76: {  	_ =	shalt  }
0x77: {  	_ =	shalt  }
0x78: {  	_ =	shalt  }
0x79: {  	_ =	shalt  }
0x7a: {  	_ =	shalt  }
0x7b: {  	_ =	shalt  }
0x7c: {  	_ =	shalt  }
0x7d: {  	_ =	shalt  }
0x7e: {  	_ =	shalt  }
0x7f: {  	_ =	shalt  }
0x80: {  	_ =	shalt  }
0x81: {  	_ =	shalt  }
0x82: {  	_ =	shalt  }
0x83: {  	_ =	shalt  }
0x84: {  	_ =	shalt  }
0x85: {  	_ =	shalt  }
0x86: {  	_ =	shalt  }
0x87: {  	_ =	shalt  }
.Lfunc_end0:
.L_simem_size_0:
called_computation_lowered:
.L_overlay_start_0:
0x88: {  	s2 =	sld [smem:$0x3FD9]  }
0x89: {  	s3 =	sld [smem:$0x3FFE];
	_ =	sdelay $0x1  }
0x8a: {  	s1 =	srdreg.scid  }
0x8b: {  	s0 =	sand.u32 $0x1, s1  }
0x8c: {  	s17 =	sshll.u32 s0, $0xA;
	s2 =	sadd.s32 s3, s2  }
0x8d: {  	s2 =	sadd.s32 s2, s17  }
0x8e: {  	[smem:$0x3FC5] =	sst s2  }
0x8f: {  	_ = 	snop  }
0x90: {  	s2 =	sld [smem:$0x3FC9]  }
0x91: {  	s18 =	sld [smem:$0x3FD0];
	(tm) =	ssettm $0x1  }
0x92: {  	s4 =	sld [smem:$0x3FFB];
	_ =	sdelay $0x3  }
0x93: {  	_ =	strace s4  }
0x94: {  	s4 =	sld [smem:$0x3FFC];
	_ =	sdelay $0x3  }
0x95: {  	_ =	strace s4  }
0x96: {  	s4 =	sld [smem:$0x3FFD];
	_ =	sdelay $0x3  }
0x97: {  	_ =	strace s4  }
0x98: {  	_ =	strace $0x8FFFFFFF  }
0x99: {  	s19 =	sld [smem:$0x3FDB];
	_ =	sdelay $0x1  }
0x9a: {  	s5 =	simm.s32 $_scs_section_size  }
0x9b: {  	s6 =	simm.s32 $_size__tile_overlayer_lowered;
	s7 =	simm.s32 $_tile_overlayer_lowered  }
0x9c: {  	s22 =	simm.s32 $0x1BFF;
	s21 =	sshll.u32 s7, $0x1;
	s4 =	sadd.s32 s5, s19  }
0x9d: {  	s8 =	simm.s32 $0x0;
	s20 =	sshll.u32 s6, $0x1;
	s6 =	sadd.s32 s21, s4  }
0x9e: {  	[timem:s8], [sflag:s22] =	dma.local [hbm:s6], s20  }
0x9f: {  	_ =	swait.ge [sflag:s22], s20  }
0xa0: {  	s5 =	ssub.s32 $0x0, s20;
	[sflag:s22] =	ssyncset.done $0x0  }
0xa1: {  	[sflag:s22] =	ssyncadd.s32 s5;
	_ =	sdelay $0x1  }
0xa2: {  	s23 =	simm.s32 $0x1B8B  }
0xa3: {  	_ =	swait.ge [sflag:s23], $0x1  }
0xa4: {  	[sflag:s23] =	ssyncset.done $0x0  }
0xa5: {  	s25 =	simm.s32 $0x1B8E;
	s24 =	sld [smem:$0x3FFE];
	[sflag:s23] =	ssyncadd.s32 $0xFFFFFFFF  }
0xa6: {  	s26 =	simm.s32 $execute0_lowered;
	[smem:$0x3FD2] =	sst s25  }
0xa7: {  	s6 =	sshll.u32 s26, $0x1;
	_ =	strace $0x80000046;
	[dreg:$0x1] =	wrdreg $0xFFFFFFFF  }
0xa8: {  	s28 =	simm.s32 $_size_execute0_lowered;
	s4 =	sadd.s32 s4, s6;
	[dreg:$0x0] =	wrdreg $0x0  }
0xa9: {  	s6 =	sshll.u32 s28, $0x1;
	[dreg:$0x2] =	wrdreg s4  }
0xaa: {  	[dreg:$0x3] =	wrdreg s6  }
0xab: {  	[dreg:$0x4] =	wrdreg $0xC0  }
0xac: {  	_ =	task [dreg:s8], $0x5FFFF  }
0xad: {  	[dreg:$0x1] =	wrdreg $0xFFFFFFFF  }
0xae: {  	[dreg:$0x0] =	wrdreg $0x60  }
0xaf: {  	[dreg:$0x2] =	wrdreg s2  }
0xb0: {  	[dreg:$0x3] =	wrdreg s24  }
0xb1: {  	[dreg:$0x4] =	wrdreg s18  }
0xb2: {  	[dreg:$0x5] =	wrdreg $0x9  }
0xb3: {  	_ =	task.clear_ibuf [dreg:s8], $0x6FFFF;
	_ =	strace $0x90000046  }
0xb4: {  	s29 =	simm.s32 $0x9;
	_ =	strace $0x80000048  }
0xb5: {  	_ =	swait.ge [sflag:s29], $0x1  }
0xb6: {  	[sflag:s29] =	ssyncadd.s32 $0xFFFFFFFF  }
0xb7: {  	_ =	strace $0x90000048  }
0xb8: {  	_ =	sfence  }
0xb9: {  	s30 =	sld [smem:$0x0];
	_ =	sdelay $0x2  }
0xba: {  	s31 =	sshll.u32 s1, $0xD;
	s1 =	sshrl.u32 s1, $0x2  }
0xbb: {  	s3 =	sand.u32 $0x4000, s31;
	s1 =	sadd.s32 s1, s30  }
0xbc: {  	s0 =	sor.u32 s3, s0;
	s1 =	sshll.u32 s1, $0x11  }
0xbd: {  	s0 =	sor.u32 s1, s0  }
0xbe: {  	s0 =	sadd.s32 $0x8F2B, s0  }
0xbf: {  	[sflag:s0] =	ssyncadd.remote.s32 $0x1  }
0xc0: {  	_ =	sfence.sel $0xFFFF  }
0xc1: {  	[dreg:$0x0] =	wrdreg $0xFFFFFFFF;
	(pc) =	sbr.abs _section_cstart, $3  }
0xc2: {  	[dreg:$0x1] =	wrdreg $0xFFFFFFFF  }
0xc3: {  	_ =	task.clear_ibuf [dreg:s8], $0x2FFFF;
	_ =	strace $0x9FFFFFFF  }
0xc4: {  	(tm) =	ssettm $0x7FFFFFFF  }
0xc5: {  	_ =	shalt  }
tec
execute0_lowered:
.L_overlay_start_1:
0x0: {  	(tag) =	ssettag $0x1  }
0x1: {  	vm1 =	vcmask $0x300;
	v0 =	vimm.f32 $0.0e+00;
	vm2 =	vcmask $0xB08  }
0x2: {  	vm3 =	vcmask $0x1310;
	vm0 =	vcmask $0x1B18;
	v1 =	vimm.f32 $-1.000000000e+00  }
0x3: {  	v2 =	vimm.s32 $0xFEDCBA98;
	vm4 =	vcmask $0x704;
	v3 =	vimm.s32 $0x76543210  }
0x4: {  	v5 =	vimm.s32 $0x98FEDCBA;
	v6 =	vimm.s32 $0x10765432;
	v0 =	vsel vm1, $0x3F800000, v0  }
0x5: {  	v1 =	vsel vm1, $0x0, v1;
	v2 =	vunpack.c.l.s4.s8 v2;
	vm1 =	vcmask $0x2320  }
0x6: {  	v5 =	vunpack.c.l.s4.s8 v5;
	v6 =	vunpack.c.l.s4.s8 v6;
	v0 =	vsel vm2, $0xBF800000, v0  }
0x7: {  	v3 =	vunpack.c.l.s4.s8 v3;
	v1 =	vsel vm4, $0x3F800000, v1;
	v0 =	vsel vm3, $0x3F800000, v0  }
0x8: {  	v5 =	vunpack.c.0.s8.s32 v5;
	v6 =	vunpack.c.0.s8.s32 v6;
	v0 =	vsel vm0, $0xBF800000, v0  }
0x9: {  	v4 =	vsel vm1, $0x3F800000, v0;
	v0 =	vsel vm2, $0x0, v1;
	v1 =	vunpack.c.0.s8.s32 v2  }
0xa: {  	vm2 =	vcmask $0x1714;
	v2 =	vunpack.c.0.s8.s32 v3;
	v61 =	vcombine.low v6, v5  }
0xb: {  	s0 =	rddreg [dreg:$0x0];
	v5 =	vimm.s32 $0x8FEDCBA9;
	v6 =	vimm.s32 $0x7654321;
	v0 =	vsel vm3, $0x0, v0  }
0xc: {  	s1 =	rddreg [dreg:$0x1];
	s2 =	srdreg.scid;
	v5 =	vunpack.c.l.s4.s8 v5;
	v6 =	vunpack.c.l.s4.s8 v6;
	v3 =	vsel vm2, $0x3F800000, v0  }
0xd: {  	s3 =	stileid.u32;
	s7 =	rddreg [dreg:$0x2];
	v0 =	vand.u32 $0xF, v1;
	v1 =	vimm.s32 $0xBA98FEDC;
	vm2 =	vcmask $0x2B28  }
0xe: {  	s11 =	simm.s32 $0x3;
	s13 =	simm.s32 $0x50;
	s14 =	simm.s32 $0x7680;
	v63 =	vcombine.low v0, v2;
	v1 =	vunpack.c.l.s4.s8 v1;
	v2 =	vimm.s32 $0x32107654  }
0xf: {  	s15 =	simm.s32 $0x9E80;
	s16 =	simm.s32 $0xC680;
	s17 =	simm.s32 $0xEE80;
	v4 =	vsel vm2, $0xBF800000, v4;
	v3 =	vsel vm0, $0x0, v3;
	vm0 =	vcmask $0x3330  }
0x10: {  	s18 =	simm.s32 $0x11680;
	s2 =	sand.u32 $0x1, s2;
	s4 =	sshll.u32 s3, $0x1;
	v5 =	vunpack.c.0.s8.s32 v5;
	v6 =	vunpack.c.0.s8.s32 v6;
	v2 =	vunpack.c.l.s4.s8 v2  }
0x11: {  	s19 =	simm.s32 $0x13E80;
	s3 =	simm.s32 $0x0;
	s5 =	sor.u32 s2, s4;
	v3 =	vsel vm1, $0x0, v3;
	vm1 =	vcmask $0x2724;
	v4 =	vsel vm0, $0x3F800000, v4  }
0x12: {  	s20 =	simm.s32 $0x1;
	[smem:$0x7FF] =	sst s3;
	s4 =	smul.u32 $0x2710, s5;
	v1 =	vunpack.c.0.s8.s32 v1;
	v3 =	vsel vm1, $0x3F800000, v3;
	vm1 =	vcmask $0x3B38  }
0x13: {  	s21 =	simm.s32 $0x2;
	s23 =	simm.s32 $0x0;
	_ =	strace $0x80000047;
	[tilespmem:$0x1FFF0] =	vst v61;
	v0 =	vcombine.low v6, v5;
	v6 =	vlaneseq.u32;
	v2 =	vunpack.c.0.s8.s32 v2  }
0x14: {  	s2 =	ssub.s32 $0x2, s2;
	s8 =	smul.u32 $0x27100, s5;
	s9 =	sshrl.u32 s4, $0x3;
	[tilespmem:$0x1FFC0] =	vst v63;
	v7 =	vsel vm2, $0x0, v3;
	v3 =	vsel vm1, $0xBF800000, v4;
	v60 =	vand.u32 $0x7, v6  }
0x15: {  	s5 =	sadd.s32 $0x13C00, s1;
	s10 =	sshrl.u32 s2, $0x1;
	s6 =	sadd.s32 s1, s9;
	v4 =	vsel vm0, $0x0, v7;
	vm0 =	vcmask $0x3734;
	[tilespmem:$0x1FFB0] =	vst v0;
	v62 =	vcombine.low v2, v1  }
0x16: {  	s30 =	ssub.s32 s2, s10;
	s8 =	sadd.s32 s5, s8;
	s31 =	sadd.s32 $0x9E00, s6;
	[tilespmem:$0x1FFE0] =	vst v60;
	v7 =	vsel vm0, $0x3F800000, v4  }
0x17: {  	s10 =	smax.u32 s30, $0x1;
	s9 =	sadd.s32 s7, s9;
	[dreg:$0x4] =	wrdreg s31;
	vm0 =	vmmov $0xff;
	v5 =	vsel vm1, $0x0, v7;
	[tilespmem:$0x1FFD0] =	vst v62  }
.LBB2_1:
0x18: {  	s1 =	rddreg [dreg:$0x4]  }
0x19: {  	[tilespmem:s3], [sflag:$0x3] =	stream.linear.gather [hbm4b:s1+s3], $0x2710, $0x38;
	[tilespmem:$0x16680] =	vst v63  }
0x1a: {  	_ =	swait.ge [sflag:s11], $0x2710  }
0x1b: {  	[sflag:s11] =	ssyncset.done $0x0  }
0x1c: {  	s31 =	simm.s32 $0x2780;
	[sflag:s11] =	ssyncadd.s32 $0xFFFFD8F0  }
0x1d: {  	[tilespmem:s31], [sflag:$0x3] =	stream.linear.gather [hbm4b:s6+s3], $0x2710, $0x38;
	[tilespmem:$0x16680] =	vst v63  }
0x1e: {  	_ =	swait.ge [sflag:s11], $0x2710  }
0x1f: {  	[sflag:s11] =	ssyncset.done $0x0  }
0x20: {  	[sflag:s11] =	ssyncadd.s32 $0xFFFFD8F0  }
0x21: {  	[tilespmem:s14], [sflag:$0x1] =	stream.indirect.gather [hbm4b:s0+s13], $0x80, s3, s13, $0xb8;
	[tilespmem:$0x16680] =	vst v63  }
0x22: {  	_ = 	snop  }
0x23: {  	[tilespmem:s15], [sflag:$0x1] =	stream.indirect.gather [hbm4b:s0+s13], $0x80, s31, s13, $0xb8;
	[tilespmem:$0x16680] =	vst v63  }
0x24: {  	s24 =	simm.s32 $0x0  }
0x25: {  	[tilespmem:s16], [sflag:$0x1] =	stream.linear.gather [hbm4b:s8+s3], $0x2800, $0x38;
	[tilespmem:$0x16680] =	vst v63  }
.LBB2_2:
0x26: {  	s26 =	smul.u32 $0xA0, s24;
	_ =	sdelay $0x1  }
0x27: {  	s25 =	sadd.s32 $0x50, s26  }
0x28: {  	[tilespmem:s17], [sflag:$0x2] =	stream.indirect.gather [hbm4b:s0+s13], $0x80, s25, s13, $0xb8;
	[tilespmem:$0x16680] =	vst v63  }
0x29: {  	s1 =	sadd.s32 $0x27D0, s26;
	s30 =	sadd.s32 s4, s25  }
0x2a: {  	[tilespmem:s18], [sflag:$0x2] =	stream.indirect.gather [hbm4b:s0+s13], $0x80, s1, s13, $0xb8;
	[tilespmem:$0x16680] =	vst v63  }
0x2b: {  	s1 =	sshll.u32 s30, $0x4  }
0x2c: {  	s28 =	simm.s32 $0x0;
	s1 =	sadd.s32 s5, s1  }
0x2d: {  	[tilespmem:s19], [sflag:$0x2] =	stream.linear.gather [hbm4b:s1+s28], $0x2800, $0x38;
	[tilespmem:$0x16680] =	vst v63  }
0x2e: {  	_ =	swait.ge [sflag:s20], $0x2800  }
0x2f: {  	[sflag:s20] =	ssyncset.done $0x0  }
0x30: {  	[sflag:s20] =	ssyncadd.s32 $0xFFFFD800  }
0x31: {  	s31 =	smul.u32 $0x280, s24;
	_ =	swait.ge [sflag:s20], $0x2800  }
0x32: {  	[sflag:s20] =	ssyncset.done $0x0  }
0x33: {  	s1 =	sshra.s32 s31, $0x2;
	[sflag:s20] =	ssyncadd.s32 $0xFFFFD800  }
0x34: {  	s2 =	sadd.s32 $0x4F00, s1;
	_ =	swait.ge [sflag:s20], $0x2800  }
0x35: {  	s7 =	simm.s32 $0x7A80;
	v0 =	vmov s2;
	[sflag:s20] =	ssyncset.done $0x0  }
0x36: {  	s12 =	simm.s32 $0xCA80;
	s1 =	simm.s32 $0xA280;
	[tilespmem:$0x1FFA0] =	vst v0;
	[sflag:s20] =	ssyncadd.s32 $0xFFFFD800  }
.LBB2_3:
0x37: {  	v8 =	vld [tilespmem:s12+$0xFFFFFC00]  }
0x38: {  	v9 =	vld [tilespmem:s12+$0xFFFFFC10]  }
0x39: {  	v10 =	vld [tilespmem:s12+$0xFFFFFC20]  }
0x3a: {  	v11 =	vld [tilespmem:s12+$0xFFFFFC30]  }
0x3b: {  	v12 =	vld [tilespmem:s12+$0x0]  }
0x3c: {  	v13 =	vld [tilespmem:s12+$0x10]  }
0x3d: {  	v14 =	vld [tilespmem:s12+$0x20]  }
0x3e: {  	v15 =	vld [tilespmem:s12+$0x30]  }
0x3f: {  	v8 =	vmul.f32 $9.142857550e+00, v8;
	v20 =	vmul.f32 $9.142857550e+00, v9  }
0x40: {  	v10 =	vmul.f32 $9.142857550e+00, v10;
	v26 =	vmul.f32 $9.142857550e+00, v11  }
0x41: {  	v27 =	vmul.f32 $9.142857550e+00, v12;
	v28 =	vmul.f32 $9.142857550e+00, v13  }
0x42: {  	v29 =	vmul.f32 $9.142857550e+00, v14;
	v9 =	vadd.f32 $1.258291200e+07, v8;
	v11 =	vadd.f32 $1.258291200e+07, v20  }
0x43: {  	v30 =	vmul.f32 $9.142857550e+00, v15;
	v12 =	vadd.f32 $1.258291200e+07, v10;
	v13 =	vadd.f32 $1.258291200e+07, v26  }
0x44: {  	v14 =	vadd.f32 $1.258291200e+07, v27;
	v31 =	vadd.f32 $1.258291200e+07, v28  }
0x45: {  	v32 =	vadd.f32 $1.258291200e+07, v29;
	v33 =	vadd.f32 $1.258291200e+07, v30  }
0x46: {  	v15 =	vand.u32 $0x3, v9;
	v16 =	vand.u32 $0x3, v11;
	v17 =	vand.u32 $0x3, v12  }
0x47: {  	v18 =	vand.u32 $0x3, v13;
	v34 =	vand.u32 $0x3, v14;
	v35 =	vand.u32 $0x3, v31  }
0x48: {  	v9 =	vadd.f32 $-1.258291200e+07, v9;
	v36 =	vadd.f32 $-1.258291200e+07, v11;
	v37 =	vand.u32 $0x3, v32  }
0x49: {  	v38 =	vand.u32 $0x3, v33;
	v24 =	vperm.xlane v3, v15;
	v25 =	vperm.xlane v5, v15  }
0x4a: {  	v39 =	vadd.f32 $-1.258291200e+07, v12;
	v22 =	vperm.xlane v3, v16;
	v23 =	vperm.xlane v5, v16  }
0x4b: {  	v40 =	vadd.f32 $-1.258291200e+07, v13;
	v19 =	vperm.xlane v3, v17;
	v21 =	vperm.xlane v5, v17  }
0x4c: {  	v41 =	vadd.f32 $-1.258291200e+07, v14;
	v2 =	vperm.xlane v3, v18;
	v17 =	vperm.xlane v5, v18  }
0x4d: {  	v31 =	vadd.f32 $-1.258291200e+07, v31;
	v0 =	vperm.xlane v3, v34;
	v1 =	vperm.xlane v5, v34  }
0x4e: {  	v32 =	vadd.f32 $-1.258291200e+07, v32;
	v13 =	vperm.xlane v3, v35;
	v14 =	vperm.xlane v5, v35  }
0x4f: {  	v33 =	vadd.f32 $-1.258291200e+07, v33;
	v11 =	vperm.xlane v3, v37;
	v12 =	vperm.xlane v5, v37  }
0x50: {  	v8 =	vsub.f32 v8, v9;
	v9 =	vperm.xlane v3, v38;
	v20 =	vsub.f32 v20, v36  }
0x51: {  	v58 =	vsub.f32 v10, v39;
	v10 =	vperm.xlane v5, v38;
	v26 =	vsub.f32 v26, v40  }
0x52: {  	v27 =	vsub.f32 v27, v41;
	v28 =	vsub.f32 v28, v31;
	v8 =	vmul.f32 $1.570796370e+00, v8  }
0x53: {  	v29 =	vsub.f32 v29, v32;
	v20 =	vmul.f32 $1.570796370e+00, v20;
	v31 =	vmul.f32 $1.570796370e+00, v58  }
0x54: {  	v30 =	vsub.f32 v30, v33;
	v26 =	vmul.f32 $1.570796370e+00, v26;
	v27 =	vmul.f32 $1.570796370e+00, v27  }
0x55: {  	v28 =	vmul.f32 $1.570796370e+00, v28;
	v29 =	vmul.f32 $1.570796370e+00, v29  }
0x56: {  	v30 =	vmul.f32 $1.570796370e+00, v30;
	v32 =	vmul.f32 v8, v8  }
0x57: {  	v33 =	vmul.f32 v20, v20;
	v34 =	vmul.f32 v31, v31  }
0x58: {  	v35 =	vmul.f32 v26, v26;
	v36 =	vmul.f32 v27, v27  }
0x59: {  	v37 =	vmul.f32 v28, v28;
	v38 =	vmul.f32 v29, v29  }
0x5a: {  	v40 =	vmul.f32 v30, v30;
	v59 =	vmul.f32 $1.660500020e-01, v32  }
0x5b: {  	v60 =	vmul.f32 $1.660500020e-01, v33;
	v42 =	vmul.f32 $1.660500020e-01, v34  }
0x5c: {  	v43 =	vmul.f32 $1.660500020e-01, v35;
	v44 =	vmul.f32 $1.660500020e-01, v36  }
0x5d: {  	v45 =	vmul.f32 $1.660500020e-01, v37;
	v46 =	vmul.f32 $1.660500020e-01, v38  }
0x5e: {  	v47 =	vmul.f32 $4.166666790e-02, v32;
	v48 =	vmul.f32 $1.660500020e-01, v40  }
0x5f: {  	v49 =	vmul.f32 $4.166666790e-02, v33;
	v50 =	vmul.f32 $4.166666790e-02, v34  }
0x60: {  	v52 =	vmul.f32 $4.166666790e-02, v35;
	v39 =	vsub.f32 $1.000000000e+00, v59;
	v41 =	vsub.f32 $1.000000000e+00, v60  }
0x61: {  	v51 =	vld [tilespmem:s7+$0xFFFFFC00];
	v54 =	vmul.f32 $4.166666790e-02, v36;
	v42 =	vsub.f32 $1.000000000e+00, v42;
	v43 =	vsub.f32 $1.000000000e+00, v43  }
0x62: {  	v53 =	vld [tilespmem:s7+$0xFFFFFC40];
	v56 =	vmul.f32 $4.166666790e-02, v37;
	v44 =	vsub.f32 $1.000000000e+00, v44;
	v45 =	vsub.f32 $1.000000000e+00, v45  }
0x63: {  	v55 =	vld [tilespmem:s7+$0xFFFFFC10];
	v58 =	vmul.f32 $4.166666790e-02, v38;
	v46 =	vsub.f32 $1.000000000e+00, v46;
	v48 =	vsub.f32 $1.000000000e+00, v48  }
0x64: {  	v57 =	vld [tilespmem:s7+$0xFFFFFC50];
	v47 =	vadd.f32 $-5.000000000e-01, v47;
	v49 =	vadd.f32 $-5.000000000e-01, v49;
	v60 =	vmul.f32 $4.166666790e-02, v40  }
0x65: {  	v59 =	vld [tilespmem:s7+$0xFFFFFC20];
	v61 =	vadd.f32 $-5.000000000e-01, v52;
	v8 =	vmul.f32 v39, v8;
	v20 =	vmul.f32 v41, v20  }
0x66: {  	v62 =	vadd.f32 $-5.000000000e-01, v54;
	v39 =	vld [tilespmem:s7+$0xFFFFFC60];
	v31 =	vmul.f32 v42, v31;
	v26 =	vmul.f32 v43, v26  }
0x67: {  	v63 =	vadd.f32 $-5.000000000e-01, v56;
	v42 =	vld [tilespmem:s7+$0xFFFFFC30];
	v27 =	vmul.f32 v44, v27;
	v28 =	vmul.f32 v45, v28  }
0x68: {  	v41 =	vadd.f32 $-5.000000000e-01, v50;
	v50 =	vld [tilespmem:s7+$0xFFFFFC70];
	v29 =	vmul.f32 v46, v29;
	v30 =	vmul.f32 v48, v30  }
0x69: {  	v56 =	vadd.f32 $-5.000000000e-01, v58;
	v45 =	vld [tilespmem:s7+$0x0];
	v32 =	vmul.f32 v47, v32;
	v33 =	vmul.f32 v49, v33  }
0x6a: {  	v46 =	vld [tilespmem:s7+$0x40];
	v35 =	vmul.f32 v61, v35;
	v58 =	vadd.f32 $-5.000000000e-01, v60;
	v36 =	vmul.f32 v62, v36  }
0x6b: {  	v44 =	vld [tilespmem:s7+$0x50];
	v37 =	vmul.f32 v63, v37;
	v38 =	vmul.f32 v56, v38  }
0x6c: {  	v48 =	vld [tilespmem:s7+$0x20];
	v34 =	vmul.f32 v41, v34;
	v40 =	vmul.f32 v58, v40  }
0x6d: {  	v49 =	vld [tilespmem:s7+$0x60];
	v43 =	vmul.f32 v8, v53;
	v47 =	vmul.f32 v8, v51  }
0x6e: {  	v60 =	vld [tilespmem:s7+$0x70];
	v52 =	vmul.f32 v20, v57;
	v54 =	vmul.f32 v20, v55  }
0x6f: {  	v56 =	vld [tilespmem:s7+$0x30];
	v58 =	vmul.f32 v31, v39;
	v31 =	vmul.f32 v31, v59  }
0x70: {  	v41 =	vld [tilespmem:s7+$0x10];
	v61 =	vmul.f32 v26, v50;
	v62 =	vmul.f32 v26, v42  }
0x71: {  	v63 =	vmul.f32 v27, v46;
	v7 =	vmul.f32 v27, v45  }
0x72: {  	v8 =	vadd.f32 $1.000000000e+00, v32;
	v15 =	vmul.f32 v28, v44;
	v18 =	vmul.f32 v29, v49  }
0x73: {  	v6 =	vmul.f32 v29, v48;
	v4 =	vmul.f32 v30, v60  }
0x74: {  	v26 =	vadd.f32 $1.000000000e+00, v33;
	v20 =	vmul.f32 v30, v56;
	v27 =	vmul.f32 v8, v51  }
0x75: {  	v30 =	vadd.f32 $1.000000000e+00, v35;
	v16 =	vmul.f32 v28, v41;
	v28 =	vmul.f32 v8, v53  }
0x76: {  	v38 =	vadd.f32 $1.000000000e+00, v38;
	v29 =	vmul.f32 v26, v55;
	v26 =	vmul.f32 v26, v57  }
0x77: {  	v8 =	vadd.f32 $1.000000000e+00, v34;
	v34 =	vmul.f32 v30, v42;
	v35 =	vmul.f32 v30, v50  }
0x78: {  	v30 =	vadd.f32 $1.000000000e+00, v37;
	v42 =	vmul.f32 v38, v48;
	v53 =	vsub.f32 v27, v43  }
0x79: {  	v59 =	vmul.f32 v8, v59;
	v33 =	vmul.f32 v8, v39;
	v8 =	vadd.f32 $1.000000000e+00, v36  }
0x7a: {  	v39 =	vmul.f32 v30, v41;
	v41 =	vmul.f32 v30, v44;
	v30 =	vadd.f32 $1.000000000e+00, v40  }
0x7b: {  	v44 =	vmul.f32 v38, v49;
	v28 =	vadd.f32 v28, v47;
	v57 =	vadd.f32 v26, v54  }
0x7c: {  	v26 =	vmul.f32 v53, v25;
	v61 =	vsub.f32 v34, v61;
	v36 =	vmul.f32 v8, v45  }
0x7d: {  	v62 =	vadd.f32 v35, v62;
	v37 =	vmul.f32 v8, v46;
	v55 =	vmul.f32 v30, v56  }
0x7e: {  	v56 =	vsub.f32 v29, v52;
	v27 =	vmul.f32 v30, v60;
	v29 =	vmul.f32 v53, v24  }
0x7f: {  	v30 =	vmul.f32 v28, v25;
	v59 =	vsub.f32 v59, v58;
	v25 =	vmul.f32 v28, v24  }
0x80: {  	v60 =	vadd.f32 v33, v31;
	v31 =	vmul.f32 v57, v23;
	v24 =	vmul.f32 v57, v22  }
0x81: {  	v48 =	vsub.f32 v39, v15;
	v38 =	vmul.f32 v61, v17;
	v39 =	vmul.f32 v62, v2  }
0x82: {  	v49 =	vadd.f32 v41, v16;
	v28 =	vmul.f32 v56, v22;
	v23 =	vmul.f32 v56, v23  }
0x83: {  	v46 =	vsub.f32 v42, v18;
	v18 =	vld [tilespmem:s1+$0xFFFFFC20];
	v32 =	vmul.f32 v59, v19;
	v33 =	vmul.f32 v60, v21  }
0x84: {  	v15 =	vld [tilespmem:s1+$0xFFFFFC60];
	v63 =	vsub.f32 v36, v63;
	v34 =	vmul.f32 v59, v21;
	v35 =	vmul.f32 v60, v19  }
0x85: {  	v22 =	vld [tilespmem:s1+$0xFFFFFC00];
	v7 =	vadd.f32 v37, v7;
	v36 =	vmul.f32 v61, v2;
	v37 =	vmul.f32 v62, v17  }
0x86: {  	v8 =	vimm.f32 $0.0e+00;
	v19 =	vld [tilespmem:s1+$0xFFFFFC40];
	v43 =	vmul.f32 v48, v13;
	v45 =	vmul.f32 v49, v14  }
0x87: {  	s22 =	simm.s32 $0x1;
	s30 =	smov.u32 s1;
	v47 =	vadd.f32 v44, v6;
	v21 =	vld [tilespmem:s1+$0xFFFFFC10];
	v40 =	vmul.f32 v63, v0;
	v41 =	vmul.f32 v7, v1  }
0x88: {  	s31 =	smov.u32 s12;
	s2 =	simm.s32 $0x0;
	s29 =	smov.u32 s7;
	v17 =	vld [tilespmem:s1+$0xFFFFFC50];
	v44 =	vsub.f32 v55, v4;
	v16 =	vmul.f32 v63, v1;
	v42 =	vmul.f32 v7, v0  }
.LBB2_4:
0x89: {  	v14 =	vmul.f32 v48, v14  }
0x8a: {  	v13 =	vmul.f32 v49, v13;
	v20 =	vadd.f32 v27, v20;
	v27 =	vsub.f32 v29, v30  }
0x8b: {  	v30 =	vmul.f32 v46, v11;
	v25 =	vadd.f32 v25, v26;
	v26 =	vsub.f32 v28, v31  }
0x8c: {  	s31 =	sadd.s32 $0x80, s31;
	v55 =	vmul.f32 v47, v12;
	v24 =	vadd.f32 v24, v23;
	v32 =	vsub.f32 v32, v33  }
0x8d: {  	v12 =	vmul.f32 v46, v12;
	v31 =	vld [tilespmem:s31+$0xFFFFFC00];
	v56 =	vadd.f32 v35, v34;
	v57 =	vsub.f32 v36, v37  }
0x8e: {  	v11 =	vmul.f32 v47, v11;
	v23 =	vld [tilespmem:s31+$0xFFFFFC10];
	v60 =	vadd.f32 v39, v38;
	v61 =	vsub.f32 v40, v41  }
0x8f: {  	v58 =	vmul.f32 v44, v9;
	v59 =	vld [tilespmem:s31+$0xFFFFFC20];
	v16 =	vadd.f32 v42, v16;
	v45 =	vsub.f32 v43, v45  }
0x90: {  	v63 =	vld [tilespmem:s31+$0xFFFFFC30];
	v46 =	vmul.f32 v44, v10;
	v62 =	vmul.f32 v20, v10;
	v13 =	vadd.f32 v13, v14  }
0x91: {  	v47 =	vld [tilespmem:s31+$0x0];
	v20 =	vmul.f32 v20, v9;
	v14 =	vsub.f32 v30, v55;
	v11 =	vadd.f32 v11, v12  }
0x92: {  	v7 =	vld [tilespmem:s30+$0xFFFFFC30];
	v12 =	vsub.f32 v58, v62;
	v22 =	vsub.f32 v27, v22  }
0x93: {  	v50 =	vld [tilespmem:s30+$0x20];
	v49 =	vadd.f32 v20, v46;
	v19 =	vsub.f32 v25, v19  }
0x94: {  	v29 =	vld [tilespmem:s30+$0xFFFFFC70];
	v21 =	vsub.f32 v26, v21;
	v17 =	vsub.f32 v24, v17;
	v9 =	vmul.f32 $9.142857550e+00, v31  }
0x95: {  	v28 =	vld [tilespmem:s30+$0x0];
	v18 =	vsub.f32 v32, v18;
	v10 =	vmul.f32 $9.142857550e+00, v23;
	v20 =	vmul.f32 $9.142857550e+00, v59  }
0x96: {  	v15 =	vsub.f32 v56, v15;
	v23 =	vmul.f32 $9.142857550e+00, v63;
	v26 =	vmul.f32 $9.142857550e+00, v47  }
0x97: {  	v30 =	vld [tilespmem:s31+$0x10];
	v7 =	vsub.f32 v57, v7;
	v22 =	vmul.f32 v22, v22;
	v19 =	vmul.f32 v19, v19  }
0x98: {  	v25 =	vld [tilespmem:s30+$0x10];
	v14 =	vsub.f32 v14, v50;
	v21 =	vmul.f32 v21, v21;
	v17 =	vmul.f32 v17, v17  }
0x99: {  	v24 =	vld [tilespmem:s30+$0x50];
	v29 =	vsub.f32 v60, v29;
	v18 =	vmul.f32 v18, v18;
	v15 =	vmul.f32 v15, v15  }
0x9a: {  	v31 =	vld [tilespmem:s30+$0x40];
	v28 =	vsub.f32 v61, v28;
	v7 =	vmul.f32 v7, v7;
	v19 =	vadd.f32 v19, v22  }
0x9b: {  	v14 =	vmul.f32 v14, v14;
	v17 =	vadd.f32 v17, v21;
	v15 =	vadd.f32 v15, v18  }
0x9c: {  	v27 =	vmul.f32 $9.142857550e+00, v30;
	v30 =	vld [tilespmem:s30+$0x60];
	v59 =	vadd.f32 $1.258291200e+07, v10;
	v61 =	vadd.f32 $1.258291200e+07, v20  }
0x9d: {  	v51 =	vld [tilespmem:s30+$0x70];
	v28 =	vmul.f32 v28, v28;
	v62 =	vadd.f32 $1.258291200e+07, v26;
	v25 =	vsub.f32 v45, v25  }
0x9e: {  	v13 =	vsub.f32 v13, v24;
	v24 =	vmul.f32 v29, v29;
	v29 =	vld [tilespmem:s31+$0x20];
	v21 =	vshra.s32 v19, $0x1  }
0x9f: {  	v22 =	vmul.f32 $5.000000000e-01, v17;
	v16 =	vsub.f32 v16, v31;
	v25 =	vmul.f32 v25, v25  }
0xa0: {  	v13 =	vmul.f32 v13, v13;
	v7 =	vadd.f32 v24, v7;
	v24 =	vshra.s32 v15, $0x1  }
0xa1: {  	v31 =	vld [tilespmem:s30+$0x30];
	v21 =	vsub.s32 $0x5F3759DF, v21;
	v16 =	vmul.f32 v16, v16;
	v11 =	vsub.f32 v11, v30  }
0xa2: {  	v30 =	vsub.f32 v49, v51;
	v13 =	vadd.f32 v13, v25;
	v25 =	vmul.f32 $5.000000000e-01, v15  }
0xa3: {  	v24 =	vsub.s32 $0x5F3759DF, v24;
	v29 =	vmul.f32 $9.142857550e+00, v29;
	v11 =	vmul.f32 v11, v11  }
0xa4: {  	v18 =	vmul.f32 v30, v30;
	v16 =	vadd.f32 v16, v28;
	v28 =	vshra.s32 v7, $0x1  }
0xa5: {  	v30 =	vmul.f32 $5.000000000e-01, v7;
	v53 =	vshra.s32 v13, $0x1;
	v54 =	vmul.f32 $5.000000000e-01, v13  }
0xa6: {  	v25 =	vmul.f32 v24, v25;
	v12 =	vsub.f32 v12, v31;
	v28 =	vsub.s32 $0x5F3759DF, v28  }
0xa7: {  	v33 =	vsub.s32 $0x5F3759DF, v53;
	v11 =	vadd.f32 v11, v14;
	v14 =	vmul.f32 $5.000000000e-01, v19  }
0xa8: {  	v45 =	vadd.f32 $1.258291200e+07, v29;
	v52 =	vmul.f32 $5.000000000e-01, v16;
	v30 =	vmul.f32 v28, v30  }
0xa9: {  	v31 =	vshra.s32 v16, $0x1;
	v34 =	vmul.f32 v33, v54;
	v25 =	vmul.f32 v24, v25  }
0xaa: {  	v12 =	vmul.f32 v12, v12;
	v31 =	vsub.s32 $0x5F3759DF, v31;
	v56 =	vmul.f32 $5.000000000e-01, v11  }
0xab: {  	v49 =	vand.u32 $0x3, v45;
	v14 =	vmul.f32 v21, v14;
	v32 =	vmul.f32 v31, v52  }
0xac: {  	v55 =	vshra.s32 v11, $0x1;
	v30 =	vmul.f32 v28, v30;
	v34 =	vmul.f32 v33, v34  }
0xad: {  	v12 =	vadd.f32 v18, v12;
	v18 =	vshra.s32 v17, $0x1;
	v35 =	vsub.s32 $0x5F3759DF, v55  }
0xae: {  	v25 =	vsub.f32 $1.500000000e+00, v25;
	v18 =	vsub.s32 $0x5F3759DF, v18;
	v36 =	vmul.f32 v35, v56  }
0xaf: {  	v14 =	vmul.f32 v21, v14;
	v32 =	vmul.f32 v31, v32;
	v30 =	vsub.f32 $1.500000000e+00, v30  }
0xb0: {  	v57 =	vshra.s32 v12, $0x1;
	v58 =	vmul.f32 $5.000000000e-01, v12;
	v22 =	vmul.f32 v18, v22  }
0xb1: {  	v37 =	vsub.s32 $0x5F3759DF, v57;
	v14 =	vsub.f32 $1.500000000e+00, v14;
	v36 =	vmul.f32 v35, v36  }
0xb2: {  	v34 =	vsub.f32 $1.500000000e+00, v34;
	v38 =	vmul.f32 v37, v58;
	v22 =	vmul.f32 v18, v22  }
0xb3: {  	v32 =	vsub.f32 $1.500000000e+00, v32;
	v14 =	vmul.f32 v21, v14;
	v21 =	vsub.f32 $1.500000000e+00, v36  }
0xb4: {  	v36 =	vadd.f32 $-1.258291200e+07, v45;
	v22 =	vsub.f32 $1.500000000e+00, v22;
	v38 =	vmul.f32 v37, v38  }
0xb5: {  	v21 =	vmul.f32 v35, v21;
	v14 =	vmul.f32 v14, v19;
	v35 =	vadd.f32 $-1.258291200e+07, v62  }
0xb6: {  	v29 =	vsub.f32 v29, v36;
	v18 =	vmul.f32 v18, v22;
	v22 =	vmul.f32 v24, v25  }
0xb7: {  	v24 =	vmul.f32 v28, v30;
	v25 =	vsub.f32 $1.500000000e+00, v38;
	v28 =	vadd.f32 $1.258291200e+07, v9  }
0xb8: {  	v60 =	vld [tilespmem:s31+$0x30];
	v30 =	vmul.f32 v31, v32;
	v31 =	vmul.f32 v33, v34;
	v32 =	vadd.f32 $-1.258291200e+07, v59  }
0xb9: {  	v34 =	vadd.f32 $-1.258291200e+07, v61;
	v11 =	vmul.f32 v21, v11;
	v29 =	vmul.f32 $1.570796370e+00, v29  }
0xba: {  	v26 =	vsub.f32 v26, v35;
	v25 =	vmul.f32 v37, v25;
	v17 =	vmul.f32 v18, v17  }
0xbb: {  	v18 =	vadd.f32 $1.258291200e+07, v23;
	v15 =	vmul.f32 v22, v15;
	v7 =	vmul.f32 v24, v7  }
0xbc: {  	v16 =	vmul.f32 v30, v16;
	v13 =	vmul.f32 v31, v13;
	v30 =	vadd.f32 $1.258291200e+07, v27  }
0xbd: {  	v31 =	vmul.f32 $9.142857550e+00, v60;
	v48 =	vadd.f32 $-1.258291200e+07, v28;
	v32 =	vsub.f32 v10, v32  }
0xbe: {  	v20 =	vsub.f32 v20, v34;
	v26 =	vmul.f32 $1.570796370e+00, v26;
	v38 =	vmul.f32 v29, v29  }
0xbf: {  	v12 =	vmul.f32 v25, v12;
	v14 =	vadd.f32 v17, v14;
	v7 =	vadd.f32 v7, v15  }
0xc0: {  	v13 =	vadd.f32 v13, v16;
	v46 =	vadd.f32 $1.258291200e+07, v31;
	v15 =	vand.u32 $0x3, v59  }
0xc1: {  	v16 =	vand.u32 $0x3, v62;
	v47 =	vand.u32 $0x3, v30;
	v51 =	vadd.f32 $-1.258291200e+07, v18  }
0xc2: {  	v30 =	vadd.f32 $-1.258291200e+07, v30;
	v20 =	vmul.f32 $1.570796370e+00, v20;
	v22 =	vperm.xlane v3, v15  }
0xc3: {  	v39 =	vsub.f32 v9, v48;
	v24 =	vperm.xlane v5, v15;
	v15 =	vperm.xlane v3, v16  }
0xc4: {  	v16 =	vperm.xlane v5, v16;
	v36 =	vmul.f32 v26, v26;
	v11 =	vadd.f32 v12, v11  }
0xc5: {  	v0 =	vld [tilespmem:$0x1FFC0];
	v12 =	vand.u32 $0x3, v28;
	v7 =	vadd.f32 v7, v14;
	v35 =	vmul.f32 $1.570796370e+00, v39  }
0xc6: {  	v27 =	vsub.f32 v27, v30;
	v30 =	vmul.f32 $1.570796370e+00, v32;
	v34 =	vmul.f32 v20, v20  }
0xc7: {  	v14 =	vand.u32 $0x3, v18;
	v25 =	vperm.xlane v3, v12;
	v28 =	vperm.xlane v5, v12  }
0xc8: {  	v50 =	vand.u32 $0x3, v46;
	v18 =	vperm.xlane v5, v14;
	v12 =	vperm.xlane v5, v49  }
0xc9: {  	v23 =	vsub.f32 v23, v51;
	v9 =	vperm.xlane v3, v50;
	v10 =	vperm.xlane v5, v50  }
0xca: {  	v58 =	vmul.f32 $1.660500020e-01, v36;
	v17 =	vperm.xlane v7, v0  }
0xcb: {  	v11 =	vadd.f32 v11, v13;
	v23 =	vmul.f32 $1.570796370e+00, v23;
	v27 =	vmul.f32 $1.570796370e+00, v27  }
0xcc: {  	v37 =	vadd.f32 $-1.258291200e+07, v46;
	v32 =	vmul.f32 v35, v35;
	v33 =	vmul.f32 v30, v30  }
0xcd: {  	v13 =	vand.u32 $0x3, v61;
	v56 =	vmul.f32 $1.660500020e-01, v34;
	v19 =	vperm.xlane v11, v0;
	v0 =	vld [tilespmem:$0x1FFD0]  }
0xce: {  	v31 =	vsub.f32 v31, v37;
	v61 =	vmul.f32 $1.660500020e-01, v38;
	v50 =	vmul.f32 $4.166666790e-02, v34  }
0xcf: {  	v21 =	vperm.xlane v5, v13;
	v7 =	vadd.f32 v17, v7;
	v11 =	vadd.f32 v11, v19  }
0xd0: {  	v44 =	vsub.f32 $1.000000000e+00, v58;
	v58 =	vmul.f32 $4.166666790e-02, v38;
	v17 =	vperm.xlane v3, v14  }
0xd1: {  	v14 =	vperm.xlane v5, v47;
	v31 =	vmul.f32 $1.570796370e+00, v31;
	v7 =	vsel vm0, v7, v11  }
0xd2: {  	v37 =	vmul.f32 v27, v27;
	v11 =	vperm.xlane v7, v0;
	v0 =	vld [tilespmem:$0x1FFF0]  }
0xd3: {  	v54 =	vmul.f32 $1.660500020e-01, v32;
	v55 =	vmul.f32 $1.660500020e-01, v33  }
0xd4: {  	v62 =	vmul.f32 $4.166666790e-02, v32;
	v60 =	vmul.f32 $4.166666790e-02, v33;
	v42 =	vsub.f32 $1.000000000e+00, v56  }
0xd5: {  	v26 =	vmul.f32 v44, v26;
	v19 =	vperm.xlane v3, v13;
	v7 =	vadd.f32 v7, v11  }
0xd6: {  	v46 =	vsub.f32 $1.000000000e+00, v61;
	v13 =	vperm.xlane v3, v47;
	v40 =	vmul.f32 v31, v31  }
0xd7: {  	s29 =	sadd.s32 $0x80, s29;
	v59 =	vmul.f32 $1.660500020e-01, v37;
	v39 =	vsub.f32 $1.000000000e+00, v54;
	v52 =	vperm.xlane v7, v0;
	v0 =	vld [tilespmem:$0x1FFB0]  }
0xd8: {  	v51 =	vld [tilespmem:s29+$0xFFFFFC00];
	v41 =	vsub.f32 $1.000000000e+00, v55;
	v54 =	vmul.f32 $4.166666790e-02, v36;
	v56 =	vmul.f32 $4.166666790e-02, v37  }
0xd9: {  	v44 =	vld [tilespmem:s29+$0x50];
	v47 =	vadd.f32 $-5.000000000e-01, v62;
	v20 =	vmul.f32 v42, v20;
	v29 =	vmul.f32 v46, v29  }
0xda: {  	v46 =	vld [tilespmem:s29+$0x40];
	v45 =	vsub.f32 $1.000000000e+00, v59;
	v35 =	vmul.f32 v39, v35;
	v7 =	vadd.f32 v7, v52  }
0xdb: {  	v30 =	vmul.f32 v41, v30;
	v39 =	vld [tilespmem:s29+$0xFFFFFC60];
	v41 =	vadd.f32 $-5.000000000e-01, v50;
	v62 =	vadd.f32 $-5.000000000e-01, v54  }
0xdc: {  	v32 =	vmul.f32 v47, v32;
	v54 =	vadd.f32 $-5.000000000e-01, v58;
	v53 =	vperm.xlane v7, v0;
	v0 =	vld [tilespmem:$0x1FFE0]  }
0xdd: {  	v63 =	vmov s2;
	v47 =	vld [tilespmem:s29+$0x60];
	v27 =	vmul.f32 v45, v27;
	v34 =	vmul.f32 v41, v34  }
0xde: {  	v41 =	vld [tilespmem:s29+$0x10];
	v36 =	vmul.f32 v62, v36;
	v38 =	vmul.f32 v54, v38;
	v7 =	vadd.f32 v7, v53  }
0xdf: {  	v55 =	vld [tilespmem:s29+$0xFFFFFC10];
	v11 =	vperm.xlane v3, v49;
	v49 =	vadd.f32 $-5.000000000e-01, v60;
	v60 =	vmul.f32 $4.166666790e-02, v40  }
0xe0: {  	v42 =	vld [tilespmem:s29+$0xFFFFFC30];
	v62 =	vmul.f32 v26, v46;
	v1 =	vmul.f32 v27, v44;
	v7 =	vsub.f32 $1.200000000e+01, v7  }
0xe1: {  	v59 =	vld [tilespmem:s29+$0xFFFFFC20];
	v33 =	vmul.f32 v49, v33;
	vm1 =	veq.s32 v63, v0;
	v63 =	vmul.f32 $1.660500020e-01, v40  }
0xe2: {  	v58 =	vld [tilespmem:s29+$0x70];
	v54 =	vmul.f32 v20, v39;
	v8 =	vsel vm1, v7, v8;
	v7 =	vmul.f32 v23, v23  }
0xe3: {  	v45 =	vld [tilespmem:s29+$0x0];
	v4 =	vmul.f32 v29, v47;
	v2 =	vmul.f32 v27, v41;
	v48 =	vsub.f32 $1.000000000e+00, v63  }
0xe4: {  	v50 =	vld [tilespmem:s29+$0xFFFFFC70];
	v63 =	vadd.f32 $-5.000000000e-01, v56;
	v56 =	vadd.f32 $-5.000000000e-01, v60;
	v57 =	vmul.f32 $1.660500020e-01, v7  }
0xe5: {  	v53 =	vld [tilespmem:s29+$0xFFFFFC40];
	v52 =	vmul.f32 $4.166666790e-02, v7;
	v31 =	vmul.f32 v48, v31  }
0xe6: {  	v37 =	vmul.f32 v63, v37;
	v48 =	vld [tilespmem:s29+$0x20];
	v40 =	vmul.f32 v56, v40  }
0xe7: {  	v56 =	vmul.f32 v20, v59;
	v43 =	vsub.f32 $1.000000000e+00, v57;
	v57 =	vld [tilespmem:s29+$0xFFFFFC50];
	v61 =	vadd.f32 $-5.000000000e-01, v52  }
0xe8: {  	v63 =	vmul.f32 v26, v45;
	v52 =	vld [tilespmem:s29+$0x30];
	v0 =	vmul.f32 v31, v58  }
0xe9: {  	v23 =	vmul.f32 v43, v23;
	v7 =	vmul.f32 v61, v7  }
0xea: {  	v43 =	vmul.f32 v35, v53;
	v35 =	vmul.f32 v35, v51  }
0xeb: {  	v26 =	vadd.f32 $1.000000000e+00, v33;
	v60 =	vmul.f32 v23, v50;
	v61 =	vmul.f32 v23, v42  }
0xec: {  	v23 =	vadd.f32 $1.000000000e+00, v32;
	v6 =	vmul.f32 v29, v48;
	v49 =	vmul.f32 v30, v57  }
0xed: {  	v29 =	vadd.f32 $1.000000000e+00, v34;
	v30 =	vmul.f32 v30, v55;
	v20 =	vmul.f32 v31, v52  }
0xee: {  	v7 =	vadd.f32 $1.000000000e+00, v7;
	v31 =	vmul.f32 v26, v55;
	v26 =	vmul.f32 v26, v57  }
0xef: {  	v57 =	vadd.f32 $1.000000000e+00, v37;
	v27 =	vmul.f32 v23, v51;
	v23 =	vmul.f32 v23, v53  }
0xf0: {  	v32 =	vmul.f32 v29, v59;
	v33 =	vmul.f32 v29, v39;
	v29 =	vadd.f32 $1.000000000e+00, v36  }
0xf1: {  	v34 =	vmul.f32 v7, v42;
	v7 =	vmul.f32 v7, v50;
	v59 =	vadd.f32 $1.000000000e+00, v40  }
0xf2: {  	v55 =	vsub.f32 v31, v49;
	v37 =	vmul.f32 v29, v45;
	v39 =	vmul.f32 v29, v46  }
0xf3: {  	v29 =	vadd.f32 $1.000000000e+00, v38;
	v38 =	vmul.f32 v57, v41;
	v41 =	vmul.f32 v57, v44  }
0xf4: {  	v23 =	vadd.f32 v23, v35;
	v53 =	vmul.f32 v59, v52;
	v57 =	vadd.f32 v26, v30  }
0xf5: {  	v60 =	vsub.f32 v34, v60;
	v7 =	vadd.f32 v7, v61;
	v42 =	vmul.f32 v29, v48  }
0xf6: {  	v44 =	vmul.f32 v29, v47;
	v47 =	vsub.f32 v27, v43;
	v27 =	vmul.f32 v59, v58  }
0xf7: {  	v30 =	vmul.f32 v23, v28;
	v31 =	vmul.f32 v57, v24;
	v62 =	vsub.f32 v37, v62  }
0xf8: {  	v63 =	vadd.f32 v39, v63;
	v36 =	vmul.f32 v60, v17;
	v37 =	vmul.f32 v7, v18  }
0xf9: {  	v48 =	vsub.f32 v38, v1;
	v38 =	vmul.f32 v60, v18;
	v39 =	vmul.f32 v7, v17  }
0xfa: {  	v58 =	vsub.f32 v32, v54;
	v29 =	vmul.f32 v47, v25;
	v26 =	vmul.f32 v47, v28  }
0xfb: {  	s30 =	sadd.s32 $0x80, s30;
	v59 =	vadd.f32 v33, v56;
	v25 =	vmul.f32 v23, v25;
	v28 =	vmul.f32 v55, v22  }
0xfc: {  	p0 =	sne.s32 s22, $0x7;
	v17 =	vld [tilespmem:s30+$0xFFFFFC50];
	v23 =	vmul.f32 v55, v24;
	v24 =	vmul.f32 v57, v22  }
.Ltmp0:
0xfd: {  	v18 =	vld [tilespmem:s30+$0xFFFFFC20];
	v32 =	vmul.f32 v58, v19;
	v33 =	vmul.f32 v59, v21;
	(pc) =	sbr.rel @p0 .LBB2_4-.Ltmp0, $4  }
0xfe: {  	v49 =	vadd.f32 v41, v2;
	v22 =	vld [tilespmem:s30+$0xFFFFFC00];
	v34 =	vmul.f32 v58, v21;
	v35 =	vmul.f32 v59, v19  }
0xff: {  	v19 =	vld [tilespmem:s30+$0xFFFFFC40];
	v40 =	vmul.f32 v62, v15;
	v41 =	vmul.f32 v63, v16;
	v46 =	vsub.f32 v42, v4  }
0x100: {  	v21 =	vld [tilespmem:s30+$0xFFFFFC10];
	v16 =	vmul.f32 v62, v16;
	v42 =	vmul.f32 v63, v15;
	v47 =	vadd.f32 v44, v6  }
0x101: {  	s2 =	smov.u32 s22;
	s22 =	sadd.s32 $0x1, s22;
	v15 =	vld [tilespmem:s30+$0xFFFFFC60];
	v43 =	vmul.f32 v48, v13;
	v45 =	vmul.f32 v49, v14;
	v44 =	vsub.f32 v53, v0  }
0x102: {  	v0 =	vmul.f32 v48, v14  }
0x103: {  	v1 =	vmul.f32 v49, v13;
	v2 =	vadd.f32 v27, v20;
	v4 =	vsub.f32 v29, v30  }
0x104: {  	v6 =	vmul.f32 v46, v11;
	v60 =	vadd.f32 v25, v26;
	v61 =	vsub.f32 v28, v31  }
0x105: {  	v62 =	vmul.f32 v46, v12;
	v63 =	vadd.f32 v24, v23;
	v46 =	vsub.f32 v32, v33  }
0x106: {  	v7 =	vmul.f32 v47, v12;
	v48 =	vadd.f32 v35, v34;
	v49 =	vsub.f32 v36, v37;
	v54 =	vld [tilespmem:s30+$0xFFFFFC30]  }
0x107: {  	v47 =	vmul.f32 v47, v11;
	v51 =	vadd.f32 v39, v38;
	v52 =	vsub.f32 v40, v41;
	v57 =	vld [tilespmem:s30+$0xFFFFFC70]  }
0x108: {  	v16 =	vadd.f32 v42, v16;
	v59 =	vld [tilespmem:s30+$0x40];
	v50 =	vmul.f32 v44, v9;
	v55 =	vsub.f32 v43, v45  }
0x109: {  	v29 =	vld [tilespmem:s30+$0x50];
	v56 =	vmul.f32 v44, v10;
	v0 =	vadd.f32 v1, v0;
	v1 =	vsub.f32 v6, v7  }
0x10a: {  	v33 =	vld [tilespmem:s30+$0x20];
	v53 =	vmul.f32 v2, v10;
	v7 =	vadd.f32 v47, v62;
	v4 =	vsub.f32 v4, v22  }
0x10b: {  	v35 =	vld [tilespmem:s30+$0x60];
	v2 =	vmul.f32 v2, v9;
	v60 =	vsub.f32 v60, v19;
	v63 =	vsub.f32 v63, v17  }
0x10c: {  	v36 =	vld [tilespmem:s30+$0x30];
	v26 =	vsub.f32 v46, v18;
	v61 =	vsub.f32 v61, v21  }
0x10d: {  	v37 =	vld [tilespmem:s30+$0x70];
	v58 =	vsub.f32 v50, v53;
	v2 =	vadd.f32 v2, v56  }
0x10e: {  	v15 =	vsub.f32 v48, v15;
	v4 =	vmul.f32 v4, v4;
	v10 =	vmul.f32 v60, v60  }
0x10f: {  	v6 =	vld [tilespmem:s30+$0x0];
	v14 =	vmul.f32 v63, v63;
	v30 =	vsub.f32 v49, v54;
	v34 =	vsub.f32 v51, v57  }
0x110: {  	v62 =	vld [tilespmem:s30+$0x10];
	v17 =	vmul.f32 v26, v26;
	v11 =	vsub.f32 v16, v59;
	v0 =	vsub.f32 v0, v29  }
0x111: {  	v12 =	vmul.f32 v61, v61;
	v1 =	vsub.f32 v1, v33;
	v7 =	vsub.f32 v7, v35  }
0x112: {  	v15 =	vmul.f32 v15, v15;
	v9 =	vsub.f32 v58, v36;
	v2 =	vsub.f32 v2, v37  }
0x113: {  	v4 =	vadd.f32 v10, v4;
	v38 =	vmul.f32 v30, v30;
	v39 =	vmul.f32 v34, v34  }
0x114: {  	v6 =	vsub.f32 v52, v6;
	v11 =	vmul.f32 v11, v11;
	v0 =	vmul.f32 v0, v0  }
0x115: {  	v13 =	vsub.f32 v55, v62;
	v1 =	vmul.f32 v1, v1;
	v7 =	vmul.f32 v7, v7  }
0x116: {  	v40 =	vadd.f32 v14, v12;
	v9 =	vmul.f32 v9, v9;
	v41 =	vadd.f32 v15, v17  }
0x117: {  	v2 =	vmul.f32 v2, v2;
	v43 =	vshra.s32 v4, $0x1;
	v6 =	vmul.f32 v6, v6  }
0x118: {  	v13 =	vmul.f32 v13, v13;
	v42 =	vadd.f32 v39, v38;
	v1 =	vadd.f32 v7, v1  }
0x119: {  	v7 =	vmul.f32 $5.000000000e-01, v4;
	v44 =	vshra.s32 v40, $0x1;
	v45 =	vmul.f32 $5.000000000e-01, v40  }
0x11a: {  	v2 =	vadd.f32 v2, v9;
	v15 =	vshra.s32 v41, $0x1;
	v46 =	vmul.f32 $5.000000000e-01, v41  }
0x11b: {  	v9 =	vsub.s32 $0x5F3759DF, v44;
	v6 =	vadd.f32 v11, v6;
	v0 =	vadd.f32 v0, v13  }
0x11c: {  	v47 =	vshra.s32 v42, $0x1;
	v18 =	vmul.f32 $5.000000000e-01, v42;
	v52 =	vshra.s32 v1, $0x1  }
0x11d: {  	v53 =	vmul.f32 $5.000000000e-01, v1;
	v11 =	vsub.s32 $0x5F3759DF, v43;
	v15 =	vsub.s32 $0x5F3759DF, v15  }
0x11e: {  	v13 =	vmul.f32 v9, v45;
	v54 =	vshra.s32 v2, $0x1;
	v55 =	vmul.f32 $5.000000000e-01, v2  }
0x11f: {  	v7 =	vmul.f32 v11, v7;
	v17 =	vsub.s32 $0x5F3759DF, v47;
	v16 =	vmul.f32 v15, v46  }
0x120: {  	v23 =	vsub.s32 $0x5F3759DF, v52;
	v48 =	vshra.s32 v6, $0x1;
	v49 =	vmul.f32 $5.000000000e-01, v6  }
0x121: {  	v50 =	vshra.s32 v0, $0x1;
	v51 =	vmul.f32 $5.000000000e-01, v0;
	v18 =	vmul.f32 v17, v18  }
0x122: {  	v24 =	vmul.f32 v23, v53;
	v25 =	vsub.s32 $0x5F3759DF, v54;
	v13 =	vmul.f32 v9, v13  }
0x123: {  	v19 =	vsub.s32 $0x5F3759DF, v48;
	v7 =	vmul.f32 v11, v7;
	v26 =	vmul.f32 v25, v55  }
0x124: {  	v21 =	vsub.s32 $0x5F3759DF, v50;
	v16 =	vmul.f32 v15, v16;
	v20 =	vmul.f32 v19, v49  }
0x125: {  	v22 =	vmul.f32 v21, v51;
	v18 =	vmul.f32 v17, v18;
	v13 =	vsub.f32 $1.500000000e+00, v13  }
0x126: {  	v24 =	vmul.f32 v23, v24;
	v7 =	vsub.f32 $1.500000000e+00, v7;
	v26 =	vmul.f32 v25, v26  }
0x127: {  	v16 =	vsub.f32 $1.500000000e+00, v16;
	v20 =	vmul.f32 v19, v20;
	v22 =	vmul.f32 v21, v22  }
0x128: {  	v18 =	vsub.f32 $1.500000000e+00, v18;
	v9 =	vmul.f32 v9, v13;
	v56 =	vsub.f32 $1.500000000e+00, v24  }
0x129: {  	v7 =	vmul.f32 v11, v7;
	v57 =	vmul.f32 v15, v16;
	v59 =	vsub.f32 $1.500000000e+00, v26  }
0x12a: {  	v58 =	vmul.f32 v17, v18;
	v11 =	vmul.f32 v23, v56  }
0x12b: {  	v20 =	vsub.f32 $1.500000000e+00, v20;
	v16 =	vmul.f32 v25, v59;
	v4 =	vmul.f32 v7, v4  }
0x12c: {  	v22 =	vsub.f32 $1.500000000e+00, v22;
	v7 =	vmul.f32 v9, v40;
	v62 =	vmul.f32 v57, v41  }
0x12d: {  	v60 =	vmul.f32 v19, v20;
	v63 =	vmul.f32 v58, v42  }
0x12e: {  	v61 =	vmul.f32 v21, v22;
	v1 =	vmul.f32 v11, v1  }
0x12f: {  	v2 =	vmul.f32 v16, v2;
	v4 =	vadd.f32 v7, v4;
	v7 =	vadd.f32 v63, v62;
	v63 =	vld [tilespmem:$0x1FFC0]  }
0x130: {  	v6 =	vmul.f32 v60, v6;
	v0 =	vmul.f32 v61, v0  }
0x131: {  	v1 =	vadd.f32 v2, v1  }
0x132: {  	v0 =	vadd.f32 v0, v6;
	v2 =	vadd.f32 v7, v4;
	_ =	sdelay $0x1  }
0x133: {  	v0 =	vadd.f32 v1, v0;
	v1 =	vperm.xlane v2, v63;
	_ =	sdelay $0x1  }
0x134: {  	v4 =	vperm.xlane v0, v63;
	v1 =	vadd.f32 v1, v2;
	v2 =	vld [tilespmem:$0x1FFD0];
	_ =	sdelay $0x1  }
0x135: {  	v0 =	vadd.f32 v0, v4;
	_ =	sdelay $0x1  }
0x136: {  	v61 =	vld [tilespmem:$0x1FFF0];
	v0 =	vsel vm0, v1, v0  }
0x137: {  	v1 =	vperm.xlane v0, v2;
	_ =	sdelay $0x1  }
0x138: {  	v0 =	vadd.f32 v0, v1  }
0x139: {  	v7 =	vld [tilespmem:$0x1FFB0]  }
0x13a: {  	v1 =	vperm.xlane v0, v61;
	_ =	sdelay $0x1  }
0x13b: {  	v60 =	vld [tilespmem:$0x1FFE0];
	v0 =	vadd.f32 v0, v1;
	_ =	sdelay $0x1  }
0x13c: {  	v1 =	vperm.xlane v0, v7;
	_ =	sdelay $0x1  }
0x13d: {  	v0 =	vadd.f32 v0, v1;
	v1 =	vmov s2  }
0x13e: {  	vm1 =	veq.s32 v1, v60;
	v1 =	vld [tilespmem:$0x1FFA0];
	_ =	sdelay $0x1  }
0x13f: {  	s31 =	sshll.u32 s28, $0x4;
	s28 =	sadd.s32 $0x1, s28  }
0x140: {  	p0 =	sne.s32 s28, $0x5  }
.Ltmp1:
0x141: {  	_ = 	snop;
	(pc) =	sbr.rel @p0 .LBB2_3-.Ltmp1, $3  }
0x142: {  	v0 =	vsub.f32 $1.200000000e+01, v0;
	_ =	sdelay $0x1  }
0x143: {  	s2 =	sand.u32 $0x3FFFFFF0, s31;
	v0 =	vsel vm1, v0, v8  }
0x144: {  	s7 =	sadd.s32 $0x800, s7;
	s1 =	sadd.s32 $0x800, s1;
	s12 =	sadd.s32 $0x800, s12;
	[tilespmem:v1+s2+$0x0 ss:$0x1] =	vst.idx.msk $0xffff, v0  }
0x145: {  	s1 =	sadd.s32 $0xA0, s26  }
0x146: {  	[tilespmem:s14], [sflag:$0x1] =	stream.indirect.gather [hbm4b:s0+s13], $0x80, s1, s13, $0xb8;
	[tilespmem:$0x16680] =	vst v63  }
0x147: {  	s1 =	sadd.s32 s4, s1  }
0x148: {  	s2 =	sadd.s32 $0x2820, s26;
	s1 =	sshll.u32 s1, $0x4  }
0x149: {  	[tilespmem:s15], [sflag:$0x1] =	stream.indirect.gather [hbm4b:s0+s13], $0x80, s2, s13, $0xb8;
	[tilespmem:$0x16680] =	vst v63  }
0x14a: {  	s26 =	simm.s32 $0x0;
	s1 =	sadd.s32 s5, s1  }
0x14b: {  	[tilespmem:s16], [sflag:$0x1] =	stream.linear.gather [hbm4b:s1+s26], $0x2800, $0x38;
	[tilespmem:$0x16680] =	vst v63  }
0x14c: {  	_ =	swait.ge [sflag:s21], $0x2800  }
0x14d: {  	[sflag:s21] =	ssyncset.done $0x0  }
0x14e: {  	[sflag:s21] =	ssyncadd.s32 $0xFFFFD800  }
0x14f: {  	_ =	swait.ge [sflag:s21], $0x2800  }
0x150: {  	[sflag:s21] =	ssyncset.done $0x0  }
0x151: {  	[sflag:s21] =	ssyncadd.s32 $0xFFFFD800  }
0x152: {  	s31 =	sadd.s32 $0x4F00, s25;
	_ =	swait.ge [sflag:s21], $0x2800  }
0x153: {  	s25 =	simm.s32 $0xF280;
	v0 =	vmov s31;
	[sflag:s21] =	ssyncset.done $0x0  }
0x154: {  	s28 =	simm.s32 $0x11A80;
	s29 =	simm.s32 $0x14280;
	[tilespmem:$0x1FF90] =	vst v0;
	[sflag:s21] =	ssyncadd.s32 $0xFFFFD800  }
.LBB2_7:
0x155: {  	v0 =	vld [tilespmem:s29+$0xFFFFFC00]  }
0x156: {  	v1 =	vld [tilespmem:s29+$0xFFFFFC10]  }
0x157: {  	v2 =	vld [tilespmem:s29+$0xFFFFFC20]  }
0x158: {  	v4 =	vld [tilespmem:s29+$0xFFFFFC30]  }
0x159: {  	v6 =	vld [tilespmem:s29+$0x0]  }
0x15a: {  	v8 =	vld [tilespmem:s29+$0x10]  }
0x15b: {  	v9 =	vld [tilespmem:s29+$0x20]  }
0x15c: {  	v10 =	vld [tilespmem:s29+$0x30]  }
0x15d: {  	v0 =	vmul.f32 $9.142857550e+00, v0;
	v1 =	vmul.f32 $9.142857550e+00, v1  }
0x15e: {  	v2 =	vmul.f32 $9.142857550e+00, v2;
	v4 =	vmul.f32 $9.142857550e+00, v4  }
0x15f: {  	v6 =	vmul.f32 $9.142857550e+00, v6;
	v8 =	vmul.f32 $9.142857550e+00, v8  }
0x160: {  	v20 =	vmul.f32 $9.142857550e+00, v9;
	v11 =	vadd.f32 $1.258291200e+07, v0;
	v9 =	vadd.f32 $1.258291200e+07, v1  }
0x161: {  	v26 =	vmul.f32 $9.142857550e+00, v10;
	v12 =	vadd.f32 $1.258291200e+07, v2;
	v13 =	vadd.f32 $1.258291200e+07, v4  }
0x162: {  	v14 =	vadd.f32 $1.258291200e+07, v6;
	v10 =	vadd.f32 $1.258291200e+07, v8  }
0x163: {  	v27 =	vadd.f32 $1.258291200e+07, v20;
	v28 =	vadd.f32 $1.258291200e+07, v26  }
0x164: {  	v15 =	vand.u32 $0x3, v11;
	v16 =	vand.u32 $0x3, v9;
	v17 =	vand.u32 $0x3, v12  }
0x165: {  	v18 =	vand.u32 $0x3, v13;
	v29 =	vand.u32 $0x3, v14;
	v30 =	vand.u32 $0x3, v10  }
0x166: {  	v31 =	vadd.f32 $-1.258291200e+07, v11;
	v32 =	vadd.f32 $-1.258291200e+07, v9;
	v9 =	vand.u32 $0x3, v27  }
0x167: {  	v33 =	vand.u32 $0x3, v28;
	v24 =	vperm.xlane v3, v15;
	v25 =	vperm.xlane v5, v15  }
0x168: {  	v34 =	vadd.f32 $-1.258291200e+07, v12;
	v22 =	vperm.xlane v3, v16;
	v23 =	vperm.xlane v5, v16  }
0x169: {  	v35 =	vadd.f32 $-1.258291200e+07, v13;
	v19 =	vperm.xlane v3, v17;
	v21 =	vperm.xlane v5, v17  }
0x16a: {  	v36 =	vadd.f32 $-1.258291200e+07, v14;
	v17 =	vperm.xlane v3, v18;
	v18 =	vperm.xlane v5, v18  }
0x16b: {  	v27 =	vadd.f32 $-1.258291200e+07, v27;
	v15 =	vperm.xlane v3, v29;
	v16 =	vperm.xlane v5, v29  }
0x16c: {  	v28 =	vadd.f32 $-1.258291200e+07, v28;
	v13 =	vperm.xlane v3, v30;
	v14 =	vperm.xlane v5, v30  }
0x16d: {  	v29 =	vadd.f32 $-1.258291200e+07, v10;
	v11 =	vperm.xlane v3, v9;
	v12 =	vperm.xlane v5, v9  }
0x16e: {  	v9 =	vperm.xlane v3, v33;
	v0 =	vsub.f32 v0, v31;
	v1 =	vsub.f32 v1, v32  }
0x16f: {  	v10 =	vperm.xlane v5, v33;
	v2 =	vsub.f32 v2, v34;
	v4 =	vsub.f32 v4, v35  }
0x170: {  	v6 =	vsub.f32 v6, v36;
	v20 =	vsub.f32 v20, v27;
	v0 =	vmul.f32 $1.570796370e+00, v0  }
0x171: {  	v26 =	vsub.f32 v26, v28;
	v1 =	vmul.f32 $1.570796370e+00, v1;
	v2 =	vmul.f32 $1.570796370e+00, v2  }
0x172: {  	v8 =	vsub.f32 v8, v29;
	v4 =	vmul.f32 $1.570796370e+00, v4;
	v6 =	vmul.f32 $1.570796370e+00, v6  }
0x173: {  	v20 =	vmul.f32 $1.570796370e+00, v20;
	v26 =	vmul.f32 $1.570796370e+00, v26  }
0x174: {  	v8 =	vmul.f32 $1.570796370e+00, v8;
	v27 =	vmul.f32 v0, v0  }
0x175: {  	v28 =	vmul.f32 v1, v1;
	v29 =	vmul.f32 v2, v2  }
0x176: {  	v30 =	vmul.f32 v4, v4;
	v31 =	vmul.f32 v6, v6  }
0x177: {  	v33 =	vmul.f32 v20, v20;
	v35 =	vmul.f32 v26, v26  }
0x178: {  	v32 =	vmul.f32 v8, v8;
	v58 =	vmul.f32 $1.660500020e-01, v27  }
0x179: {  	v59 =	vmul.f32 $1.660500020e-01, v28;
	v37 =	vmul.f32 $1.660500020e-01, v29  }
0x17a: {  	v38 =	vmul.f32 $1.660500020e-01, v30;
	v39 =	vmul.f32 $1.660500020e-01, v31  }
0x17b: {  	v41 =	vmul.f32 $1.660500020e-01, v33;
	v42 =	vmul.f32 $4.166666790e-02, v27  }
0x17c: {  	v43 =	vmul.f32 $1.660500020e-01, v35;
	v44 =	vmul.f32 $4.166666790e-02, v28  }
0x17d: {  	v45 =	vmul.f32 $4.166666790e-02, v29;
	v47 =	vmul.f32 $4.166666790e-02, v30  }
0x17e: {  	v49 =	vmul.f32 $4.166666790e-02, v31;
	v34 =	vsub.f32 $1.000000000e+00, v58;
	v36 =	vsub.f32 $1.000000000e+00, v59  }
0x17f: {  	v46 =	vld [tilespmem:s25+$0xFFFFFC00];
	v53 =	vmul.f32 $4.166666790e-02, v33;
	v37 =	vsub.f32 $1.000000000e+00, v37;
	v38 =	vsub.f32 $1.000000000e+00, v38  }
0x180: {  	v48 =	vld [tilespmem:s25+$0xFFFFFC40];
	v55 =	vmul.f32 $4.166666790e-02, v35;
	v39 =	vsub.f32 $1.000000000e+00, v39;
	v41 =	vsub.f32 $1.000000000e+00, v41  }
0x181: {  	v50 =	vld [tilespmem:s25+$0xFFFFFC10];
	v40 =	vmul.f32 $1.660500020e-01, v32;
	v43 =	vsub.f32 $1.000000000e+00, v43;
	v42 =	vadd.f32 $-5.000000000e-01, v42  }
0x182: {  	v52 =	vld [tilespmem:s25+$0xFFFFFC50];
	v51 =	vmul.f32 $4.166666790e-02, v32;
	v44 =	vadd.f32 $-5.000000000e-01, v44;
	v62 =	vadd.f32 $-5.000000000e-01, v45  }
0x183: {  	v54 =	vld [tilespmem:s25+$0xFFFFFC20];
	v63 =	vadd.f32 $-5.000000000e-01, v47;
	v0 =	vmul.f32 v34, v0;
	v1 =	vmul.f32 v36, v1  }
0x184: {  	v45 =	vld [tilespmem:s25+$0xFFFFFC70];
	v56 =	vadd.f32 $-5.000000000e-01, v49;
	v2 =	vmul.f32 v37, v2;
	v4 =	vmul.f32 v38, v4  }
0x185: {  	v58 =	vadd.f32 $-5.000000000e-01, v53;
	v47 =	vld [tilespmem:s25+$0x30];
	v6 =	vmul.f32 v39, v6;
	v20 =	vmul.f32 v41, v20  }
0x186: {  	v57 =	vadd.f32 $-5.000000000e-01, v51;
	v51 =	vld [tilespmem:s25+$0x70];
	v26 =	vmul.f32 v43, v26;
	v27 =	vmul.f32 v42, v27  }
0x187: {  	v59 =	vadd.f32 $-5.000000000e-01, v55;
	v34 =	vld [tilespmem:s25+$0xFFFFFC60];
	v28 =	vmul.f32 v44, v28;
	v29 =	vmul.f32 v62, v29  }
0x188: {  	v40 =	vsub.f32 $1.000000000e+00, v40;
	v37 =	vld [tilespmem:s25+$0xFFFFFC30];
	v30 =	vmul.f32 v63, v30;
	v31 =	vmul.f32 v56, v31  }
0x189: {  	v41 =	vld [tilespmem:s25+$0x40];
	v33 =	vmul.f32 v58, v33;
	v35 =	vmul.f32 v59, v35  }
0x18a: {  	v36 =	vld [tilespmem:s25+$0x10];
	v8 =	vmul.f32 v40, v8;
	v32 =	vmul.f32 v57, v32  }
0x18b: {  	v39 =	vld [tilespmem:s25+$0x50];
	v38 =	vmul.f32 v0, v48;
	v0 =	vmul.f32 v0, v46  }
0x18c: {  	v42 =	vld [tilespmem:s25+$0x60];
	v44 =	vmul.f32 v1, v52;
	v1 =	vmul.f32 v1, v50;
	v30 =	vadd.f32 $1.000000000e+00, v30  }
0x18d: {  	v43 =	vld [tilespmem:s25+$0x20];
	v63 =	vmov v60;
	v53 =	vmul.f32 v4, v45;
	v60 =	vmul.f32 v26, v51  }
0x18e: {  	v45 =	vmul.f32 v30, v45;
	v49 =	vmul.f32 v2, v34  }
0x18f: {  	v2 =	vmul.f32 v2, v54;
	v4 =	vmul.f32 v4, v37  }
0x190: {  	v55 =	vmul.f32 v6, v41;
	v56 =	vmul.f32 v8, v39  }
0x191: {  	v57 =	vmul.f32 v8, v36;
	v8 =	vadd.f32 $1.000000000e+00, v27;
	v58 =	vmul.f32 v20, v42  }
0x192: {  	v59 =	vmul.f32 v20, v43;
	v27 =	vadd.f32 $1.000000000e+00, v28;
	v20 =	vmul.f32 v26, v47  }
0x193: {  	v40 =	vld [tilespmem:s25+$0x0];
	v37 =	vmul.f32 v30, v37;
	v30 =	vadd.f32 $1.000000000e+00, v32;
	v26 =	vmul.f32 v8, v46  }
0x194: {  	v28 =	vmul.f32 v8, v48;
	v8 =	vadd.f32 $1.000000000e+00, v29;
	v29 =	vmul.f32 v27, v50  }
0x195: {  	v27 =	vmul.f32 v27, v52;
	v48 =	vmul.f32 v30, v36  }
0x196: {  	v50 =	vmul.f32 v30, v39;
	v30 =	vadd.f32 $1.000000000e+00, v35;
	v62 =	vmul.f32 v8, v54  }
0x197: {  	v34 =	vmul.f32 v8, v34;
	v8 =	vadd.f32 $1.000000000e+00, v31;
	v31 =	vadd.f32 $1.000000000e+00, v33  }
0x198: {  	v6 =	vmul.f32 v6, v40;
	v26 =	vsub.f32 v26, v38;
	v0 =	vadd.f32 v28, v0  }
0x199: {  	v54 =	vmul.f32 v30, v47;
	v1 =	vadd.f32 v27, v1;
	v27 =	vmul.f32 v30, v51  }
0x19a: {  	v47 =	vsub.f32 v29, v44;
	v40 =	vmul.f32 v8, v40;
	v41 =	vmul.f32 v8, v41  }
0x19b: {  	v48 =	vsub.f32 v48, v56;
	v43 =	vmul.f32 v31, v43;
	v52 =	vmul.f32 v31, v42  }
0x19c: {  	v8 =	vimm.f32 $0.0e+00;
	v29 =	vmul.f32 v26, v24;
	v30 =	vmul.f32 v0, v25  }
0x19d: {  	v62 =	vsub.f32 v62, v49;
	v26 =	vmul.f32 v26, v25;
	v25 =	vmul.f32 v0, v24  }
0x19e: {  	v0 =	vadd.f32 v34, v2;
	v28 =	vmul.f32 v47, v22;
	v31 =	vmul.f32 v1, v23  }
0x19f: {  	v2 =	vsub.f32 v37, v53;
	v23 =	vmul.f32 v47, v23;
	v24 =	vmul.f32 v1, v22  }
0x1a0: {  	v1 =	vadd.f32 v45, v4;
	v22 =	vld [tilespmem:s28+$0xFFFFFC00];
	v32 =	vmul.f32 v62, v19;
	v33 =	vmul.f32 v0, v21  }
0x1a1: {  	v49 =	vadd.f32 v50, v57;
	v34 =	vmul.f32 v62, v21;
	v35 =	vmul.f32 v0, v19;
	v19 =	vld [tilespmem:s28+$0xFFFFFC40]  }
0x1a2: {  	v4 =	vsub.f32 v40, v55;
	v36 =	vmul.f32 v2, v17;
	v37 =	vmul.f32 v1, v18;
	v21 =	vld [tilespmem:s28+$0xFFFFFC10]  }
0x1a3: {  	v0 =	vadd.f32 v41, v6;
	v38 =	vmul.f32 v2, v18;
	v39 =	vmul.f32 v1, v17;
	v17 =	vld [tilespmem:s28+$0xFFFFFC50]  }
0x1a4: {  	v46 =	vsub.f32 v43, v58;
	v18 =	vld [tilespmem:s28+$0xFFFFFC20];
	v43 =	vmul.f32 v48, v13;
	v45 =	vmul.f32 v49, v14  }
0x1a5: {  	s22 =	simm.s32 $0x1;
	s1 =	smov.u32 s28;
	v44 =	vsub.f32 v54, v60;
	v62 =	vld [tilespmem:$0x1FFC0];
	v40 =	vmul.f32 v4, v15;
	v41 =	vmul.f32 v0, v16  }
0x1a6: {  	s12 =	smov.u32 s29;
	s2 =	simm.s32 $0x0;
	s7 =	smov.u32 s25;
	v47 =	vadd.f32 v52, v59;
	v16 =	vmul.f32 v4, v16;
	v42 =	vmul.f32 v0, v15;
	v15 =	vld [tilespmem:s28+$0xFFFFFC60]  }
.LBB2_8:
0x1a7: {  	v1 =	vmul.f32 v48, v14  }
0x1a8: {  	v2 =	vmul.f32 v49, v13;
	v4 =	vadd.f32 v27, v20;
	v6 =	vsub.f32 v29, v30  }
0x1a9: {  	v0 =	vld [tilespmem:s1+$0xFFFFFC30];
	v14 =	vmul.f32 v46, v11;
	v25 =	vadd.f32 v25, v26;
	v26 =	vsub.f32 v28, v31  }
0x1aa: {  	v13 =	vld [tilespmem:s1+$0xFFFFFC70];
	v20 =	vmul.f32 v47, v12;
	v24 =	vadd.f32 v24, v23;
	v29 =	vsub.f32 v32, v33  }
0x1ab: {  	s12 =	sadd.s32 $0x80, s12;
	v28 =	vld [tilespmem:s1+$0x0];
	v12 =	vmul.f32 v46, v12;
	v30 =	vadd.f32 v35, v34;
	v31 =	vsub.f32 v36, v37  }
0x1ac: {  	v27 =	vld [tilespmem:s12+$0xFFFFFC00];
	v11 =	vmul.f32 v47, v11;
	v48 =	vadd.f32 v39, v38;
	v49 =	vsub.f32 v40, v41  }
0x1ad: {  	v23 =	vld [tilespmem:s12+$0xFFFFFC10];
	v46 =	vmul.f32 v44, v9;
	v16 =	vadd.f32 v42, v16;
	v52 =	vsub.f32 v43, v45  }
0x1ae: {  	v47 =	vld [tilespmem:s12+$0xFFFFFC20];
	v53 =	vmul.f32 v44, v10;
	v50 =	vmul.f32 v4, v10;
	v1 =	vadd.f32 v2, v1  }
0x1af: {  	v51 =	vld [tilespmem:s12+$0xFFFFFC30];
	v4 =	vmul.f32 v4, v9;
	v2 =	vsub.f32 v14, v20;
	v11 =	vadd.f32 v11, v12  }
0x1b0: {  	v54 =	vld [tilespmem:s12+$0x0];
	v12 =	vsub.f32 v46, v50;
	v6 =	vsub.f32 v6, v22  }
0x1b1: {  	v14 =	vld [tilespmem:s12+$0x10];
	v4 =	vadd.f32 v4, v53;
	v19 =	vsub.f32 v25, v19  }
0x1b2: {  	v22 =	vld [tilespmem:s1+$0x40];
	v21 =	vsub.f32 v26, v21;
	v17 =	vsub.f32 v24, v17;
	v9 =	vmul.f32 $9.142857550e+00, v27  }
0x1b3: {  	v25 =	vld [tilespmem:s1+$0x10];
	v18 =	vsub.f32 v29, v18;
	v10 =	vmul.f32 $9.142857550e+00, v23;
	v20 =	vmul.f32 $9.142857550e+00, v47  }
0x1b4: {  	v24 =	vld [tilespmem:s1+$0x50];
	v15 =	vsub.f32 v30, v15;
	v23 =	vmul.f32 $9.142857550e+00, v51;
	v6 =	vmul.f32 v6, v6  }
0x1b5: {  	v29 =	vld [tilespmem:s1+$0x20];
	v0 =	vsub.f32 v31, v0;
	v19 =	vmul.f32 v19, v19;
	v21 =	vmul.f32 v21, v21  }
0x1b6: {  	v30 =	vld [tilespmem:s1+$0x70];
	v13 =	vsub.f32 v48, v13;
	v17 =	vmul.f32 v17, v17;
	v18 =	vmul.f32 v18, v18  }
0x1b7: {  	v15 =	vmul.f32 v15, v15;
	v27 =	vmul.f32 $9.142857550e+00, v14;
	v14 =	vsub.f32 v49, v28  }
0x1b8: {  	v26 =	vmul.f32 $9.142857550e+00, v54;
	v6 =	vadd.f32 v19, v6;
	v17 =	vadd.f32 v17, v21  }
0x1b9: {  	v0 =	vmul.f32 v0, v0;
	v15 =	vadd.f32 v15, v18;
	v16 =	vsub.f32 v16, v22  }
0x1ba: {  	v13 =	vmul.f32 v13, v13;
	v28 =	vld [tilespmem:s1+$0x60];
	v25 =	vsub.f32 v52, v25;
	v1 =	vsub.f32 v1, v24  }
0x1bb: {  	v2 =	vsub.f32 v2, v29;
	v4 =	vsub.f32 v4, v30;
	v14 =	vmul.f32 v14, v14  }
0x1bc: {  	v22 =	vld [tilespmem:s1+$0x30];
	v0 =	vadd.f32 v13, v0;
	v19 =	vmul.f32 $5.000000000e-01, v15;
	v16 =	vmul.f32 v16, v16  }
0x1bd: {  	v24 =	vld [tilespmem:s12+$0x20];
	v18 =	vshra.s32 v15, $0x1;
	v25 =	vmul.f32 v25, v25;
	v1 =	vmul.f32 v1, v1  }
0x1be: {  	v2 =	vmul.f32 v2, v2;
	v4 =	vmul.f32 v4, v4;
	v21 =	vshra.s32 v0, $0x1  }
0x1bf: {  	v18 =	vsub.s32 $0x5F3759DF, v18;
	v21 =	vsub.s32 $0x5F3759DF, v21;
	v11 =	vsub.f32 v11, v28  }
0x1c0: {  	v19 =	vmul.f32 v18, v19;
	v13 =	vadd.f32 v16, v14;
	v1 =	vadd.f32 v1, v25  }
0x1c1: {  	v14 =	vshra.s32 v6, $0x1;
	v16 =	vmul.f32 $5.000000000e-01, v17;
	v12 =	vsub.f32 v12, v22  }
0x1c2: {  	v29 =	vmul.f32 $9.142857550e+00, v24;
	v22 =	vmul.f32 $5.000000000e-01, v0;
	v14 =	vsub.s32 $0x5F3759DF, v14  }
0x1c3: {  	v19 =	vmul.f32 v18, v19;
	v11 =	vmul.f32 v11, v11;
	v24 =	vshra.s32 v13, $0x1  }
0x1c4: {  	v25 =	vmul.f32 $5.000000000e-01, v13;
	v28 =	vshra.s32 v1, $0x1;
	v30 =	vmul.f32 $5.000000000e-01, v1  }
0x1c5: {  	v12 =	vmul.f32 v12, v12;
	v24 =	vsub.s32 $0x5F3759DF, v24;
	v28 =	vsub.s32 $0x5F3759DF, v28  }
0x1c6: {  	v22 =	vmul.f32 v21, v22;
	v19 =	vsub.f32 $1.500000000e+00, v19;
	v59 =	vadd.f32 $1.258291200e+07, v29  }
0x1c7: {  	v2 =	vadd.f32 v11, v2;
	v11 =	vmul.f32 $5.000000000e-01, v6;
	v25 =	vmul.f32 v24, v25  }
0x1c8: {  	v30 =	vmul.f32 v28, v30;
	v4 =	vadd.f32 v4, v12;
	v12 =	vshra.s32 v17, $0x1  }
0x1c9: {  	v22 =	vmul.f32 v21, v22;
	v45 =	vand.u32 $0x3, v59;
	v31 =	vshra.s32 v2, $0x1  }
0x1ca: {  	v55 =	vmul.f32 $5.000000000e-01, v2;
	v12 =	vsub.s32 $0x5F3759DF, v12;
	v11 =	vmul.f32 v14, v11  }
0x1cb: {  	v25 =	vmul.f32 v24, v25;
	v16 =	vmul.f32 v12, v16;
	v31 =	vsub.s32 $0x5F3759DF, v31  }
0x1cc: {  	v56 =	vshra.s32 v4, $0x1;
	v57 =	vmul.f32 $5.000000000e-01, v4;
	v32 =	vmul.f32 v31, v55  }
0x1cd: {  	v33 =	vsub.s32 $0x5F3759DF, v56;
	v11 =	vmul.f32 v14, v11;
	v16 =	vmul.f32 v12, v16  }
0x1ce: {  	v30 =	vmul.f32 v28, v30;
	v22 =	vsub.f32 $1.500000000e+00, v22;
	v34 =	vmul.f32 v33, v57  }
0x1cf: {  	v11 =	vsub.f32 $1.500000000e+00, v11;
	v32 =	vmul.f32 v31, v32;
	v16 =	vsub.f32 $1.500000000e+00, v16  }
0x1d0: {  	v25 =	vsub.f32 $1.500000000e+00, v25;
	v30 =	vsub.f32 $1.500000000e+00, v30;
	v34 =	vmul.f32 v33, v34  }
0x1d1: {  	v11 =	vmul.f32 v14, v11;
	v14 =	vsub.f32 $1.500000000e+00, v32;
	v12 =	vmul.f32 v12, v16  }
0x1d2: {  	v16 =	vmul.f32 v18, v19;
	v18 =	vmul.f32 v21, v22;
	v19 =	vsub.f32 $1.500000000e+00, v34  }
0x1d3: {  	v21 =	vadd.f32 $1.258291200e+07, v9;
	v22 =	vmul.f32 v24, v25;
	v24 =	vmul.f32 v28, v30  }
0x1d4: {  	v25 =	vadd.f32 $1.258291200e+07, v10;
	v30 =	vadd.f32 $1.258291200e+07, v20;
	v14 =	vmul.f32 v31, v14  }
0x1d5: {  	v6 =	vmul.f32 v11, v6;
	v31 =	vadd.f32 $1.258291200e+07, v27;
	v19 =	vmul.f32 v33, v19  }
0x1d6: {  	v28 =	vld [tilespmem:s12+$0x30];
	v11 =	vmul.f32 v12, v17;
	v12 =	vadd.f32 $1.258291200e+07, v23;
	v15 =	vmul.f32 v16, v15  }
0x1d7: {  	v0 =	vmul.f32 v18, v0;
	v16 =	vadd.f32 $1.258291200e+07, v26;
	v13 =	vmul.f32 v22, v13  }
0x1d8: {  	v1 =	vmul.f32 v24, v1;
	v43 =	vadd.f32 $-1.258291200e+07, v21;
	v44 =	vadd.f32 $-1.258291200e+07, v25  }
0x1d9: {  	v2 =	vmul.f32 v14, v2;
	v42 =	vand.u32 $0x3, v31;
	v6 =	vadd.f32 v11, v6  }
0x1da: {  	v4 =	vmul.f32 v19, v4;
	v0 =	vadd.f32 v0, v15;
	v1 =	vadd.f32 v1, v13  }
0x1db: {  	v11 =	vand.u32 $0x3, v21;
	v13 =	vand.u32 $0x3, v25;
	v58 =	vmul.f32 $9.142857550e+00, v28  }
0x1dc: {  	v14 =	vand.u32 $0x3, v16;
	v25 =	vperm.xlane v3, v11;
	v28 =	vperm.xlane v5, v11  }
0x1dd: {  	v48 =	vsub.f32 v9, v43;
	v22 =	vperm.xlane v3, v13;
	v24 =	vperm.xlane v5, v13  }
0x1de: {  	v2 =	vadd.f32 v4, v2;
	v0 =	vadd.f32 v0, v6;
	v6 =	vand.u32 $0x3, v12  }
0x1df: {  	v13 =	vperm.xlane v3, v42;
	v60 =	vadd.f32 $1.258291200e+07, v58;
	v18 =	vperm.xlane v5, v6  }
0x1e0: {  	v1 =	vadd.f32 v2, v1;
	v2 =	vand.u32 $0x3, v30;
	v15 =	vperm.xlane v0, v62  }
0x1e1: {  	v30 =	vadd.f32 $-1.258291200e+07, v30;
	v46 =	vand.u32 $0x3, v60;
	v19 =	vperm.xlane v3, v2  }
0x1e2: {  	v21 =	vperm.xlane v5, v2;
	v2 =	vadd.f32 $-1.258291200e+07, v16;
	v16 =	vperm.xlane v5, v14  }
0x1e3: {  	v17 =	vperm.xlane v1, v62;
	v0 =	vadd.f32 v15, v0;
	v15 =	vperm.xlane v3, v14  }
0x1e4: {  	v49 =	vsub.f32 v10, v44;
	v14 =	vperm.xlane v5, v42;
	v9 =	vperm.xlane v3, v46  }
0x1e5: {  	v20 =	vsub.f32 v20, v30;
	v10 =	vperm.xlane v5, v46;
	v2 =	vsub.f32 v26, v2  }
0x1e6: {  	v11 =	vld [tilespmem:$0x1FFD0];
	v26 =	vmul.f32 $1.570796370e+00, v48;
	v1 =	vadd.f32 v1, v17;
	v17 =	vperm.xlane v3, v6  }
0x1e7: {  	v6 =	vadd.f32 $-1.258291200e+07, v31;
	v31 =	vadd.f32 $-1.258291200e+07, v59;
	v20 =	vmul.f32 $1.570796370e+00, v20  }
0x1e8: {  	v2 =	vmul.f32 $1.570796370e+00, v2;
	v30 =	vmul.f32 v26, v26;
	v0 =	vsel vm0, v0, v1  }
0x1e9: {  	v1 =	vadd.f32 $-1.258291200e+07, v12;
	v12 =	vperm.xlane v5, v45;
	v6 =	vsub.f32 v27, v6  }
0x1ea: {  	v27 =	vsub.f32 v29, v31;
	v29 =	vmul.f32 $1.570796370e+00, v49;
	v31 =	vmul.f32 v20, v20  }
0x1eb: {  	v4 =	vmov s2;
	v11 =	vperm.xlane v0, v11;
	v32 =	vmul.f32 v2, v2  }
0x1ec: {  	vm1 =	veq.s32 v4, v63;
	v50 =	vmul.f32 $1.660500020e-01, v30;
	v57 =	vmul.f32 $4.166666790e-02, v30  }
0x1ed: {  	v34 =	vadd.f32 $-1.258291200e+07, v60;
	v6 =	vmul.f32 $1.570796370e+00, v6;
	v27 =	vmul.f32 $1.570796370e+00, v27  }
0x1ee: {  	v1 =	vsub.f32 v23, v1;
	v4 =	vmul.f32 v29, v29;
	v52 =	vmul.f32 $1.660500020e-01, v31  }
0x1ef: {  	v46 =	vmul.f32 $4.166666790e-02, v31;
	v0 =	vadd.f32 v0, v11;
	v11 =	vperm.xlane v3, v45  }
0x1f0: {  	v54 =	vmul.f32 $1.660500020e-01, v32;
	v35 =	vsub.f32 $1.000000000e+00, v50;
	v50 =	vmul.f32 $4.166666790e-02, v32  }
0x1f1: {  	v43 =	vadd.f32 $-5.000000000e-01, v57;
	v1 =	vmul.f32 $1.570796370e+00, v1;
	v47 =	vperm.xlane v0, v61  }
0x1f2: {  	v33 =	vmul.f32 v6, v6;
	v51 =	vmul.f32 $1.660500020e-01, v4;
	v38 =	vsub.f32 $1.000000000e+00, v52  }
0x1f3: {  	v59 =	vmul.f32 $4.166666790e-02, v4;
	v57 =	vadd.f32 $-5.000000000e-01, v46;
	v0 =	vadd.f32 v0, v47  }
0x1f4: {  	v40 =	vsub.f32 $1.000000000e+00, v54;
	v26 =	vmul.f32 v35, v26;
	v30 =	vmul.f32 v43, v30  }
0x1f5: {  	v55 =	vmul.f32 $1.660500020e-01, v33;
	v37 =	vsub.f32 $1.000000000e+00, v51;
	v23 =	vperm.xlane v0, v7  }
0x1f6: {  	v52 =	vmul.f32 $4.166666790e-02, v33;
	v45 =	vadd.f32 $-5.000000000e-01, v59;
	v20 =	vmul.f32 v38, v20  }
0x1f7: {  	s7 =	sadd.s32 $0x80, s7;
	v59 =	vadd.f32 $-5.000000000e-01, v50;
	v31 =	vmul.f32 v57, v31;
	v0 =	vadd.f32 v0, v23  }
0x1f8: {  	v35 =	vld [tilespmem:s7+$0xFFFFFC60];
	v2 =	vmul.f32 v40, v2;
	v29 =	vmul.f32 v37, v29;
	v23 =	vsub.f32 v58, v34  }
0x1f9: {  	v48 =	vld [tilespmem:s7+$0x30];
	v4 =	vmul.f32 v45, v4;
	v34 =	vmul.f32 v27, v27;
	v0 =	vsub.f32 $1.200000000e+01, v0  }
0x1fa: {  	v49 =	vld [tilespmem:s7+$0xFFFFFC40];
	v41 =	vsub.f32 $1.000000000e+00, v55;
	v32 =	vmul.f32 v59, v32;
	v23 =	vmul.f32 $1.570796370e+00, v23  }
0x1fb: {  	v46 =	vld [tilespmem:s7+$0xFFFFFC70];
	v56 =	vmul.f32 $1.660500020e-01, v34;
	v8 =	vsel vm1, v0, v8;
	v0 =	vmul.f32 v1, v1  }
0x1fc: {  	v43 =	vld [tilespmem:s7+$0x60];
	v6 =	vmul.f32 v41, v6;
	v36 =	vmul.f32 v23, v23  }
0x1fd: {  	v38 =	vld [tilespmem:s7+$0xFFFFFC30];
	v50 =	vmul.f32 v20, v35;
	v42 =	vsub.f32 $1.000000000e+00, v56;
	v53 =	vmul.f32 $1.660500020e-01, v0  }
0x1fe: {  	v47 =	vld [tilespmem:s7+$0xFFFFFC00];
	v58 =	vmul.f32 $1.660500020e-01, v36;
	v60 =	vmul.f32 $4.166666790e-02, v0  }
0x1ff: {  	v40 =	vld [tilespmem:s7+$0x50];
	v54 =	vmul.f32 $4.166666790e-02, v34;
	v27 =	vmul.f32 v42, v27;
	v39 =	vsub.f32 $1.000000000e+00, v53  }
0x200: {  	v55 =	vld [tilespmem:s7+$0xFFFFFC20];
	v56 =	vmul.f32 $4.166666790e-02, v36;
	v44 =	vsub.f32 $1.000000000e+00, v58;
	v58 =	vadd.f32 $-5.000000000e-01, v60  }
0x201: {  	v37 =	vld [tilespmem:s7+$0x10];
	v60 =	vadd.f32 $-5.000000000e-01, v52;
	v52 =	vadd.f32 $-5.000000000e-01, v54;
	v59 =	vmul.f32 v27, v43  }
0x202: {  	v42 =	vld [tilespmem:s7+$0x40];
	v54 =	vadd.f32 $-5.000000000e-01, v56;
	v1 =	vmul.f32 v39, v1;
	v23 =	vmul.f32 v44, v23  }
0x203: {  	v41 =	vld [tilespmem:s7+$0x0];
	v0 =	vmul.f32 v58, v0;
	v33 =	vmul.f32 v60, v33  }
0x204: {  	v53 =	vld [tilespmem:s7+$0xFFFFFC50];
	v34 =	vmul.f32 v52, v34;
	v36 =	vmul.f32 v54, v36  }
0x205: {  	v44 =	vld [tilespmem:s7+$0x20];
	v39 =	vmul.f32 v26, v49;
	v26 =	vmul.f32 v26, v47  }
0x206: {  	v52 =	vmul.f32 v20, v55;
	v54 =	vld [tilespmem:s7+$0x70];
	v58 =	vmul.f32 v6, v40  }
0x207: {  	v6 =	vmul.f32 v6, v37;
	v57 =	vmul.f32 v2, v42  }
0x208: {  	v51 =	vld [tilespmem:s7+$0xFFFFFC10];
	v2 =	vmul.f32 v2, v41;
	v56 =	vmul.f32 v1, v46;
	v33 =	vadd.f32 $1.000000000e+00, v33  }
0x209: {  	v1 =	vmul.f32 v1, v38;
	v20 =	vmul.f32 v23, v48  }
0x20a: {  	v30 =	vadd.f32 $1.000000000e+00, v30;
	v45 =	vmul.f32 v29, v53;
	v40 =	vmul.f32 v33, v40  }
0x20b: {  	v4 =	vadd.f32 $1.000000000e+00, v4;
	v60 =	vmul.f32 v27, v44;
	v7 =	vmul.f32 v23, v54  }
0x20c: {  	v23 =	vmul.f32 v30, v47;
	v27 =	vmul.f32 v30, v49;
	v30 =	vadd.f32 $1.000000000e+00, v31  }
0x20d: {  	v0 =	vadd.f32 $1.000000000e+00, v0;
	v29 =	vmul.f32 v29, v51;
	v31 =	vmul.f32 v4, v51  }
0x20e: {  	v4 =	vmul.f32 v4, v53;
	v49 =	vadd.f32 v40, v6;
	v47 =	vmul.f32 v30, v55  }
0x20f: {  	v35 =	vmul.f32 v30, v35;
	v30 =	vadd.f32 $1.000000000e+00, v32;
	v32 =	vmul.f32 v0, v38  }
0x210: {  	v0 =	vmul.f32 v0, v46;
	v55 =	vadd.f32 $1.000000000e+00, v36;
	v23 =	vsub.f32 v23, v39  }
0x211: {  	v53 =	vsub.f32 v31, v45;
	v45 =	vmul.f32 v49, v14;
	v38 =	vmul.f32 v30, v41  }
0x212: {  	v46 =	vadd.f32 v27, v26;
	v41 =	vmul.f32 v30, v42;
	v42 =	vmul.f32 v33, v37  }
0x213: {  	v4 =	vadd.f32 v4, v29;
	v51 =	vmul.f32 v55, v48;
	v27 =	vmul.f32 v55, v54  }
0x214: {  	v29 =	vmul.f32 v23, v25;
	v26 =	vmul.f32 v23, v28  }
0x215: {  	v30 =	vadd.f32 $1.000000000e+00, v34;
	v25 =	vmul.f32 v46, v25;
	v31 =	vmul.f32 v4, v24  }
0x216: {  	v55 =	vsub.f32 v47, v50;
	v23 =	vmul.f32 v53, v24;
	v24 =	vmul.f32 v4, v22  }
0x217: {  	v35 =	vadd.f32 v35, v52;
	v44 =	vmul.f32 v30, v44;
	v43 =	vmul.f32 v30, v43  }
0x218: {  	s1 =	sadd.s32 $0x80, s1;
	v56 =	vsub.f32 v32, v56;
	v30 =	vmul.f32 v46, v28;
	v28 =	vmul.f32 v53, v22  }
0x219: {  	v0 =	vadd.f32 v0, v1;
	v32 =	vmul.f32 v55, v19;
	v33 =	vmul.f32 v35, v21;
	v22 =	vld [tilespmem:s1+$0xFFFFFC00]  }
0x21a: {  	p0 =	sne.s32 s22, $0x7;
	v1 =	vsub.f32 v38, v57;
	v34 =	vmul.f32 v55, v21;
	v35 =	vmul.f32 v35, v19;
	v19 =	vld [tilespmem:s1+$0xFFFFFC40]  }
.Ltmp2:
0x21b: {  	v2 =	vadd.f32 v41, v2;
	v36 =	vmul.f32 v56, v17;
	v37 =	vmul.f32 v0, v18;
	v21 =	vld [tilespmem:s1+$0xFFFFFC10];
	(pc) =	sbr.rel @p0 .LBB2_8-.Ltmp2, $4  }
0x21c: {  	v38 =	vmul.f32 v56, v18;
	v39 =	vmul.f32 v0, v17;
	v17 =	vld [tilespmem:s1+$0xFFFFFC50]  }
0x21d: {  	v48 =	vsub.f32 v42, v58;
	v18 =	vld [tilespmem:s1+$0xFFFFFC20];
	v40 =	vmul.f32 v1, v15;
	v41 =	vmul.f32 v2, v16  }
0x21e: {  	v46 =	vsub.f32 v44, v59;
	v16 =	vmul.f32 v1, v16;
	v42 =	vmul.f32 v2, v15;
	v15 =	vld [tilespmem:s1+$0xFFFFFC60]  }
0x21f: {  	s2 =	smov.u32 s22;
	s22 =	sadd.s32 $0x1, s22;
	v47 =	vadd.f32 v43, v60;
	v43 =	vmul.f32 v48, v13;
	v44 =	vsub.f32 v51, v7;
	v7 =	vld [tilespmem:$0x1FFB0]  }
0x220: {  	v2 =	vadd.f32 v27, v20  }
0x221: {  	v4 =	vsub.f32 v29, v30;
	v55 =	vadd.f32 v25, v26  }
0x222: {  	v0 =	vmul.f32 v48, v14;
	v56 =	vsub.f32 v28, v31;
	v23 =	vadd.f32 v24, v23  }
0x223: {  	v1 =	vmul.f32 v49, v13;
	v58 =	vsub.f32 v32, v33;
	v60 =	vadd.f32 v35, v34  }
0x224: {  	v6 =	vmul.f32 v46, v11;
	v36 =	vsub.f32 v36, v37;
	v39 =	vadd.f32 v39, v38  }
0x225: {  	v57 =	vmul.f32 v46, v12;
	v41 =	vsub.f32 v40, v41;
	v16 =	vadd.f32 v42, v16;
	v50 =	vld [tilespmem:s1+$0xFFFFFC70]  }
0x226: {  	v53 =	vld [tilespmem:s1+$0x40];
	v54 =	vmul.f32 v47, v12;
	v59 =	vmul.f32 v47, v11;
	v48 =	vsub.f32 v43, v45  }
0x227: {  	v28 =	vld [tilespmem:s1+$0x60];
	v37 =	vmul.f32 v44, v9;
	v0 =	vadd.f32 v1, v0;
	v4 =	vsub.f32 v4, v22  }
0x228: {  	v29 =	vld [tilespmem:s1+$0x30];
	v49 =	vmul.f32 v44, v10;
	v17 =	vsub.f32 v23, v17;
	v18 =	vsub.f32 v58, v18  }
0x229: {  	v47 =	vld [tilespmem:s1+$0xFFFFFC30];
	v46 =	vmul.f32 v2, v10;
	v1 =	vsub.f32 v6, v54;
	v51 =	vadd.f32 v59, v57  }
0x22a: {  	v30 =	vld [tilespmem:s1+$0x70];
	v2 =	vmul.f32 v2, v9;
	v54 =	vsub.f32 v55, v19;
	v55 =	vsub.f32 v56, v21  }
0x22b: {  	v6 =	vld [tilespmem:s1+$0x0];
	v15 =	vsub.f32 v60, v15;
	v52 =	vsub.f32 v37, v46;
	v4 =	vmul.f32 v4, v4  }
0x22c: {  	v56 =	vld [tilespmem:s1+$0x10];
	v2 =	vadd.f32 v2, v49;
	v17 =	vmul.f32 v17, v17;
	v18 =	vmul.f32 v18, v18  }
0x22d: {  	v57 =	vld [tilespmem:s1+$0x50];
	v60 =	vsub.f32 v39, v50;
	v10 =	vmul.f32 v54, v54;
	v12 =	vsub.f32 v16, v53  }
0x22e: {  	v59 =	vld [tilespmem:s1+$0x20];
	v13 =	vmul.f32 v55, v55;
	v9 =	vsub.f32 v51, v28;
	v58 =	vsub.f32 v36, v47  }
0x22f: {  	v15 =	vmul.f32 v15, v15;
	v11 =	vsub.f32 v52, v29;
	v2 =	vsub.f32 v2, v30  }
0x230: {  	v32 =	vmul.f32 v60, v60;
	v4 =	vadd.f32 v10, v4;
	v33 =	vadd.f32 v17, v13  }
0x231: {  	v12 =	vmul.f32 v12, v12;
	v34 =	vadd.f32 v15, v18;
	v6 =	vsub.f32 v41, v6  }
0x232: {  	v9 =	vmul.f32 v9, v9;
	v14 =	vsub.f32 v48, v56;
	v0 =	vsub.f32 v0, v57  }
0x233: {  	v31 =	vmul.f32 v58, v58;
	v1 =	vsub.f32 v1, v59;
	v11 =	vmul.f32 v11, v11  }
0x234: {  	v2 =	vmul.f32 v2, v2;
	v36 =	vshra.s32 v4, $0x1;
	v37 =	vmul.f32 $5.000000000e-01, v4  }
0x235: {  	v38 =	vshra.s32 v33, $0x1;
	v39 =	vmul.f32 $5.000000000e-01, v33;
	v41 =	vmul.f32 $5.000000000e-01, v34  }
0x236: {  	v40 =	vshra.s32 v34, $0x1;
	v6 =	vmul.f32 v6, v6;
	v14 =	vmul.f32 v14, v14  }
0x237: {  	v0 =	vmul.f32 v0, v0;
	v1 =	vmul.f32 v1, v1;
	v35 =	vadd.f32 v32, v31  }
0x238: {  	v2 =	vadd.f32 v2, v11;
	v11 =	vsub.s32 $0x5F3759DF, v38;
	v16 =	vsub.s32 $0x5F3759DF, v40  }
0x239: {  	v17 =	vmul.f32 v16, v41;
	v6 =	vadd.f32 v12, v6;
	v0 =	vadd.f32 v0, v14  }
0x23a: {  	v1 =	vadd.f32 v9, v1;
	v42 =	vshra.s32 v35, $0x1;
	v19 =	vmul.f32 $5.000000000e-01, v35  }
0x23b: {  	v49 =	vshra.s32 v2, $0x1;
	v50 =	vmul.f32 $5.000000000e-01, v2;
	v12 =	vsub.s32 $0x5F3759DF, v36  }
0x23c: {  	v14 =	vmul.f32 v11, v39;
	v9 =	vmul.f32 v12, v37;
	v18 =	vsub.s32 $0x5F3759DF, v42  }
0x23d: {  	v26 =	vsub.s32 $0x5F3759DF, v49;
	v17 =	vmul.f32 v16, v17;
	v43 =	vshra.s32 v6, $0x1  }
0x23e: {  	v44 =	vmul.f32 $5.000000000e-01, v6;
	v45 =	vshra.s32 v0, $0x1;
	v46 =	vmul.f32 $5.000000000e-01, v0  }
0x23f: {  	v47 =	vshra.s32 v1, $0x1;
	v48 =	vmul.f32 $5.000000000e-01, v1;
	v19 =	vmul.f32 v18, v19  }
0x240: {  	v27 =	vmul.f32 v26, v50;
	v14 =	vmul.f32 v11, v14;
	v20 =	vsub.s32 $0x5F3759DF, v43  }
0x241: {  	v22 =	vsub.s32 $0x5F3759DF, v45;
	v24 =	vsub.s32 $0x5F3759DF, v47;
	v9 =	vmul.f32 v12, v9  }
0x242: {  	v17 =	vsub.f32 $1.500000000e+00, v17;
	v21 =	vmul.f32 v20, v44;
	v23 =	vmul.f32 v22, v46  }
0x243: {  	v25 =	vmul.f32 v24, v48;
	v19 =	vmul.f32 v18, v19;
	v14 =	vsub.f32 $1.500000000e+00, v14  }
0x244: {  	v27 =	vmul.f32 v26, v27;
	v9 =	vsub.f32 $1.500000000e+00, v9;
	v52 =	vmul.f32 v16, v17  }
0x245: {  	v21 =	vmul.f32 v20, v21;
	v23 =	vmul.f32 v22, v23;
	v19 =	vsub.f32 $1.500000000e+00, v19  }
0x246: {  	v25 =	vmul.f32 v24, v25;
	v11 =	vmul.f32 v11, v14;
	v54 =	vsub.f32 $1.500000000e+00, v27  }
0x247: {  	v9 =	vmul.f32 v12, v9;
	v58 =	vmul.f32 v52, v34;
	v21 =	vsub.f32 $1.500000000e+00, v21  }
0x248: {  	v23 =	vsub.f32 $1.500000000e+00, v23;
	v53 =	vmul.f32 v18, v19;
	v17 =	vmul.f32 v26, v54  }
0x249: {  	v51 =	vsub.f32 $1.500000000e+00, v25;
	v57 =	vmul.f32 v11, v33;
	v4 =	vmul.f32 v9, v4  }
0x24a: {  	v55 =	vmul.f32 v20, v21;
	v56 =	vmul.f32 v22, v23  }
0x24b: {  	v12 =	vmul.f32 v24, v51;
	v59 =	vmul.f32 v53, v35  }
0x24c: {  	v2 =	vmul.f32 v17, v2;
	v6 =	vmul.f32 v55, v6  }
0x24d: {  	v0 =	vmul.f32 v56, v0;
	v1 =	vmul.f32 v12, v1  }
0x24e: {  	v4 =	vadd.f32 v57, v4;
	v60 =	vadd.f32 v59, v58  }
0x24f: {  	v0 =	vadd.f32 v0, v6;
	v1 =	vadd.f32 v2, v1;
	_ =	sdelay $0x1  }
0x250: {  	v2 =	vadd.f32 v60, v4;
	v0 =	vadd.f32 v1, v0;
	_ =	sdelay $0x1  }
0x251: {  	v1 =	vperm.xlane v2, v62;
	v4 =	vperm.xlane v0, v62;
	v62 =	vld [tilespmem:$0x1FFD0];
	_ =	sdelay $0x1  }
0x252: {  	v1 =	vadd.f32 v1, v2;
	v0 =	vadd.f32 v0, v4;
	_ =	sdelay $0x1  }
0x253: {  	v0 =	vsel vm0, v1, v0  }
0x254: {  	v1 =	vperm.xlane v0, v62;
	_ =	sdelay $0x1  }
0x255: {  	v0 =	vadd.f32 v0, v1;
	_ =	sdelay $0x1  }
0x256: {  	v1 =	vperm.xlane v0, v61;
	_ =	sdelay $0x1  }
0x257: {  	v0 =	vadd.f32 v0, v1;
	_ =	sdelay $0x1  }
0x258: {  	v1 =	vperm.xlane v0, v7;
	_ =	sdelay $0x1  }
0x259: {  	v0 =	vadd.f32 v0, v1;
	v1 =	vmov s2  }
0x25a: {  	vm1 =	veq.s32 v1, v63;
	v1 =	vld [tilespmem:$0x1FF90];
	_ =	sdelay $0x1  }
0x25b: {  	s31 =	sshll.u32 s26, $0x4;
	s26 =	sadd.s32 $0x1, s26  }
0x25c: {  	p0 =	sne.s32 s26, $0x5  }
.Ltmp3:
0x25d: {  	_ = 	snop;
	(pc) =	sbr.rel @p0 .LBB2_7-.Ltmp3, $3  }
0x25e: {  	v0 =	vsub.f32 $1.200000000e+01, v0;
	_ =	sdelay $0x1  }
0x25f: {  	s1 =	sand.u32 $0x3FFFFFF0, s31;
	v0 =	vsel vm1, v0, v8  }
0x260: {  	s25 =	sadd.s32 $0x800, s25;
	s28 =	sadd.s32 $0x800, s28;
	s29 =	sadd.s32 $0x800, s29;
	v60 =	vmov v63;
	[tilespmem:v1+s1+$0x0 ss:$0x1] =	vst.idx.msk $0xffff, v0  }
0x261: {  	s24 =	sadd.s32 $0x1, s24  }
0x262: {  	p0 =	sne.s32 s24, $0x3E  }
.Ltmp4:
0x263: {  	_ = 	snop;
	(pc) =	sbr.rel @p0 .LBB2_2-.Ltmp4, $2  }
0x264: {  	_ =	sdelay $0x2  }
0x265: {  	v63 =	vld [tilespmem:$0x1FFC0]  }
0x266: {  	_ =	swait.ge [sflag:s20], $0x2800  }
0x267: {  	[sflag:s20] =	ssyncset.done $0x0  }
0x268: {  	[sflag:s20] =	ssyncadd.s32 $0xFFFFD800  }
0x269: {  	_ =	swait.ge [sflag:s20], $0x2800  }
0x26a: {  	[sflag:s20] =	ssyncset.done $0x0  }
0x26b: {  	[sflag:s20] =	ssyncadd.s32 $0xFFFFD800  }
0x26c: {  	_ =	swait.ge [sflag:s20], $0x2800  }
0x26d: {  	s24 =	simm.s32 $0x0;
	s25 =	simm.s32 $0x7A80;
	[sflag:s20] =	ssyncset.done $0x0  }
0x26e: {  	s26 =	simm.s32 $0xA280;
	s28 =	simm.s32 $0xCA80;
	[sflag:s20] =	ssyncadd.s32 $0xFFFFD800  }
.LBB2_12:
0x26f: {  	v0 =	vld [tilespmem:s28+$0xFFFFFC00]  }
0x270: {  	v1 =	vld [tilespmem:s28+$0xFFFFFC10]  }
0x271: {  	v2 =	vld [tilespmem:s28+$0xFFFFFC20]  }
0x272: {  	v4 =	vld [tilespmem:s28+$0xFFFFFC30]  }
0x273: {  	v6 =	vld [tilespmem:s28+$0x0]  }
0x274: {  	v7 =	vld [tilespmem:s28+$0x10]  }
0x275: {  	v8 =	vld [tilespmem:s28+$0x20]  }
0x276: {  	v9 =	vld [tilespmem:s28+$0x30]  }
0x277: {  	v0 =	vmul.f32 $9.142857550e+00, v0;
	v1 =	vmul.f32 $9.142857550e+00, v1  }
0x278: {  	v2 =	vmul.f32 $9.142857550e+00, v2;
	v4 =	vmul.f32 $9.142857550e+00, v4  }
0x279: {  	v6 =	vmul.f32 $9.142857550e+00, v6;
	v7 =	vmul.f32 $9.142857550e+00, v7  }
0x27a: {  	v19 =	vmul.f32 $9.142857550e+00, v8;
	v10 =	vadd.f32 $1.258291200e+07, v0;
	v8 =	vadd.f32 $1.258291200e+07, v1  }
0x27b: {  	v25 =	vmul.f32 $9.142857550e+00, v9;
	v11 =	vadd.f32 $1.258291200e+07, v2;
	v12 =	vadd.f32 $1.258291200e+07, v4  }
0x27c: {  	v13 =	vadd.f32 $1.258291200e+07, v6;
	v9 =	vadd.f32 $1.258291200e+07, v7  }
0x27d: {  	v26 =	vadd.f32 $1.258291200e+07, v19;
	v27 =	vadd.f32 $1.258291200e+07, v25  }
0x27e: {  	v14 =	vand.u32 $0x3, v10;
	v15 =	vand.u32 $0x3, v8;
	v16 =	vand.u32 $0x3, v11  }
0x27f: {  	v17 =	vand.u32 $0x3, v12;
	v28 =	vand.u32 $0x3, v13;
	v29 =	vand.u32 $0x3, v9  }
0x280: {  	v30 =	vadd.f32 $-1.258291200e+07, v10;
	v31 =	vadd.f32 $-1.258291200e+07, v8;
	v8 =	vand.u32 $0x3, v26  }
0x281: {  	v32 =	vand.u32 $0x3, v27;
	v23 =	vperm.xlane v3, v14;
	v24 =	vperm.xlane v5, v14  }
0x282: {  	v33 =	vadd.f32 $-1.258291200e+07, v11;
	v21 =	vperm.xlane v3, v15;
	v22 =	vperm.xlane v5, v15  }
0x283: {  	v34 =	vadd.f32 $-1.258291200e+07, v12;
	v18 =	vperm.xlane v3, v16;
	v20 =	vperm.xlane v5, v16  }
0x284: {  	v35 =	vadd.f32 $-1.258291200e+07, v13;
	v16 =	vperm.xlane v3, v17;
	v17 =	vperm.xlane v5, v17  }
0x285: {  	v26 =	vadd.f32 $-1.258291200e+07, v26;
	v14 =	vperm.xlane v3, v28;
	v15 =	vperm.xlane v5, v28  }
0x286: {  	v27 =	vadd.f32 $-1.258291200e+07, v27;
	v12 =	vperm.xlane v3, v29;
	v13 =	vperm.xlane v5, v29  }
0x287: {  	v28 =	vadd.f32 $-1.258291200e+07, v9;
	v10 =	vperm.xlane v3, v8;
	v11 =	vperm.xlane v5, v8  }
0x288: {  	v8 =	vperm.xlane v3, v32;
	v0 =	vsub.f32 v0, v30;
	v1 =	vsub.f32 v1, v31  }
0x289: {  	v9 =	vperm.xlane v5, v32;
	v2 =	vsub.f32 v2, v33;
	v4 =	vsub.f32 v4, v34  }
0x28a: {  	v6 =	vsub.f32 v6, v35;
	v19 =	vsub.f32 v19, v26;
	v0 =	vmul.f32 $1.570796370e+00, v0  }
0x28b: {  	v25 =	vsub.f32 v25, v27;
	v1 =	vmul.f32 $1.570796370e+00, v1;
	v2 =	vmul.f32 $1.570796370e+00, v2  }
0x28c: {  	v7 =	vsub.f32 v7, v28;
	v4 =	vmul.f32 $1.570796370e+00, v4;
	v6 =	vmul.f32 $1.570796370e+00, v6  }
0x28d: {  	v19 =	vmul.f32 $1.570796370e+00, v19;
	v25 =	vmul.f32 $1.570796370e+00, v25  }
0x28e: {  	v7 =	vmul.f32 $1.570796370e+00, v7;
	v26 =	vmul.f32 v0, v0  }
0x28f: {  	v27 =	vmul.f32 v1, v1;
	v28 =	vmul.f32 v2, v2  }
0x290: {  	v29 =	vmul.f32 v4, v4;
	v30 =	vmul.f32 v6, v6  }
0x291: {  	v32 =	vmul.f32 v19, v19;
	v34 =	vmul.f32 v25, v25  }
0x292: {  	v31 =	vmul.f32 v7, v7;
	v53 =	vmul.f32 $1.660500020e-01, v26  }
0x293: {  	v54 =	vmul.f32 $1.660500020e-01, v27;
	v36 =	vmul.f32 $1.660500020e-01, v28  }
0x294: {  	v37 =	vmul.f32 $1.660500020e-01, v29;
	v38 =	vmul.f32 $1.660500020e-01, v30  }
0x295: {  	v40 =	vmul.f32 $1.660500020e-01, v32;
	v41 =	vmul.f32 $4.166666790e-02, v26  }
0x296: {  	v42 =	vmul.f32 $1.660500020e-01, v34;
	v43 =	vmul.f32 $4.166666790e-02, v27  }
0x297: {  	v44 =	vmul.f32 $4.166666790e-02, v28;
	v46 =	vmul.f32 $4.166666790e-02, v29  }
0x298: {  	v48 =	vmul.f32 $4.166666790e-02, v30;
	v33 =	vsub.f32 $1.000000000e+00, v53;
	v35 =	vsub.f32 $1.000000000e+00, v54  }
0x299: {  	v45 =	vld [tilespmem:s25+$0xFFFFFC00];
	v52 =	vmul.f32 $4.166666790e-02, v32;
	v36 =	vsub.f32 $1.000000000e+00, v36;
	v37 =	vsub.f32 $1.000000000e+00, v37  }
0x29a: {  	v47 =	vld [tilespmem:s25+$0xFFFFFC40];
	v39 =	vmul.f32 $1.660500020e-01, v31;
	v38 =	vsub.f32 $1.000000000e+00, v38;
	v40 =	vsub.f32 $1.000000000e+00, v40  }
0x29b: {  	v49 =	vld [tilespmem:s25+$0xFFFFFC10];
	v50 =	vmul.f32 $4.166666790e-02, v31;
	v42 =	vsub.f32 $1.000000000e+00, v42;
	v41 =	vadd.f32 $-5.000000000e-01, v41  }
0x29c: {  	v51 =	vld [tilespmem:s25+$0xFFFFFC50];
	v43 =	vadd.f32 $-5.000000000e-01, v43;
	v54 =	vmul.f32 $4.166666790e-02, v34;
	v55 =	vadd.f32 $-5.000000000e-01, v44  }
0x29d: {  	v53 =	vld [tilespmem:s25+$0xFFFFFC20];
	v56 =	vadd.f32 $-5.000000000e-01, v46;
	v0 =	vmul.f32 v33, v0;
	v1 =	vmul.f32 v35, v1  }
0x29e: {  	v44 =	vld [tilespmem:s25+$0xFFFFFC70];
	v57 =	vadd.f32 $-5.000000000e-01, v48;
	v2 =	vmul.f32 v36, v2;
	v4 =	vmul.f32 v37, v4  }
0x29f: {  	v59 =	vadd.f32 $-5.000000000e-01, v52;
	v46 =	vld [tilespmem:s25+$0x30];
	v6 =	vmul.f32 v38, v6;
	v19 =	vmul.f32 v40, v19  }
0x2a0: {  	v58 =	vadd.f32 $-5.000000000e-01, v50;
	v50 =	vld [tilespmem:s25+$0x70];
	v25 =	vmul.f32 v42, v25;
	v26 =	vmul.f32 v41, v26  }
0x2a1: {  	v39 =	vsub.f32 $1.000000000e+00, v39;
	v33 =	vld [tilespmem:s25+$0xFFFFFC60];
	v27 =	vmul.f32 v43, v27;
	v28 =	vmul.f32 v55, v28  }
0x2a2: {  	v36 =	vld [tilespmem:s25+$0xFFFFFC30];
	v29 =	vmul.f32 v56, v29;
	v48 =	vadd.f32 $-5.000000000e-01, v54;
	v30 =	vmul.f32 v57, v30  }
0x2a3: {  	v40 =	vld [tilespmem:s25+$0x40];
	v32 =	vmul.f32 v59, v32;
	v7 =	vmul.f32 v39, v7  }
0x2a4: {  	v35 =	vld [tilespmem:s25+$0x10];
	v31 =	vmul.f32 v58, v31;
	v34 =	vmul.f32 v48, v34  }
0x2a5: {  	v38 =	vld [tilespmem:s25+$0x50];
	v37 =	vmul.f32 v0, v47;
	v0 =	vmul.f32 v0, v45  }
0x2a6: {  	v41 =	vld [tilespmem:s25+$0x60];
	v43 =	vmul.f32 v1, v51;
	v1 =	vmul.f32 v1, v49;
	v29 =	vadd.f32 $1.000000000e+00, v29  }
0x2a7: {  	v42 =	vld [tilespmem:s25+$0x20];
	v52 =	vmul.f32 v4, v44;
	v59 =	vmul.f32 v25, v50  }
0x2a8: {  	v44 =	vmul.f32 v29, v44;
	v48 =	vmul.f32 v2, v33  }
0x2a9: {  	v2 =	vmul.f32 v2, v53;
	v4 =	vmul.f32 v4, v36  }
0x2aa: {  	v54 =	vmul.f32 v6, v40;
	v55 =	vmul.f32 v7, v38  }
0x2ab: {  	v56 =	vmul.f32 v7, v35;
	v7 =	vadd.f32 $1.000000000e+00, v26;
	v57 =	vmul.f32 v19, v41  }
0x2ac: {  	v58 =	vmul.f32 v19, v42;
	v26 =	vadd.f32 $1.000000000e+00, v27;
	v19 =	vmul.f32 v25, v46  }
0x2ad: {  	v39 =	vld [tilespmem:s25+$0x0];
	v36 =	vmul.f32 v29, v36;
	v29 =	vadd.f32 $1.000000000e+00, v31;
	v25 =	vmul.f32 v7, v45  }
0x2ae: {  	v27 =	vmul.f32 v7, v47;
	v7 =	vadd.f32 $1.000000000e+00, v28;
	v28 =	vmul.f32 v26, v49  }
0x2af: {  	v26 =	vmul.f32 v26, v51;
	v47 =	vmul.f32 v29, v35  }
0x2b0: {  	v49 =	vmul.f32 v29, v38;
	v29 =	vadd.f32 $1.000000000e+00, v34;
	v45 =	vmul.f32 v7, v53  }
0x2b1: {  	v33 =	vmul.f32 v7, v33;
	v7 =	vadd.f32 $1.000000000e+00, v30;
	v30 =	vadd.f32 $1.000000000e+00, v32  }
0x2b2: {  	v6 =	vmul.f32 v6, v39;
	v25 =	vsub.f32 v25, v37;
	v0 =	vadd.f32 v27, v0  }
0x2b3: {  	v53 =	vmul.f32 v29, v46;
	v1 =	vadd.f32 v26, v1;
	v26 =	vmul.f32 v29, v50  }
0x2b4: {  	v31 =	vsub.f32 v28, v43;
	v39 =	vmul.f32 v7, v39;
	v40 =	vmul.f32 v7, v40  }
0x2b5: {  	v47 =	vsub.f32 v47, v55;
	v42 =	vmul.f32 v30, v42;
	v51 =	vmul.f32 v30, v41  }
0x2b6: {  	v7 =	vimm.f32 $0.0e+00;
	v28 =	vmul.f32 v25, v23;
	v29 =	vmul.f32 v0, v24  }
0x2b7: {  	v50 =	vsub.f32 v45, v48;
	v25 =	vmul.f32 v25, v24;
	v24 =	vmul.f32 v0, v23  }
0x2b8: {  	v0 =	vadd.f32 v33, v2;
	v27 =	vmul.f32 v31, v21;
	v30 =	vmul.f32 v1, v22  }
0x2b9: {  	v2 =	vsub.f32 v36, v52;
	v22 =	vmul.f32 v31, v22;
	v23 =	vmul.f32 v1, v21  }
0x2ba: {  	v1 =	vadd.f32 v44, v4;
	v31 =	vmul.f32 v50, v18;
	v32 =	vmul.f32 v0, v20  }
0x2bb: {  	v21 =	vld [tilespmem:s26+$0xFFFFFC00];
	v48 =	vadd.f32 v49, v56;
	v33 =	vmul.f32 v50, v20;
	v34 =	vmul.f32 v0, v18  }
0x2bc: {  	v4 =	vsub.f32 v39, v54;
	v18 =	vld [tilespmem:s26+$0xFFFFFC40];
	v35 =	vmul.f32 v2, v16;
	v36 =	vmul.f32 v1, v17  }
0x2bd: {  	v0 =	vadd.f32 v40, v6;
	v20 =	vld [tilespmem:s26+$0xFFFFFC10];
	v37 =	vmul.f32 v2, v17;
	v38 =	vmul.f32 v1, v16  }
0x2be: {  	v16 =	vld [tilespmem:s26+$0xFFFFFC50];
	v45 =	vsub.f32 v42, v57;
	v42 =	vmul.f32 v47, v12;
	v44 =	vmul.f32 v48, v13  }
0x2bf: {  	s22 =	simm.s32 $0x1;
	s1 =	smov.u32 s26;
	v43 =	vsub.f32 v53, v59;
	v17 =	vld [tilespmem:s26+$0xFFFFFC20];
	v39 =	vmul.f32 v4, v14;
	v40 =	vmul.f32 v0, v15  }
0x2c0: {  	s12 =	smov.u32 s28;
	s2 =	simm.s32 $0x0;
	s7 =	smov.u32 s25;
	v46 =	vadd.f32 v51, v58;
	v15 =	vmul.f32 v4, v15;
	v41 =	vmul.f32 v0, v14;
	v14 =	vld [tilespmem:s26+$0xFFFFFC60]  }
.LBB2_13:
0x2c1: {  	v1 =	vmul.f32 v47, v13;
	v4 =	vadd.f32 v26, v19  }
0x2c2: {  	v0 =	vld [tilespmem:s1+$0xFFFFFC30];
	v2 =	vmul.f32 v48, v12;
	v6 =	vsub.f32 v28, v29;
	v24 =	vadd.f32 v24, v25  }
0x2c3: {  	v12 =	vld [tilespmem:s1+$0xFFFFFC70];
	v13 =	vmul.f32 v45, v10;
	v25 =	vsub.f32 v27, v30;
	v23 =	vadd.f32 v23, v22  }
0x2c4: {  	s12 =	sadd.s32 $0x80, s12;
	v19 =	vmul.f32 v46, v11;
	v27 =	vld [tilespmem:s1+$0x0];
	v28 =	vsub.f32 v31, v32;
	v29 =	vadd.f32 v34, v33  }
0x2c5: {  	v11 =	vmul.f32 v45, v11;
	v26 =	vld [tilespmem:s12+$0xFFFFFC00];
	v30 =	vsub.f32 v35, v36;
	v53 =	vadd.f32 v38, v37  }
0x2c6: {  	v10 =	vmul.f32 v46, v10;
	v22 =	vld [tilespmem:s12+$0xFFFFFC10];
	v54 =	vsub.f32 v39, v40;
	v15 =	vadd.f32 v41, v15  }
0x2c7: {  	v52 =	vld [tilespmem:s12+$0xFFFFFC20];
	v57 =	vsub.f32 v42, v44;
	v1 =	vadd.f32 v2, v1  }
0x2c8: {  	v31 =	vmul.f32 v43, v8;
	v56 =	vld [tilespmem:s12+$0xFFFFFC30];
	v2 =	vsub.f32 v13, v19;
	v10 =	vadd.f32 v10, v11  }
0x2c9: {  	v58 =	vmul.f32 v43, v9;
	v59 =	vld [tilespmem:s12+$0x0];
	v6 =	vsub.f32 v6, v21;
	v18 =	vsub.f32 v24, v18  }
0x2ca: {  	v55 =	vmul.f32 v4, v9;
	v13 =	vld [tilespmem:s12+$0x10];
	v20 =	vsub.f32 v25, v20;
	v16 =	vsub.f32 v23, v16  }
0x2cb: {  	v4 =	vmul.f32 v4, v8;
	v21 =	vld [tilespmem:s1+$0x40];
	v17 =	vsub.f32 v28, v17;
	v14 =	vsub.f32 v29, v14  }
0x2cc: {  	v24 =	vld [tilespmem:s1+$0x10];
	v11 =	vsub.f32 v31, v55;
	v8 =	vmul.f32 $9.142857550e+00, v26;
	v9 =	vmul.f32 $9.142857550e+00, v22  }
0x2cd: {  	v23 =	vld [tilespmem:s1+$0x50];
	v4 =	vadd.f32 v4, v58;
	v19 =	vmul.f32 $9.142857550e+00, v52;
	v6 =	vmul.f32 v6, v6  }
0x2ce: {  	v28 =	vld [tilespmem:s1+$0x20];
	v0 =	vsub.f32 v30, v0;
	v18 =	vmul.f32 v18, v18;
	v20 =	vmul.f32 v20, v20  }
0x2cf: {  	v29 =	vld [tilespmem:s1+$0x70];
	v12 =	vsub.f32 v53, v12;
	v16 =	vmul.f32 v16, v16;
	v17 =	vmul.f32 v17, v17  }
0x2d0: {  	v14 =	vmul.f32 v14, v14;
	v26 =	vmul.f32 $9.142857550e+00, v13;
	v13 =	vsub.f32 v54, v27  }
0x2d1: {  	v22 =	vmul.f32 $9.142857550e+00, v56;
	v6 =	vadd.f32 v18, v6;
	v16 =	vadd.f32 v16, v20  }
0x2d2: {  	v0 =	vmul.f32 v0, v0;
	v14 =	vadd.f32 v14, v17;
	v15 =	vsub.f32 v15, v21  }
0x2d3: {  	v12 =	vmul.f32 v12, v12;
	v24 =	vsub.f32 v57, v24;
	v1 =	vsub.f32 v1, v23  }
0x2d4: {  	v25 =	vmul.f32 $9.142857550e+00, v59;
	v27 =	vld [tilespmem:s1+$0x60];
	v2 =	vsub.f32 v2, v28;
	v4 =	vsub.f32 v4, v29  }
0x2d5: {  	v21 =	vld [tilespmem:s1+$0x30];
	v0 =	vadd.f32 v12, v0;
	v13 =	vmul.f32 v13, v13;
	v18 =	vmul.f32 $5.000000000e-01, v14  }
0x2d6: {  	v23 =	vld [tilespmem:s12+$0x20];
	v17 =	vshra.s32 v14, $0x1;
	v15 =	vmul.f32 v15, v15;
	v24 =	vmul.f32 v24, v24  }
0x2d7: {  	v1 =	vmul.f32 v1, v1;
	v2 =	vmul.f32 v2, v2;
	v20 =	vshra.s32 v0, $0x1  }
0x2d8: {  	v4 =	vmul.f32 v4, v4;
	v17 =	vsub.s32 $0x5F3759DF, v17;
	v20 =	vsub.s32 $0x5F3759DF, v20  }
0x2d9: {  	v18 =	vmul.f32 v17, v18;
	v10 =	vsub.f32 v10, v27;
	v12 =	vadd.f32 v15, v13  }
0x2da: {  	v1 =	vadd.f32 v1, v24;
	v13 =	vshra.s32 v6, $0x1;
	v15 =	vmul.f32 $5.000000000e-01, v16  }
0x2db: {  	v11 =	vsub.f32 v11, v21;
	v28 =	vmul.f32 $9.142857550e+00, v23;
	v21 =	vmul.f32 $5.000000000e-01, v0  }
0x2dc: {  	v13 =	vsub.s32 $0x5F3759DF, v13;
	v18 =	vmul.f32 v17, v18;
	v10 =	vmul.f32 v10, v10  }
0x2dd: {  	v23 =	vshra.s32 v12, $0x1;
	v24 =	vmul.f32 $5.000000000e-01, v12;
	v27 =	vshra.s32 v1, $0x1  }
0x2de: {  	v29 =	vmul.f32 $5.000000000e-01, v1;
	v11 =	vmul.f32 v11, v11;
	v23 =	vsub.s32 $0x5F3759DF, v23  }
0x2df: {  	v27 =	vsub.s32 $0x5F3759DF, v27;
	v21 =	vmul.f32 v20, v21;
	v18 =	vsub.f32 $1.500000000e+00, v18  }
0x2e0: {  	v40 =	vadd.f32 $1.258291200e+07, v28;
	v2 =	vadd.f32 v10, v2;
	v10 =	vmul.f32 $5.000000000e-01, v6  }
0x2e1: {  	v24 =	vmul.f32 v23, v24;
	v29 =	vmul.f32 v27, v29;
	v4 =	vadd.f32 v4, v11  }
0x2e2: {  	v11 =	vshra.s32 v16, $0x1;
	v21 =	vmul.f32 v20, v21;
	v45 =	vand.u32 $0x3, v40  }
0x2e3: {  	v31 =	vmul.f32 $5.000000000e-01, v2;
	v11 =	vsub.s32 $0x5F3759DF, v11;
	v10 =	vmul.f32 v13, v10  }
0x2e4: {  	v30 =	vshra.s32 v2, $0x1;
	v24 =	vmul.f32 v23, v24;
	v15 =	vmul.f32 v11, v15  }
0x2e5: {  	v38 =	vshra.s32 v4, $0x1;
	v39 =	vmul.f32 $5.000000000e-01, v4;
	v30 =	vsub.s32 $0x5F3759DF, v30  }
0x2e6: {  	v32 =	vsub.s32 $0x5F3759DF, v38;
	v10 =	vmul.f32 v13, v10;
	v15 =	vmul.f32 v11, v15  }
0x2e7: {  	v21 =	vsub.f32 $1.500000000e+00, v21;
	v31 =	vmul.f32 v30, v31;
	v33 =	vmul.f32 v32, v39  }
0x2e8: {  	v29 =	vmul.f32 v27, v29;
	v10 =	vsub.f32 $1.500000000e+00, v10;
	v15 =	vsub.f32 $1.500000000e+00, v15  }
0x2e9: {  	v24 =	vsub.f32 $1.500000000e+00, v24;
	v31 =	vmul.f32 v30, v31;
	v33 =	vmul.f32 v32, v33  }
0x2ea: {  	v29 =	vsub.f32 $1.500000000e+00, v29;
	v10 =	vmul.f32 v13, v10;
	v11 =	vmul.f32 v11, v15  }
0x2eb: {  	v13 =	vsub.f32 $1.500000000e+00, v31;
	v15 =	vmul.f32 v17, v18;
	v17 =	vmul.f32 v20, v21  }
0x2ec: {  	v18 =	vsub.f32 $1.500000000e+00, v33;
	v20 =	vadd.f32 $1.258291200e+07, v8;
	v21 =	vmul.f32 v23, v24  }
0x2ed: {  	v23 =	vmul.f32 v27, v29;
	v24 =	vadd.f32 $1.258291200e+07, v9;
	v29 =	vadd.f32 $1.258291200e+07, v19  }
0x2ee: {  	v13 =	vmul.f32 v30, v13;
	v6 =	vmul.f32 v10, v6;
	v30 =	vadd.f32 $1.258291200e+07, v26  }
0x2ef: {  	v18 =	vmul.f32 v32, v18;
	v10 =	vmul.f32 v11, v16;
	v11 =	vadd.f32 $1.258291200e+07, v22  }
0x2f0: {  	v27 =	vld [tilespmem:s12+$0x30];
	v14 =	vmul.f32 v15, v14;
	v0 =	vmul.f32 v17, v0;
	v15 =	vadd.f32 $1.258291200e+07, v25  }
0x2f1: {  	v12 =	vmul.f32 v21, v12;
	v1 =	vmul.f32 v23, v1;
	v43 =	vadd.f32 $-1.258291200e+07, v20  }
0x2f2: {  	v44 =	vadd.f32 $-1.258291200e+07, v24;
	v2 =	vmul.f32 v13, v2;
	v42 =	vand.u32 $0x3, v30  }
0x2f3: {  	v4 =	vmul.f32 v18, v4;
	v6 =	vadd.f32 v10, v6;
	v0 =	vadd.f32 v0, v14  }
0x2f4: {  	v1 =	vadd.f32 v1, v12;
	v10 =	vand.u32 $0x3, v20;
	v12 =	vand.u32 $0x3, v24  }
0x2f5: {  	v13 =	vand.u32 $0x3, v15;
	v48 =	vsub.f32 v8, v43;
	v31 =	vmul.f32 $9.142857550e+00, v27  }
0x2f6: {  	v49 =	vsub.f32 v9, v44;
	v24 =	vperm.xlane v3, v10;
	v27 =	vperm.xlane v5, v10  }
0x2f7: {  	v21 =	vperm.xlane v3, v12;
	v23 =	vperm.xlane v5, v12;
	v2 =	vadd.f32 v4, v2  }
0x2f8: {  	v12 =	vperm.xlane v3, v42;
	v0 =	vadd.f32 v0, v6;
	v6 =	vand.u32 $0x3, v11  }
0x2f9: {  	v41 =	vadd.f32 $1.258291200e+07, v31;
	v17 =	vperm.xlane v5, v6;
	v1 =	vadd.f32 v2, v1  }
0x2fa: {  	v2 =	vand.u32 $0x3, v29;
	v14 =	vperm.xlane v0, v63;
	v29 =	vadd.f32 $-1.258291200e+07, v29  }
0x2fb: {  	v46 =	vand.u32 $0x3, v41;
	v18 =	vperm.xlane v3, v2;
	v20 =	vperm.xlane v5, v2  }
0x2fc: {  	v2 =	vadd.f32 $-1.258291200e+07, v15;
	v15 =	vperm.xlane v5, v13;
	v16 =	vperm.xlane v1, v63  }
0x2fd: {  	v0 =	vadd.f32 v14, v0;
	v14 =	vperm.xlane v3, v13;
	v13 =	vperm.xlane v5, v42  }
0x2fe: {  	v8 =	vperm.xlane v3, v46;
	v19 =	vsub.f32 v19, v29;
	v9 =	vperm.xlane v5, v46  }
0x2ff: {  	v2 =	vsub.f32 v25, v2;
	v25 =	vmul.f32 $1.570796370e+00, v48;
	v1 =	vadd.f32 v1, v16  }
0x300: {  	v16 =	vperm.xlane v3, v6;
	v6 =	vadd.f32 $-1.258291200e+07, v30;
	v19 =	vmul.f32 $1.570796370e+00, v19  }
0x301: {  	v30 =	vadd.f32 $-1.258291200e+07, v40;
	v2 =	vmul.f32 $1.570796370e+00, v2;
	v29 =	vmul.f32 v25, v25  }
0x302: {  	v0 =	vsel vm0, v0, v1;
	v1 =	vadd.f32 $-1.258291200e+07, v11;
	v11 =	vperm.xlane v5, v45  }
0x303: {  	v6 =	vsub.f32 v26, v6;
	v26 =	vsub.f32 v28, v30;
	v28 =	vmul.f32 $1.570796370e+00, v49  }
0x304: {  	v4 =	vmov s2;
	v30 =	vmul.f32 v19, v19;
	v10 =	vperm.xlane v0, v62  }
0x305: {  	vm1 =	veq.s32 v4, v60;
	v50 =	vmul.f32 $1.660500020e-01, v29;
	v56 =	vmul.f32 $4.166666790e-02, v29  }
0x306: {  	v1 =	vsub.f32 v22, v1;
	v6 =	vmul.f32 $1.570796370e+00, v6;
	v26 =	vmul.f32 $1.570796370e+00, v26  }
0x307: {  	v4 =	vmul.f32 v28, v28;
	v52 =	vmul.f32 $1.660500020e-01, v30;
	v0 =	vadd.f32 v0, v10  }
0x308: {  	v33 =	vadd.f32 $-1.258291200e+07, v41;
	v22 =	vld [tilespmem:$0x1FFB0];
	v63 =	vmul.f32 $4.166666790e-02, v30;
	v10 =	vperm.xlane v3, v45  }
0x309: {  	v34 =	vsub.f32 $1.000000000e+00, v50;
	v1 =	vmul.f32 $1.570796370e+00, v1;
	v47 =	vperm.xlane v0, v61  }
0x30a: {  	s7 =	sadd.s32 $0x80, s7;
	v42 =	vadd.f32 $-5.000000000e-01, v56;
	v32 =	vmul.f32 v6, v6;
	v51 =	vmul.f32 $1.660500020e-01, v4  }
0x30b: {  	v59 =	vmul.f32 $4.166666790e-02, v4;
	v37 =	vsub.f32 $1.000000000e+00, v52;
	v52 =	vld [tilespmem:s7+$0xFFFFFC50];
	v0 =	vadd.f32 v0, v47  }
0x30c: {  	v50 =	vld [tilespmem:s7+$0xFFFFFC10];
	v25 =	vmul.f32 v34, v25;
	v55 =	vmul.f32 $1.660500020e-01, v32;
	v36 =	vsub.f32 $1.000000000e+00, v51  }
0x30d: {  	v29 =	vmul.f32 v42, v29;
	v44 =	vadd.f32 $-5.000000000e-01, v59;
	v22 =	vperm.xlane v0, v22  }
0x30e: {  	v51 =	vmul.f32 $4.166666790e-02, v32;
	v40 =	vsub.f32 $1.000000000e+00, v55;
	v28 =	vmul.f32 v36, v28  }
0x30f: {  	v19 =	vmul.f32 v37, v19;
	v4 =	vmul.f32 v44, v4;
	v0 =	vadd.f32 v0, v22  }
0x310: {  	v6 =	vmul.f32 v40, v6;
	v44 =	vmul.f32 v28, v52;
	v22 =	vsub.f32 v31, v33  }
0x311: {  	v28 =	vmul.f32 v28, v50;
	v31 =	vmul.f32 v2, v2;
	v0 =	vsub.f32 $1.200000000e+01, v0  }
0x312: {  	v33 =	vmul.f32 v26, v26;
	v22 =	vmul.f32 $1.570796370e+00, v22  }
0x313: {  	v54 =	vmul.f32 $1.660500020e-01, v31;
	v7 =	vsel vm1, v0, v7;
	v0 =	vmul.f32 v1, v1  }
0x314: {  	v46 =	vld [tilespmem:s7+$0xFFFFFC00];
	v41 =	vmul.f32 $1.660500020e-01, v33;
	v35 =	vmul.f32 v22, v22  }
0x315: {  	v48 =	vld [tilespmem:s7+$0xFFFFFC40];
	v49 =	vmul.f32 $4.166666790e-02, v31;
	v39 =	vsub.f32 $1.000000000e+00, v54;
	v53 =	vmul.f32 $1.660500020e-01, v0  }
0x316: {  	v45 =	vld [tilespmem:s7+$0xFFFFFC70];
	v41 =	vsub.f32 $1.000000000e+00, v41;
	v58 =	vmul.f32 $1.660500020e-01, v35;
	v57 =	vmul.f32 $4.166666790e-02, v0  }
0x317: {  	v34 =	vld [tilespmem:s7+$0xFFFFFC60];
	v55 =	vmul.f32 $4.166666790e-02, v35;
	v2 =	vmul.f32 v39, v2;
	v38 =	vsub.f32 $1.000000000e+00, v53  }
0x318: {  	v42 =	vld [tilespmem:s7+$0x60];
	v26 =	vmul.f32 v41, v26;
	v43 =	vsub.f32 $1.000000000e+00, v58;
	v58 =	vadd.f32 $-5.000000000e-01, v63  }
0x319: {  	v40 =	vld [tilespmem:s7+$0x0];
	v53 =	vmul.f32 $4.166666790e-02, v33;
	v59 =	vadd.f32 $-5.000000000e-01, v57;
	v63 =	vadd.f32 $-5.000000000e-01, v49  }
0x31a: {  	v41 =	vld [tilespmem:s7+$0x40];
	v49 =	vadd.f32 $-5.000000000e-01, v51;
	v1 =	vmul.f32 v38, v1;
	v22 =	vmul.f32 v43, v22  }
0x31b: {  	v39 =	vld [tilespmem:s7+$0x50];
	v30 =	vmul.f32 v58, v30;
	v0 =	vmul.f32 v59, v0  }
0x31c: {  	v36 =	vld [tilespmem:s7+$0x10];
	v31 =	vmul.f32 v63, v31;
	v32 =	vmul.f32 v49, v32  }
0x31d: {  	v54 =	vld [tilespmem:s7+$0xFFFFFC20];
	v51 =	vadd.f32 $-5.000000000e-01, v53;
	v38 =	vmul.f32 v25, v48;
	v25 =	vmul.f32 v25, v46  }
0x31e: {  	v47 =	vld [tilespmem:s7+$0x30];
	v53 =	vadd.f32 $-5.000000000e-01, v55;
	v49 =	vmul.f32 v19, v34;
	v58 =	vmul.f32 v26, v42  }
0x31f: {  	v43 =	vld [tilespmem:s7+$0x20];
	v56 =	vmul.f32 v2, v41;
	v2 =	vmul.f32 v2, v40  }
0x320: {  	v57 =	vmul.f32 v6, v39;
	v35 =	vmul.f32 v53, v35;
	v53 =	vld [tilespmem:s7+$0x70]  }
0x321: {  	v37 =	vld [tilespmem:s7+$0xFFFFFC30];
	v6 =	vmul.f32 v6, v36;
	v33 =	vmul.f32 v51, v33;
	v32 =	vadd.f32 $1.000000000e+00, v32  }
0x322: {  	v29 =	vadd.f32 $1.000000000e+00, v29;
	v51 =	vmul.f32 v19, v54;
	v55 =	vmul.f32 v1, v45  }
0x323: {  	v19 =	vmul.f32 v22, v47;
	v39 =	vmul.f32 v32, v39  }
0x324: {  	v4 =	vadd.f32 $1.000000000e+00, v4;
	v59 =	vmul.f32 v26, v43;
	v26 =	vmul.f32 v29, v48  }
0x325: {  	v63 =	vmovc v60;
	v60 =	vmul.f32 v22, v53;
	v22 =	vmul.f32 v29, v46;
	v29 =	vadd.f32 $1.000000000e+00, v30  }
0x326: {  	v1 =	vmul.f32 v1, v37;
	v0 =	vadd.f32 $1.000000000e+00, v0;
	v30 =	vmul.f32 v4, v50  }
0x327: {  	v48 =	vadd.f32 v39, v6;
	v4 =	vmul.f32 v4, v52;
	v54 =	vmul.f32 v29, v54  }
0x328: {  	v34 =	vmul.f32 v29, v34;
	v29 =	vadd.f32 $1.000000000e+00, v31;
	v31 =	vmul.f32 v0, v37  }
0x329: {  	v0 =	vmul.f32 v0, v45;
	v22 =	vsub.f32 v22, v38;
	v45 =	vadd.f32 v26, v25  }
0x32a: {  	v52 =	vsub.f32 v30, v44;
	v44 =	vmul.f32 v48, v13;
	v37 =	vmul.f32 v29, v40  }
0x32b: {  	v4 =	vadd.f32 v4, v28;
	v40 =	vmul.f32 v29, v41;
	v41 =	vmul.f32 v32, v36  }
0x32c: {  	v28 =	vmul.f32 v22, v24;
	v25 =	vmul.f32 v22, v27  }
0x32d: {  	v29 =	vadd.f32 $1.000000000e+00, v33;
	v24 =	vmul.f32 v45, v24;
	v30 =	vmul.f32 v4, v23  }
0x32e: {  	v36 =	vadd.f32 $1.000000000e+00, v35;
	v22 =	vmul.f32 v52, v23;
	v23 =	vmul.f32 v4, v21  }
0x32f: {  	v54 =	vsub.f32 v54, v49;
	v43 =	vmul.f32 v29, v43;
	v42 =	vmul.f32 v29, v42  }
0x330: {  	v34 =	vadd.f32 v34, v51;
	v50 =	vmul.f32 v36, v47;
	v26 =	vmul.f32 v36, v53  }
0x331: {  	s1 =	sadd.s32 $0x80, s1;
	v55 =	vsub.f32 v31, v55;
	v29 =	vmul.f32 v45, v27;
	v27 =	vmul.f32 v52, v21  }
0x332: {  	v0 =	vadd.f32 v0, v1;
	v31 =	vmul.f32 v54, v18;
	v32 =	vmul.f32 v34, v20;
	v21 =	vld [tilespmem:s1+$0xFFFFFC00]  }
0x333: {  	p0 =	sne.s32 s22, $0x7;
	v1 =	vsub.f32 v37, v56;
	v33 =	vmul.f32 v54, v20;
	v34 =	vmul.f32 v34, v18;
	v18 =	vld [tilespmem:s1+$0xFFFFFC40]  }
.Ltmp5:
0x334: {  	v2 =	vadd.f32 v40, v2;
	v35 =	vmul.f32 v55, v16;
	v36 =	vmul.f32 v0, v17;
	v20 =	vld [tilespmem:s1+$0xFFFFFC10];
	(pc) =	sbr.rel @p0 .LBB2_13-.Ltmp5, $4  }
0x335: {  	v37 =	vmul.f32 v55, v17;
	v38 =	vmul.f32 v0, v16;
	v16 =	vld [tilespmem:s1+$0xFFFFFC50]  }
0x336: {  	v47 =	vsub.f32 v41, v57;
	v17 =	vld [tilespmem:s1+$0xFFFFFC20];
	v39 =	vmul.f32 v1, v14;
	v40 =	vmul.f32 v2, v15  }
0x337: {  	v45 =	vsub.f32 v43, v58;
	v15 =	vmul.f32 v1, v15;
	v41 =	vmul.f32 v2, v14;
	v14 =	vld [tilespmem:s1+$0xFFFFFC60]  }
0x338: {  	s2 =	smov.u32 s22;
	s22 =	sadd.s32 $0x1, s22;
	v46 =	vadd.f32 v42, v59;
	v42 =	vmul.f32 v47, v12;
	v43 =	vsub.f32 v50, v60;
	v60 =	vmovc v63;
	v63 =	vld [tilespmem:$0x1FFC0]  }
0x339: {  	v0 =	vmul.f32 v47, v13;
	v2 =	vadd.f32 v26, v19;
	v4 =	vsub.f32 v28, v29  }
0x33a: {  	v1 =	vmul.f32 v48, v12;
	v56 =	vadd.f32 v24, v25;
	v57 =	vsub.f32 v27, v30  }
0x33b: {  	v6 =	vmul.f32 v45, v10;
	v22 =	vadd.f32 v23, v22;
	v23 =	vsub.f32 v31, v32  }
0x33c: {  	v58 =	vmul.f32 v45, v11;
	v24 =	vadd.f32 v34, v33;
	v36 =	vsub.f32 v35, v36  }
0x33d: {  	v47 =	vsub.f32 v39, v40;
	v49 =	vld [tilespmem:s1+$0xFFFFFC30];
	v15 =	vadd.f32 v41, v15;
	v55 =	vmul.f32 v46, v11  }
0x33e: {  	v52 =	vld [tilespmem:s1+$0xFFFFFC70];
	v59 =	vmul.f32 v46, v10;
	v46 =	vadd.f32 v38, v37;
	v50 =	vsub.f32 v42, v44  }
0x33f: {  	v25 =	vld [tilespmem:s1+$0x20];
	v45 =	vmul.f32 v43, v8;
	v0 =	vadd.f32 v1, v0;
	v4 =	vsub.f32 v4, v21  }
0x340: {  	v27 =	vld [tilespmem:s1+$0x60];
	v51 =	vmul.f32 v43, v9;
	v56 =	vsub.f32 v56, v18;
	v57 =	vsub.f32 v57, v20  }
0x341: {  	v28 =	vld [tilespmem:s1+$0x30];
	v48 =	vmul.f32 v2, v9;
	v16 =	vsub.f32 v22, v16;
	v17 =	vsub.f32 v23, v17  }
0x342: {  	v29 =	vld [tilespmem:s1+$0x70];
	v2 =	vmul.f32 v2, v8;
	v1 =	vsub.f32 v6, v55;
	v53 =	vadd.f32 v59, v58  }
0x343: {  	v6 =	vld [tilespmem:s1+$0x0];
	v14 =	vsub.f32 v24, v14;
	v54 =	vsub.f32 v45, v48;
	v4 =	vmul.f32 v4, v4  }
0x344: {  	v55 =	vld [tilespmem:s1+$0x40];
	v2 =	vadd.f32 v2, v51;
	v9 =	vmul.f32 v56, v56;
	v12 =	vmul.f32 v57, v57  }
0x345: {  	v58 =	vld [tilespmem:s1+$0x10];
	v16 =	vmul.f32 v16, v16;
	v24 =	vsub.f32 v36, v49;
	v26 =	vsub.f32 v46, v52  }
0x346: {  	v59 =	vld [tilespmem:s1+$0x50];
	v17 =	vmul.f32 v17, v17;
	v1 =	vsub.f32 v1, v25;
	v8 =	vsub.f32 v53, v27  }
0x347: {  	v14 =	vmul.f32 v14, v14;
	v10 =	vsub.f32 v54, v28;
	v2 =	vsub.f32 v2, v29  }
0x348: {  	v4 =	vadd.f32 v9, v4;
	v32 =	vadd.f32 v16, v12;
	v30 =	vmul.f32 v24, v24  }
0x349: {  	v31 =	vmul.f32 v26, v26;
	v1 =	vmul.f32 v1, v1;
	v33 =	vadd.f32 v14, v17  }
0x34a: {  	v8 =	vmul.f32 v8, v8;
	v6 =	vsub.f32 v47, v6;
	v11 =	vsub.f32 v15, v55  }
0x34b: {  	v13 =	vsub.f32 v50, v58;
	v0 =	vsub.f32 v0, v59;
	v10 =	vmul.f32 v10, v10  }
0x34c: {  	v2 =	vmul.f32 v2, v2;
	v35 =	vshra.s32 v4, $0x1;
	v36 =	vmul.f32 $5.000000000e-01, v4  }
0x34d: {  	v37 =	vshra.s32 v32, $0x1;
	v38 =	vmul.f32 $5.000000000e-01, v32;
	v34 =	vadd.f32 v31, v30  }
0x34e: {  	v1 =	vadd.f32 v8, v1;
	v40 =	vmul.f32 $5.000000000e-01, v33;
	v6 =	vmul.f32 v6, v6  }
0x34f: {  	v39 =	vshra.s32 v33, $0x1;
	v11 =	vmul.f32 v11, v11;
	v13 =	vmul.f32 v13, v13  }
0x350: {  	v0 =	vmul.f32 v0, v0;
	v2 =	vadd.f32 v2, v10;
	v10 =	vsub.s32 $0x5F3759DF, v37  }
0x351: {  	v15 =	vsub.s32 $0x5F3759DF, v39;
	v41 =	vshra.s32 v34, $0x1;
	v18 =	vmul.f32 $5.000000000e-01, v34  }
0x352: {  	v46 =	vshra.s32 v1, $0x1;
	v47 =	vmul.f32 $5.000000000e-01, v1;
	v16 =	vmul.f32 v15, v40  }
0x353: {  	v6 =	vadd.f32 v11, v6;
	v0 =	vadd.f32 v0, v13;
	v48 =	vshra.s32 v2, $0x1  }
0x354: {  	v49 =	vmul.f32 $5.000000000e-01, v2;
	v11 =	vsub.s32 $0x5F3759DF, v35;
	v17 =	vsub.s32 $0x5F3759DF, v41  }
0x355: {  	v13 =	vmul.f32 v10, v38;
	v23 =	vsub.s32 $0x5F3759DF, v46;
	v8 =	vmul.f32 v11, v36  }
0x356: {  	v18 =	vmul.f32 v17, v18;
	v24 =	vmul.f32 v23, v47;
	v25 =	vsub.s32 $0x5F3759DF, v48  }
0x357: {  	v16 =	vmul.f32 v15, v16;
	v42 =	vshra.s32 v6, $0x1;
	v43 =	vmul.f32 $5.000000000e-01, v6  }
0x358: {  	v44 =	vshra.s32 v0, $0x1;
	v45 =	vmul.f32 $5.000000000e-01, v0;
	v26 =	vmul.f32 v25, v49  }
0x359: {  	v13 =	vmul.f32 v10, v13;
	v19 =	vsub.s32 $0x5F3759DF, v42;
	v8 =	vmul.f32 v11, v8  }
0x35a: {  	v21 =	vsub.s32 $0x5F3759DF, v44;
	v18 =	vmul.f32 v17, v18;
	v24 =	vmul.f32 v23, v24  }
0x35b: {  	v16 =	vsub.f32 $1.500000000e+00, v16;
	v20 =	vmul.f32 v19, v43;
	v22 =	vmul.f32 v21, v45  }
0x35c: {  	v13 =	vsub.f32 $1.500000000e+00, v13;
	v26 =	vmul.f32 v25, v26;
	v8 =	vsub.f32 $1.500000000e+00, v8  }
0x35d: {  	v18 =	vsub.f32 $1.500000000e+00, v18;
	v51 =	vmul.f32 v15, v16;
	v20 =	vmul.f32 v19, v20  }
0x35e: {  	v50 =	vsub.f32 $1.500000000e+00, v24;
	v22 =	vmul.f32 v21, v22;
	v10 =	vmul.f32 v10, v13  }
0x35f: {  	v53 =	vsub.f32 $1.500000000e+00, v26;
	v8 =	vmul.f32 v11, v8;
	v52 =	vmul.f32 v17, v18  }
0x360: {  	v11 =	vmul.f32 v23, v50;
	v57 =	vmul.f32 v51, v33;
	v20 =	vsub.f32 $1.500000000e+00, v20  }
0x361: {  	v22 =	vsub.f32 $1.500000000e+00, v22;
	v16 =	vmul.f32 v25, v53;
	v56 =	vmul.f32 v10, v32  }
0x362: {  	v4 =	vmul.f32 v8, v4;
	v58 =	vmul.f32 v52, v34  }
0x363: {  	v54 =	vmul.f32 v19, v20;
	v55 =	vmul.f32 v21, v22  }
0x364: {  	v1 =	vmul.f32 v11, v1;
	v2 =	vmul.f32 v16, v2  }
0x365: {  	v6 =	vmul.f32 v54, v6;
	v0 =	vmul.f32 v55, v0  }
0x366: {  	v4 =	vadd.f32 v56, v4;
	v59 =	vadd.f32 v58, v57  }
0x367: {  	v1 =	vadd.f32 v2, v1;
	v0 =	vadd.f32 v0, v6;
	_ =	sdelay $0x1  }
0x368: {  	v2 =	vadd.f32 v59, v4;
	v0 =	vadd.f32 v1, v0;
	_ =	sdelay $0x1  }
0x369: {  	v1 =	vperm.xlane v2, v63;
	v4 =	vperm.xlane v0, v63;
	_ =	sdelay $0x1  }
0x36a: {  	v1 =	vadd.f32 v1, v2;
	v0 =	vadd.f32 v0, v4;
	_ =	sdelay $0x1  }
0x36b: {  	v0 =	vsel vm0, v1, v0  }
0x36c: {  	v1 =	vperm.xlane v0, v62;
	_ =	sdelay $0x1  }
0x36d: {  	v0 =	vadd.f32 v0, v1;
	_ =	sdelay $0x1  }
0x36e: {  	v1 =	vperm.xlane v0, v61;
	_ =	sdelay $0x1  }
0x36f: {  	v0 =	vadd.f32 v0, v1;
	v1 =	vld [tilespmem:$0x1FFB0];
	_ =	sdelay $0x4  }
0x370: {  	v1 =	vperm.xlane v0, v1  }
0x371: {  	s31 =	sshll.u32 s24, $0x4;
	s24 =	sadd.s32 $0x1, s24  }
0x372: {  	p0 =	sne.s32 s24, $0x5;
	v0 =	vadd.f32 v0, v1  }
.Ltmp6:
0x373: {  	_ = 	snop;
	(pc) =	sbr.rel @p0 .LBB2_12-.Ltmp6, $4  }
0x374: {  	v1 =	vmov s2;
	v0 =	vsub.f32 $1.200000000e+01, v0  }
0x375: {  	vm1 =	veq.s32 v1, v60  }
0x376: {  	s1 =	sand.u32 $0x3FFFFFF0, s31;
	v0 =	vsel vm1, v0, v7  }
0x377: {  	s25 =	sadd.s32 $0x800, s25;
	s26 =	sadd.s32 $0x800, s26;
	s28 =	sadd.s32 $0x800, s28;
	[tilespmem:s1+$0x75C0] =	vst v0  }
0x378: {  	s23 =	sadd.s32 $0x1, s23  }
0x379: {  	p0 =	sne.s32 s23, s10  }
.Ltmp7:
0x37a: {  	s1 =	simm.s32 $0x4F00;
	(pc) =	sbr.rel @p0 .LBB2_1-.Ltmp7, $4  }
0x37b: {  	[hbm4b:s9+s3] =	stream.linear.scatter [tilespmem:s1], [sflag:$0x3], $0x2710, $0x38;
	[tilespmem:$0x16680] =	vst v63  }
0x37c: {  	_ =	swait.ge [sflag:s11], $0x2710  }
0x37d: {  	[sflag:s11] =	ssyncset.done $0x0  }
0x37e: {  	[sflag:s11] =	ssyncadd.s32 $0xFFFFD8F0  }
0x37f: {  	_ =	sfence.sel $0x180000  }
0x380: {  	[bflag:$0x0] =	sbarrier.arrive $0xFFFF  }
0x381: {  	_ =	strace $0x90000047  }
0x382: {  	s0 =	stileid.u32;
	[bflag:$0x2] =	sbarrier.arrive $0xFFFF  }
0x383: {  	p0 =	sne.s32 s0, $0x0;
	s0 =	rddreg [dreg:$0x3]  }
0x384: {  	s0 =	sadd.s32 @!p0 $0x100000, s0  }
0x385: {  	[sflag:s0] =	ssyncadd.tile.s32 @!p0 $0x1;
	_ =	shalt  }
.Lfunc_end2:
_tile_overlayer_lowered:
.L_overlay_start_2:
0x386: {  	(tag) =	ssettag $0x2  }
0x387: {  	s0 =	rddreg [dreg:$0x0];
	s2 =	stileid.u32  }
0x388: {  	s1 =	rddreg [dreg:$0x1];
	p0 =	sne.s32 s2, $0x0  }
0x389: {  	s3 =	rddreg [dreg:$0x2];
	[bflag:$0x3] =	sbarrier.arrive $0xFFFF;
	s2 =	simm.s32 @!p0 $0x1C03  }
0x38a: {  	[timem:s3], [sflag:s2] =	dma.local @!p0 [hbm:s0], s1  }
0x38b: {  	s0 =	simm.s32 @!p0 $0x3  }
0x38c: {  	_ =	swait.ge @!p0 [sflag:s0], s1  }
0x38d: {  	s1 =	ssub.s32 @!p0 $0x0, s1;
	[sflag:s0] =	ssyncset.done @!p0 $0x0  }
0x38e: {  	[sflag:s0] =	ssyncadd.s32 @!p0 s1  }
0x38f: {  	[bflag:$0x3] =	sbarrier.arrive $0xFFFF  }
0x390: {  	_ =	shalt  }

</sc_bundles>
